<compile_context>
chip_gen: v7x
topology: tpu7x:2x2x1
jax: 0.10.2.dev20260603
libtpu: 0.0.44.dev20260713+nightly
codegen_flags: <defaults>
</compile_context>

<pallas_src>
import functools

import jax
import jax.numpy as jnp
from jax import lax
from jax.experimental import pallas as pl
from jax.experimental.pallas import tpu as pltpu
from jax.experimental.pallas import tpu_sc as plsc

N_NODES = 10000
N_EDGES = 320000
D = 128
THRESH = 0.005

NC = 2
NS = 16
NW = NC * NS
CH = 128
NCHUNK = 80
E_PAD = NW * NCHUNK * CH
N_PAD = 10240

_mesh = plsc.VectorSubcoreMesh(core_axis_name="c", subcore_axis_name="s")

_ROWS_PER_TILE = N_PAD // NS


@functools.partial(
    pl.kernel,
    out_type=[
        jax.ShapeDtypeStruct((NC, N_PAD), jnp.float32),
        jax.ShapeDtypeStruct((NC, N_PAD), jnp.float32),
    ],
    mesh=_mesh,
    scratch_types=[
        pltpu.VMEM((NCHUNK, CH), jnp.int32),
        pltpu.VMEM((NCHUNK, CH), jnp.int32),
        pltpu.VMEM((CH,), jnp.float32),
        pltpu.VMEM((640,), jnp.float32),
        pltpu.VMEM_SHARED((N_PAD,), jnp.float32),
        pltpu.VMEM_SHARED((N_PAD,), jnp.float32),
        pltpu.SemaphoreType.DMA,
        pltpu.SemaphoreType.DMA,
    ],
)
def _degree_kernel(src_hbm, dst_hbm, outdeg_hbm, indeg_hbm,
                   sidx, didx, ones_v, zeros_v, acc_s, acc_d, sem_s, sem_d):
    cid = lax.axis_index("c")
    sid = lax.axis_index("s")
    wid = cid * NS + sid
    one16 = jnp.full((16,), 1.0, jnp.float32)
    zero16 = jnp.zeros((16,), jnp.float32)
    for j in range(CH // 16):
        ones_v[pl.ds(j * 16, 16)] = one16

    def _z(i, _):
        zeros_v[pl.ds(i * 16, 16)] = zero16
        return 0
    lax.fori_loop(0, _ROWS_PER_TILE // 16, _z, 0)

    base = sid * _ROWS_PER_TILE
    pltpu.sync_copy(zeros_v, acc_s.at[pl.ds(base, _ROWS_PER_TILE)])
    pltpu.sync_copy(zeros_v, acc_d.at[pl.ds(base, _ROWS_PER_TILE)])
    pltpu.sync_copy(src_hbm.at[wid], sidx)
    pltpu.sync_copy(dst_hbm.at[wid], didx)
    plsc.subcore_barrier()

    def _scatter(j, _):
        pltpu.async_copy(ones_v, acc_s.at[sidx.at[j]], sem_s, add=True)
        pltpu.async_copy(ones_v, acc_d.at[didx.at[j]], sem_d, add=True)
        return 0
    lax.fori_loop(0, NCHUNK, _scatter, 0)

    def _drain(j, _):
        pltpu.make_async_copy(ones_v, acc_s.at[sidx.at[0]], sem_s).wait()
        pltpu.make_async_copy(ones_v, acc_d.at[didx.at[0]], sem_d).wait()
        return 0
    lax.fori_loop(0, NCHUNK, _drain, 0)

    plsc.subcore_barrier()
    pltpu.sync_copy(acc_s.at[pl.ds(base, _ROWS_PER_TILE)],
                    outdeg_hbm.at[cid, pl.ds(base, _ROWS_PER_TILE)])
    pltpu.sync_copy(acc_d.at[pl.ds(base, _ROWS_PER_TILE)],
                    indeg_hbm.at[cid, pl.ds(base, _ROWS_PER_TILE)])


NB = 4
CH2 = 64
NSTAGE = 4
SCHUNK = 40


@functools.partial(
    pl.kernel,
    out_type=jax.ShapeDtypeStruct((NC, N_PAD, D), jnp.float32),
    mesh=_mesh,
    scratch_types=[
        pltpu.VMEM((SCHUNK, CH2), jnp.int32),
        pltpu.VMEM((SCHUNK, CH2), jnp.int32),
        pltpu.VMEM((NB, CH2, D), jnp.float32),
        pltpu.VMEM_SHARED((N_PAD, D), jnp.float32),
        pltpu.SemaphoreType.DMA,
        pltpu.SemaphoreType.DMA,
        pltpu.SemaphoreType.DMA,
        pltpu.SemaphoreType.DMA,
        pltpu.SemaphoreType.DMA,
        pltpu.SemaphoreType.DMA,
        pltpu.SemaphoreType.DMA,
        pltpu.SemaphoreType.DMA,
        pltpu.SemaphoreType.DMA,
        pltpu.SemaphoreType.DMA,
    ],
)
def _aggregate_kernel(feat_hbm, src_hbm, dst_hbm, part_hbm,
                      sidx, didx, rows, acc, *sems):
    cid = lax.axis_index("c")
    sid = lax.axis_index("s")
    wid = cid * NS + sid
    gsems = sems[:NB]
    ssems = sems[NB:]
    zero16 = jnp.zeros((16,), jnp.float32)

    def _zrow(i, _):
        for j in range(D // 16):
            rows[0, i, pl.ds(j * 16, 16)] = zero16
        return 0
    lax.fori_loop(0, CH2, _zrow, 0)

    base = sid * _ROWS_PER_TILE
    for k in range(_ROWS_PER_TILE // CH2):
        pltpu.sync_copy(rows.at[0], acc.at[pl.ds(base + k * CH2, CH2)])
    plsc.subcore_barrier()

    def _gather(j, b):
        pltpu.async_copy(feat_hbm.at[sidx.at[j]], rows.at[b], gsems[b])

    def _wait_g(b):
        pltpu.make_async_copy(feat_hbm.at[sidx.at[0]], rows.at[b],
                              gsems[b]).wait()

    def _scatter(j, b):
        pltpu.async_copy(rows.at[b], acc.at[didx.at[j]], ssems[b], add=True)

    def _wait_s(b):
        pltpu.make_async_copy(rows.at[b], acc.at[didx.at[0]], ssems[b]).wait()

    def _stage(s, _):
        pltpu.sync_copy(src_hbm.at[wid, pl.ds(s * SCHUNK, SCHUNK)], sidx)
        pltpu.sync_copy(dst_hbm.at[wid, pl.ds(s * SCHUNK, SCHUNK)], didx)

        for j in range(NB - 1):
            _gather(j, j % NB)
        for j in range(SCHUNK):
            b = j % NB
            _wait_g(b)
            _scatter(j, b)
            nj = j + NB - 1
            if nj < SCHUNK:
                if j >= 1:
                    _wait_s(nj % NB)
                _gather(nj, nj % NB)
        for b in range(min(NB, SCHUNK)):
            _wait_s(b)
        return 0
    lax.fori_loop(0, NSTAGE, _stage, 0)

    plsc.subcore_barrier()
    pltpu.sync_copy(acc.at[pl.ds(base, _ROWS_PER_TILE)],
                    part_hbm.at[cid, pl.ds(base, _ROWS_PER_TILE)])


def _scale_body(x_ref, deg_ref, o_ref):
    dsum = deg_ref[0] + deg_ref[1]
    norm = lax.rsqrt(jnp.maximum(dsum, 1.0))
    o_ref[...] = x_ref[...] * norm


def _scale_features(x_pad, outdeg_p):
    blk = 1024
    grid = (N_PAD // blk,)
    return pl.pallas_call(
        _scale_body,
        grid=grid,
        in_specs=[
            pl.BlockSpec((blk, D), lambda i: (i, 0)),
            pl.BlockSpec((NC, blk, 1), lambda i: (0, i, 0)),
        ],
        out_specs=pl.BlockSpec((blk, D), lambda i: (i, 0)),
        out_shape=jax.ShapeDtypeStruct((N_PAD, D), jnp.float32),
    )(x_pad, outdeg_p)


def _final_body(part_ref, w_ref, m_ref, deg_ref, b_ref, o_ref):
    a = part_ref[0] + part_ref[1]
    w_t = jnp.where(m_ref[...] > THRESH, w_ref[...], 0.0)
    y = jnp.dot(a, w_t, preferred_element_type=jnp.float32)
    dsum = deg_ref[0] + deg_ref[1]
    norm = lax.rsqrt(jnp.maximum(dsum, 1.0))
    o_ref[...] = y * norm + b_ref[...]


def _finalize(part, weight, mask_real, indeg_p, bias):
    blk = 1024
    grid = (N_PAD // blk,)
    return pl.pallas_call(
        _final_body,
        grid=grid,
        in_specs=[
            pl.BlockSpec((NC, blk, D), lambda i: (0, i, 0)),
            pl.BlockSpec((D, D), lambda i: (0, 0)),
            pl.BlockSpec((D, D), lambda i: (0, 0)),
            pl.BlockSpec((NC, blk, 1), lambda i: (0, i, 0)),
            pl.BlockSpec((1, D), lambda i: (0, 0)),
        ],
        out_specs=pl.BlockSpec((blk, D), lambda i: (i, 0)),
        out_shape=jax.ShapeDtypeStruct((N_PAD, D), jnp.float32),
    )(part, weight, mask_real, indeg_p, bias)


def kernel(x, edge_index, weight, bias, mask_real):
    src = edge_index[0]
    dst = edge_index[1]
    n_pad_e = E_PAD - N_EDGES
    junk = N_NODES + (jnp.arange(n_pad_e, dtype=jnp.int32) % (N_PAD - N_NODES))
    src_flat = jnp.concatenate([src, junk])
    dst_flat = jnp.concatenate([dst, junk])
    x_pad = jnp.concatenate(
        [x, jnp.zeros((N_PAD - N_NODES, D), jnp.float32)], axis=0)

    outdeg_p, indeg_p = _degree_kernel(
        src_flat.reshape(NW, NCHUNK, CH), dst_flat.reshape(NW, NCHUNK, CH))
    feat = _scale_features(x_pad, outdeg_p.reshape(NC, N_PAD, 1))
    part = _aggregate_kernel(
        feat,
        src_flat.reshape(NW, NSTAGE * SCHUNK, CH2),
        dst_flat.reshape(NW, NSTAGE * SCHUNK, CH2))
    out = _finalize(part, weight, mask_real,
                    indeg_p.reshape(NC, N_PAD, 1), bias.reshape(1, D))
    return out[:N_NODES]

# --- scband reference (transcript-rebuilt; emitter-appended) ---
"""Pipeline reference for scband-mask-graph-conv-89515708383727 (READ-ONLY COPY).

The authoritative reference and input builder live on the scoring server;
editing this copy changes nothing except your own understanding.
"""

import jax
import jax.numpy as jnp
import numpy as np

N = 10000
E = 320000
D = 128
THRESH = 0.005
MASK_SCALE = 0.01


def setup_inputs(seed: int = 0) -> dict:
    key = jax.random.key(seed)
    k1, k2, k3, k4 = jax.random.split(key, 4)
    x = jax.random.normal(k1, (N, D), dtype=jnp.float32)
    edge_index = jax.random.randint(k2, (2, E), 0, N, dtype=jnp.int32)
    weight = jax.random.normal(k3, (D, D), dtype=jnp.float32) * (1.0 / np.sqrt(D))
    bias = jax.random.normal(k4, (D,), dtype=jnp.float32) * 0.01
    mask_real = jnp.full((D, D), MASK_SCALE, dtype=jnp.float32)
    return {"x": x, "edge_index": edge_index, "weight": weight, "bias": bias, "mask_real": mask_real}


def reference(x, edge_index, weight, bias, mask_real):
    src = edge_index[0]
    dst = edge_index[1]
    # norm == 'both': left normalization by out-degree^{-1/2}
    out_deg = jnp.clip(jnp.bincount(src, length=N).astype(x.dtype), 1.0, None)
    norm_l = jnp.power(out_deg, -0.5)
    feat_src = x * norm_l[:, None]
    # eval-mode binarized mask applied to frozen weight
    mask_t = (mask_real > THRESH).astype(weight.dtype)
    w_t = mask_t * weight
    # in_feats == out_feats -> aggregate first, then matmul
    msgs = jnp.take(feat_src, src, axis=0)  # gather (copy_u)
    rst = jax.ops.segment_sum(msgs, dst, num_segments=N)  # scatter-add (fn.sum)
    rst = jnp.matmul(rst, w_t)
    # right normalization by in-degree^{-1/2}
    in_deg = jnp.clip(jnp.bincount(dst, length=N).astype(x.dtype), 1.0, None)
    norm_r = jnp.power(in_deg, -0.5)
    rst = rst * norm_r[:, None]
    rst = rst + bias
    return rst

if __name__ == "__main__":
    import jax
    _d = setup_inputs()
    print(jax.jit(kernel)(*tuple(_d.values())))

</pallas_src>

<mosaic_0001>
#map = affine_map<(d0, d1) -> (0, 0, 0)>
#map1 = affine_map<(d0, d1) -> (0, 0)>
module attributes {stable_mosaic.version = 14 : i64} {
  func.func @_degree_kernel(%arg0: i32, %arg1: i32, %arg2: memref<32x80x128xi32, #tpu.memory_space<hbm>>, %arg3: memref<32x80x128xi32, #tpu.memory_space<hbm>>, %arg4: memref<2x10240xf32, #tpu.memory_space<hbm>>, %arg5: memref<2x10240xf32, #tpu.memory_space<hbm>>, %arg6: memref<80x128xi32, #tpu.memory_space<vmem>>, %arg7: memref<80x128xi32, #tpu.memory_space<vmem>>, %arg8: memref<128xf32, #tpu.memory_space<vmem>>, %arg9: memref<640xf32, #tpu.memory_space<vmem>>, %arg10: memref<10240xf32, #tpu.memory_space<vmem_shared>>, %arg11: memref<10240xf32, #tpu.memory_space<vmem_shared>>, %arg12: memref<!tpu.dma_semaphore, #tpu.memory_space<semaphore_mem>>, %arg13: memref<!tpu.dma_semaphore, #tpu.memory_space<semaphore_mem>>) attributes {dimension_semantics = [#tpu.dimension_semantics<core_parallel>, #tpu.dimension_semantics<subcore_parallel>], iteration_bounds = array<i64: 2, 16>, scalar_prefetch = 0 : i64, scratch_operands = 8 : i64, tpu.core_type = #tpu.core_type<sc_vector_subcore>, window_params = [{transform_indices = #map}, {transform_indices = #map}, {transform_indices = #map1}, {transform_indices = #map1}]} {
    %mul3A = arith.constant 16 : i32
    %mul3A_0 = arith.muli %arg0, %mul3A : i32
    %add3A = arith.addi %mul3A_0, %arg1 : i32
    %broadcast_in_dim3A = arith.constant 1.000000e+00 : f32
    %broadcast_in_dim3A_1 = vector.broadcast %broadcast_in_dim3A : f32 to vector<16xf32>
    %broadcast_in_dim3A_2 = arith.constant 0.000000e+00 : f32
    %broadcast_in_dim3A_3 = vector.broadcast %broadcast_in_dim3A_2 : f32 to vector<16xf32>
    %swap3A = arith.constant 0 : index
    %swap3A_4 = tpu.vector_load %arg8[%swap3A] {strides = array<i32>} : memref<128xf32, #tpu.memory_space<vmem>>, vector<16xf32>,
    %swap3A_5 = vector.shape_cast %swap3A_4 : vector<16xf32> to vector<16xf32>
    %swap3A_6 = vector.shape_cast %broadcast_in_dim3A_1 : vector<16xf32> to vector<16xf32>
    tpu.vector_store %arg8[%swap3A], %swap3A_6 {strides = array<i32>} : memref<128xf32, #tpu.memory_space<vmem>>, vector<16xf32>,
    %swap3A_7 = arith.constant 16 : index
    %swap3A_8 = tpu.vector_load %arg8[%swap3A_7] {strides = array<i32>} : memref<128xf32, #tpu.memory_space<vmem>>, vector<16xf32>,
    %swap3A_9 = vector.shape_cast %swap3A_8 : vector<16xf32> to vector<16xf32>
    %swap3A_10 = vector.shape_cast %broadcast_in_dim3A_1 : vector<16xf32> to vector<16xf32>
    tpu.vector_store %arg8[%swap3A_7], %swap3A_10 {strides = array<i32>} : memref<128xf32, #tpu.memory_space<vmem>>, vector<16xf32>,
    %swap3A_11 = arith.constant 32 : index
    %swap3A_12 = tpu.vector_load %arg8[%swap3A_11] {strides = array<i32>} : memref<128xf32, #tpu.memory_space<vmem>>, vector<16xf32>,
    %swap3A_13 = vector.shape_cast %swap3A_12 : vector<16xf32> to vector<16xf32>
    %swap3A_14 = vector.shape_cast %broadcast_in_dim3A_1 : vector<16xf32> to vector<16xf32>
    tpu.vector_store %arg8[%swap3A_11], %swap3A_14 {strides = array<i32>} : memref<128xf32, #tpu.memory_space<vmem>>, vector<16xf32>,
    %swap3A_15 = arith.constant 48 : index
    %swap3A_16 = tpu.vector_load %arg8[%swap3A_15] {strides = array<i32>} : memref<128xf32, #tpu.memory_space<vmem>>, vector<16xf32>,
    %swap3A_17 = vector.shape_cast %swap3A_16 : vector<16xf32> to vector<16xf32>
    %swap3A_18 = vector.shape_cast %broadcast_in_dim3A_1 : vector<16xf32> to vector<16xf32>
    tpu.vector_store %arg8[%swap3A_15], %swap3A_18 {strides = array<i32>} : memref<128xf32, #tpu.memory_space<vmem>>, vector<16xf32>,
    %swap3A_19 = arith.constant 64 : index
    %swap3A_20 = tpu.vector_load %arg8[%swap3A_19] {strides = array<i32>} : memref<128xf32, #tpu.memory_space<vmem>>, vector<16xf32>,
    %swap3A_21 = vector.shape_cast %swap3A_20 : vector<16xf32> to vector<16xf32>
    %swap3A_22 = vector.shape_cast %broadcast_in_dim3A_1 : vector<16xf32> to vector<16xf32>
    tpu.vector_store %arg8[%swap3A_19], %swap3A_22 {strides = array<i32>} : memref<128xf32, #tpu.memory_space<vmem>>, vector<16xf32>,
    %swap3A_23 = arith.constant 80 : index
    %swap3A_24 = tpu.vector_load %arg8[%swap3A_23] {strides = array<i32>} : memref<128xf32, #tpu.memory_space<vmem>>, vector<16xf32>,
    %swap3A_25 = vector.shape_cast %swap3A_24 : vector<16xf32> to vector<16xf32>
    %swap3A_26 = vector.shape_cast %broadcast_in_dim3A_1 : vector<16xf32> to vector<16xf32>
    tpu.vector_store %arg8[%swap3A_23], %swap3A_26 {strides = array<i32>} : memref<128xf32, #tpu.memory_space<vmem>>, vector<16xf32>,
    %swap3A_27 = arith.constant 96 : index
    %swap3A_28 = tpu.vector_load %arg8[%swap3A_27] {strides = array<i32>} : memref<128xf32, #tpu.memory_space<vmem>>, vector<16xf32>,
    %swap3A_29 = vector.shape_cast %swap3A_28 : vector<16xf32> to vector<16xf32>
    %swap3A_30 = vector.shape_cast %broadcast_in_dim3A_1 : vector<16xf32> to vector<16xf32>
    tpu.vector_store %arg8[%swap3A_27], %swap3A_30 {strides = array<i32>} : memref<128xf32, #tpu.memory_space<vmem>>, vector<16xf32>,
    %swap3A_31 = arith.constant 112 : index
    %swap3A_32 = tpu.vector_load %arg8[%swap3A_31] {strides = array<i32>} : memref<128xf32, #tpu.memory_space<vmem>>, vector<16xf32>,
    %swap3A_33 = vector.shape_cast %swap3A_32 : vector<16xf32> to vector<16xf32>
    %swap3A_34 = vector.shape_cast %broadcast_in_dim3A_1 : vector<16xf32> to vector<16xf32>
    tpu.vector_store %arg8[%swap3A_31], %swap3A_34 {strides = array<i32>} : memref<128xf32, #tpu.memory_space<vmem>>, vector<16xf32>,
    %scan3A = arith.constant 0 : i32
    %scan3A_35 = arith.constant 0 : i32
    %scan3A_36 = arith.constant 40 : i32
    %scan3A_37 = arith.addi %scan3A_35, %scan3A_36 : i32
    %scan3A_38 = arith.constant 1 : i32
    %scan3A_39 = scf.for %scan3A_58 = %scan3A_35 to %scan3A_37 step %scan3A_38 iter_args(%scan3A_59 = %scan3A) -> (i32)  : i32 {
      %mul3A_60 = arith.constant 16 : i32
      %mul3A_61 = arith.muli %scan3A_58, %mul3A_60 : i32
      %swap3A_62 = arith.index_cast %mul3A_61 : i32 to index
      %swap3A_63 = tpu.vector_load %arg9[%swap3A_62] {strides = array<i32>} : memref<640xf32, #tpu.memory_space<vmem>>, vector<16xf32>,
      %swap3A_64 = vector.shape_cast %swap3A_63 : vector<16xf32> to vector<16xf32>
      %swap3A_65 = vector.shape_cast %broadcast_in_dim3A_3 : vector<16xf32> to vector<16xf32>
      tpu.vector_store %arg9[%swap3A_62], %swap3A_65 {strides = array<i32>} : memref<640xf32, #tpu.memory_space<vmem>>, vector<16xf32>,
      %scan3A_66 = arith.constant 0 : i32
      scf.yield %scan3A_66 : i32
    }
    %scan3A_40 = arith.constant 40 : i32
    %mul3A_41 = arith.constant 640 : i32
    %mul3A_42 = arith.muli %arg1, %mul3A_41 : i32
    "tpu.region"() ({
      %run_scoped3A = tpu.sem_alloc : memref<!tpu.dma_semaphore, #tpu.memory_space<semaphore_mem>>
      %dma_start3A = tpu.memref_slice %arg10[%mul3A_42] : memref<10240xf32, #tpu.memory_space<vmem_shared>> -> memref<640xf32, #tpu.memory_space<vmem_shared>>
      %dma_start3A_58 = tpu.memref_slice %arg10[%mul3A_42] : memref<10240xf32, #tpu.memory_space<vmem_shared>> -> memref<640xf32, #tpu.memory_space<vmem_shared>>
      tpu.enqueue_dma source(%arg9 : memref<640xf32, #tpu.memory_space<vmem>>) target(%dma_start3A_58 : memref<640xf32, #tpu.memory_space<vmem_shared>>) target_semaphore(%run_scoped3A : memref<!tpu.dma_semaphore, #tpu.memory_space<semaphore_mem>>)
      %dma_wait3A = tpu.memref_slice %arg10[%mul3A_42] : memref<10240xf32, #tpu.memory_space<vmem_shared>> -> memref<640xf32, #tpu.memory_space<vmem_shared>>
      %dma_wait3A_59 = tpu.memref_slice %arg10[%mul3A_42] : memref<10240xf32, #tpu.memory_space<vmem_shared>> -> memref<640xf32, #tpu.memory_space<vmem_shared>>
      tpu.wait_dma2 semaphore(%run_scoped3A : memref<!tpu.dma_semaphore, #tpu.memory_space<semaphore_mem>>) src(%arg9 : memref<640xf32, #tpu.memory_space<vmem>>) dst(%dma_wait3A_59 : memref<640xf32, #tpu.memory_space<vmem_shared>>)
      tpu.yield
    }) : () -> ()
    "tpu.region"() ({
      %run_scoped3A = tpu.sem_alloc : memref<!tpu.dma_semaphore, #tpu.memory_space<semaphore_mem>>
      %dma_start3A = tpu.memref_slice %arg11[%mul3A_42] : memref<10240xf32, #tpu.memory_space<vmem_shared>> -> memref<640xf32, #tpu.memory_space<vmem_shared>>
      %dma_start3A_58 = tpu.memref_slice %arg11[%mul3A_42] : memref<10240xf32, #tpu.memory_space<vmem_shared>> -> memref<640xf32, #tpu.memory_space<vmem_shared>>
      tpu.enqueue_dma source(%arg9 : memref<640xf32, #tpu.memory_space<vmem>>) target(%dma_start3A_58 : memref<640xf32, #tpu.memory_space<vmem_shared>>) target_semaphore(%run_scoped3A : memref<!tpu.dma_semaphore, #tpu.memory_space<semaphore_mem>>)
      %dma_wait3A = tpu.memref_slice %arg11[%mul3A_42] : memref<10240xf32, #tpu.memory_space<vmem_shared>> -> memref<640xf32, #tpu.memory_space<vmem_shared>>
      %dma_wait3A_59 = tpu.memref_slice %arg11[%mul3A_42] : memref<10240xf32, #tpu.memory_space<vmem_shared>> -> memref<640xf32, #tpu.memory_space<vmem_shared>>
      tpu.wait_dma2 semaphore(%run_scoped3A : memref<!tpu.dma_semaphore, #tpu.memory_space<semaphore_mem>>) src(%arg9 : memref<640xf32, #tpu.memory_space<vmem>>) dst(%dma_wait3A_59 : memref<640xf32, #tpu.memory_space<vmem_shared>>)
      tpu.yield
    }) : () -> ()
    "tpu.region"() ({
      %run_scoped3A = tpu.sem_alloc : memref<!tpu.dma_semaphore, #tpu.memory_space<semaphore_mem>>
      %dma_start3A = arith.constant 0 : i32
      %dma_start3A_58 = arith.constant 0 : i32
      %dma_start3A_59 = tpu.memref_slice %arg2[%add3A, %dma_start3A, %dma_start3A_58] : memref<32x80x128xi32, #tpu.memory_space<hbm>> -> memref<1x80x128xi32, #tpu.memory_space<hbm>>
      %dma_start3A_60 = tpu.memref_squeeze %dma_start3A_59 : memref<1x80x128xi32, #tpu.memory_space<hbm>> -> memref<80x128xi32, #tpu.memory_space<hbm>>
      %dma_start3A_61 = arith.constant 0 : i32
      %dma_start3A_62 = arith.constant 0 : i32
      %dma_start3A_63 = tpu.memref_slice %arg2[%add3A, %dma_start3A_61, %dma_start3A_62] : memref<32x80x128xi32, #tpu.memory_space<hbm>> -> memref<1x80x128xi32, #tpu.memory_space<hbm>>
      %dma_start3A_64 = tpu.memref_squeeze %dma_start3A_63 : memref<1x80x128xi32, #tpu.memory_space<hbm>> -> memref<80x128xi32, #tpu.memory_space<hbm>>
      tpu.enqueue_dma source(%dma_start3A_64 : memref<80x128xi32, #tpu.memory_space<hbm>>) target(%arg6 : memref<80x128xi32, #tpu.memory_space<vmem>>) target_semaphore(%run_scoped3A : memref<!tpu.dma_semaphore, #tpu.memory_space<semaphore_mem>>)
      %dma_wait3A = arith.constant 0 : i32
      %dma_wait3A_65 = arith.constant 0 : i32
      %dma_wait3A_66 = tpu.memref_slice %arg2[%add3A, %dma_wait3A, %dma_wait3A_65] : memref<32x80x128xi32, #tpu.memory_space<hbm>> -> memref<1x80x128xi32, #tpu.memory_space<hbm>>
      %dma_wait3A_67 = tpu.memref_squeeze %dma_wait3A_66 : memref<1x80x128xi32, #tpu.memory_space<hbm>> -> memref<80x128xi32, #tpu.memory_space<hbm>>
      %dma_wait3A_68 = arith.constant 0 : i32
      %dma_wait3A_69 = arith.constant 0 : i32
      %dma_wait3A_70 = tpu.memref_slice %arg2[%add3A, %dma_wait3A_68, %dma_wait3A_69] : memref<32x80x128xi32, #tpu.memory_space<hbm>> -> memref<1x80x128xi32, #tpu.memory_space<hbm>>
      %dma_wait3A_71 = tpu.memref_squeeze %dma_wait3A_70 : memref<1x80x128xi32, #tpu.memory_space<hbm>> -> memref<80x128xi32, #tpu.memory_space<hbm>>
      tpu.wait_dma2 semaphore(%run_scoped3A : memref<!tpu.dma_semaphore, #tpu.memory_space<semaphore_mem>>) src(%dma_wait3A_71 : memref<80x128xi32, #tpu.memory_space<hbm>>) dst(%arg6 : memref<80x128xi32, #tpu.memory_space<vmem>>)
      tpu.yield
    }) : () -> ()
    "tpu.region"() ({
      %run_scoped3A = tpu.sem_alloc : memref<!tpu.dma_semaphore, #tpu.memory_space<semaphore_mem>>
      %dma_start3A = arith.constant 0 : i32
      %dma_start3A_58 = arith.constant 0 : i32
      %dma_start3A_59 = tpu.memref_slice %arg3[%add3A, %dma_start3A, %dma_start3A_58] : memref<32x80x128xi32, #tpu.memory_space<hbm>> -> memref<1x80x128xi32, #tpu.memory_space<hbm>>
      %dma_start3A_60 = tpu.memref_squeeze %dma_start3A_59 : memref<1x80x128xi32, #tpu.memory_space<hbm>> -> memref<80x128xi32, #tpu.memory_space<hbm>>
      %dma_start3A_61 = arith.constant 0 : i32
      %dma_start3A_62 = arith.constant 0 : i32
      %dma_start3A_63 = tpu.memref_slice %arg3[%add3A, %dma_start3A_61, %dma_start3A_62] : memref<32x80x128xi32, #tpu.memory_space<hbm>> -> memref<1x80x128xi32, #tpu.memory_space<hbm>>
      %dma_start3A_64 = tpu.memref_squeeze %dma_start3A_63 : memref<1x80x128xi32, #tpu.memory_space<hbm>> -> memref<80x128xi32, #tpu.memory_space<hbm>>
      tpu.enqueue_dma source(%dma_start3A_64 : memref<80x128xi32, #tpu.memory_space<hbm>>) target(%arg7 : memref<80x128xi32, #tpu.memory_space<vmem>>) target_semaphore(%run_scoped3A : memref<!tpu.dma_semaphore, #tpu.memory_space<semaphore_mem>>)
      %dma_wait3A = arith.constant 0 : i32
      %dma_wait3A_65 = arith.constant 0 : i32
      %dma_wait3A_66 = tpu.memref_slice %arg3[%add3A, %dma_wait3A, %dma_wait3A_65] : memref<32x80x128xi32, #tpu.memory_space<hbm>> -> memref<1x80x128xi32, #tpu.memory_space<hbm>>
      %dma_wait3A_67 = tpu.memref_squeeze %dma_wait3A_66 : memref<1x80x128xi32, #tpu.memory_space<hbm>> -> memref<80x128xi32, #tpu.memory_space<hbm>>
      %dma_wait3A_68 = arith.constant 0 : i32
      %dma_wait3A_69 = arith.constant 0 : i32
      %dma_wait3A_70 = tpu.memref_slice %arg3[%add3A, %dma_wait3A_68, %dma_wait3A_69] : memref<32x80x128xi32, #tpu.memory_space<hbm>> -> memref<1x80x128xi32, #tpu.memory_space<hbm>>
      %dma_wait3A_71 = tpu.memref_squeeze %dma_wait3A_70 : memref<1x80x128xi32, #tpu.memory_space<hbm>> -> memref<80x128xi32, #tpu.memory_space<hbm>>
      tpu.wait_dma2 semaphore(%run_scoped3A : memref<!tpu.dma_semaphore, #tpu.memory_space<semaphore_mem>>) src(%dma_wait3A_71 : memref<80x128xi32, #tpu.memory_space<hbm>>) dst(%arg7 : memref<80x128xi32, #tpu.memory_space<vmem>>)
      tpu.yield
    }) : () -> ()
    %barrier3A = arith.constant 0 : index
    tpu.barrier barrier_id(%barrier3A)
    %scan3A_43 = arith.constant 0 : i32
    %scan3A_44 = arith.constant 0 : i32
    %scan3A_45 = arith.constant 80 : i32
    %scan3A_46 = arith.addi %scan3A_44, %scan3A_45 : i32
    %scan3A_47 = arith.constant 1 : i32
    %scan3A_48 = scf.for %scan3A_58 = %scan3A_44 to %scan3A_46 step %scan3A_47 iter_args(%scan3A_59 = %scan3A_43) -> (i32)  : i32 {
      %dma_start3A = arith.constant 0 : i32
      %dma_start3A_60 = tpu.memref_slice %arg6[%scan3A_58, %dma_start3A] : memref<80x128xi32, #tpu.memory_space<vmem>> -> memref<1x128xi32, #tpu.memory_space<vmem>>
      %dma_start3A_61 = tpu.memref_squeeze %dma_start3A_60 : memref<1x128xi32, #tpu.memory_space<vmem>> -> memref<128xi32, #tpu.memory_space<vmem>>
      %dma_start3A_62 = arith.constant 0 : i32
      %dma_start3A_63 = tpu.memref_slice %arg10[%dma_start3A_62] : memref<10240xf32, #tpu.memory_space<vmem_shared>> -> memref<10240xf32, #tpu.memory_space<vmem_shared>>
      tpu.enqueue_indirect_dma source(%arg8 : memref<128xf32, #tpu.memory_space<vmem>>) target(%dma_start3A_63 : memref<10240xf32, #tpu.memory_space<vmem_shared>>) offsets(%dma_start3A_61 : memref<128xi32, #tpu.memory_space<vmem>>) semaphore(%arg12 : memref<!tpu.dma_semaphore, #tpu.memory_space<semaphore_mem>>) {add = true}
      %dma_start3A_64 = arith.constant 0 : i32
      %dma_start3A_65 = tpu.memref_slice %arg7[%scan3A_58, %dma_start3A_64] : memref<80x128xi32, #tpu.memory_space<vmem>> -> memref<1x128xi32, #tpu.memory_space<vmem>>
      %dma_start3A_66 = tpu.memref_squeeze %dma_start3A_65 : memref<1x128xi32, #tpu.memory_space<vmem>> -> memref<128xi32, #tpu.memory_space<vmem>>
      %dma_start3A_67 = arith.constant 0 : i32
      %dma_start3A_68 = tpu.memref_slice %arg11[%dma_start3A_67] : memref<10240xf32, #tpu.memory_space<vmem_shared>> -> memref<10240xf32, #tpu.memory_space<vmem_shared>>
      tpu.enqueue_indirect_dma source(%arg8 : memref<128xf32, #tpu.memory_space<vmem>>) target(%dma_start3A_68 : memref<10240xf32, #tpu.memory_space<vmem_shared>>) offsets(%dma_start3A_66 : memref<128xi32, #tpu.memory_space<vmem>>) semaphore(%arg13 : memref<!tpu.dma_semaphore, #tpu.memory_space<semaphore_mem>>) {add = true}
      %scan3A_69 = arith.constant 0 : i32
      scf.yield %scan3A_69 : i32
    }
    %scan3A_49 = arith.constant 80 : i32
    %scan3A_50 = arith.constant 0 : i32
    %scan3A_51 = arith.constant 0 : i32
    %scan3A_52 = arith.constant 80 : i32
    %scan3A_53 = arith.addi %scan3A_51, %scan3A_52 : i32
    %scan3A_54 = arith.constant 1 : i32
    %scan3A_55 = scf.for %scan3A_58 = %scan3A_51 to %scan3A_53 step %scan3A_54 iter_args(%scan3A_59 = %scan3A_50) -> (i32)  : i32 {
      %dma_wait3A = arith.constant 0 : i32
      %dma_wait3A_60 = arith.constant 0 : i32
      %dma_wait3A_61 = tpu.memref_slice %arg6[%dma_wait3A, %dma_wait3A_60] : memref<80x128xi32, #tpu.memory_space<vmem>> -> memref<1x128xi32, #tpu.memory_space<vmem>>
      %dma_wait3A_62 = tpu.memref_squeeze %dma_wait3A_61 : memref<1x128xi32, #tpu.memory_space<vmem>> -> memref<128xi32, #tpu.memory_space<vmem>>
      %dma_wait3A_63 = arith.constant 0 : i32
      %dma_wait3A_64 = tpu.memref_slice %arg10[%dma_wait3A_63] : memref<10240xf32, #tpu.memory_space<vmem_shared>> -> memref<10240xf32, #tpu.memory_space<vmem_shared>>
      tpu.wait_indirect_dma semaphore(%arg12 : memref<!tpu.dma_semaphore, #tpu.memory_space<semaphore_mem>>) src(%arg8 : memref<128xf32, #tpu.memory_space<vmem>>) dst(%dma_wait3A_64 : memref<10240xf32, #tpu.memory_space<vmem_shared>>)
      %dma_wait3A_65 = arith.constant 0 : i32
      %dma_wait3A_66 = arith.constant 0 : i32
      %dma_wait3A_67 = tpu.memref_slice %arg7[%dma_wait3A_65, %dma_wait3A_66] : memref<80x128xi32, #tpu.memory_space<vmem>> -> memref<1x128xi32, #tpu.memory_space<vmem>>
      %dma_wait3A_68 = tpu.memref_squeeze %dma_wait3A_67 : memref<1x128xi32, #tpu.memory_space<vmem>> -> memref<128xi32, #tpu.memory_space<vmem>>
      %dma_wait3A_69 = arith.constant 0 : i32
      %dma_wait3A_70 = tpu.memref_slice %arg11[%dma_wait3A_69] : memref<10240xf32, #tpu.memory_space<vmem_shared>> -> memref<10240xf32, #tpu.memory_space<vmem_shared>>
      tpu.wait_indirect_dma semaphore(%arg13 : memref<!tpu.dma_semaphore, #tpu.memory_space<semaphore_mem>>) src(%arg8 : memref<128xf32, #tpu.memory_space<vmem>>) dst(%dma_wait3A_70 : memref<10240xf32, #tpu.memory_space<vmem_shared>>)
      %scan3A_71 = arith.constant 0 : i32
      scf.yield %scan3A_71 : i32
    }
    %scan3A_56 = arith.constant 80 : i32
    %barrier3A_57 = arith.constant 0 : index
    tpu.barrier barrier_id(%barrier3A_57)
    "tpu.region"() ({
      %run_scoped3A = tpu.sem_alloc : memref<!tpu.dma_semaphore, #tpu.memory_space<semaphore_mem>>
      %dma_start3A = tpu.memref_slice %arg4[%arg0, %mul3A_42] : memref<2x10240xf32, #tpu.memory_space<hbm>> -> memref<1x640xf32, #tpu.memory_space<hbm>>
      %dma_start3A_58 = tpu.memref_squeeze %dma_start3A : memref<1x640xf32, #tpu.memory_space<hbm>> -> memref<640xf32, #tpu.memory_space<hbm>>
      %dma_start3A_59 = tpu.memref_slice %arg10[%mul3A_42] : memref<10240xf32, #tpu.memory_space<vmem_shared>> -> memref<640xf32, #tpu.memory_space<vmem_shared>>
      tpu.enqueue_dma source(%dma_start3A_59 : memref<640xf32, #tpu.memory_space<vmem_shared>>) target(%dma_start3A_58 : memref<640xf32, #tpu.memory_space<hbm>>) target_semaphore(%run_scoped3A : memref<!tpu.dma_semaphore, #tpu.memory_space<semaphore_mem>>)
      %dma_wait3A = tpu.memref_slice %arg4[%arg0, %mul3A_42] : memref<2x10240xf32, #tpu.memory_space<hbm>> -> memref<1x640xf32, #tpu.memory_space<hbm>>
      %dma_wait3A_60 = tpu.memref_squeeze %dma_wait3A : memref<1x640xf32, #tpu.memory_space<hbm>> -> memref<640xf32, #tpu.memory_space<hbm>>
      %dma_wait3A_61 = tpu.memref_slice %arg10[%mul3A_42] : memref<10240xf32, #tpu.memory_space<vmem_shared>> -> memref<640xf32, #tpu.memory_space<vmem_shared>>
      tpu.wait_dma2 semaphore(%run_scoped3A : memref<!tpu.dma_semaphore, #tpu.memory_space<semaphore_mem>>) src(%dma_wait3A_61 : memref<640xf32, #tpu.memory_space<vmem_shared>>) dst(%dma_wait3A_60 : memref<640xf32, #tpu.memory_space<hbm>>)
      tpu.yield
    }) : () -> ()
    "tpu.region"() ({
      %run_scoped3A = tpu.sem_alloc : memref<!tpu.dma_semaphore, #tpu.memory_space<semaphore_mem>>
      %dma_start3A = tpu.memref_slice %arg5[%arg0, %mul3A_42] : memref<2x10240xf32, #tpu.memory_space<hbm>> -> memref<1x640xf32, #tpu.memory_space<hbm>>
      %dma_start3A_58 = tpu.memref_squeeze %dma_start3A : memref<1x640xf32, #tpu.memory_space<hbm>> -> memref<640xf32, #tpu.memory_space<hbm>>
      %dma_start3A_59 = tpu.memref_slice %arg11[%mul3A_42] : memref<10240xf32, #tpu.memory_space<vmem_shared>> -> memref<640xf32, #tpu.memory_space<vmem_shared>>
      tpu.enqueue_dma source(%dma_start3A_59 : memref<640xf32, #tpu.memory_space<vmem_shared>>) target(%dma_start3A_58 : memref<640xf32, #tpu.memory_space<hbm>>) target_semaphore(%run_scoped3A : memref<!tpu.dma_semaphore, #tpu.memory_space<semaphore_mem>>)
      %dma_wait3A = tpu.memref_slice %arg5[%arg0, %mul3A_42] : memref<2x10240xf32, #tpu.memory_space<hbm>> -> memref<1x640xf32, #tpu.memory_space<hbm>>
      %dma_wait3A_60 = tpu.memref_squeeze %dma_wait3A : memref<1x640xf32, #tpu.memory_space<hbm>> -> memref<640xf32, #tpu.memory_space<hbm>>
      %dma_wait3A_61 = tpu.memref_slice %arg11[%mul3A_42] : memref<10240xf32, #tpu.memory_space<vmem_shared>> -> memref<640xf32, #tpu.memory_space<vmem_shared>>
      tpu.wait_dma2 semaphore(%run_scoped3A : memref<!tpu.dma_semaphore, #tpu.memory_space<semaphore_mem>>) src(%dma_wait3A_61 : memref<640xf32, #tpu.memory_space<vmem_shared>>) dst(%dma_wait3A_60 : memref<640xf32, #tpu.memory_space<hbm>>)
      tpu.yield
    }) : () -> ()
    return
  }
}

#map = affine_map<(d0, d1) -> (0, 0)>
#map1 = affine_map<(d0, d1) -> (0, 0, 0)>
module attributes {stable_mosaic.version = 14 : i64} {
  func.func @_aggregate_kernel(%arg0: i32, %arg1: i32, %arg2: memref<10240x128xf32, #tpu.memory_space<hbm>>, %arg3: memref<32x160x64xi32, #tpu.memory_space<hbm>>, %arg4: memref<32x160x64xi32, #tpu.memory_space<hbm>>, %arg5: memref<2x10240x128xf32, #tpu.memory_space<hbm>>, %arg6: memref<40x64xi32, #tpu.memory_space<vmem>>, %arg7: memref<40x64xi32, #tpu.memory_space<vmem>>, %arg8: memref<4x64x128xf32, #tpu.memory_space<vmem>>, %arg9: memref<10240x128xf32, #tpu.memory_space<vmem_shared>>, %arg10: memref<!tpu.dma_semaphore, #tpu.memory_space<semaphore_mem>>, %arg11: memref<!tpu.dma_semaphore, #tpu.memory_space<semaphore_mem>>, %arg12: memref<!tpu.dma_semaphore, #tpu.memory_space<semaphore_mem>>, %arg13: memref<!tpu.dma_semaphore, #tpu.memory_space<semaphore_mem>>, %arg14: memref<!tpu.dma_semaphore, #tpu.memory_space<semaphore_mem>>, %arg15: memref<!tpu.dma_semaphore, #tpu.memory_space<semaphore_mem>>, %arg16: memref<!tpu.dma_semaphore, #tpu.memory_space<semaphore_mem>>, %arg17: memref<!tpu.dma_semaphore, #tpu.memory_space<semaphore_mem>>, %arg18: memref<!tpu.dma_semaphore, #tpu.memory_space<semaphore_mem>>, %arg19: memref<!tpu.dma_semaphore, #tpu.memory_space<semaphore_mem>>) attributes {dimension_semantics = [#tpu.dimension_semantics<core_parallel>, #tpu.dimension_semantics<subcore_parallel>], iteration_bounds = array<i64: 2, 16>, scalar_prefetch = 0 : i64, scratch_operands = 14 : i64, tpu.core_type = #tpu.core_type<sc_vector_subcore>, window_params = [{transform_indices = #map}, {transform_indices = #map1}, {transform_indices = #map1}, {transform_indices = #map1}]} {
    %mul3A = arith.constant 16 : i32
    %mul3A_0 = arith.muli %arg0, %mul3A : i32
    %add3A = arith.addi %mul3A_0, %arg1 : i32
    %broadcast_in_dim3A = arith.constant 0.000000e+00 : f32
    %broadcast_in_dim3A_1 = vector.broadcast %broadcast_in_dim3A : f32 to vector<16xf32>
    %scan3A = arith.constant 0 : i32
    %scan3A_2 = arith.constant 0 : i32
    %scan3A_3 = arith.constant 64 : i32
    %scan3A_4 = arith.addi %scan3A_2, %scan3A_3 : i32
    %scan3A_5 = arith.constant 1 : i32
    %scan3A_6 = scf.for %scan3A_47 = %scan3A_2 to %scan3A_4 step %scan3A_5 iter_args(%scan3A_48 = %scan3A) -> (i32)  : i32 {
      %swap3A = arith.constant 0 : i32
      %swap3A_49 = arith.index_cast %swap3A : i32 to index
      %swap3A_50 = arith.index_cast %scan3A_47 : i32 to index
      %swap3A_51 = arith.constant 0 : index
      %swap3A_52 = tpu.vector_load %arg8[%swap3A_49, %swap3A_50, %swap3A_51] {strides = array<i32>} : memref<4x64x128xf32, #tpu.memory_space<vmem>>, vector<1x1x16xf32>,
      %swap3A_53 = vector.shape_cast %swap3A_52 : vector<1x1x16xf32> to vector<16xf32>
      %swap3A_54 = vector.shape_cast %broadcast_in_dim3A_1 : vector<16xf32> to vector<1x1x16xf32>
      tpu.vector_store %arg8[%swap3A_49, %swap3A_50, %swap3A_51], %swap3A_54 {strides = array<i32>} : memref<4x64x128xf32, #tpu.memory_space<vmem>>, vector<1x1x16xf32>,
      %swap3A_55 = arith.constant 0 : i32
      %swap3A_56 = arith.index_cast %swap3A_55 : i32 to index
      %swap3A_57 = arith.index_cast %scan3A_47 : i32 to index
      %swap3A_58 = arith.constant 16 : index
      %swap3A_59 = tpu.vector_load %arg8[%swap3A_56, %swap3A_57, %swap3A_58] {strides = array<i32>} : memref<4x64x128xf32, #tpu.memory_space<vmem>>, vector<1x1x16xf32>,
      %swap3A_60 = vector.shape_cast %swap3A_59 : vector<1x1x16xf32> to vector<16xf32>
      %swap3A_61 = vector.shape_cast %broadcast_in_dim3A_1 : vector<16xf32> to vector<1x1x16xf32>
      tpu.vector_store %arg8[%swap3A_56, %swap3A_57, %swap3A_58], %swap3A_61 {strides = array<i32>} : memref<4x64x128xf32, #tpu.memory_space<vmem>>, vector<1x1x16xf32>,
      %swap3A_62 = arith.constant 0 : i32
      %swap3A_63 = arith.index_cast %swap3A_62 : i32 to index
      %swap3A_64 = arith.index_cast %scan3A_47 : i32 to index
      %swap3A_65 = arith.constant 32 : index
      %swap3A_66 = tpu.vector_load %arg8[%swap3A_63, %swap3A_64, %swap3A_65] {strides = array<i32>} : memref<4x64x128xf32, #tpu.memory_space<vmem>>, vector<1x1x16xf32>,
      %swap3A_67 = vector.shape_cast %swap3A_66 : vector<1x1x16xf32> to vector<16xf32>
      %swap3A_68 = vector.shape_cast %broadcast_in_dim3A_1 : vector<16xf32> to vector<1x1x16xf32>
      tpu.vector_store %arg8[%swap3A_63, %swap3A_64, %swap3A_65], %swap3A_68 {strides = array<i32>} : memref<4x64x128xf32, #tpu.memory_space<vmem>>, vector<1x1x16xf32>,
      %swap3A_69 = arith.constant 0 : i32
      %swap3A_70 = arith.index_cast %swap3A_69 : i32 to index
      %swap3A_71 = arith.index_cast %scan3A_47 : i32 to index
      %swap3A_72 = arith.constant 48 : index
      %swap3A_73 = tpu.vector_load %arg8[%swap3A_70, %swap3A_71, %swap3A_72] {strides = array<i32>} : memref<4x64x128xf32, #tpu.memory_space<vmem>>, vector<1x1x16xf32>,
      %swap3A_74 = vector.shape_cast %swap3A_73 : vector<1x1x16xf32> to vector<16xf32>
      %swap3A_75 = vector.shape_cast %broadcast_in_dim3A_1 : vector<16xf32> to vector<1x1x16xf32>
      tpu.vector_store %arg8[%swap3A_70, %swap3A_71, %swap3A_72], %swap3A_75 {strides = array<i32>} : memref<4x64x128xf32, #tpu.memory_space<vmem>>, vector<1x1x16xf32>,
      %swap3A_76 = arith.constant 0 : i32
      %swap3A_77 = arith.index_cast %swap3A_76 : i32 to index
      %swap3A_78 = arith.index_cast %scan3A_47 : i32 to index
      %swap3A_79 = arith.constant 64 : index
      %swap3A_80 = tpu.vector_load %arg8[%swap3A_77, %swap3A_78, %swap3A_79] {strides = array<i32>} : memref<4x64x128xf32, #tpu.memory_space<vmem>>, vector<1x1x16xf32>,
      %swap3A_81 = vector.shape_cast %swap3A_80 : vector<1x1x16xf32> to vector<16xf32>
      %swap3A_82 = vector.shape_cast %broadcast_in_dim3A_1 : vector<16xf32> to vector<1x1x16xf32>
      tpu.vector_store %arg8[%swap3A_77, %swap3A_78, %swap3A_79], %swap3A_82 {strides = array<i32>} : memref<4x64x128xf32, #tpu.memory_space<vmem>>, vector<1x1x16xf32>,
      %swap3A_83 = arith.constant 0 : i32
      %swap3A_84 = arith.index_cast %swap3A_83 : i32 to index
      %swap3A_85 = arith.index_cast %scan3A_47 : i32 to index
      %swap3A_86 = arith.constant 80 : index
      %swap3A_87 = tpu.vector_load %arg8[%swap3A_84, %swap3A_85, %swap3A_86] {strides = array<i32>} : memref<4x64x128xf32, #tpu.memory_space<vmem>>, vector<1x1x16xf32>,
      %swap3A_88 = vector.shape_cast %swap3A_87 : vector<1x1x16xf32> to vector<16xf32>
      %swap3A_89 = vector.shape_cast %broadcast_in_dim3A_1 : vector<16xf32> to vector<1x1x16xf32>
      tpu.vector_store %arg8[%swap3A_84, %swap3A_85, %swap3A_86], %swap3A_89 {strides = array<i32>} : memref<4x64x128xf32, #tpu.memory_space<vmem>>, vector<1x1x16xf32>,
      %swap3A_90 = arith.constant 0 : i32
      %swap3A_91 = arith.index_cast %swap3A_90 : i32 to index
      %swap3A_92 = arith.index_cast %scan3A_47 : i32 to index
      %swap3A_93 = arith.constant 96 : index
      %swap3A_94 = tpu.vector_load %arg8[%swap3A_91, %swap3A_92, %swap3A_93] {strides = array<i32>} : memref<4x64x128xf32, #tpu.memory_space<vmem>>, vector<1x1x16xf32>,
      %swap3A_95 = vector.shape_cast %swap3A_94 : vector<1x1x16xf32> to vector<16xf32>
      %swap3A_96 = vector.shape_cast %broadcast_in_dim3A_1 : vector<16xf32> to vector<1x1x16xf32>
      tpu.vector_store %arg8[%swap3A_91, %swap3A_92, %swap3A_93], %swap3A_96 {strides = array<i32>} : memref<4x64x128xf32, #tpu.memory_space<vmem>>, vector<1x1x16xf32>,
      %swap3A_97 = arith.constant 0 : i32
      %swap3A_98 = arith.index_cast %swap3A_97 : i32 to index
      %swap3A_99 = arith.index_cast %scan3A_47 : i32 to index
      %swap3A_100 = arith.constant 112 : index
      %swap3A_101 = tpu.vector_load %arg8[%swap3A_98, %swap3A_99, %swap3A_100] {strides = array<i32>} : memref<4x64x128xf32, #tpu.memory_space<vmem>>, vector<1x1x16xf32>,
      %swap3A_102 = vector.shape_cast %swap3A_101 : vector<1x1x16xf32> to vector<16xf32>
      %swap3A_103 = vector.shape_cast %broadcast_in_dim3A_1 : vector<16xf32> to vector<1x1x16xf32>
      tpu.vector_store %arg8[%swap3A_98, %swap3A_99, %swap3A_100], %swap3A_103 {strides = array<i32>} : memref<4x64x128xf32, #tpu.memory_space<vmem>>, vector<1x1x16xf32>,
      %scan3A_104 = arith.constant 0 : i32
      scf.yield %scan3A_104 : i32
    }
    %scan3A_7 = arith.constant 64 : i32
    %mul3A_8 = arith.constant 640 : i32
    %mul3A_9 = arith.muli %arg1, %mul3A_8 : i32
    %add3A_10 = arith.constant 0 : i32
    %add3A_11 = arith.addi %mul3A_9, %add3A_10 : i32
    %run_scoped3A = arith.constant 0 : i32
    "tpu.region"() ({
      %run_scoped3A_47 = tpu.sem_alloc : memref<!tpu.dma_semaphore, #tpu.memory_space<semaphore_mem>>
      %dma_start3A = arith.constant 0 : i32
      %dma_start3A_48 = arith.constant 0 : i32
      %dma_start3A_49 = tpu.memref_slice %arg8[%run_scoped3A, %dma_start3A, %dma_start3A_48] : memref<4x64x128xf32, #tpu.memory_space<vmem>> -> memref<1x64x128xf32, #tpu.memory_space<vmem>>
      %dma_start3A_50 = tpu.memref_squeeze %dma_start3A_49 : memref<1x64x128xf32, #tpu.memory_space<vmem>> -> memref<64x128xf32, #tpu.memory_space<vmem>>
      %dma_start3A_51 = arith.constant 0 : i32
      %dma_start3A_52 = tpu.memref_slice %arg9[%add3A_11, %dma_start3A_51] : memref<10240x128xf32, #tpu.memory_space<vmem_shared>> -> memref<64x128xf32, #tpu.memory_space<vmem_shared>>
      %dma_start3A_53 = arith.constant 0 : i32
      %dma_start3A_54 = tpu.memref_slice %arg9[%add3A_11, %dma_start3A_53] : memref<10240x128xf32, #tpu.memory_space<vmem_shared>> -> memref<64x128xf32, #tpu.memory_space<vmem_shared>>
      %dma_start3A_55 = arith.constant 0 : i32
      %dma_start3A_56 = arith.constant 0 : i32
      %dma_start3A_57 = tpu.memref_slice %arg8[%run_scoped3A, %dma_start3A_55, %dma_start3A_56] : memref<4x64x128xf32, #tpu.memory_space<vmem>> -> memref<1x64x128xf32, #tpu.memory_space<vmem>>
      %dma_start3A_58 = tpu.memref_squeeze %dma_start3A_57 : memref<1x64x128xf32, #tpu.memory_space<vmem>> -> memref<64x128xf32, #tpu.memory_space<vmem>>
      tpu.enqueue_dma source(%dma_start3A_58 : memref<64x128xf32, #tpu.memory_space<vmem>>) target(%dma_start3A_54 : memref<64x128xf32, #tpu.memory_space<vmem_shared>>) target_semaphore(%run_scoped3A_47 : memref<!tpu.dma_semaphore, #tpu.memory_space<semaphore_mem>>)
      %dma_wait3A = arith.constant 0 : i32
      %dma_wait3A_59 = arith.constant 0 : i32
      %dma_wait3A_60 = tpu.memref_slice %arg8[%run_scoped3A, %dma_wait3A, %dma_wait3A_59] : memref<4x64x128xf32, #tpu.memory_space<vmem>> -> memref<1x64x128xf32, #tpu.memory_space<vmem>>
      %dma_wait3A_61 = tpu.memref_squeeze %dma_wait3A_60 : memref<1x64x128xf32, #tpu.memory_space<vmem>> -> memref<64x128xf32, #tpu.memory_space<vmem>>
      %dma_wait3A_62 = arith.constant 0 : i32
      %dma_wait3A_63 = tpu.memref_slice %arg9[%add3A_11, %dma_wait3A_62] : memref<10240x128xf32, #tpu.memory_space<vmem_shared>> -> memref<64x128xf32, #tpu.memory_space<vmem_shared>>
      %dma_wait3A_64 = arith.constant 0 : i32
      %dma_wait3A_65 = tpu.memref_slice %arg9[%add3A_11, %dma_wait3A_64] : memref<10240x128xf32, #tpu.memory_space<vmem_shared>> -> memref<64x128xf32, #tpu.memory_space<vmem_shared>>
      %dma_wait3A_66 = arith.constant 0 : i32
      %dma_wait3A_67 = arith.constant 0 : i32
      %dma_wait3A_68 = tpu.memref_slice %arg8[%run_scoped3A, %dma_wait3A_66, %dma_wait3A_67] : memref<4x64x128xf32, #tpu.memory_space<vmem>> -> memref<1x64x128xf32, #tpu.memory_space<vmem>>
      %dma_wait3A_69 = tpu.memref_squeeze %dma_wait3A_68 : memref<1x64x128xf32, #tpu.memory_space<vmem>> -> memref<64x128xf32, #tpu.memory_space<vmem>>
      tpu.wait_dma2 semaphore(%run_scoped3A_47 : memref<!tpu.dma_semaphore, #tpu.memory_space<semaphore_mem>>) src(%dma_wait3A_69 : memref<64x128xf32, #tpu.memory_space<vmem>>) dst(%dma_wait3A_65 : memref<64x128xf32, #tpu.memory_space<vmem_shared>>)
      tpu.yield
    }) : () -> ()
    %add3A_12 = arith.constant 64 : i32
    %add3A_13 = arith.addi %mul3A_9, %add3A_12 : i32
    %run_scoped3A_14 = arith.constant 0 : i32
    "tpu.region"() ({
      %run_scoped3A_47 = tpu.sem_alloc : memref<!tpu.dma_semaphore, #tpu.memory_space<semaphore_mem>>
      %dma_start3A = arith.constant 0 : i32
      %dma_start3A_48 = arith.constant 0 : i32
      %dma_start3A_49 = tpu.memref_slice %arg8[%run_scoped3A_14, %dma_start3A, %dma_start3A_48] : memref<4x64x128xf32, #tpu.memory_space<vmem>> -> memref<1x64x128xf32, #tpu.memory_space<vmem>>
      %dma_start3A_50 = tpu.memref_squeeze %dma_start3A_49 : memref<1x64x128xf32, #tpu.memory_space<vmem>> -> memref<64x128xf32, #tpu.memory_space<vmem>>
      %dma_start3A_51 = arith.constant 0 : i32
      %dma_start3A_52 = tpu.memref_slice %arg9[%add3A_13, %dma_start3A_51] : memref<10240x128xf32, #tpu.memory_space<vmem_shared>> -> memref<64x128xf32, #tpu.memory_space<vmem_shared>>
      %dma_start3A_53 = arith.constant 0 : i32
      %dma_start3A_54 = tpu.memref_slice %arg9[%add3A_13, %dma_start3A_53] : memref<10240x128xf32, #tpu.memory_space<vmem_shared>> -> memref<64x128xf32, #tpu.memory_space<vmem_shared>>
      %dma_start3A_55 = arith.constant 0 : i32
      %dma_start3A_56 = arith.constant 0 : i32
      %dma_start3A_57 = tpu.memref_slice %arg8[%run_scoped3A_14, %dma_start3A_55, %dma_start3A_56] : memref<4x64x128xf32, #tpu.memory_space<vmem>> -> memref<1x64x128xf32, #tpu.memory_space<vmem>>
      %dma_start3A_58 = tpu.memref_squeeze %dma_start3A_57 : memref<1x64x128xf32, #tpu.memory_space<vmem>> -> memref<64x128xf32, #tpu.memory_space<vmem>>
      tpu.enqueue_dma source(%dma_start3A_58 : memref<64x128xf32, #tpu.memory_space<vmem>>) target(%dma_start3A_54 : memref<64x128xf32, #tpu.memory_space<vmem_shared>>) target_semaphore(%run_scoped3A_47 : memref<!tpu.dma_semaphore, #tpu.memory_space<semaphore_mem>>)
      %dma_wait3A = arith.constant 0 : i32
      %dma_wait3A_59 = arith.constant 0 : i32
      %dma_wait3A_60 = tpu.memref_slice %arg8[%run_scoped3A_14, %dma_wait3A, %dma_wait3A_59] : memref<4x64x128xf32, #tpu.memory_space<vmem>> -> memref<1x64x128xf32, #tpu.memory_space<vmem>>
      %dma_wait3A_61 = tpu.memref_squeeze %dma_wait3A_60 : memref<1x64x128xf32, #tpu.memory_space<vmem>> -> memref<64x128xf32, #tpu.memory_space<vmem>>
      %dma_wait3A_62 = arith.constant 0 : i32
      %dma_wait3A_63 = tpu.memref_slice %arg9[%add3A_13, %dma_wait3A_62] : memref<10240x128xf32, #tpu.memory_space<vmem_shared>> -> memref<64x128xf32, #tpu.memory_space<vmem_shared>>
      %dma_wait3A_64 = arith.constant 0 : i32
      %dma_wait3A_65 = tpu.memref_slice %arg9[%add3A_13, %dma_wait3A_64] : memref<10240x128xf32, #tpu.memory_space<vmem_shared>> -> memref<64x128xf32, #tpu.memory_space<vmem_shared>>
      %dma_wait3A_66 = arith.constant 0 : i32
      %dma_wait3A_67 = arith.constant 0 : i32
      %dma_wait3A_68 = tpu.memref_slice %arg8[%run_scoped3A_14, %dma_wait3A_66, %dma_wait3A_67] : memref<4x64x128xf32, #tpu.memory_space<vmem>> -> memref<1x64x128xf32, #tpu.memory_space<vmem>>
      %dma_wait3A_69 = tpu.memref_squeeze %dma_wait3A_68 : memref<1x64x128xf32, #tpu.memory_space<vmem>> -> memref<64x128xf32, #tpu.memory_space<vmem>>
      tpu.wait_dma2 semaphore(%run_scoped3A_47 : memref<!tpu.dma_semaphore, #tpu.memory_space<semaphore_mem>>) src(%dma_wait3A_69 : memref<64x128xf32, #tpu.memory_space<vmem>>) dst(%dma_wait3A_65 : memref<64x128xf32, #tpu.memory_space<vmem_shared>>)
      tpu.yield
    }) : () -> ()
    %add3A_15 = arith.constant 128 : i32
    %add3A_16 = arith.addi %mul3A_9, %add3A_15 : i32
    %run_scoped3A_17 = arith.constant 0 : i32
    "tpu.region"() ({
      %run_scoped3A_47 = tpu.sem_alloc : memref<!tpu.dma_semaphore, #tpu.memory_space<semaphore_mem>>
      %dma_start3A = arith.constant 0 : i32
      %dma_start3A_48 = arith.constant 0 : i32
      %dma_start3A_49 = tpu.memref_slice %arg8[%run_scoped3A_17, %dma_start3A, %dma_start3A_48] : memref<4x64x128xf32, #tpu.memory_space<vmem>> -> memref<1x64x128xf32, #tpu.memory_space<vmem>>
      %dma_start3A_50 = tpu.memref_squeeze %dma_start3A_49 : memref<1x64x128xf32, #tpu.memory_space<vmem>> -> memref<64x128xf32, #tpu.memory_space<vmem>>
      %dma_start3A_51 = arith.constant 0 : i32
      %dma_start3A_52 = tpu.memref_slice %arg9[%add3A_16, %dma_start3A_51] : memref<10240x128xf32, #tpu.memory_space<vmem_shared>> -> memref<64x128xf32, #tpu.memory_space<vmem_shared>>
      %dma_start3A_53 = arith.constant 0 : i32
      %dma_start3A_54 = tpu.memref_slice %arg9[%add3A_16, %dma_start3A_53] : memref<10240x128xf32, #tpu.memory_space<vmem_shared>> -> memref<64x128xf32, #tpu.memory_space<vmem_shared>>
      %dma_start3A_55 = arith.constant 0 : i32
      %dma_start3A_56 = arith.constant 0 : i32
      %dma_start3A_57 = tpu.memref_slice %arg8[%run_scoped3A_17, %dma_start3A_55, %dma_start3A_56] : memref<4x64x128xf32, #tpu.memory_space<vmem>> -> memref<1x64x128xf32, #tpu.memory_space<vmem>>
      %dma_start3A_58 = tpu.memref_squeeze %dma_start3A_57 : memref<1x64x128xf32, #tpu.memory_space<vmem>> -> memref<64x128xf32, #tpu.memory_space<vmem>>
      tpu.enqueue_dma source(%dma_start3A_58 : memref<64x128xf32, #tpu.memory_space<vmem>>) target(%dma_start3A_54 : memref<64x128xf32, #tpu.memory_space<vmem_shared>>) target_semaphore(%run_scoped3A_47 : memref<!tpu.dma_semaphore, #tpu.memory_space<semaphore_mem>>)
      %dma_wait3A = arith.constant 0 : i32
      %dma_wait3A_59 = arith.constant 0 : i32
      %dma_wait3A_60 = tpu.memref_slice %arg8[%run_scoped3A_17, %dma_wait3A, %dma_wait3A_59] : memref<4x64x128xf32, #tpu.memory_space<vmem>> -> memref<1x64x128xf32, #tpu.memory_space<vmem>>
      %dma_wait3A_61 = tpu.memref_squeeze %dma_wait3A_60 : memref<1x64x128xf32, #tpu.memory_space<vmem>> -> memref<64x128xf32, #tpu.memory_space<vmem>>
      %dma_wait3A_62 = arith.constant 0 : i32
      %dma_wait3A_63 = tpu.memref_slice %arg9[%add3A_16, %dma_wait3A_62] : memref<10240x128xf32, #tpu.memory_space<vmem_shared>> -> memref<64x128xf32, #tpu.memory_space<vmem_shared>>
      %dma_wait3A_64 = arith.constant 0 : i32
      %dma_wait3A_65 = tpu.memref_slice %arg9[%add3A_16, %dma_wait3A_64] : memref<10240x128xf32, #tpu.memory_space<vmem_shared>> -> memref<64x128xf32, #tpu.memory_space<vmem_shared>>
      %dma_wait3A_66 = arith.constant 0 : i32
      %dma_wait3A_67 = arith.constant 0 : i32
      %dma_wait3A_68 = tpu.memref_slice %arg8[%run_scoped3A_17, %dma_wait3A_66, %dma_wait3A_67] : memref<4x64x128xf32, #tpu.memory_space<vmem>> -> memref<1x64x128xf32, #tpu.memory_space<vmem>>
      %dma_wait3A_69 = tpu.memref_squeeze %dma_wait3A_68 : memref<1x64x128xf32, #tpu.memory_space<vmem>> -> memref<64x128xf32, #tpu.memory_space<vmem>>
      tpu.wait_dma2 semaphore(%run_scoped3A_47 : memref<!tpu.dma_semaphore, #tpu.memory_space<semaphore_mem>>) src(%dma_wait3A_69 : memref<64x128xf32, #tpu.memory_space<vmem>>) dst(%dma_wait3A_65 : memref<64x128xf32, #tpu.memory_space<vmem_shared>>)
      tpu.yield
    }) : () -> ()
    %add3A_18 = arith.constant 192 : i32
    %add3A_19 = arith.addi %mul3A_9, %add3A_18 : i32
    %run_scoped3A_20 = arith.constant 0 : i32
    "tpu.region"() ({
      %run_scoped3A_47 = tpu.sem_alloc : memref<!tpu.dma_semaphore, #tpu.memory_space<semaphore_mem>>
      %dma_start3A = arith.constant 0 : i32
      %dma_start3A_48 = arith.constant 0 : i32
      %dma_start3A_49 = tpu.memref_slice %arg8[%run_scoped3A_20, %dma_start3A, %dma_start3A_48] : memref<4x64x128xf32, #tpu.memory_space<vmem>> -> memref<1x64x128xf32, #tpu.memory_space<vmem>>
      %dma_start3A_50 = tpu.memref_squeeze %dma_start3A_49 : memref<1x64x128xf32, #tpu.memory_space<vmem>> -> memref<64x128xf32, #tpu.memory_space<vmem>>
      %dma_start3A_51 = arith.constant 0 : i32
      %dma_start3A_52 = tpu.memref_slice %arg9[%add3A_19, %dma_start3A_51] : memref<10240x128xf32, #tpu.memory_space<vmem_shared>> -> memref<64x128xf32, #tpu.memory_space<vmem_shared>>
      %dma_start3A_53 = arith.constant 0 : i32
      %dma_start3A_54 = tpu.memref_slice %arg9[%add3A_19, %dma_start3A_53] : memref<10240x128xf32, #tpu.memory_space<vmem_shared>> -> memref<64x128xf32, #tpu.memory_space<vmem_shared>>
      %dma_start3A_55 = arith.constant 0 : i32
      %dma_start3A_56 = arith.constant 0 : i32
      %dma_start3A_57 = tpu.memref_slice %arg8[%run_scoped3A_20, %dma_start3A_55, %dma_start3A_56] : memref<4x64x128xf32, #tpu.memory_space<vmem>> -> memref<1x64x128xf32, #tpu.memory_space<vmem>>
      %dma_start3A_58 = tpu.memref_squeeze %dma_start3A_57 : memref<1x64x128xf32, #tpu.memory_space<vmem>> -> memref<64x128xf32, #tpu.memory_space<vmem>>
      tpu.enqueue_dma source(%dma_start3A_58 : memref<64x128xf32, #tpu.memory_space<vmem>>) target(%dma_start3A_54 : memref<64x128xf32, #tpu.memory_space<vmem_shared>>) target_semaphore(%run_scoped3A_47 : memref<!tpu.dma_semaphore, #tpu.memory_space<semaphore_mem>>)
      %dma_wait3A = arith.constant 0 : i32
      %dma_wait3A_59 = arith.constant 0 : i32
      %dma_wait3A_60 = tpu.memref_slice %arg8[%run_scoped3A_20, %dma_wait3A, %dma_wait3A_59] : memref<4x64x128xf32, #tpu.memory_space<vmem>> -> memref<1x64x128xf32, #tpu.memory_space<vmem>>
      %dma_wait3A_61 = tpu.memref_squeeze %dma_wait3A_60 : memref<1x64x128xf32, #tpu.memory_space<vmem>> -> memref<64x128xf32, #tpu.memory_space<vmem>>
      %dma_wait3A_62 = arith.constant 0 : i32
      %dma_wait3A_63 = tpu.memref_slice %arg9[%add3A_19, %dma_wait3A_62] : memref<10240x128xf32, #tpu.memory_space<vmem_shared>> -> memref<64x128xf32, #tpu.memory_space<vmem_shared>>
      %dma_wait3A_64 = arith.constant 0 : i32
      %dma_wait3A_65 = tpu.memref_slice %arg9[%add3A_19, %dma_wait3A_64] : memref<10240x128xf32, #tpu.memory_space<vmem_shared>> -> memref<64x128xf32, #tpu.memory_space<vmem_shared>>
      %dma_wait3A_66 = arith.constant 0 : i32
      %dma_wait3A_67 = arith.constant 0 : i32
      %dma_wait3A_68 = tpu.memref_slice %arg8[%run_scoped3A_20, %dma_wait3A_66, %dma_wait3A_67] : memref<4x64x128xf32, #tpu.memory_space<vmem>> -> memref<1x64x128xf32, #tpu.memory_space<vmem>>
      %dma_wait3A_69 = tpu.memref_squeeze %dma_wait3A_68 : memref<1x64x128xf32, #tpu.memory_space<vmem>> -> memref<64x128xf32, #tpu.memory_space<vmem>>
      tpu.wait_dma2 semaphore(%run_scoped3A_47 : memref<!tpu.dma_semaphore, #tpu.memory_space<semaphore_mem>>) src(%dma_wait3A_69 : memref<64x128xf32, #tpu.memory_space<vmem>>) dst(%dma_wait3A_65 : memref<64x128xf32, #tpu.memory_space<vmem_shared>>)
      tpu.yield
    }) : () -> ()
    %add3A_21 = arith.constant 256 : i32
    %add3A_22 = arith.addi %mul3A_9, %add3A_21 : i32
    %run_scoped3A_23 = arith.constant 0 : i32
    "tpu.region"() ({
      %run_scoped3A_47 = tpu.sem_alloc : memref<!tpu.dma_semaphore, #tpu.memory_space<semaphore_mem>>
      %dma_start3A = arith.constant 0 : i32
      %dma_start3A_48 = arith.constant 0 : i32
      %dma_start3A_49 = tpu.memref_slice %arg8[%run_scoped3A_23, %dma_start3A, %dma_start3A_48] : memref<4x64x128xf32, #tpu.memory_space<vmem>> -> memref<1x64x128xf32, #tpu.memory_space<vmem>>
      %dma_start3A_50 = tpu.memref_squeeze %dma_start3A_49 : memref<1x64x128xf32, #tpu.memory_space<vmem>> -> memref<64x128xf32, #tpu.memory_space<vmem>>
      %dma_start3A_51 = arith.constant 0 : i32
      %dma_start3A_52 = tpu.memref_slice %arg9[%add3A_22, %dma_start3A_51] : memref<10240x128xf32, #tpu.memory_space<vmem_shared>> -> memref<64x128xf32, #tpu.memory_space<vmem_shared>>
      %dma_start3A_53 = arith.constant 0 : i32
      %dma_start3A_54 = tpu.memref_slice %arg9[%add3A_22, %dma_start3A_53] : memref<10240x128xf32, #tpu.memory_space<vmem_shared>> -> memref<64x128xf32, #tpu.memory_space<vmem_shared>>
      %dma_start3A_55 = arith.constant 0 : i32
      %dma_start3A_56 = arith.constant 0 : i32
      %dma_start3A_57 = tpu.memref_slice %arg8[%run_scoped3A_23, %dma_start3A_55, %dma_start3A_56] : memref<4x64x128xf32, #tpu.memory_space<vmem>> -> memref<1x64x128xf32, #tpu.memory_space<vmem>>
      %dma_start3A_58 = tpu.memref_squeeze %dma_start3A_57 : memref<1x64x128xf32, #tpu.memory_space<vmem>> -> memref<64x128xf32, #tpu.memory_space<vmem>>
      tpu.enqueue_dma source(%dma_start3A_58 : memref<64x128xf32, #tpu.memory_space<vmem>>) target(%dma_start3A_54 : memref<64x128xf32, #tpu.memory_space<vmem_shared>>) target_semaphore(%run_scoped3A_47 : memref<!tpu.dma_semaphore, #tpu.memory_space<semaphore_mem>>)
      %dma_wait3A = arith.constant 0 : i32
      %dma_wait3A_59 = arith.constant 0 : i32
      %dma_wait3A_60 = tpu.memref_slice %arg8[%run_scoped3A_23, %dma_wait3A, %dma_wait3A_59] : memref<4x64x128xf32, #tpu.memory_space<vmem>> -> memref<1x64x128xf32, #tpu.memory_space<vmem>>
      %dma_wait3A_61 = tpu.memref_squeeze %dma_wait3A_60 : memref<1x64x128xf32, #tpu.memory_space<vmem>> -> memref<64x128xf32, #tpu.memory_space<vmem>>
      %dma_wait3A_62 = arith.constant 0 : i32
      %dma_wait3A_63 = tpu.memref_slice %arg9[%add3A_22, %dma_wait3A_62] : memref<10240x128xf32, #tpu.memory_space<vmem_shared>> -> memref<64x128xf32, #tpu.memory_space<vmem_shared>>
      %dma_wait3A_64 = arith.constant 0 : i32
      %dma_wait3A_65 = tpu.memref_slice %arg9[%add3A_22, %dma_wait3A_64] : memref<10240x128xf32, #tpu.memory_space<vmem_shared>> -> memref<64x128xf32, #tpu.memory_space<vmem_shared>>
      %dma_wait3A_66 = arith.constant 0 : i32
      %dma_wait3A_67 = arith.constant 0 : i32
      %dma_wait3A_68 = tpu.memref_slice %arg8[%run_scoped3A_23, %dma_wait3A_66, %dma_wait3A_67] : memref<4x64x128xf32, #tpu.memory_space<vmem>> -> memref<1x64x128xf32, #tpu.memory_space<vmem>>
      %dma_wait3A_69 = tpu.memref_squeeze %dma_wait3A_68 : memref<1x64x128xf32, #tpu.memory_space<vmem>> -> memref<64x128xf32, #tpu.memory_space<vmem>>
      tpu.wait_dma2 semaphore(%run_scoped3A_47 : memref<!tpu.dma_semaphore, #tpu.memory_space<semaphore_mem>>) src(%dma_wait3A_69 : memref<64x128xf32, #tpu.memory_space<vmem>>) dst(%dma_wait3A_65 : memref<64x128xf32, #tpu.memory_space<vmem_shared>>)
      tpu.yield
    }) : () -> ()
    %add3A_24 = arith.constant 320 : i32
    %add3A_25 = arith.addi %mul3A_9, %add3A_24 : i32
    %run_scoped3A_26 = arith.constant 0 : i32
    "tpu.region"() ({
      %run_scoped3A_47 = tpu.sem_alloc : memref<!tpu.dma_semaphore, #tpu.memory_space<semaphore_mem>>
      %dma_start3A = arith.constant 0 : i32
      %dma_start3A_48 = arith.constant 0 : i32
      %dma_start3A_49 = tpu.memref_slice %arg8[%run_scoped3A_26, %dma_start3A, %dma_start3A_48] : memref<4x64x128xf32, #tpu.memory_space<vmem>> -> memref<1x64x128xf32, #tpu.memory_space<vmem>>
      %dma_start3A_50 = tpu.memref_squeeze %dma_start3A_49 : memref<1x64x128xf32, #tpu.memory_space<vmem>> -> memref<64x128xf32, #tpu.memory_space<vmem>>
      %dma_start3A_51 = arith.constant 0 : i32
      %dma_start3A_52 = tpu.memref_slice %arg9[%add3A_25, %dma_start3A_51] : memref<10240x128xf32, #tpu.memory_space<vmem_shared>> -> memref<64x128xf32, #tpu.memory_space<vmem_shared>>
      %dma_start3A_53 = arith.constant 0 : i32
      %dma_start3A_54 = tpu.memref_slice %arg9[%add3A_25, %dma_start3A_53] : memref<10240x128xf32, #tpu.memory_space<vmem_shared>> -> memref<64x128xf32, #tpu.memory_space<vmem_shared>>
      %dma_start3A_55 = arith.constant 0 : i32
      %dma_start3A_56 = arith.constant 0 : i32
      %dma_start3A_57 = tpu.memref_slice %arg8[%run_scoped3A_26, %dma_start3A_55, %dma_start3A_56] : memref<4x64x128xf32, #tpu.memory_space<vmem>> -> memref<1x64x128xf32, #tpu.memory_space<vmem>>
      %dma_start3A_58 = tpu.memref_squeeze %dma_start3A_57 : memref<1x64x128xf32, #tpu.memory_space<vmem>> -> memref<64x128xf32, #tpu.memory_space<vmem>>
      tpu.enqueue_dma source(%dma_start3A_58 : memref<64x128xf32, #tpu.memory_space<vmem>>) target(%dma_start3A_54 : memref<64x128xf32, #tpu.memory_space<vmem_shared>>) target_semaphore(%run_scoped3A_47 : memref<!tpu.dma_semaphore, #tpu.memory_space<semaphore_mem>>)
      %dma_wait3A = arith.constant 0 : i32
      %dma_wait3A_59 = arith.constant 0 : i32
      %dma_wait3A_60 = tpu.memref_slice %arg8[%run_scoped3A_26, %dma_wait3A, %dma_wait3A_59] : memref<4x64x128xf32, #tpu.memory_space<vmem>> -> memref<1x64x128xf32, #tpu.memory_space<vmem>>
      %dma_wait3A_61 = tpu.memref_squeeze %dma_wait3A_60 : memref<1x64x128xf32, #tpu.memory_space<vmem>> -> memref<64x128xf32, #tpu.memory_space<vmem>>
      %dma_wait3A_62 = arith.constant 0 : i32
      %dma_wait3A_63 = tpu.memref_slice %arg9[%add3A_25, %dma_wait3A_62] : memref<10240x128xf32, #tpu.memory_space<vmem_shared>> -> memref<64x128xf32, #tpu.memory_space<vmem_shared>>
      %dma_wait3A_64 = arith.constant 0 : i32
      %dma_wait3A_65 = tpu.memref_slice %arg9[%add3A_25, %dma_wait3A_64] : memref<10240x128xf32, #tpu.memory_space<vmem_shared>> -> memref<64x128xf32, #tpu.memory_space<vmem_shared>>
      %dma_wait3A_66 = arith.constant 0 : i32
      %dma_wait3A_67 = arith.constant 0 : i32
      %dma_wait3A_68 = tpu.memref_slice %arg8[%run_scoped3A_26, %dma_wait3A_66, %dma_wait3A_67] : memref<4x64x128xf32, #tpu.memory_space<vmem>> -> memref<1x64x128xf32, #tpu.memory_space<vmem>>
      %dma_wait3A_69 = tpu.memref_squeeze %dma_wait3A_68 : memref<1x64x128xf32, #tpu.memory_space<vmem>> -> memref<64x128xf32, #tpu.memory_space<vmem>>
      tpu.wait_dma2 semaphore(%run_scoped3A_47 : memref<!tpu.dma_semaphore, #tpu.memory_space<semaphore_mem>>) src(%dma_wait3A_69 : memref<64x128xf32, #tpu.memory_space<vmem>>) dst(%dma_wait3A_65 : memref<64x128xf32, #tpu.memory_space<vmem_shared>>)
      tpu.yield
    }) : () -> ()
    %add3A_27 = arith.constant 384 : i32
    %add3A_28 = arith.addi %mul3A_9, %add3A_27 : i32
    %run_scoped3A_29 = arith.constant 0 : i32
    "tpu.region"() ({
      %run_scoped3A_47 = tpu.sem_alloc : memref<!tpu.dma_semaphore, #tpu.memory_space<semaphore_mem>>
      %dma_start3A = arith.constant 0 : i32
      %dma_start3A_48 = arith.constant 0 : i32
      %dma_start3A_49 = tpu.memref_slice %arg8[%run_scoped3A_29, %dma_start3A, %dma_start3A_48] : memref<4x64x128xf32, #tpu.memory_space<vmem>> -> memref<1x64x128xf32, #tpu.memory_space<vmem>>
      %dma_start3A_50 = tpu.memref_squeeze %dma_start3A_49 : memref<1x64x128xf32, #tpu.memory_space<vmem>> -> memref<64x128xf32, #tpu.memory_space<vmem>>
      %dma_start3A_51 = arith.constant 0 : i32
      %dma_start3A_52 = tpu.memref_slice %arg9[%add3A_28, %dma_start3A_51] : memref<10240x128xf32, #tpu.memory_space<vmem_shared>> -> memref<64x128xf32, #tpu.memory_space<vmem_shared>>
      %dma_start3A_53 = arith.constant 0 : i32
      %dma_start3A_54 = tpu.memref_slice %arg9[%add3A_28, %dma_start3A_53] : memref<10240x128xf32, #tpu.memory_space<vmem_shared>> -> memref<64x128xf32, #tpu.memory_space<vmem_shared>>
      %dma_start3A_55 = arith.constant 0 : i32
      %dma_start3A_56 = arith.constant 0 : i32
      %dma_start3A_57 = tpu.memref_slice %arg8[%run_scoped3A_29, %dma_start3A_55, %dma_start3A_56] : memref<4x64x128xf32, #tpu.memory_space<vmem>> -> memref<1x64x128xf32, #tpu.memory_space<vmem>>
      %dma_start3A_58 = tpu.memref_squeeze %dma_start3A_57 : memref<1x64x128xf32, #tpu.memory_space<vmem>> -> memref<64x128xf32, #tpu.memory_space<vmem>>
      tpu.enqueue_dma source(%dma_start3A_58 : memref<64x128xf32, #tpu.memory_space<vmem>>) target(%dma_start3A_54 : memref<64x128xf32, #tpu.memory_space<vmem_shared>>) target_semaphore(%run_scoped3A_47 : memref<!tpu.dma_semaphore, #tpu.memory_space<semaphore_mem>>)
      %dma_wait3A = arith.constant 0 : i32
      %dma_wait3A_59 = arith.constant 0 : i32
      %dma_wait3A_60 = tpu.memref_slice %arg8[%run_scoped3A_29, %dma_wait3A, %dma_wait3A_59] : memref<4x64x128xf32, #tpu.memory_space<vmem>> -> memref<1x64x128xf32, #tpu.memory_space<vmem>>
      %dma_wait3A_61 = tpu.memref_squeeze %dma_wait3A_60 : memref<1x64x128xf32, #tpu.memory_space<vmem>> -> memref<64x128xf32, #tpu.memory_space<vmem>>
      %dma_wait3A_62 = arith.constant 0 : i32
      %dma_wait3A_63 = tpu.memref_slice %arg9[%add3A_28, %dma_wait3A_62] : memref<10240x128xf32, #tpu.memory_space<vmem_shared>> -> memref<64x128xf32, #tpu.memory_space<vmem_shared>>
      %dma_wait3A_64 = arith.constant 0 : i32
      %dma_wait3A_65 = tpu.memref_slice %arg9[%add3A_28, %dma_wait3A_64] : memref<10240x128xf32, #tpu.memory_space<vmem_shared>> -> memref<64x128xf32, #tpu.memory_space<vmem_shared>>
      %dma_wait3A_66 = arith.constant 0 : i32
      %dma_wait3A_67 = arith.constant 0 : i32
      %dma_wait3A_68 = tpu.memref_slice %arg8[%run_scoped3A_29, %dma_wait3A_66, %dma_wait3A_67] : memref<4x64x128xf32, #tpu.memory_space<vmem>> -> memref<1x64x128xf32, #tpu.memory_space<vmem>>
      %dma_wait3A_69 = tpu.memref_squeeze %dma_wait3A_68 : memref<1x64x128xf32, #tpu.memory_space<vmem>> -> memref<64x128xf32, #tpu.memory_space<vmem>>
      tpu.wait_dma2 semaphore(%run_scoped3A_47 : memref<!tpu.dma_semaphore, #tpu.memory_space<semaphore_mem>>) src(%dma_wait3A_69 : memref<64x128xf32, #tpu.memory_space<vmem>>) dst(%dma_wait3A_65 : memref<64x128xf32, #tpu.memory_space<vmem_shared>>)
      tpu.yield
    }) : () -> ()
    %add3A_30 = arith.constant 448 : i32
    %add3A_31 = arith.addi %mul3A_9, %add3A_30 : i32
    %run_scoped3A_32 = arith.constant 0 : i32
    "tpu.region"() ({
      %run_scoped3A_47 = tpu.sem_alloc : memref<!tpu.dma_semaphore, #tpu.memory_space<semaphore_mem>>
      %dma_start3A = arith.constant 0 : i32
      %dma_start3A_48 = arith.constant 0 : i32
      %dma_start3A_49 = tpu.memref_slice %arg8[%run_scoped3A_32, %dma_start3A, %dma_start3A_48] : memref<4x64x128xf32, #tpu.memory_space<vmem>> -> memref<1x64x128xf32, #tpu.memory_space<vmem>>
      %dma_start3A_50 = tpu.memref_squeeze %dma_start3A_49 : memref<1x64x128xf32, #tpu.memory_space<vmem>> -> memref<64x128xf32, #tpu.memory_space<vmem>>
      %dma_start3A_51 = arith.constant 0 : i32
      %dma_start3A_52 = tpu.memref_slice %arg9[%add3A_31, %dma_start3A_51] : memref<10240x128xf32, #tpu.memory_space<vmem_shared>> -> memref<64x128xf32, #tpu.memory_space<vmem_shared>>
      %dma_start3A_53 = arith.constant 0 : i32
      %dma_start3A_54 = tpu.memref_slice %arg9[%add3A_31, %dma_start3A_53] : memref<10240x128xf32, #tpu.memory_space<vmem_shared>> -> memref<64x128xf32, #tpu.memory_space<vmem_shared>>
      %dma_start3A_55 = arith.constant 0 : i32
      %dma_start3A_56 = arith.constant 0 : i32
      %dma_start3A_57 = tpu.memref_slice %arg8[%run_scoped3A_32, %dma_start3A_55, %dma_start3A_56] : memref<4x64x128xf32, #tpu.memory_space<vmem>> -> memref<1x64x128xf32, #tpu.memory_space<vmem>>
      %dma_start3A_58 = tpu.memref_squeeze %dma_start3A_57 : memref<1x64x128xf32, #tpu.memory_space<vmem>> -> memref<64x128xf32, #tpu.memory_space<vmem>>
      tpu.enqueue_dma source(%dma_start3A_58 : memref<64x128xf32, #tpu.memory_space<vmem>>) target(%dma_start3A_54 : memref<64x128xf32, #tpu.memory_space<vmem_shared>>) target_semaphore(%run_scoped3A_47 : memref<!tpu.dma_semaphore, #tpu.memory_space<semaphore_mem>>)
      %dma_wait3A = arith.constant 0 : i32
      %dma_wait3A_59 = arith.constant 0 : i32
      %dma_wait3A_60 = tpu.memref_slice %arg8[%run_scoped3A_32, %dma_wait3A, %dma_wait3A_59] : memref<4x64x128xf32, #tpu.memory_space<vmem>> -> memref<1x64x128xf32, #tpu.memory_space<vmem>>
      %dma_wait3A_61 = tpu.memref_squeeze %dma_wait3A_60 : memref<1x64x128xf32, #tpu.memory_space<vmem>> -> memref<64x128xf32, #tpu.memory_space<vmem>>
      %dma_wait3A_62 = arith.constant 0 : i32
      %dma_wait3A_63 = tpu.memref_slice %arg9[%add3A_31, %dma_wait3A_62] : memref<10240x128xf32, #tpu.memory_space<vmem_shared>> -> memref<64x128xf32, #tpu.memory_space<vmem_shared>>
      %dma_wait3A_64 = arith.constant 0 : i32
      %dma_wait3A_65 = tpu.memref_slice %arg9[%add3A_31, %dma_wait3A_64] : memref<10240x128xf32, #tpu.memory_space<vmem_shared>> -> memref<64x128xf32, #tpu.memory_space<vmem_shared>>
      %dma_wait3A_66 = arith.constant 0 : i32
      %dma_wait3A_67 = arith.constant 0 : i32
      %dma_wait3A_68 = tpu.memref_slice %arg8[%run_scoped3A_32, %dma_wait3A_66, %dma_wait3A_67] : memref<4x64x128xf32, #tpu.memory_space<vmem>> -> memref<1x64x128xf32, #tpu.memory_space<vmem>>
      %dma_wait3A_69 = tpu.memref_squeeze %dma_wait3A_68 : memref<1x64x128xf32, #tpu.memory_space<vmem>> -> memref<64x128xf32, #tpu.memory_space<vmem>>
      tpu.wait_dma2 semaphore(%run_scoped3A_47 : memref<!tpu.dma_semaphore, #tpu.memory_space<semaphore_mem>>) src(%dma_wait3A_69 : memref<64x128xf32, #tpu.memory_space<vmem>>) dst(%dma_wait3A_65 : memref<64x128xf32, #tpu.memory_space<vmem_shared>>)
      tpu.yield
    }) : () -> ()
    %add3A_33 = arith.constant 512 : i32
    %add3A_34 = arith.addi %mul3A_9, %add3A_33 : i32
    %run_scoped3A_35 = arith.constant 0 : i32
    "tpu.region"() ({
      %run_scoped3A_47 = tpu.sem_alloc : memref<!tpu.dma_semaphore, #tpu.memory_space<semaphore_mem>>
      %dma_start3A = arith.constant 0 : i32
      %dma_start3A_48 = arith.constant 0 : i32
      %dma_start3A_49 = tpu.memref_slice %arg8[%run_scoped3A_35, %dma_start3A, %dma_start3A_48] : memref<4x64x128xf32, #tpu.memory_space<vmem>> -> memref<1x64x128xf32, #tpu.memory_space<vmem>>
      %dma_start3A_50 = tpu.memref_squeeze %dma_start3A_49 : memref<1x64x128xf32, #tpu.memory_space<vmem>> -> memref<64x128xf32, #tpu.memory_space<vmem>>
      %dma_start3A_51 = arith.constant 0 : i32
      %dma_start3A_52 = tpu.memref_slice %arg9[%add3A_34, %dma_start3A_51] : memref<10240x128xf32, #tpu.memory_space<vmem_shared>> -> memref<64x128xf32, #tpu.memory_space<vmem_shared>>
      %dma_start3A_53 = arith.constant 0 : i32
      %dma_start3A_54 = tpu.memref_slice %arg9[%add3A_34, %dma_start3A_53] : memref<10240x128xf32, #tpu.memory_space<vmem_shared>> -> memref<64x128xf32, #tpu.memory_space<vmem_shared>>
      %dma_start3A_55 = arith.constant 0 : i32
      %dma_start3A_56 = arith.constant 0 : i32
      %dma_start3A_57 = tpu.memref_slice %arg8[%run_scoped3A_35, %dma_start3A_55, %dma_start3A_56] : memref<4x64x128xf32, #tpu.memory_space<vmem>> -> memref<1x64x128xf32, #tpu.memory_space<vmem>>
      %dma_start3A_58 = tpu.memref_squeeze %dma_start3A_57 : memref<1x64x128xf32, #tpu.memory_space<vmem>> -> memref<64x128xf32, #tpu.memory_space<vmem>>
      tpu.enqueue_dma source(%dma_start3A_58 : memref<64x128xf32, #tpu.memory_space<vmem>>) target(%dma_start3A_54 : memref<64x128xf32, #tpu.memory_space<vmem_shared>>) target_semaphore(%run_scoped3A_47 : memref<!tpu.dma_semaphore, #tpu.memory_space<semaphore_mem>>)
      %dma_wait3A = arith.constant 0 : i32
      %dma_wait3A_59 = arith.constant 0 : i32
      %dma_wait3A_60 = tpu.memref_slice %arg8[%run_scoped3A_35, %dma_wait3A, %dma_wait3A_59] : memref<4x64x128xf32, #tpu.memory_space<vmem>> -> memref<1x64x128xf32, #tpu.memory_space<vmem>>
      %dma_wait3A_61 = tpu.memref_squeeze %dma_wait3A_60 : memref<1x64x128xf32, #tpu.memory_space<vmem>> -> memref<64x128xf32, #tpu.memory_space<vmem>>
      %dma_wait3A_62 = arith.constant 0 : i32
      %dma_wait3A_63 = tpu.memref_slice %arg9[%add3A_34, %dma_wait3A_62] : memref<10240x128xf32, #tpu.memory_space<vmem_shared>> -> memref<64x128xf32, #tpu.memory_space<vmem_shared>>
      %dma_wait3A_64 = arith.constant 0 : i32
      %dma_wait3A_65 = tpu.memref_slice %arg9[%add3A_34, %dma_wait3A_64] : memref<10240x128xf32, #tpu.memory_space<vmem_shared>> -> memref<64x128xf32, #tpu.memory_space<vmem_shared>>
      %dma_wait3A_66 = arith.constant 0 : i32
      %dma_wait3A_67 = arith.constant 0 : i32
      %dma_wait3A_68 = tpu.memref_slice %arg8[%run_scoped3A_35, %dma_wait3A_66, %dma_wait3A_67] : memref<4x64x128xf32, #tpu.memory_space<vmem>> -> memref<1x64x128xf32, #tpu.memory_space<vmem>>
      %dma_wait3A_69 = tpu.memref_squeeze %dma_wait3A_68 : memref<1x64x128xf32, #tpu.memory_space<vmem>> -> memref<64x128xf32, #tpu.memory_space<vmem>>
      tpu.wait_dma2 semaphore(%run_scoped3A_47 : memref<!tpu.dma_semaphore, #tpu.memory_space<semaphore_mem>>) src(%dma_wait3A_69 : memref<64x128xf32, #tpu.memory_space<vmem>>) dst(%dma_wait3A_65 : memref<64x128xf32, #tpu.memory_space<vmem_shared>>)
      tpu.yield
    }) : () -> ()
    %add3A_36 = arith.constant 576 : i32
    %add3A_37 = arith.addi %mul3A_9, %add3A_36 : i32
    %run_scoped3A_38 = arith.constant 0 : i32
    "tpu.region"() ({
      %run_scoped3A_47 = tpu.sem_alloc : memref<!tpu.dma_semaphore, #tpu.memory_space<semaphore_mem>>
      %dma_start3A = arith.constant 0 : i32
      %dma_start3A_48 = arith.constant 0 : i32
      %dma_start3A_49 = tpu.memref_slice %arg8[%run_scoped3A_38, %dma_start3A, %dma_start3A_48] : memref<4x64x128xf32, #tpu.memory_space<vmem>> -> memref<1x64x128xf32, #tpu.memory_space<vmem>>
      %dma_start3A_50 = tpu.memref_squeeze %dma_start3A_49 : memref<1x64x128xf32, #tpu.memory_space<vmem>> -> memref<64x128xf32, #tpu.memory_space<vmem>>
      %dma_start3A_51 = arith.constant 0 : i32
      %dma_start3A_52 = tpu.memref_slice %arg9[%add3A_37, %dma_start3A_51] : memref<10240x128xf32, #tpu.memory_space<vmem_shared>> -> memref<64x128xf32, #tpu.memory_space<vmem_shared>>
      %dma_start3A_53 = arith.constant 0 : i32
      %dma_start3A_54 = tpu.memref_slice %arg9[%add3A_37, %dma_start3A_53] : memref<10240x128xf32, #tpu.memory_space<vmem_shared>> -> memref<64x128xf32, #tpu.memory_space<vmem_shared>>
      %dma_start3A_55 = arith.constant 0 : i32
      %dma_start3A_56 = arith.constant 0 : i32
      %dma_start3A_57 = tpu.memref_slice %arg8[%run_scoped3A_38, %dma_start3A_55, %dma_start3A_56] : memref<4x64x128xf32, #tpu.memory_space<vmem>> -> memref<1x64x128xf32, #tpu.memory_space<vmem>>
      %dma_start3A_58 = tpu.memref_squeeze %dma_start3A_57 : memref<1x64x128xf32, #tpu.memory_space<vmem>> -> memref<64x128xf32, #tpu.memory_space<vmem>>
      tpu.enqueue_dma source(%dma_start3A_58 : memref<64x128xf32, #tpu.memory_space<vmem>>) target(%dma_start3A_54 : memref<64x128xf32, #tpu.memory_space<vmem_shared>>) target_semaphore(%run_scoped3A_47 : memref<!tpu.dma_semaphore, #tpu.memory_space<semaphore_mem>>)
      %dma_wait3A = arith.constant 0 : i32
      %dma_wait3A_59 = arith.constant 0 : i32
      %dma_wait3A_60 = tpu.memref_slice %arg8[%run_scoped3A_38, %dma_wait3A, %dma_wait3A_59] : memref<4x64x128xf32, #tpu.memory_space<vmem>> -> memref<1x64x128xf32, #tpu.memory_space<vmem>>
      %dma_wait3A_61 = tpu.memref_squeeze %dma_wait3A_60 : memref<1x64x128xf32, #tpu.memory_space<vmem>> -> memref<64x128xf32, #tpu.memory_space<vmem>>
      %dma_wait3A_62 = arith.constant 0 : i32
      %dma_wait3A_63 = tpu.memref_slice %arg9[%add3A_37, %dma_wait3A_62] : memref<10240x128xf32, #tpu.memory_space<vmem_shared>> -> memref<64x128xf32, #tpu.memory_space<vmem_shared>>
      %dma_wait3A_64 = arith.constant 0 : i32
      %dma_wait3A_65 = tpu.memref_slice %arg9[%add3A_37, %dma_wait3A_64] : memref<10240x128xf32, #tpu.memory_space<vmem_shared>> -> memref<64x128xf32, #tpu.memory_space<vmem_shared>>
      %dma_wait3A_66 = arith.constant 0 : i32
      %dma_wait3A_67 = arith.constant 0 : i32
      %dma_wait3A_68 = tpu.memref_slice %arg8[%run_scoped3A_38, %dma_wait3A_66, %dma_wait3A_67] : memref<4x64x128xf32, #tpu.memory_space<vmem>> -> memref<1x64x128xf32, #tpu.memory_space<vmem>>
      %dma_wait3A_69 = tpu.memref_squeeze %dma_wait3A_68 : memref<1x64x128xf32, #tpu.memory_space<vmem>> -> memref<64x128xf32, #tpu.memory_space<vmem>>
      tpu.wait_dma2 semaphore(%run_scoped3A_47 : memref<!tpu.dma_semaphore, #tpu.memory_space<semaphore_mem>>) src(%dma_wait3A_69 : memref<64x128xf32, #tpu.memory_space<vmem>>) dst(%dma_wait3A_65 : memref<64x128xf32, #tpu.memory_space<vmem_shared>>)
      tpu.yield
    }) : () -> ()
    %barrier3A = arith.constant 0 : index
    tpu.barrier barrier_id(%barrier3A)
    %scan3A_39 = arith.constant 0 : i32
    %scan3A_40 = arith.constant 0 : i32
    %scan3A_41 = arith.constant 4 : i32
    %scan3A_42 = arith.addi %scan3A_40, %scan3A_41 : i32
    %scan3A_43 = arith.constant 1 : i32
    %scan3A_44 = scf.for %scan3A_47 = %scan3A_40 to %scan3A_42 step %scan3A_43 iter_args(%scan3A_48 = %scan3A_39) -> (i32)  : i32 {
      %mul3A_49 = arith.constant 40 : i32
      %mul3A_50 = arith.muli %scan3A_47, %mul3A_49 : i32
      "tpu.region"() ({
        %run_scoped3A_1972 = tpu.sem_alloc : memref<!tpu.dma_semaphore, #tpu.memory_space<semaphore_mem>>
        %dma_start3A_1973 = arith.constant 0 : i32
        %dma_start3A_1974 = tpu.memref_slice %arg3[%add3A, %mul3A_50, %dma_start3A_1973] : memref<32x160x64xi32, #tpu.memory_space<hbm>> -> memref<1x40x64xi32, #tpu.memory_space<hbm>>
        %dma_start3A_1975 = tpu.memref_squeeze %dma_start3A_1974 : memref<1x40x64xi32, #tpu.memory_space<hbm>> -> memref<40x64xi32, #tpu.memory_space<hbm>>
        %dma_start3A_1976 = arith.constant 0 : i32
        %dma_start3A_1977 = tpu.memref_slice %arg3[%add3A, %mul3A_50, %dma_start3A_1976] : memref<32x160x64xi32, #tpu.memory_space<hbm>> -> memref<1x40x64xi32, #tpu.memory_space<hbm>>
        %dma_start3A_1978 = tpu.memref_squeeze %dma_start3A_1977 : memref<1x40x64xi32, #tpu.memory_space<hbm>> -> memref<40x64xi32, #tpu.memory_space<hbm>>
        tpu.enqueue_dma source(%dma_start3A_1978 : memref<40x64xi32, #tpu.memory_space<hbm>>) target(%arg6 : memref<40x64xi32, #tpu.memory_space<vmem>>) target_semaphore(%run_scoped3A_1972 : memref<!tpu.dma_semaphore, #tpu.memory_space<semaphore_mem>>)
        %dma_wait3A_1979 = arith.constant 0 : i32
        %dma_wait3A_1980 = tpu.memref_slice %arg3[%add3A, %mul3A_50, %dma_wait3A_1979] : memref<32x160x64xi32, #tpu.memory_space<hbm>> -> memref<1x40x64xi32, #tpu.memory_space<hbm>>
        %dma_wait3A_1981 = tpu.memref_squeeze %dma_wait3A_1980 : memref<1x40x64xi32, #tpu.memory_space<hbm>> -> memref<40x64xi32, #tpu.memory_space<hbm>>
        %dma_wait3A_1982 = arith.constant 0 : i32
        %dma_wait3A_1983 = tpu.memref_slice %arg3[%add3A, %mul3A_50, %dma_wait3A_1982] : memref<32x160x64xi32, #tpu.memory_space<hbm>> -> memref<1x40x64xi32, #tpu.memory_space<hbm>>
        %dma_wait3A_1984 = tpu.memref_squeeze %dma_wait3A_1983 : memref<1x40x64xi32, #tpu.memory_space<hbm>> -> memref<40x64xi32, #tpu.memory_space<hbm>>
        tpu.wait_dma2 semaphore(%run_scoped3A_1972 : memref<!tpu.dma_semaphore, #tpu.memory_space<semaphore_mem>>) src(%dma_wait3A_1984 : memref<40x64xi32, #tpu.memory_space<hbm>>) dst(%arg6 : memref<40x64xi32, #tpu.memory_space<vmem>>)
        tpu.yield
      }) : () -> ()
      %mul3A_51 = arith.constant 40 : i32
      %mul3A_52 = arith.muli %scan3A_47, %mul3A_51 : i32
      "tpu.region"() ({
        %run_scoped3A_1972 = tpu.sem_alloc : memref<!tpu.dma_semaphore, #tpu.memory_space<semaphore_mem>>
        %dma_start3A_1973 = arith.constant 0 : i32
        %dma_start3A_1974 = tpu.memref_slice %arg4[%add3A, %mul3A_52, %dma_start3A_1973] : memref<32x160x64xi32, #tpu.memory_space<hbm>> -> memref<1x40x64xi32, #tpu.memory_space<hbm>>
        %dma_start3A_1975 = tpu.memref_squeeze %dma_start3A_1974 : memref<1x40x64xi32, #tpu.memory_space<hbm>> -> memref<40x64xi32, #tpu.memory_space<hbm>>
        %dma_start3A_1976 = arith.constant 0 : i32
        %dma_start3A_1977 = tpu.memref_slice %arg4[%add3A, %mul3A_52, %dma_start3A_1976] : memref<32x160x64xi32, #tpu.memory_space<hbm>> -> memref<1x40x64xi32, #tpu.memory_space<hbm>>
        %dma_start3A_1978 = tpu.memref_squeeze %dma_start3A_1977 : memref<1x40x64xi32, #tpu.memory_space<hbm>> -> memref<40x64xi32, #tpu.memory_space<hbm>>
        tpu.enqueue_dma source(%dma_start3A_1978 : memref<40x64xi32, #tpu.memory_space<hbm>>) target(%arg7 : memref<40x64xi32, #tpu.memory_space<vmem>>) target_semaphore(%run_scoped3A_1972 : memref<!tpu.dma_semaphore, #tpu.memory_space<semaphore_mem>>)
        %dma_wait3A_1979 = arith.constant 0 : i32
        %dma_wait3A_1980 = tpu.memref_slice %arg4[%add3A, %mul3A_52, %dma_wait3A_1979] : memref<32x160x64xi32, #tpu.memory_space<hbm>> -> memref<1x40x64xi32, #tpu.memory_space<hbm>>
        %dma_wait3A_1981 = tpu.memref_squeeze %dma_wait3A_1980 : memref<1x40x64xi32, #tpu.memory_space<hbm>> -> memref<40x64xi32, #tpu.memory_space<hbm>>
        %dma_wait3A_1982 = arith.constant 0 : i32
        %dma_wait3A_1983 = tpu.memref_slice %arg4[%add3A, %mul3A_52, %dma_wait3A_1982] : memref<32x160x64xi32, #tpu.memory_space<hbm>> -> memref<1x40x64xi32, #tpu.memory_space<hbm>>
        %dma_wait3A_1984 = tpu.memref_squeeze %dma_wait3A_1983 : memref<1x40x64xi32, #tpu.memory_space<hbm>> -> memref<40x64xi32, #tpu.memory_space<hbm>>
        tpu.wait_dma2 semaphore(%run_scoped3A_1972 : memref<!tpu.dma_semaphore, #tpu.memory_space<semaphore_mem>>) src(%dma_wait3A_1984 : memref<40x64xi32, #tpu.memory_space<hbm>>) dst(%arg7 : memref<40x64xi32, #tpu.memory_space<vmem>>)
        tpu.yield
      }) : () -> ()
      %dma_start3A = arith.constant 0 : i32
      %dma_start3A_53 = arith.constant 0 : i32
      %dma_start3A_54 = arith.constant 0 : i32
      %dma_start3A_55 = arith.constant 0 : i32
      %dma_start3A_56 = tpu.memref_slice %arg8[%dma_start3A_53, %dma_start3A_54, %dma_start3A_55] : memref<4x64x128xf32, #tpu.memory_space<vmem>> -> memref<1x64x128xf32, #tpu.memory_space<vmem>>
      %dma_start3A_57 = tpu.memref_squeeze %dma_start3A_56 : memref<1x64x128xf32, #tpu.memory_space<vmem>> -> memref<64x128xf32, #tpu.memory_space<vmem>>
      %dma_start3A_58 = arith.constant 0 : i32
      %dma_start3A_59 = tpu.memref_slice %arg6[%dma_start3A, %dma_start3A_58] : memref<40x64xi32, #tpu.memory_space<vmem>> -> memref<1x64xi32, #tpu.memory_space<vmem>>
      %dma_start3A_60 = tpu.memref_squeeze %dma_start3A_59 : memref<1x64xi32, #tpu.memory_space<vmem>> -> memref<64xi32, #tpu.memory_space<vmem>>
      %dma_start3A_61 = arith.constant 0 : i32
      %dma_start3A_62 = arith.constant 0 : i32
      %dma_start3A_63 = tpu.memref_slice %arg2[%dma_start3A_61, %dma_start3A_62] : memref<10240x128xf32, #tpu.memory_space<hbm>> -> memref<10240x128xf32, #tpu.memory_space<hbm>>
      tpu.enqueue_indirect_dma source(%dma_start3A_63 : memref<10240x128xf32, #tpu.memory_space<hbm>>) target(%dma_start3A_57 : memref<64x128xf32, #tpu.memory_space<vmem>>) offsets(%dma_start3A_60 : memref<64xi32, #tpu.memory_space<vmem>>) semaphore(%arg10 : memref<!tpu.dma_semaphore, #tpu.memory_space<semaphore_mem>>)
      %dma_start3A_64 = arith.constant 1 : i32
      %dma_start3A_65 = arith.constant 1 : i32
      %dma_start3A_66 = arith.constant 0 : i32
      %dma_start3A_67 = arith.constant 0 : i32
      %dma_start3A_68 = tpu.memref_slice %arg8[%dma_start3A_65, %dma_start3A_66, %dma_start3A_67] : memref<4x64x128xf32, #tpu.memory_space<vmem>> -> memref<1x64x128xf32, #tpu.memory_space<vmem>>
      %dma_start3A_69 = tpu.memref_squeeze %dma_start3A_68 : memref<1x64x128xf32, #tpu.memory_space<vmem>> -> memref<64x128xf32, #tpu.memory_space<vmem>>
      %dma_start3A_70 = arith.constant 0 : i32
      %dma_start3A_71 = tpu.memref_slice %arg6[%dma_start3A_64, %dma_start3A_70] : memref<40x64xi32, #tpu.memory_space<vmem>> -> memref<1x64xi32, #tpu.memory_space<vmem>>
      %dma_start3A_72 = tpu.memref_squeeze %dma_start3A_71 : memref<1x64xi32, #tpu.memory_space<vmem>> -> memref<64xi32, #tpu.memory_space<vmem>>
      %dma_start3A_73 = arith.constant 0 : i32
      %dma_start3A_74 = arith.constant 0 : i32
      %dma_start3A_75 = tpu.memref_slice %arg2[%dma_start3A_73, %dma_start3A_74] : memref<10240x128xf32, #tpu.memory_space<hbm>> -> memref<10240x128xf32, #tpu.memory_space<hbm>>
      tpu.enqueue_indirect_dma source(%dma_start3A_75 : memref<10240x128xf32, #tpu.memory_space<hbm>>) target(%dma_start3A_69 : memref<64x128xf32, #tpu.memory_space<vmem>>) offsets(%dma_start3A_72 : memref<64xi32, #tpu.memory_space<vmem>>) semaphore(%arg11 : memref<!tpu.dma_semaphore, #tpu.memory_space<semaphore_mem>>)
      %dma_start3A_76 = arith.constant 2 : i32
      %dma_start3A_77 = arith.constant 2 : i32
      %dma_start3A_78 = arith.constant 0 : i32
      %dma_start3A_79 = arith.constant 0 : i32
      %dma_start3A_80 = tpu.memref_slice %arg8[%dma_start3A_77, %dma_start3A_78, %dma_start3A_79] : memref<4x64x128xf32, #tpu.memory_space<vmem>> -> memref<1x64x128xf32, #tpu.memory_space<vmem>>
      %dma_start3A_81 = tpu.memref_squeeze %dma_start3A_80 : memref<1x64x128xf32, #tpu.memory_space<vmem>> -> memref<64x128xf32, #tpu.memory_space<vmem>>
      %dma_start3A_82 = arith.constant 0 : i32
      %dma_start3A_83 = tpu.memref_slice %arg6[%dma_start3A_76, %dma_start3A_82] : memref<40x64xi32, #tpu.memory_space<vmem>> -> memref<1x64xi32, #tpu.memory_space<vmem>>
      %dma_start3A_84 = tpu.memref_squeeze %dma_start3A_83 : memref<1x64xi32, #tpu.memory_space<vmem>> -> memref<64xi32, #tpu.memory_space<vmem>>
      %dma_start3A_85 = arith.constant 0 : i32
      %dma_start3A_86 = arith.constant 0 : i32
      %dma_start3A_87 = tpu.memref_slice %arg2[%dma_start3A_85, %dma_start3A_86] : memref<10240x128xf32, #tpu.memory_space<hbm>> -> memref<10240x128xf32, #tpu.memory_space<hbm>>
      tpu.enqueue_indirect_dma source(%dma_start3A_87 : memref<10240x128xf32, #tpu.memory_space<hbm>>) target(%dma_start3A_81 : memref<64x128xf32, #tpu.memory_space<vmem>>) offsets(%dma_start3A_84 : memref<64xi32, #tpu.memory_space<vmem>>) semaphore(%arg12 : memref<!tpu.dma_semaphore, #tpu.memory_space<semaphore_mem>>)
      %dma_wait3A = arith.constant 0 : i32
      %dma_wait3A_88 = arith.constant 0 : i32
      %dma_wait3A_89 = arith.constant 0 : i32
      %dma_wait3A_90 = arith.constant 0 : i32
      %dma_wait3A_91 = tpu.memref_slice %arg8[%dma_wait3A_88, %dma_wait3A_89, %dma_wait3A_90] : memref<4x64x128xf32, #tpu.memory_space<vmem>> -> memref<1x64x128xf32, #tpu.memory_space<vmem>>
      %dma_wait3A_92 = tpu.memref_squeeze %dma_wait3A_91 : memref<1x64x128xf32, #tpu.memory_space<vmem>> -> memref<64x128xf32, #tpu.memory_space<vmem>>
      %dma_wait3A_93 = arith.constant 0 : i32
      %dma_wait3A_94 = tpu.memref_slice %arg6[%dma_wait3A, %dma_wait3A_93] : memref<40x64xi32, #tpu.memory_space<vmem>> -> memref<1x64xi32, #tpu.memory_space<vmem>>
      %dma_wait3A_95 = tpu.memref_squeeze %dma_wait3A_94 : memref<1x64xi32, #tpu.memory_space<vmem>> -> memref<64xi32, #tpu.memory_space<vmem>>
      %dma_wait3A_96 = arith.constant 0 : i32
      %dma_wait3A_97 = arith.constant 0 : i32
      %dma_wait3A_98 = tpu.memref_slice %arg2[%dma_wait3A_96, %dma_wait3A_97] : memref<10240x128xf32, #tpu.memory_space<hbm>> -> memref<10240x128xf32, #tpu.memory_space<hbm>>
      tpu.wait_indirect_dma semaphore(%arg10 : memref<!tpu.dma_semaphore, #tpu.memory_space<semaphore_mem>>) src(%dma_wait3A_98 : memref<10240x128xf32, #tpu.memory_space<hbm>>) dst(%dma_wait3A_92 : memref<64x128xf32, #tpu.memory_space<vmem>>)
      %dma_start3A_99 = arith.constant 0 : i32
      %dma_start3A_100 = arith.constant 0 : i32
      %dma_start3A_101 = arith.constant 0 : i32
      %dma_start3A_102 = arith.constant 0 : i32
      %dma_start3A_103 = tpu.memref_slice %arg8[%dma_start3A_99, %dma_start3A_101, %dma_start3A_102] : memref<4x64x128xf32, #tpu.memory_space<vmem>> -> memref<1x64x128xf32, #tpu.memory_space<vmem>>
      %dma_start3A_104 = tpu.memref_squeeze %dma_start3A_103 : memref<1x64x128xf32, #tpu.memory_space<vmem>> -> memref<64x128xf32, #tpu.memory_space<vmem>>
      %dma_start3A_105 = arith.constant 0 : i32
      %dma_start3A_106 = tpu.memref_slice %arg7[%dma_start3A_100, %dma_start3A_105] : memref<40x64xi32, #tpu.memory_space<vmem>> -> memref<1x64xi32, #tpu.memory_space<vmem>>
      %dma_start3A_107 = tpu.memref_squeeze %dma_start3A_106 : memref<1x64xi32, #tpu.memory_space<vmem>> -> memref<64xi32, #tpu.memory_space<vmem>>
      %dma_start3A_108 = arith.constant 0 : i32
      %dma_start3A_109 = arith.constant 0 : i32
      %dma_start3A_110 = tpu.memref_slice %arg9[%dma_start3A_108, %dma_start3A_109] : memref<10240x128xf32, #tpu.memory_space<vmem_shared>> -> memref<10240x128xf32, #tpu.memory_space<vmem_shared>>
      tpu.enqueue_indirect_dma source(%dma_start3A_104 : memref<64x128xf32, #tpu.memory_space<vmem>>) target(%dma_start3A_110 : memref<10240x128xf32, #tpu.memory_space<vmem_shared>>) offsets(%dma_start3A_107 : memref<64xi32, #tpu.memory_space<vmem>>) semaphore(%arg14 : memref<!tpu.dma_semaphore, #tpu.memory_space<semaphore_mem>>) {add = true}
      %dma_start3A_111 = arith.constant 3 : i32
      %dma_start3A_112 = arith.constant 3 : i32
      %dma_start3A_113 = arith.constant 0 : i32
      %dma_start3A_114 = arith.constant 0 : i32
      %dma_start3A_115 = tpu.memref_slice %arg8[%dma_start3A_112, %dma_start3A_113, %dma_start3A_114] : memref<4x64x128xf32, #tpu.memory_space<vmem>> -> memref<1x64x128xf32, #tpu.memory_space<vmem>>
      %dma_start3A_116 = tpu.memref_squeeze %dma_start3A_115 : memref<1x64x128xf32, #tpu.memory_space<vmem>> -> memref<64x128xf32, #tpu.memory_space<vmem>>
      %dma_start3A_117 = arith.constant 0 : i32
      %dma_start3A_118 = tpu.memref_slice %arg6[%dma_start3A_111, %dma_start3A_117] : memref<40x64xi32, #tpu.memory_space<vmem>> -> memref<1x64xi32, #tpu.memory_space<vmem>>
      %dma_start3A_119 = tpu.memref_squeeze %dma_start3A_118 : memref<1x64xi32, #tpu.memory_space<vmem>> -> memref<64xi32, #tpu.memory_space<vmem>>
      %dma_start3A_120 = arith.constant 0 : i32
      %dma_start3A_121 = arith.constant 0 : i32
      %dma_start3A_122 = tpu.memref_slice %arg2[%dma_start3A_120, %dma_start3A_121] : memref<10240x128xf32, #tpu.memory_space<hbm>> -> memref<10240x128xf32, #tpu.memory_space<hbm>>
      tpu.enqueue_indirect_dma source(%dma_start3A_122 : memref<10240x128xf32, #tpu.memory_space<hbm>>) target(%dma_start3A_116 : memref<64x128xf32, #tpu.memory_space<vmem>>) offsets(%dma_start3A_119 : memref<64xi32, #tpu.memory_space<vmem>>) semaphore(%arg13 : memref<!tpu.dma_semaphore, #tpu.memory_space<semaphore_mem>>)
      %dma_wait3A_123 = arith.constant 0 : i32
      %dma_wait3A_124 = arith.constant 1 : i32
      %dma_wait3A_125 = arith.constant 0 : i32
      %dma_wait3A_126 = arith.constant 0 : i32
      %dma_wait3A_127 = tpu.memref_slice %arg8[%dma_wait3A_124, %dma_wait3A_125, %dma_wait3A_126] : memref<4x64x128xf32, #tpu.memory_space<vmem>> -> memref<1x64x128xf32, #tpu.memory_space<vmem>>
      %dma_wait3A_128 = tpu.memref_squeeze %dma_wait3A_127 : memref<1x64x128xf32, #tpu.memory_space<vmem>> -> memref<64x128xf32, #tpu.memory_space<vmem>>
      %dma_wait3A_129 = arith.constant 0 : i32
      %dma_wait3A_130 = tpu.memref_slice %arg6[%dma_wait3A_123, %dma_wait3A_129] : memref<40x64xi32, #tpu.memory_space<vmem>> -> memref<1x64xi32, #tpu.memory_space<vmem>>
      %dma_wait3A_131 = tpu.memref_squeeze %dma_wait3A_130 : memref<1x64xi32, #tpu.memory_space<vmem>> -> memref<64xi32, #tpu.memory_space<vmem>>
      %dma_wait3A_132 = arith.constant 0 : i32
      %dma_wait3A_133 = arith.constant 0 : i32
      %dma_wait3A_134 = tpu.memref_slice %arg2[%dma_wait3A_132, %dma_wait3A_133] : memref<10240x128xf32, #tpu.memory_space<hbm>> -> memref<10240x128xf32, #tpu.memory_space<hbm>>
      tpu.wait_indirect_dma semaphore(%arg11 : memref<!tpu.dma_semaphore, #tpu.memory_space<semaphore_mem>>) src(%dma_wait3A_134 : memref<10240x128xf32, #tpu.memory_space<hbm>>) dst(%dma_wait3A_128 : memref<64x128xf32, #tpu.memory_space<vmem>>)
      %dma_start3A_135 = arith.constant 1 : i32
      %dma_start3A_136 = arith.constant 1 : i32
      %dma_start3A_137 = arith.constant 0 : i32
      %dma_start3A_138 = arith.constant 0 : i32
      %dma_start3A_139 = tpu.memref_slice %arg8[%dma_start3A_135, %dma_start3A_137, %dma_start3A_138] : memref<4x64x128xf32, #tpu.memory_space<vmem>> -> memref<1x64x128xf32, #tpu.memory_space<vmem>>
      %dma_start3A_140 = tpu.memref_squeeze %dma_start3A_139 : memref<1x64x128xf32, #tpu.memory_space<vmem>> -> memref<64x128xf32, #tpu.memory_space<vmem>>
      %dma_start3A_141 = arith.constant 0 : i32
      %dma_start3A_142 = tpu.memref_slice %arg7[%dma_start3A_136, %dma_start3A_141] : memref<40x64xi32, #tpu.memory_space<vmem>> -> memref<1x64xi32, #tpu.memory_space<vmem>>
      %dma_start3A_143 = tpu.memref_squeeze %dma_start3A_142 : memref<1x64xi32, #tpu.memory_space<vmem>> -> memref<64xi32, #tpu.memory_space<vmem>>
      %dma_start3A_144 = arith.constant 0 : i32
      %dma_start3A_145 = arith.constant 0 : i32
      %dma_start3A_146 = tpu.memref_slice %arg9[%dma_start3A_144, %dma_start3A_145] : memref<10240x128xf32, #tpu.memory_space<vmem_shared>> -> memref<10240x128xf32, #tpu.memory_space<vmem_shared>>
      tpu.enqueue_indirect_dma source(%dma_start3A_140 : memref<64x128xf32, #tpu.memory_space<vmem>>) target(%dma_start3A_146 : memref<10240x128xf32, #tpu.memory_space<vmem_shared>>) offsets(%dma_start3A_143 : memref<64xi32, #tpu.memory_space<vmem>>) semaphore(%arg15 : memref<!tpu.dma_semaphore, #tpu.memory_space<semaphore_mem>>) {add = true}
      %dma_wait3A_147 = arith.constant 0 : i32
      %dma_wait3A_148 = arith.constant 0 : i32
      %dma_wait3A_149 = arith.constant 0 : i32
      %dma_wait3A_150 = arith.constant 0 : i32
      %dma_wait3A_151 = tpu.memref_slice %arg8[%dma_wait3A_147, %dma_wait3A_149, %dma_wait3A_150] : memref<4x64x128xf32, #tpu.memory_space<vmem>> -> memref<1x64x128xf32, #tpu.memory_space<vmem>>
      %dma_wait3A_152 = tpu.memref_squeeze %dma_wait3A_151 : memref<1x64x128xf32, #tpu.memory_space<vmem>> -> memref<64x128xf32, #tpu.memory_space<vmem>>
      %dma_wait3A_153 = arith.constant 0 : i32
      %dma_wait3A_154 = tpu.memref_slice %arg7[%dma_wait3A_148, %dma_wait3A_153] : memref<40x64xi32, #tpu.memory_space<vmem>> -> memref<1x64xi32, #tpu.memory_space<vmem>>
      %dma_wait3A_155 = tpu.memref_squeeze %dma_wait3A_154 : memref<1x64xi32, #tpu.memory_space<vmem>> -> memref<64xi32, #tpu.memory_space<vmem>>
      %dma_wait3A_156 = arith.constant 0 : i32
      %dma_wait3A_157 = arith.constant 0 : i32
      %dma_wait3A_158 = tpu.memref_slice %arg9[%dma_wait3A_156, %dma_wait3A_157] : memref<10240x128xf32, #tpu.memory_space<vmem_shared>> -> memref<10240x128xf32, #tpu.memory_space<vmem_shared>>
      tpu.wait_indirect_dma semaphore(%arg14 : memref<!tpu.dma_semaphore, #tpu.memory_space<semaphore_mem>>) src(%dma_wait3A_152 : memref<64x128xf32, #tpu.memory_space<vmem>>) dst(%dma_wait3A_158 : memref<10240x128xf32, #tpu.memory_space<vmem_shared>>)
      %dma_start3A_159 = arith.constant 4 : i32
      %dma_start3A_160 = arith.constant 0 : i32
      %dma_start3A_161 = arith.constant 0 : i32
      %dma_start3A_162 = arith.constant 0 : i32
      %dma_start3A_163 = tpu.memref_slice %arg8[%dma_start3A_160, %dma_start3A_161, %dma_start3A_162] : memref<4x64x128xf32, #tpu.memory_space<vmem>> -> memref<1x64x128xf32, #tpu.memory_space<vmem>>
      %dma_start3A_164 = tpu.memref_squeeze %dma_start3A_163 : memref<1x64x128xf32, #tpu.memory_space<vmem>> -> memref<64x128xf32, #tpu.memory_space<vmem>>
      %dma_start3A_165 = arith.constant 0 : i32
      %dma_start3A_166 = tpu.memref_slice %arg6[%dma_start3A_159, %dma_start3A_165] : memref<40x64xi32, #tpu.memory_space<vmem>> -> memref<1x64xi32, #tpu.memory_space<vmem>>
      %dma_start3A_167 = tpu.memref_squeeze %dma_start3A_166 : memref<1x64xi32, #tpu.memory_space<vmem>> -> memref<64xi32, #tpu.memory_space<vmem>>
      %dma_start3A_168 = arith.constant 0 : i32
      %dma_start3A_169 = arith.constant 0 : i32
      %dma_start3A_170 = tpu.memref_slice %arg2[%dma_start3A_168, %dma_start3A_169] : memref<10240x128xf32, #tpu.memory_space<hbm>> -> memref<10240x128xf32, #tpu.memory_space<hbm>>
      tpu.enqueue_indirect_dma source(%dma_start3A_170 : memref<10240x128xf32, #tpu.memory_space<hbm>>) target(%dma_start3A_164 : memref<64x128xf32, #tpu.memory_space<vmem>>) offsets(%dma_start3A_167 : memref<64xi32, #tpu.memory_space<vmem>>) semaphore(%arg10 : memref<!tpu.dma_semaphore, #tpu.memory_space<semaphore_mem>>)
      %dma_wait3A_171 = arith.constant 0 : i32
      %dma_wait3A_172 = arith.constant 2 : i32
      %dma_wait3A_173 = arith.constant 0 : i32
      %dma_wait3A_174 = arith.constant 0 : i32
      %dma_wait3A_175 = tpu.memref_slice %arg8[%dma_wait3A_172, %dma_wait3A_173, %dma_wait3A_174] : memref<4x64x128xf32, #tpu.memory_space<vmem>> -> memref<1x64x128xf32, #tpu.memory_space<vmem>>
      %dma_wait3A_176 = tpu.memref_squeeze %dma_wait3A_175 : memref<1x64x128xf32, #tpu.memory_space<vmem>> -> memref<64x128xf32, #tpu.memory_space<vmem>>
      %dma_wait3A_177 = arith.constant 0 : i32
      %dma_wait3A_178 = tpu.memref_slice %arg6[%dma_wait3A_171, %dma_wait3A_177] : memref<40x64xi32, #tpu.memory_space<vmem>> -> memref<1x64xi32, #tpu.memory_space<vmem>>
      %dma_wait3A_179 = tpu.memref_squeeze %dma_wait3A_178 : memref<1x64xi32, #tpu.memory_space<vmem>> -> memref<64xi32, #tpu.memory_space<vmem>>
      %dma_wait3A_180 = arith.constant 0 : i32
      %dma_wait3A_181 = arith.constant 0 : i32
      %dma_wait3A_182 = tpu.memref_slice %arg2[%dma_wait3A_180, %dma_wait3A_181] : memref<10240x128xf32, #tpu.memory_space<hbm>> -> memref<10240x128xf32, #tpu.memory_space<hbm>>
      tpu.wait_indirect_dma semaphore(%arg12 : memref<!tpu.dma_semaphore, #tpu.memory_space<semaphore_mem>>) src(%dma_wait3A_182 : memref<10240x128xf32, #tpu.memory_space<hbm>>) dst(%dma_wait3A_176 : memref<64x128xf32, #tpu.memory_space<vmem>>)
      %dma_start3A_183 = arith.constant 2 : i32
      %dma_start3A_184 = arith.constant 2 : i32
      %dma_start3A_185 = arith.constant 0 : i32
      %dma_start3A_186 = arith.constant 0 : i32
      %dma_start3A_187 = tpu.memref_slice %arg8[%dma_start3A_183, %dma_start3A_185, %dma_start3A_186] : memref<4x64x128xf32, #tpu.memory_space<vmem>> -> memref<1x64x128xf32, #tpu.memory_space<vmem>>
      %dma_start3A_188 = tpu.memref_squeeze %dma_start3A_187 : memref<1x64x128xf32, #tpu.memory_space<vmem>> -> memref<64x128xf32, #tpu.memory_space<vmem>>
      %dma_start3A_189 = arith.constant 0 : i32
      %dma_start3A_190 = tpu.memref_slice %arg7[%dma_start3A_184, %dma_start3A_189] : memref<40x64xi32, #tpu.memory_space<vmem>> -> memref<1x64xi32, #tpu.memory_space<vmem>>
      %dma_start3A_191 = tpu.memref_squeeze %dma_start3A_190 : memref<1x64xi32, #tpu.memory_space<vmem>> -> memref<64xi32, #tpu.memory_space<vmem>>
      %dma_start3A_192 = arith.constant 0 : i32
      %dma_start3A_193 = arith.constant 0 : i32
      %dma_start3A_194 = tpu.memref_slice %arg9[%dma_start3A_192, %dma_start3A_193] : memref<10240x128xf32, #tpu.memory_space<vmem_shared>> -> memref<10240x128xf32, #tpu.memory_space<vmem_shared>>
      tpu.enqueue_indirect_dma source(%dma_start3A_188 : memref<64x128xf32, #tpu.memory_space<vmem>>) target(%dma_start3A_194 : memref<10240x128xf32, #tpu.memory_space<vmem_shared>>) offsets(%dma_start3A_191 : memref<64xi32, #tpu.memory_space<vmem>>) semaphore(%arg16 : memref<!tpu.dma_semaphore, #tpu.memory_space<semaphore_mem>>) {add = true}
      %dma_wait3A_195 = arith.constant 1 : i32
      %dma_wait3A_196 = arith.constant 0 : i32
      %dma_wait3A_197 = arith.constant 0 : i32
      %dma_wait3A_198 = arith.constant 0 : i32
      %dma_wait3A_199 = tpu.memref_slice %arg8[%dma_wait3A_195, %dma_wait3A_197, %dma_wait3A_198] : memref<4x64x128xf32, #tpu.memory_space<vmem>> -> memref<1x64x128xf32, #tpu.memory_space<vmem>>
      %dma_wait3A_200 = tpu.memref_squeeze %dma_wait3A_199 : memref<1x64x128xf32, #tpu.memory_space<vmem>> -> memref<64x128xf32, #tpu.memory_space<vmem>>
      %dma_wait3A_201 = arith.constant 0 : i32
      %dma_wait3A_202 = tpu.memref_slice %arg7[%dma_wait3A_196, %dma_wait3A_201] : memref<40x64xi32, #tpu.memory_space<vmem>> -> memref<1x64xi32, #tpu.memory_space<vmem>>
      %dma_wait3A_203 = tpu.memref_squeeze %dma_wait3A_202 : memref<1x64xi32, #tpu.memory_space<vmem>> -> memref<64xi32, #tpu.memory_space<vmem>>
      %dma_wait3A_204 = arith.constant 0 : i32
      %dma_wait3A_205 = arith.constant 0 : i32
      %dma_wait3A_206 = tpu.memref_slice %arg9[%dma_wait3A_204, %dma_wait3A_205] : memref<10240x128xf32, #tpu.memory_space<vmem_shared>> -> memref<10240x128xf32, #tpu.memory_space<vmem_shared>>
      tpu.wait_indirect_dma semaphore(%arg15 : memref<!tpu.dma_semaphore, #tpu.memory_space<semaphore_mem>>) src(%dma_wait3A_200 : memref<64x128xf32, #tpu.memory_space<vmem>>) dst(%dma_wait3A_206 : memref<10240x128xf32, #tpu.memory_space<vmem_shared>>)
      %dma_start3A_207 = arith.constant 5 : i32
      %dma_start3A_208 = arith.constant 1 : i32
      %dma_start3A_209 = arith.constant 0 : i32
      %dma_start3A_210 = arith.constant 0 : i32
      %dma_start3A_211 = tpu.memref_slice %arg8[%dma_start3A_208, %dma_start3A_209, %dma_start3A_210] : memref<4x64x128xf32, #tpu.memory_space<vmem>> -> memref<1x64x128xf32, #tpu.memory_space<vmem>>
      %dma_start3A_212 = tpu.memref_squeeze %dma_start3A_211 : memref<1x64x128xf32, #tpu.memory_space<vmem>> -> memref<64x128xf32, #tpu.memory_space<vmem>>
      %dma_start3A_213 = arith.constant 0 : i32
      %dma_start3A_214 = tpu.memref_slice %arg6[%dma_start3A_207, %dma_start3A_213] : memref<40x64xi32, #tpu.memory_space<vmem>> -> memref<1x64xi32, #tpu.memory_space<vmem>>
      %dma_start3A_215 = tpu.memref_squeeze %dma_start3A_214 : memref<1x64xi32, #tpu.memory_space<vmem>> -> memref<64xi32, #tpu.memory_space<vmem>>
      %dma_start3A_216 = arith.constant 0 : i32
      %dma_start3A_217 = arith.constant 0 : i32
      %dma_start3A_218 = tpu.memref_slice %arg2[%dma_start3A_216, %dma_start3A_217] : memref<10240x128xf32, #tpu.memory_space<hbm>> -> memref<10240x128xf32, #tpu.memory_space<hbm>>
      tpu.enqueue_indirect_dma source(%dma_start3A_218 : memref<10240x128xf32, #tpu.memory_space<hbm>>) target(%dma_start3A_212 : memref<64x128xf32, #tpu.memory_space<vmem>>) offsets(%dma_start3A_215 : memref<64xi32, #tpu.memory_space<vmem>>) semaphore(%arg11 : memref<!tpu.dma_semaphore, #tpu.memory_space<semaphore_mem>>)
      %dma_wait3A_219 = arith.constant 0 : i32
      %dma_wait3A_220 = arith.constant 3 : i32
      %dma_wait3A_221 = arith.constant 0 : i32
      %dma_wait3A_222 = arith.constant 0 : i32
      %dma_wait3A_223 = tpu.memref_slice %arg8[%dma_wait3A_220, %dma_wait3A_221, %dma_wait3A_222] : memref<4x64x128xf32, #tpu.memory_space<vmem>> -> memref<1x64x128xf32, #tpu.memory_space<vmem>>
      %dma_wait3A_224 = tpu.memref_squeeze %dma_wait3A_223 : memref<1x64x128xf32, #tpu.memory_space<vmem>> -> memref<64x128xf32, #tpu.memory_space<vmem>>
      %dma_wait3A_225 = arith.constant 0 : i32
      %dma_wait3A_226 = tpu.memref_slice %arg6[%dma_wait3A_219, %dma_wait3A_225] : memref<40x64xi32, #tpu.memory_space<vmem>> -> memref<1x64xi32, #tpu.memory_space<vmem>>
      %dma_wait3A_227 = tpu.memref_squeeze %dma_wait3A_226 : memref<1x64xi32, #tpu.memory_space<vmem>> -> memref<64xi32, #tpu.memory_space<vmem>>
      %dma_wait3A_228 = arith.constant 0 : i32
      %dma_wait3A_229 = arith.constant 0 : i32
      %dma_wait3A_230 = tpu.memref_slice %arg2[%dma_wait3A_228, %dma_wait3A_229] : memref<10240x128xf32, #tpu.memory_space<hbm>> -> memref<10240x128xf32, #tpu.memory_space<hbm>>
      tpu.wait_indirect_dma semaphore(%arg13 : memref<!tpu.dma_semaphore, #tpu.memory_space<semaphore_mem>>) src(%dma_wait3A_230 : memref<10240x128xf32, #tpu.memory_space<hbm>>) dst(%dma_wait3A_224 : memref<64x128xf32, #tpu.memory_space<vmem>>)
      %dma_start3A_231 = arith.constant 3 : i32
      %dma_start3A_232 = arith.constant 3 : i32
      %dma_start3A_233 = arith.constant 0 : i32
      %dma_start3A_234 = arith.constant 0 : i32
      %dma_start3A_235 = tpu.memref_slice %arg8[%dma_start3A_231, %dma_start3A_233, %dma_start3A_234] : memref<4x64x128xf32, #tpu.memory_space<vmem>> -> memref<1x64x128xf32, #tpu.memory_space<vmem>>
      %dma_start3A_236 = tpu.memref_squeeze %dma_start3A_235 : memref<1x64x128xf32, #tpu.memory_space<vmem>> -> memref<64x128xf32, #tpu.memory_space<vmem>>
      %dma_start3A_237 = arith.constant 0 : i32
      %dma_start3A_238 = tpu.memref_slice %arg7[%dma_start3A_232, %dma_start3A_237] : memref<40x64xi32, #tpu.memory_space<vmem>> -> memref<1x64xi32, #tpu.memory_space<vmem>>
      %dma_start3A_239 = tpu.memref_squeeze %dma_start3A_238 : memref<1x64xi32, #tpu.memory_space<vmem>> -> memref<64xi32, #tpu.memory_space<vmem>>
      %dma_start3A_240 = arith.constant 0 : i32
      %dma_start3A_241 = arith.constant 0 : i32
      %dma_start3A_242 = tpu.memref_slice %arg9[%dma_start3A_240, %dma_start3A_241] : memref<10240x128xf32, #tpu.memory_space<vmem_shared>> -> memref<10240x128xf32, #tpu.memory_space<vmem_shared>>
      tpu.enqueue_indirect_dma source(%dma_start3A_236 : memref<64x128xf32, #tpu.memory_space<vmem>>) target(%dma_start3A_242 : memref<10240x128xf32, #tpu.memory_space<vmem_shared>>) offsets(%dma_start3A_239 : memref<64xi32, #tpu.memory_space<vmem>>) semaphore(%arg17 : memref<!tpu.dma_semaphore, #tpu.memory_space<semaphore_mem>>) {add = true}
      %dma_wait3A_243 = arith.constant 2 : i32
      %dma_wait3A_244 = arith.constant 0 : i32
      %dma_wait3A_245 = arith.constant 0 : i32
      %dma_wait3A_246 = arith.constant 0 : i32
      %dma_wait3A_247 = tpu.memref_slice %arg8[%dma_wait3A_243, %dma_wait3A_245, %dma_wait3A_246] : memref<4x64x128xf32, #tpu.memory_space<vmem>> -> memref<1x64x128xf32, #tpu.memory_space<vmem>>
      %dma_wait3A_248 = tpu.memref_squeeze %dma_wait3A_247 : memref<1x64x128xf32, #tpu.memory_space<vmem>> -> memref<64x128xf32, #tpu.memory_space<vmem>>
      %dma_wait3A_249 = arith.constant 0 : i32
      %dma_wait3A_250 = tpu.memref_slice %arg7[%dma_wait3A_244, %dma_wait3A_249] : memref<40x64xi32, #tpu.memory_space<vmem>> -> memref<1x64xi32, #tpu.memory_space<vmem>>
      %dma_wait3A_251 = tpu.memref_squeeze %dma_wait3A_250 : memref<1x64xi32, #tpu.memory_space<vmem>> -> memref<64xi32, #tpu.memory_space<vmem>>
      %dma_wait3A_252 = arith.constant 0 : i32
      %dma_wait3A_253 = arith.constant 0 : i32
      %dma_wait3A_254 = tpu.memref_slice %arg9[%dma_wait3A_252, %dma_wait3A_253] : memref<10240x128xf32, #tpu.memory_space<vmem_shared>> -> memref<10240x128xf32, #tpu.memory_space<vmem_shared>>
      tpu.wait_indirect_dma semaphore(%arg16 : memref<!tpu.dma_semaphore, #tpu.memory_space<semaphore_mem>>) src(%dma_wait3A_248 : memref<64x128xf32, #tpu.memory_space<vmem>>) dst(%dma_wait3A_254 : memref<10240x128xf32, #tpu.memory_space<vmem_shared>>)
      %dma_start3A_255 = arith.constant 6 : i32
      %dma_start3A_256 = arith.constant 2 : i32
      %dma_start3A_257 = arith.constant 0 : i32
      %dma_start3A_258 = arith.constant 0 : i32
      %dma_start3A_259 = tpu.memref_slice %arg8[%dma_start3A_256, %dma_start3A_257, %dma_start3A_258] : memref<4x64x128xf32, #tpu.memory_space<vmem>> -> memref<1x64x128xf32, #tpu.memory_space<vmem>>
      %dma_start3A_260 = tpu.memref_squeeze %dma_start3A_259 : memref<1x64x128xf32, #tpu.memory_space<vmem>> -> memref<64x128xf32, #tpu.memory_space<vmem>>
      %dma_start3A_261 = arith.constant 0 : i32
      %dma_start3A_262 = tpu.memref_slice %arg6[%dma_start3A_255, %dma_start3A_261] : memref<40x64xi32, #tpu.memory_space<vmem>> -> memref<1x64xi32, #tpu.memory_space<vmem>>
      %dma_start3A_263 = tpu.memref_squeeze %dma_start3A_262 : memref<1x64xi32, #tpu.memory_space<vmem>> -> memref<64xi32, #tpu.memory_space<vmem>>
      %dma_start3A_264 = arith.constant 0 : i32
      %dma_start3A_265 = arith.constant 0 : i32
      %dma_start3A_266 = tpu.memref_slice %arg2[%dma_start3A_264, %dma_start3A_265] : memref<10240x128xf32, #tpu.memory_space<hbm>> -> memref<10240x128xf32, #tpu.memory_space<hbm>>
      tpu.enqueue_indirect_dma source(%dma_start3A_266 : memref<10240x128xf32, #tpu.memory_space<hbm>>) target(%dma_start3A_260 : memref<64x128xf32, #tpu.memory_space<vmem>>) offsets(%dma_start3A_263 : memref<64xi32, #tpu.memory_space<vmem>>) semaphore(%arg12 : memref<!tpu.dma_semaphore, #tpu.memory_space<semaphore_mem>>)
      %dma_wait3A_267 = arith.constant 0 : i32
      %dma_wait3A_268 = arith.constant 0 : i32
      %dma_wait3A_269 = arith.constant 0 : i32
      %dma_wait3A_270 = arith.constant 0 : i32
      %dma_wait3A_271 = tpu.memref_slice %arg8[%dma_wait3A_268, %dma_wait3A_269, %dma_wait3A_270] : memref<4x64x128xf32, #tpu.memory_space<vmem>> -> memref<1x64x128xf32, #tpu.memory_space<vmem>>
      %dma_wait3A_272 = tpu.memref_squeeze %dma_wait3A_271 : memref<1x64x128xf32, #tpu.memory_space<vmem>> -> memref<64x128xf32, #tpu.memory_space<vmem>>
      %dma_wait3A_273 = arith.constant 0 : i32
      %dma_wait3A_274 = tpu.memref_slice %arg6[%dma_wait3A_267, %dma_wait3A_273] : memref<40x64xi32, #tpu.memory_space<vmem>> -> memref<1x64xi32, #tpu.memory_space<vmem>>
      %dma_wait3A_275 = tpu.memref_squeeze %dma_wait3A_274 : memref<1x64xi32, #tpu.memory_space<vmem>> -> memref<64xi32, #tpu.memory_space<vmem>>
      %dma_wait3A_276 = arith.constant 0 : i32
      %dma_wait3A_277 = arith.constant 0 : i32
      %dma_wait3A_278 = tpu.memref_slice %arg2[%dma_wait3A_276, %dma_wait3A_277] : memref<10240x128xf32, #tpu.memory_space<hbm>> -> memref<10240x128xf32, #tpu.memory_space<hbm>>
      tpu.wait_indirect_dma semaphore(%arg10 : memref<!tpu.dma_semaphore, #tpu.memory_space<semaphore_mem>>) src(%dma_wait3A_278 : memref<10240x128xf32, #tpu.memory_space<hbm>>) dst(%dma_wait3A_272 : memref<64x128xf32, #tpu.memory_space<vmem>>)
      %dma_start3A_279 = arith.constant 0 : i32
      %dma_start3A_280 = arith.constant 4 : i32
      %dma_start3A_281 = arith.constant 0 : i32
      %dma_start3A_282 = arith.constant 0 : i32
      %dma_start3A_283 = tpu.memref_slice %arg8[%dma_start3A_279, %dma_start3A_281, %dma_start3A_282] : memref<4x64x128xf32, #tpu.memory_space<vmem>> -> memref<1x64x128xf32, #tpu.memory_space<vmem>>
      %dma_start3A_284 = tpu.memref_squeeze %dma_start3A_283 : memref<1x64x128xf32, #tpu.memory_space<vmem>> -> memref<64x128xf32, #tpu.memory_space<vmem>>
      %dma_start3A_285 = arith.constant 0 : i32
      %dma_start3A_286 = tpu.memref_slice %arg7[%dma_start3A_280, %dma_start3A_285] : memref<40x64xi32, #tpu.memory_space<vmem>> -> memref<1x64xi32, #tpu.memory_space<vmem>>
      %dma_start3A_287 = tpu.memref_squeeze %dma_start3A_286 : memref<1x64xi32, #tpu.memory_space<vmem>> -> memref<64xi32, #tpu.memory_space<vmem>>
      %dma_start3A_288 = arith.constant 0 : i32
      %dma_start3A_289 = arith.constant 0 : i32
      %dma_start3A_290 = tpu.memref_slice %arg9[%dma_start3A_288, %dma_start3A_289] : memref<10240x128xf32, #tpu.memory_space<vmem_shared>> -> memref<10240x128xf32, #tpu.memory_space<vmem_shared>>
      tpu.enqueue_indirect_dma source(%dma_start3A_284 : memref<64x128xf32, #tpu.memory_space<vmem>>) target(%dma_start3A_290 : memref<10240x128xf32, #tpu.memory_space<vmem_shared>>) offsets(%dma_start3A_287 : memref<64xi32, #tpu.memory_space<vmem>>) semaphore(%arg14 : memref<!tpu.dma_semaphore, #tpu.memory_space<semaphore_mem>>) {add = true}
      %dma_wait3A_291 = arith.constant 3 : i32
      %dma_wait3A_292 = arith.constant 0 : i32
      %dma_wait3A_293 = arith.constant 0 : i32
      %dma_wait3A_294 = arith.constant 0 : i32
      %dma_wait3A_295 = tpu.memref_slice %arg8[%dma_wait3A_291, %dma_wait3A_293, %dma_wait3A_294] : memref<4x64x128xf32, #tpu.memory_space<vmem>> -> memref<1x64x128xf32, #tpu.memory_space<vmem>>
      %dma_wait3A_296 = tpu.memref_squeeze %dma_wait3A_295 : memref<1x64x128xf32, #tpu.memory_space<vmem>> -> memref<64x128xf32, #tpu.memory_space<vmem>>
      %dma_wait3A_297 = arith.constant 0 : i32
      %dma_wait3A_298 = tpu.memref_slice %arg7[%dma_wait3A_292, %dma_wait3A_297] : memref<40x64xi32, #tpu.memory_space<vmem>> -> memref<1x64xi32, #tpu.memory_space<vmem>>
      %dma_wait3A_299 = tpu.memref_squeeze %dma_wait3A_298 : memref<1x64xi32, #tpu.memory_space<vmem>> -> memref<64xi32, #tpu.memory_space<vmem>>
      %dma_wait3A_300 = arith.constant 0 : i32
      %dma_wait3A_301 = arith.constant 0 : i32
      %dma_wait3A_302 = tpu.memref_slice %arg9[%dma_wait3A_300, %dma_wait3A_301] : memref<10240x128xf32, #tpu.memory_space<vmem_shared>> -> memref<10240x128xf32, #tpu.memory_space<vmem_shared>>
      tpu.wait_indirect_dma semaphore(%arg17 : memref<!tpu.dma_semaphore, #tpu.memory_space<semaphore_mem>>) src(%dma_wait3A_296 : memref<64x128xf32, #tpu.memory_space<vmem>>) dst(%dma_wait3A_302 : memref<10240x128xf32, #tpu.memory_space<vmem_shared>>)
      %dma_start3A_303 = arith.constant 7 : i32
      %dma_start3A_304 = arith.constant 3 : i32
      %dma_start3A_305 = arith.constant 0 : i32
      %dma_start3A_306 = arith.constant 0 : i32
      %dma_start3A_307 = tpu.memref_slice %arg8[%dma_start3A_304, %dma_start3A_305, %dma_start3A_306] : memref<4x64x128xf32, #tpu.memory_space<vmem>> -> memref<1x64x128xf32, #tpu.memory_space<vmem>>
      %dma_start3A_308 = tpu.memref_squeeze %dma_start3A_307 : memref<1x64x128xf32, #tpu.memory_space<vmem>> -> memref<64x128xf32, #tpu.memory_space<vmem>>
      %dma_start3A_309 = arith.constant 0 : i32
      %dma_start3A_310 = tpu.memref_slice %arg6[%dma_start3A_303, %dma_start3A_309] : memref<40x64xi32, #tpu.memory_space<vmem>> -> memref<1x64xi32, #tpu.memory_space<vmem>>
      %dma_start3A_311 = tpu.memref_squeeze %dma_start3A_310 : memref<1x64xi32, #tpu.memory_space<vmem>> -> memref<64xi32, #tpu.memory_space<vmem>>
      %dma_start3A_312 = arith.constant 0 : i32
      %dma_start3A_313 = arith.constant 0 : i32
      %dma_start3A_314 = tpu.memref_slice %arg2[%dma_start3A_312, %dma_start3A_313] : memref<10240x128xf32, #tpu.memory_space<hbm>> -> memref<10240x128xf32, #tpu.memory_space<hbm>>
      tpu.enqueue_indirect_dma source(%dma_start3A_314 : memref<10240x128xf32, #tpu.memory_space<hbm>>) target(%dma_start3A_308 : memref<64x128xf32, #tpu.memory_space<vmem>>) offsets(%dma_start3A_311 : memref<64xi32, #tpu.memory_space<vmem>>) semaphore(%arg13 : memref<!tpu.dma_semaphore, #tpu.memory_space<semaphore_mem>>)
      %dma_wait3A_315 = arith.constant 0 : i32
      %dma_wait3A_316 = arith.constant 1 : i32
      %dma_wait3A_317 = arith.constant 0 : i32
      %dma_wait3A_318 = arith.constant 0 : i32
      %dma_wait3A_319 = tpu.memref_slice %arg8[%dma_wait3A_316, %dma_wait3A_317, %dma_wait3A_318] : memref<4x64x128xf32, #tpu.memory_space<vmem>> -> memref<1x64x128xf32, #tpu.memory_space<vmem>>
      %dma_wait3A_320 = tpu.memref_squeeze %dma_wait3A_319 : memref<1x64x128xf32, #tpu.memory_space<vmem>> -> memref<64x128xf32, #tpu.memory_space<vmem>>
      %dma_wait3A_321 = arith.constant 0 : i32
      %dma_wait3A_322 = tpu.memref_slice %arg6[%dma_wait3A_315, %dma_wait3A_321] : memref<40x64xi32, #tpu.memory_space<vmem>> -> memref<1x64xi32, #tpu.memory_space<vmem>>
      %dma_wait3A_323 = tpu.memref_squeeze %dma_wait3A_322 : memref<1x64xi32, #tpu.memory_space<vmem>> -> memref<64xi32, #tpu.memory_space<vmem>>
      %dma_wait3A_324 = arith.constant 0 : i32
      %dma_wait3A_325 = arith.constant 0 : i32
      %dma_wait3A_326 = tpu.memref_slice %arg2[%dma_wait3A_324, %dma_wait3A_325] : memref<10240x128xf32, #tpu.memory_space<hbm>> -> memref<10240x128xf32, #tpu.memory_space<hbm>>
      tpu.wait_indirect_dma semaphore(%arg11 : memref<!tpu.dma_semaphore, #tpu.memory_space<semaphore_mem>>) src(%dma_wait3A_326 : memref<10240x128xf32, #tpu.memory_space<hbm>>) dst(%dma_wait3A_320 : memref<64x128xf32, #tpu.memory_space<vmem>>)
      %dma_start3A_327 = arith.constant 1 : i32
      %dma_start3A_328 = arith.constant 5 : i32
      %dma_start3A_329 = arith.constant 0 : i32
      %dma_start3A_330 = arith.constant 0 : i32
      %dma_start3A_331 = tpu.memref_slice %arg8[%dma_start3A_327, %dma_start3A_329, %dma_start3A_330] : memref<4x64x128xf32, #tpu.memory_space<vmem>> -> memref<1x64x128xf32, #tpu.memory_space<vmem>>
      %dma_start3A_332 = tpu.memref_squeeze %dma_start3A_331 : memref<1x64x128xf32, #tpu.memory_space<vmem>> -> memref<64x128xf32, #tpu.memory_space<vmem>>
      %dma_start3A_333 = arith.constant 0 : i32
      %dma_start3A_334 = tpu.memref_slice %arg7[%dma_start3A_328, %dma_start3A_333] : memref<40x64xi32, #tpu.memory_space<vmem>> -> memref<1x64xi32, #tpu.memory_space<vmem>>
      %dma_start3A_335 = tpu.memref_squeeze %dma_start3A_334 : memref<1x64xi32, #tpu.memory_space<vmem>> -> memref<64xi32, #tpu.memory_space<vmem>>
      %dma_start3A_336 = arith.constant 0 : i32
      %dma_start3A_337 = arith.constant 0 : i32
      %dma_start3A_338 = tpu.memref_slice %arg9[%dma_start3A_336, %dma_start3A_337] : memref<10240x128xf32, #tpu.memory_space<vmem_shared>> -> memref<10240x128xf32, #tpu.memory_space<vmem_shared>>
      tpu.enqueue_indirect_dma source(%dma_start3A_332 : memref<64x128xf32, #tpu.memory_space<vmem>>) target(%dma_start3A_338 : memref<10240x128xf32, #tpu.memory_space<vmem_shared>>) offsets(%dma_start3A_335 : memref<64xi32, #tpu.memory_space<vmem>>) semaphore(%arg15 : memref<!tpu.dma_semaphore, #tpu.memory_space<semaphore_mem>>) {add = true}
      %dma_wait3A_339 = arith.constant 0 : i32
      %dma_wait3A_340 = arith.constant 0 : i32
      %dma_wait3A_341 = arith.constant 0 : i32
      %dma_wait3A_342 = arith.constant 0 : i32
      %dma_wait3A_343 = tpu.memref_slice %arg8[%dma_wait3A_339, %dma_wait3A_341, %dma_wait3A_342] : memref<4x64x128xf32, #tpu.memory_space<vmem>> -> memref<1x64x128xf32, #tpu.memory_space<vmem>>
      %dma_wait3A_344 = tpu.memref_squeeze %dma_wait3A_343 : memref<1x64x128xf32, #tpu.memory_space<vmem>> -> memref<64x128xf32, #tpu.memory_space<vmem>>
      %dma_wait3A_345 = arith.constant 0 : i32
      %dma_wait3A_346 = tpu.memref_slice %arg7[%dma_wait3A_340, %dma_wait3A_345] : memref<40x64xi32, #tpu.memory_space<vmem>> -> memref<1x64xi32, #tpu.memory_space<vmem>>
      %dma_wait3A_347 = tpu.memref_squeeze %dma_wait3A_346 : memref<1x64xi32, #tpu.memory_space<vmem>> -> memref<64xi32, #tpu.memory_space<vmem>>
      %dma_wait3A_348 = arith.constant 0 : i32
      %dma_wait3A_349 = arith.constant 0 : i32
      %dma_wait3A_350 = tpu.memref_slice %arg9[%dma_wait3A_348, %dma_wait3A_349] : memref<10240x128xf32, #tpu.memory_space<vmem_shared>> -> memref<10240x128xf32, #tpu.memory_space<vmem_shared>>
      tpu.wait_indirect_dma semaphore(%arg14 : memref<!tpu.dma_semaphore, #tpu.memory_space<semaphore_mem>>) src(%dma_wait3A_344 : memref<64x128xf32, #tpu.memory_space<vmem>>) dst(%dma_wait3A_350 : memref<10240x128xf32, #tpu.memory_space<vmem_shared>>)
      %dma_start3A_351 = arith.constant 8 : i32
      %dma_start3A_352 = arith.constant 0 : i32
      %dma_start3A_353 = arith.constant 0 : i32
      %dma_start3A_354 = arith.constant 0 : i32
      %dma_start3A_355 = tpu.memref_slice %arg8[%dma_start3A_352, %dma_start3A_353, %dma_start3A_354] : memref<4x64x128xf32, #tpu.memory_space<vmem>> -> memref<1x64x128xf32, #tpu.memory_space<vmem>>
      %dma_start3A_356 = tpu.memref_squeeze %dma_start3A_355 : memref<1x64x128xf32, #tpu.memory_space<vmem>> -> memref<64x128xf32, #tpu.memory_space<vmem>>
      %dma_start3A_357 = arith.constant 0 : i32
      %dma_start3A_358 = tpu.memref_slice %arg6[%dma_start3A_351, %dma_start3A_357] : memref<40x64xi32, #tpu.memory_space<vmem>> -> memref<1x64xi32, #tpu.memory_space<vmem>>
      %dma_start3A_359 = tpu.memref_squeeze %dma_start3A_358 : memref<1x64xi32, #tpu.memory_space<vmem>> -> memref<64xi32, #tpu.memory_space<vmem>>
      %dma_start3A_360 = arith.constant 0 : i32
      %dma_start3A_361 = arith.constant 0 : i32
      %dma_start3A_362 = tpu.memref_slice %arg2[%dma_start3A_360, %dma_start3A_361] : memref<10240x128xf32, #tpu.memory_space<hbm>> -> memref<10240x128xf32, #tpu.memory_space<hbm>>
      tpu.enqueue_indirect_dma source(%dma_start3A_362 : memref<10240x128xf32, #tpu.memory_space<hbm>>) target(%dma_start3A_356 : memref<64x128xf32, #tpu.memory_space<vmem>>) offsets(%dma_start3A_359 : memref<64xi32, #tpu.memory_space<vmem>>) semaphore(%arg10 : memref<!tpu.dma_semaphore, #tpu.memory_space<semaphore_mem>>)
      %dma_wait3A_363 = arith.constant 0 : i32
      %dma_wait3A_364 = arith.constant 2 : i32
      %dma_wait3A_365 = arith.constant 0 : i32
      %dma_wait3A_366 = arith.constant 0 : i32
      %dma_wait3A_367 = tpu.memref_slice %arg8[%dma_wait3A_364, %dma_wait3A_365, %dma_wait3A_366] : memref<4x64x128xf32, #tpu.memory_space<vmem>> -> memref<1x64x128xf32, #tpu.memory_space<vmem>>
      %dma_wait3A_368 = tpu.memref_squeeze %dma_wait3A_367 : memref<1x64x128xf32, #tpu.memory_space<vmem>> -> memref<64x128xf32, #tpu.memory_space<vmem>>
      %dma_wait3A_369 = arith.constant 0 : i32
      %dma_wait3A_370 = tpu.memref_slice %arg6[%dma_wait3A_363, %dma_wait3A_369] : memref<40x64xi32, #tpu.memory_space<vmem>> -> memref<1x64xi32, #tpu.memory_space<vmem>>
      %dma_wait3A_371 = tpu.memref_squeeze %dma_wait3A_370 : memref<1x64xi32, #tpu.memory_space<vmem>> -> memref<64xi32, #tpu.memory_space<vmem>>
      %dma_wait3A_372 = arith.constant 0 : i32
      %dma_wait3A_373 = arith.constant 0 : i32
      %dma_wait3A_374 = tpu.memref_slice %arg2[%dma_wait3A_372, %dma_wait3A_373] : memref<10240x128xf32, #tpu.memory_space<hbm>> -> memref<10240x128xf32, #tpu.memory_space<hbm>>
      tpu.wait_indirect_dma semaphore(%arg12 : memref<!tpu.dma_semaphore, #tpu.memory_space<semaphore_mem>>) src(%dma_wait3A_374 : memref<10240x128xf32, #tpu.memory_space<hbm>>) dst(%dma_wait3A_368 : memref<64x128xf32, #tpu.memory_space<vmem>>)
      %dma_start3A_375 = arith.constant 2 : i32
      %dma_start3A_376 = arith.constant 6 : i32
      %dma_start3A_377 = arith.constant 0 : i32
      %dma_start3A_378 = arith.constant 0 : i32
      %dma_start3A_379 = tpu.memref_slice %arg8[%dma_start3A_375, %dma_start3A_377, %dma_start3A_378] : memref<4x64x128xf32, #tpu.memory_space<vmem>> -> memref<1x64x128xf32, #tpu.memory_space<vmem>>
      %dma_start3A_380 = tpu.memref_squeeze %dma_start3A_379 : memref<1x64x128xf32, #tpu.memory_space<vmem>> -> memref<64x128xf32, #tpu.memory_space<vmem>>
      %dma_start3A_381 = arith.constant 0 : i32
      %dma_start3A_382 = tpu.memref_slice %arg7[%dma_start3A_376, %dma_start3A_381] : memref<40x64xi32, #tpu.memory_space<vmem>> -> memref<1x64xi32, #tpu.memory_space<vmem>>
      %dma_start3A_383 = tpu.memref_squeeze %dma_start3A_382 : memref<1x64xi32, #tpu.memory_space<vmem>> -> memref<64xi32, #tpu.memory_space<vmem>>
      %dma_start3A_384 = arith.constant 0 : i32
      %dma_start3A_385 = arith.constant 0 : i32
      %dma_start3A_386 = tpu.memref_slice %arg9[%dma_start3A_384, %dma_start3A_385] : memref<10240x128xf32, #tpu.memory_space<vmem_shared>> -> memref<10240x128xf32, #tpu.memory_space<vmem_shared>>
      tpu.enqueue_indirect_dma source(%dma_start3A_380 : memref<64x128xf32, #tpu.memory_space<vmem>>) target(%dma_start3A_386 : memref<10240x128xf32, #tpu.memory_space<vmem_shared>>) offsets(%dma_start3A_383 : memref<64xi32, #tpu.memory_space<vmem>>) semaphore(%arg16 : memref<!tpu.dma_semaphore, #tpu.memory_space<semaphore_mem>>) {add = true}
      %dma_wait3A_387 = arith.constant 1 : i32
      %dma_wait3A_388 = arith.constant 0 : i32
      %dma_wait3A_389 = arith.constant 0 : i32
      %dma_wait3A_390 = arith.constant 0 : i32
      %dma_wait3A_391 = tpu.memref_slice %arg8[%dma_wait3A_387, %dma_wait3A_389, %dma_wait3A_390] : memref<4x64x128xf32, #tpu.memory_space<vmem>> -> memref<1x64x128xf32, #tpu.memory_space<vmem>>
      %dma_wait3A_392 = tpu.memref_squeeze %dma_wait3A_391 : memref<1x64x128xf32, #tpu.memory_space<vmem>> -> memref<64x128xf32, #tpu.memory_space<vmem>>
      %dma_wait3A_393 = arith.constant 0 : i32
      %dma_wait3A_394 = tpu.memref_slice %arg7[%dma_wait3A_388, %dma_wait3A_393] : memref<40x64xi32, #tpu.memory_space<vmem>> -> memref<1x64xi32, #tpu.memory_space<vmem>>
      %dma_wait3A_395 = tpu.memref_squeeze %dma_wait3A_394 : memref<1x64xi32, #tpu.memory_space<vmem>> -> memref<64xi32, #tpu.memory_space<vmem>>
      %dma_wait3A_396 = arith.constant 0 : i32
      %dma_wait3A_397 = arith.constant 0 : i32
      %dma_wait3A_398 = tpu.memref_slice %arg9[%dma_wait3A_396, %dma_wait3A_397] : memref<10240x128xf32, #tpu.memory_space<vmem_shared>> -> memref<10240x128xf32, #tpu.memory_space<vmem_shared>>
      tpu.wait_indirect_dma semaphore(%arg15 : memref<!tpu.dma_semaphore, #tpu.memory_space<semaphore_mem>>) src(%dma_wait3A_392 : memref<64x128xf32, #tpu.memory_space<vmem>>) dst(%dma_wait3A_398 : memref<10240x128xf32, #tpu.memory_space<vmem_shared>>)
      %dma_start3A_399 = arith.constant 9 : i32
      %dma_start3A_400 = arith.constant 1 : i32
      %dma_start3A_401 = arith.constant 0 : i32
      %dma_start3A_402 = arith.constant 0 : i32
      %dma_start3A_403 = tpu.memref_slice %arg8[%dma_start3A_400, %dma_start3A_401, %dma_start3A_402] : memref<4x64x128xf32, #tpu.memory_space<vmem>> -> memref<1x64x128xf32, #tpu.memory_space<vmem>>
      %dma_start3A_404 = tpu.memref_squeeze %dma_start3A_403 : memref<1x64x128xf32, #tpu.memory_space<vmem>> -> memref<64x128xf32, #tpu.memory_space<vmem>>
      %dma_start3A_405 = arith.constant 0 : i32
      %dma_start3A_406 = tpu.memref_slice %arg6[%dma_start3A_399, %dma_start3A_405] : memref<40x64xi32, #tpu.memory_space<vmem>> -> memref<1x64xi32, #tpu.memory_space<vmem>>
      %dma_start3A_407 = tpu.memref_squeeze %dma_start3A_406 : memref<1x64xi32, #tpu.memory_space<vmem>> -> memref<64xi32, #tpu.memory_space<vmem>>
      %dma_start3A_408 = arith.constant 0 : i32
      %dma_start3A_409 = arith.constant 0 : i32
      %dma_start3A_410 = tpu.memref_slice %arg2[%dma_start3A_408, %dma_start3A_409] : memref<10240x128xf32, #tpu.memory_space<hbm>> -> memref<10240x128xf32, #tpu.memory_space<hbm>>
      tpu.enqueue_indirect_dma source(%dma_start3A_410 : memref<10240x128xf32, #tpu.memory_space<hbm>>) target(%dma_start3A_404 : memref<64x128xf32, #tpu.memory_space<vmem>>) offsets(%dma_start3A_407 : memref<64xi32, #tpu.memory_space<vmem>>) semaphore(%arg11 : memref<!tpu.dma_semaphore, #tpu.memory_space<semaphore_mem>>)
      %dma_wait3A_411 = arith.constant 0 : i32
      %dma_wait3A_412 = arith.constant 3 : i32
      %dma_wait3A_413 = arith.constant 0 : i32
      %dma_wait3A_414 = arith.constant 0 : i32
      %dma_wait3A_415 = tpu.memref_slice %arg8[%dma_wait3A_412, %dma_wait3A_413, %dma_wait3A_414] : memref<4x64x128xf32, #tpu.memory_space<vmem>> -> memref<1x64x128xf32, #tpu.memory_space<vmem>>
      %dma_wait3A_416 = tpu.memref_squeeze %dma_wait3A_415 : memref<1x64x128xf32, #tpu.memory_space<vmem>> -> memref<64x128xf32, #tpu.memory_space<vmem>>
      %dma_wait3A_417 = arith.constant 0 : i32
      %dma_wait3A_418 = tpu.memref_slice %arg6[%dma_wait3A_411, %dma_wait3A_417] : memref<40x64xi32, #tpu.memory_space<vmem>> -> memref<1x64xi32, #tpu.memory_space<vmem>>
      %dma_wait3A_419 = tpu.memref_squeeze %dma_wait3A_418 : memref<1x64xi32, #tpu.memory_space<vmem>> -> memref<64xi32, #tpu.memory_space<vmem>>
      %dma_wait3A_420 = arith.constant 0 : i32
      %dma_wait3A_421 = arith.constant 0 : i32
      %dma_wait3A_422 = tpu.memref_slice %arg2[%dma_wait3A_420, %dma_wait3A_421] : memref<10240x128xf32, #tpu.memory_space<hbm>> -> memref<10240x128xf32, #tpu.memory_space<hbm>>
      tpu.wait_indirect_dma semaphore(%arg13 : memref<!tpu.dma_semaphore, #tpu.memory_space<semaphore_mem>>) src(%dma_wait3A_422 : memref<10240x128xf32, #tpu.memory_space<hbm>>) dst(%dma_wait3A_416 : memref<64x128xf32, #tpu.memory_space<vmem>>)
      %dma_start3A_423 = arith.constant 3 : i32
      %dma_start3A_424 = arith.constant 7 : i32
      %dma_start3A_425 = arith.constant 0 : i32
      %dma_start3A_426 = arith.constant 0 : i32
      %dma_start3A_427 = tpu.memref_slice %arg8[%dma_start3A_423, %dma_start3A_425, %dma_start3A_426] : memref<4x64x128xf32, #tpu.memory_space<vmem>> -> memref<1x64x128xf32, #tpu.memory_space<vmem>>
      %dma_start3A_428 = tpu.memref_squeeze %dma_start3A_427 : memref<1x64x128xf32, #tpu.memory_space<vmem>> -> memref<64x128xf32, #tpu.memory_space<vmem>>
      %dma_start3A_429 = arith.constant 0 : i32
      %dma_start3A_430 = tpu.memref_slice %arg7[%dma_start3A_424, %dma_start3A_429] : memref<40x64xi32, #tpu.memory_space<vmem>> -> memref<1x64xi32, #tpu.memory_space<vmem>>
      %dma_start3A_431 = tpu.memref_squeeze %dma_start3A_430 : memref<1x64xi32, #tpu.memory_space<vmem>> -> memref<64xi32, #tpu.memory_space<vmem>>
      %dma_start3A_432 = arith.constant 0 : i32
      %dma_start3A_433 = arith.constant 0 : i32
      %dma_start3A_434 = tpu.memref_slice %arg9[%dma_start3A_432, %dma_start3A_433] : memref<10240x128xf32, #tpu.memory_space<vmem_shared>> -> memref<10240x128xf32, #tpu.memory_space<vmem_shared>>
      tpu.enqueue_indirect_dma source(%dma_start3A_428 : memref<64x128xf32, #tpu.memory_space<vmem>>) target(%dma_start3A_434 : memref<10240x128xf32, #tpu.memory_space<vmem_shared>>) offsets(%dma_start3A_431 : memref<64xi32, #tpu.memory_space<vmem>>) semaphore(%arg17 : memref<!tpu.dma_semaphore, #tpu.memory_space<semaphore_mem>>) {add = true}
      %dma_wait3A_435 = arith.constant 2 : i32
      %dma_wait3A_436 = arith.constant 0 : i32
      %dma_wait3A_437 = arith.constant 0 : i32
      %dma_wait3A_438 = arith.constant 0 : i32
      %dma_wait3A_439 = tpu.memref_slice %arg8[%dma_wait3A_435, %dma_wait3A_437, %dma_wait3A_438] : memref<4x64x128xf32, #tpu.memory_space<vmem>> -> memref<1x64x128xf32, #tpu.memory_space<vmem>>
      %dma_wait3A_440 = tpu.memref_squeeze %dma_wait3A_439 : memref<1x64x128xf32, #tpu.memory_space<vmem>> -> memref<64x128xf32, #tpu.memory_space<vmem>>
      %dma_wait3A_441 = arith.constant 0 : i32
      %dma_wait3A_442 = tpu.memref_slice %arg7[%dma_wait3A_436, %dma_wait3A_441] : memref<40x64xi32, #tpu.memory_space<vmem>> -> memref<1x64xi32, #tpu.memory_space<vmem>>
      %dma_wait3A_443 = tpu.memref_squeeze %dma_wait3A_442 : memref<1x64xi32, #tpu.memory_space<vmem>> -> memref<64xi32, #tpu.memory_space<vmem>>
      %dma_wait3A_444 = arith.constant 0 : i32
      %dma_wait3A_445 = arith.constant 0 : i32
      %dma_wait3A_446 = tpu.memref_slice %arg9[%dma_wait3A_444, %dma_wait3A_445] : memref<10240x128xf32, #tpu.memory_space<vmem_shared>> -> memref<10240x128xf32, #tpu.memory_space<vmem_shared>>
      tpu.wait_indirect_dma semaphore(%arg16 : memref<!tpu.dma_semaphore, #tpu.memory_space<semaphore_mem>>) src(%dma_wait3A_440 : memref<64x128xf32, #tpu.memory_space<vmem>>) dst(%dma_wait3A_446 : memref<10240x128xf32, #tpu.memory_space<vmem_shared>>)
      %dma_start3A_447 = arith.constant 10 : i32
      %dma_start3A_448 = arith.constant 2 : i32
      %dma_start3A_449 = arith.constant 0 : i32
      %dma_start3A_450 = arith.constant 0 : i32
      %dma_start3A_451 = tpu.memref_slice %arg8[%dma_start3A_448, %dma_start3A_449, %dma_start3A_450] : memref<4x64x128xf32, #tpu.memory_space<vmem>> -> memref<1x64x128xf32, #tpu.memory_space<vmem>>
      %dma_start3A_452 = tpu.memref_squeeze %dma_start3A_451 : memref<1x64x128xf32, #tpu.memory_space<vmem>> -> memref<64x128xf32, #tpu.memory_space<vmem>>
      %dma_start3A_453 = arith.constant 0 : i32
      %dma_start3A_454 = tpu.memref_slice %arg6[%dma_start3A_447, %dma_start3A_453] : memref<40x64xi32, #tpu.memory_space<vmem>> -> memref<1x64xi32, #tpu.memory_space<vmem>>
      %dma_start3A_455 = tpu.memref_squeeze %dma_start3A_454 : memref<1x64xi32, #tpu.memory_space<vmem>> -> memref<64xi32, #tpu.memory_space<vmem>>
      %dma_start3A_456 = arith.constant 0 : i32
      %dma_start3A_457 = arith.constant 0 : i32
      %dma_start3A_458 = tpu.memref_slice %arg2[%dma_start3A_456, %dma_start3A_457] : memref<10240x128xf32, #tpu.memory_space<hbm>> -> memref<10240x128xf32, #tpu.memory_space<hbm>>
      tpu.enqueue_indirect_dma source(%dma_start3A_458 : memref<10240x128xf32, #tpu.memory_space<hbm>>) target(%dma_start3A_452 : memref<64x128xf32, #tpu.memory_space<vmem>>) offsets(%dma_start3A_455 : memref<64xi32, #tpu.memory_space<vmem>>) semaphore(%arg12 : memref<!tpu.dma_semaphore, #tpu.memory_space<semaphore_mem>>)
      %dma_wait3A_459 = arith.constant 0 : i32
      %dma_wait3A_460 = arith.constant 0 : i32
      %dma_wait3A_461 = arith.constant 0 : i32
      %dma_wait3A_462 = arith.constant 0 : i32
      %dma_wait3A_463 = tpu.memref_slice %arg8[%dma_wait3A_460, %dma_wait3A_461, %dma_wait3A_462] : memref<4x64x128xf32, #tpu.memory_space<vmem>> -> memref<1x64x128xf32, #tpu.memory_space<vmem>>
      %dma_wait3A_464 = tpu.memref_squeeze %dma_wait3A_463 : memref<1x64x128xf32, #tpu.memory_space<vmem>> -> memref<64x128xf32, #tpu.memory_space<vmem>>
      %dma_wait3A_465 = arith.constant 0 : i32
      %dma_wait3A_466 = tpu.memref_slice %arg6[%dma_wait3A_459, %dma_wait3A_465] : memref<40x64xi32, #tpu.memory_space<vmem>> -> memref<1x64xi32, #tpu.memory_space<vmem>>
      %dma_wait3A_467 = tpu.memref_squeeze %dma_wait3A_466 : memref<1x64xi32, #tpu.memory_space<vmem>> -> memref<64xi32, #tpu.memory_space<vmem>>
      %dma_wait3A_468 = arith.constant 0 : i32
      %dma_wait3A_469 = arith.constant 0 : i32
      %dma_wait3A_470 = tpu.memref_slice %arg2[%dma_wait3A_468, %dma_wait3A_469] : memref<10240x128xf32, #tpu.memory_space<hbm>> -> memref<10240x128xf32, #tpu.memory_space<hbm>>
      tpu.wait_indirect_dma semaphore(%arg10 : memref<!tpu.dma_semaphore, #tpu.memory_space<semaphore_mem>>) src(%dma_wait3A_470 : memref<10240x128xf32, #tpu.memory_space<hbm>>) dst(%dma_wait3A_464 : memref<64x128xf32, #tpu.memory_space<vmem>>)
      %dma_start3A_471 = arith.constant 0 : i32
      %dma_start3A_472 = arith.constant 8 : i32
      %dma_start3A_473 = arith.constant 0 : i32
      %dma_start3A_474 = arith.constant 0 : i32
      %dma_start3A_475 = tpu.memref_slice %arg8[%dma_start3A_471, %dma_start3A_473, %dma_start3A_474] : memref<4x64x128xf32, #tpu.memory_space<vmem>> -> memref<1x64x128xf32, #tpu.memory_space<vmem>>
      %dma_start3A_476 = tpu.memref_squeeze %dma_start3A_475 : memref<1x64x128xf32, #tpu.memory_space<vmem>> -> memref<64x128xf32, #tpu.memory_space<vmem>>
      %dma_start3A_477 = arith.constant 0 : i32
      %dma_start3A_478 = tpu.memref_slice %arg7[%dma_start3A_472, %dma_start3A_477] : memref<40x64xi32, #tpu.memory_space<vmem>> -> memref<1x64xi32, #tpu.memory_space<vmem>>
      %dma_start3A_479 = tpu.memref_squeeze %dma_start3A_478 : memref<1x64xi32, #tpu.memory_space<vmem>> -> memref<64xi32, #tpu.memory_space<vmem>>
      %dma_start3A_480 = arith.constant 0 : i32
      %dma_start3A_481 = arith.constant 0 : i32
      %dma_start3A_482 = tpu.memref_slice %arg9[%dma_start3A_480, %dma_start3A_481] : memref<10240x128xf32, #tpu.memory_space<vmem_shared>> -> memref<10240x128xf32, #tpu.memory_space<vmem_shared>>
      tpu.enqueue_indirect_dma source(%dma_start3A_476 : memref<64x128xf32, #tpu.memory_space<vmem>>) target(%dma_start3A_482 : memref<10240x128xf32, #tpu.memory_space<vmem_shared>>) offsets(%dma_start3A_479 : memref<64xi32, #tpu.memory_space<vmem>>) semaphore(%arg14 : memref<!tpu.dma_semaphore, #tpu.memory_space<semaphore_mem>>) {add = true}
      %dma_wait3A_483 = arith.constant 3 : i32
      %dma_wait3A_484 = arith.constant 0 : i32
      %dma_wait3A_485 = arith.constant 0 : i32
      %dma_wait3A_486 = arith.constant 0 : i32
      %dma_wait3A_487 = tpu.memref_slice %arg8[%dma_wait3A_483, %dma_wait3A_485, %dma_wait3A_486] : memref<4x64x128xf32, #tpu.memory_space<vmem>> -> memref<1x64x128xf32, #tpu.memory_space<vmem>>
      %dma_wait3A_488 = tpu.memref_squeeze %dma_wait3A_487 : memref<1x64x128xf32, #tpu.memory_space<vmem>> -> memref<64x128xf32, #tpu.memory_space<vmem>>
      %dma_wait3A_489 = arith.constant 0 : i32
      %dma_wait3A_490 = tpu.memref_slice %arg7[%dma_wait3A_484, %dma_wait3A_489] : memref<40x64xi32, #tpu.memory_space<vmem>> -> memref<1x64xi32, #tpu.memory_space<vmem>>
      %dma_wait3A_491 = tpu.memref_squeeze %dma_wait3A_490 : memref<1x64xi32, #tpu.memory_space<vmem>> -> memref<64xi32, #tpu.memory_space<vmem>>
      %dma_wait3A_492 = arith.constant 0 : i32
      %dma_wait3A_493 = arith.constant 0 : i32
      %dma_wait3A_494 = tpu.memref_slice %arg9[%dma_wait3A_492, %dma_wait3A_493] : memref<10240x128xf32, #tpu.memory_space<vmem_shared>> -> memref<10240x128xf32, #tpu.memory_space<vmem_shared>>
      tpu.wait_indirect_dma semaphore(%arg17 : memref<!tpu.dma_semaphore, #tpu.memory_space<semaphore_mem>>) src(%dma_wait3A_488 : memref<64x128xf32, #tpu.memory_space<vmem>>) dst(%dma_wait3A_494 : memref<10240x128xf32, #tpu.memory_space<vmem_shared>>)
      %dma_start3A_495 = arith.constant 11 : i32
      %dma_start3A_496 = arith.constant 3 : i32
      %dma_start3A_497 = arith.constant 0 : i32
      %dma_start3A_498 = arith.constant 0 : i32
      %dma_start3A_499 = tpu.memref_slice %arg8[%dma_start3A_496, %dma_start3A_497, %dma_start3A_498] : memref<4x64x128xf32, #tpu.memory_space<vmem>> -> memref<1x64x128xf32, #tpu.memory_space<vmem>>
      %dma_start3A_500 = tpu.memref_squeeze %dma_start3A_499 : memref<1x64x128xf32, #tpu.memory_space<vmem>> -> memref<64x128xf32, #tpu.memory_space<vmem>>
      %dma_start3A_501 = arith.constant 0 : i32
      %dma_start3A_502 = tpu.memref_slice %arg6[%dma_start3A_495, %dma_start3A_501] : memref<40x64xi32, #tpu.memory_space<vmem>> -> memref<1x64xi32, #tpu.memory_space<vmem>>
      %dma_start3A_503 = tpu.memref_squeeze %dma_start3A_502 : memref<1x64xi32, #tpu.memory_space<vmem>> -> memref<64xi32, #tpu.memory_space<vmem>>
      %dma_start3A_504 = arith.constant 0 : i32
      %dma_start3A_505 = arith.constant 0 : i32
      %dma_start3A_506 = tpu.memref_slice %arg2[%dma_start3A_504, %dma_start3A_505] : memref<10240x128xf32, #tpu.memory_space<hbm>> -> memref<10240x128xf32, #tpu.memory_space<hbm>>
      tpu.enqueue_indirect_dma source(%dma_start3A_506 : memref<10240x128xf32, #tpu.memory_space<hbm>>) target(%dma_start3A_500 : memref<64x128xf32, #tpu.memory_space<vmem>>) offsets(%dma_start3A_503 : memref<64xi32, #tpu.memory_space<vmem>>) semaphore(%arg13 : memref<!tpu.dma_semaphore, #tpu.memory_space<semaphore_mem>>)
      %dma_wait3A_507 = arith.constant 0 : i32
      %dma_wait3A_508 = arith.constant 1 : i32
      %dma_wait3A_509 = arith.constant 0 : i32
      %dma_wait3A_510 = arith.constant 0 : i32
      %dma_wait3A_511 = tpu.memref_slice %arg8[%dma_wait3A_508, %dma_wait3A_509, %dma_wait3A_510] : memref<4x64x128xf32, #tpu.memory_space<vmem>> -> memref<1x64x128xf32, #tpu.memory_space<vmem>>
      %dma_wait3A_512 = tpu.memref_squeeze %dma_wait3A_511 : memref<1x64x128xf32, #tpu.memory_space<vmem>> -> memref<64x128xf32, #tpu.memory_space<vmem>>
      %dma_wait3A_513 = arith.constant 0 : i32
      %dma_wait3A_514 = tpu.memref_slice %arg6[%dma_wait3A_507, %dma_wait3A_513] : memref<40x64xi32, #tpu.memory_space<vmem>> -> memref<1x64xi32, #tpu.memory_space<vmem>>
      %dma_wait3A_515 = tpu.memref_squeeze %dma_wait3A_514 : memref<1x64xi32, #tpu.memory_space<vmem>> -> memref<64xi32, #tpu.memory_space<vmem>>
      %dma_wait3A_516 = arith.constant 0 : i32
      %dma_wait3A_517 = arith.constant 0 : i32
      %dma_wait3A_518 = tpu.memref_slice %arg2[%dma_wait3A_516, %dma_wait3A_517] : memref<10240x128xf32, #tpu.memory_space<hbm>> -> memref<10240x128xf32, #tpu.memory_space<hbm>>
      tpu.wait_indirect_dma semaphore(%arg11 : memref<!tpu.dma_semaphore, #tpu.memory_space<semaphore_mem>>) src(%dma_wait3A_518 : memref<10240x128xf32, #tpu.memory_space<hbm>>) dst(%dma_wait3A_512 : memref<64x128xf32, #tpu.memory_space<vmem>>)
      %dma_start3A_519 = arith.constant 1 : i32
      %dma_start3A_520 = arith.constant 9 : i32
      %dma_start3A_521 = arith.constant 0 : i32
      %dma_start3A_522 = arith.constant 0 : i32
      %dma_start3A_523 = tpu.memref_slice %arg8[%dma_start3A_519, %dma_start3A_521, %dma_start3A_522] : memref<4x64x128xf32, #tpu.memory_space<vmem>> -> memref<1x64x128xf32, #tpu.memory_space<vmem>>
      %dma_start3A_524 = tpu.memref_squeeze %dma_start3A_523 : memref<1x64x128xf32, #tpu.memory_space<vmem>> -> memref<64x128xf32, #tpu.memory_space<vmem>>
      %dma_start3A_525 = arith.constant 0 : i32
      %dma_start3A_526 = tpu.memref_slice %arg7[%dma_start3A_520, %dma_start3A_525] : memref<40x64xi32, #tpu.memory_space<vmem>> -> memref<1x64xi32, #tpu.memory_space<vmem>>
      %dma_start3A_527 = tpu.memref_squeeze %dma_start3A_526 : memref<1x64xi32, #tpu.memory_space<vmem>> -> memref<64xi32, #tpu.memory_space<vmem>>
      %dma_start3A_528 = arith.constant 0 : i32
      %dma_start3A_529 = arith.constant 0 : i32
      %dma_start3A_530 = tpu.memref_slice %arg9[%dma_start3A_528, %dma_start3A_529] : memref<10240x128xf32, #tpu.memory_space<vmem_shared>> -> memref<10240x128xf32, #tpu.memory_space<vmem_shared>>
      tpu.enqueue_indirect_dma source(%dma_start3A_524 : memref<64x128xf32, #tpu.memory_space<vmem>>) target(%dma_start3A_530 : memref<10240x128xf32, #tpu.memory_space<vmem_shared>>) offsets(%dma_start3A_527 : memref<64xi32, #tpu.memory_space<vmem>>) semaphore(%arg15 : memref<!tpu.dma_semaphore, #tpu.memory_space<semaphore_mem>>) {add = true}
      %dma_wait3A_531 = arith.constant 0 : i32
      %dma_wait3A_532 = arith.constant 0 : i32
      %dma_wait3A_533 = arith.constant 0 : i32
      %dma_wait3A_534 = arith.constant 0 : i32
      %dma_wait3A_535 = tpu.memref_slice %arg8[%dma_wait3A_531, %dma_wait3A_533, %dma_wait3A_534] : memref<4x64x128xf32, #tpu.memory_space<vmem>> -> memref<1x64x128xf32, #tpu.memory_space<vmem>>
      %dma_wait3A_536 = tpu.memref_squeeze %dma_wait3A_535 : memref<1x64x128xf32, #tpu.memory_space<vmem>> -> memref<64x128xf32, #tpu.memory_space<vmem>>
      %dma_wait3A_537 = arith.constant 0 : i32
      %dma_wait3A_538 = tpu.memref_slice %arg7[%dma_wait3A_532, %dma_wait3A_537] : memref<40x64xi32, #tpu.memory_space<vmem>> -> memref<1x64xi32, #tpu.memory_space<vmem>>
      %dma_wait3A_539 = tpu.memref_squeeze %dma_wait3A_538 : memref<1x64xi32, #tpu.memory_space<vmem>> -> memref<64xi32, #tpu.memory_space<vmem>>
      %dma_wait3A_540 = arith.constant 0 : i32
      %dma_wait3A_541 = arith.constant 0 : i32
      %dma_wait3A_542 = tpu.memref_slice %arg9[%dma_wait3A_540, %dma_wait3A_541] : memref<10240x128xf32, #tpu.memory_space<vmem_shared>> -> memref<10240x128xf32, #tpu.memory_space<vmem_shared>>
      tpu.wait_indirect_dma semaphore(%arg14 : memref<!tpu.dma_semaphore, #tpu.memory_space<semaphore_mem>>) src(%dma_wait3A_536 : memref<64x128xf32, #tpu.memory_space<vmem>>) dst(%dma_wait3A_542 : memref<10240x128xf32, #tpu.memory_space<vmem_shared>>)
      %dma_start3A_543 = arith.constant 12 : i32
      %dma_start3A_544 = arith.constant 0 : i32
      %dma_start3A_545 = arith.constant 0 : i32
      %dma_start3A_546 = arith.constant 0 : i32
      %dma_start3A_547 = tpu.memref_slice %arg8[%dma_start3A_544, %dma_start3A_545, %dma_start3A_546] : memref<4x64x128xf32, #tpu.memory_space<vmem>> -> memref<1x64x128xf32, #tpu.memory_space<vmem>>
      %dma_start3A_548 = tpu.memref_squeeze %dma_start3A_547 : memref<1x64x128xf32, #tpu.memory_space<vmem>> -> memref<64x128xf32, #tpu.memory_space<vmem>>
      %dma_start3A_549 = arith.constant 0 : i32
      %dma_start3A_550 = tpu.memref_slice %arg6[%dma_start3A_543, %dma_start3A_549] : memref<40x64xi32, #tpu.memory_space<vmem>> -> memref<1x64xi32, #tpu.memory_space<vmem>>
      %dma_start3A_551 = tpu.memref_squeeze %dma_start3A_550 : memref<1x64xi32, #tpu.memory_space<vmem>> -> memref<64xi32, #tpu.memory_space<vmem>>
      %dma_start3A_552 = arith.constant 0 : i32
      %dma_start3A_553 = arith.constant 0 : i32
      %dma_start3A_554 = tpu.memref_slice %arg2[%dma_start3A_552, %dma_start3A_553] : memref<10240x128xf32, #tpu.memory_space<hbm>> -> memref<10240x128xf32, #tpu.memory_space<hbm>>
      tpu.enqueue_indirect_dma source(%dma_start3A_554 : memref<10240x128xf32, #tpu.memory_space<hbm>>) target(%dma_start3A_548 : memref<64x128xf32, #tpu.memory_space<vmem>>) offsets(%dma_start3A_551 : memref<64xi32, #tpu.memory_space<vmem>>) semaphore(%arg10 : memref<!tpu.dma_semaphore, #tpu.memory_space<semaphore_mem>>)
      %dma_wait3A_555 = arith.constant 0 : i32
      %dma_wait3A_556 = arith.constant 2 : i32
      %dma_wait3A_557 = arith.constant 0 : i32
      %dma_wait3A_558 = arith.constant 0 : i32
      %dma_wait3A_559 = tpu.memref_slice %arg8[%dma_wait3A_556, %dma_wait3A_557, %dma_wait3A_558] : memref<4x64x128xf32, #tpu.memory_space<vmem>> -> memref<1x64x128xf32, #tpu.memory_space<vmem>>
      %dma_wait3A_560 = tpu.memref_squeeze %dma_wait3A_559 : memref<1x64x128xf32, #tpu.memory_space<vmem>> -> memref<64x128xf32, #tpu.memory_space<vmem>>
      %dma_wait3A_561 = arith.constant 0 : i32
      %dma_wait3A_562 = tpu.memref_slice %arg6[%dma_wait3A_555, %dma_wait3A_561] : memref<40x64xi32, #tpu.memory_space<vmem>> -> memref<1x64xi32, #tpu.memory_space<vmem>>
      %dma_wait3A_563 = tpu.memref_squeeze %dma_wait3A_562 : memref<1x64xi32, #tpu.memory_space<vmem>> -> memref<64xi32, #tpu.memory_space<vmem>>
      %dma_wait3A_564 = arith.constant 0 : i32
      %dma_wait3A_565 = arith.constant 0 : i32
      %dma_wait3A_566 = tpu.memref_slice %arg2[%dma_wait3A_564, %dma_wait3A_565] : memref<10240x128xf32, #tpu.memory_space<hbm>> -> memref<10240x128xf32, #tpu.memory_space<hbm>>
      tpu.wait_indirect_dma semaphore(%arg12 : memref<!tpu.dma_semaphore, #tpu.memory_space<semaphore_mem>>) src(%dma_wait3A_566 : memref<10240x128xf32, #tpu.memory_space<hbm>>) dst(%dma_wait3A_560 : memref<64x128xf32, #tpu.memory_space<vmem>>)
      %dma_start3A_567 = arith.constant 2 : i32
      %dma_start3A_568 = arith.constant 10 : i32
      %dma_start3A_569 = arith.constant 0 : i32
      %dma_start3A_570 = arith.constant 0 : i32
      %dma_start3A_571 = tpu.memref_slice %arg8[%dma_start3A_567, %dma_start3A_569, %dma_start3A_570] : memref<4x64x128xf32, #tpu.memory_space<vmem>> -> memref<1x64x128xf32, #tpu.memory_space<vmem>>
      %dma_start3A_572 = tpu.memref_squeeze %dma_start3A_571 : memref<1x64x128xf32, #tpu.memory_space<vmem>> -> memref<64x128xf32, #tpu.memory_space<vmem>>
      %dma_start3A_573 = arith.constant 0 : i32
      %dma_start3A_574 = tpu.memref_slice %arg7[%dma_start3A_568, %dma_start3A_573] : memref<40x64xi32, #tpu.memory_space<vmem>> -> memref<1x64xi32, #tpu.memory_space<vmem>>
      %dma_start3A_575 = tpu.memref_squeeze %dma_start3A_574 : memref<1x64xi32, #tpu.memory_space<vmem>> -> memref<64xi32, #tpu.memory_space<vmem>>
      %dma_start3A_576 = arith.constant 0 : i32
      %dma_start3A_577 = arith.constant 0 : i32
      %dma_start3A_578 = tpu.memref_slice %arg9[%dma_start3A_576, %dma_start3A_577] : memref<10240x128xf32, #tpu.memory_space<vmem_shared>> -> memref<10240x128xf32, #tpu.memory_space<vmem_shared>>
      tpu.enqueue_indirect_dma source(%dma_start3A_572 : memref<64x128xf32, #tpu.memory_space<vmem>>) target(%dma_start3A_578 : memref<10240x128xf32, #tpu.memory_space<vmem_shared>>) offsets(%dma_start3A_575 : memref<64xi32, #tpu.memory_space<vmem>>) semaphore(%arg16 : memref<!tpu.dma_semaphore, #tpu.memory_space<semaphore_mem>>) {add = true}
      %dma_wait3A_579 = arith.constant 1 : i32
      %dma_wait3A_580 = arith.constant 0 : i32
      %dma_wait3A_581 = arith.constant 0 : i32
      %dma_wait3A_582 = arith.constant 0 : i32
      %dma_wait3A_583 = tpu.memref_slice %arg8[%dma_wait3A_579, %dma_wait3A_581, %dma_wait3A_582] : memref<4x64x128xf32, #tpu.memory_space<vmem>> -> memref<1x64x128xf32, #tpu.memory_space<vmem>>
      %dma_wait3A_584 = tpu.memref_squeeze %dma_wait3A_583 : memref<1x64x128xf32, #tpu.memory_space<vmem>> -> memref<64x128xf32, #tpu.memory_space<vmem>>
      %dma_wait3A_585 = arith.constant 0 : i32
      %dma_wait3A_586 = tpu.memref_slice %arg7[%dma_wait3A_580, %dma_wait3A_585] : memref<40x64xi32, #tpu.memory_space<vmem>> -> memref<1x64xi32, #tpu.memory_space<vmem>>
      %dma_wait3A_587 = tpu.memref_squeeze %dma_wait3A_586 : memref<1x64xi32, #tpu.memory_space<vmem>> -> memref<64xi32, #tpu.memory_space<vmem>>
      %dma_wait3A_588 = arith.constant 0 : i32
      %dma_wait3A_589 = arith.constant 0 : i32
      %dma_wait3A_590 = tpu.memref_slice %arg9[%dma_wait3A_588, %dma_wait3A_589] : memref<10240x128xf32, #tpu.memory_space<vmem_shared>> -> memref<10240x128xf32, #tpu.memory_space<vmem_shared>>
      tpu.wait_indirect_dma semaphore(%arg15 : memref<!tpu.dma_semaphore, #tpu.memory_space<semaphore_mem>>) src(%dma_wait3A_584 : memref<64x128xf32, #tpu.memory_space<vmem>>) dst(%dma_wait3A_590 : memref<10240x128xf32, #tpu.memory_space<vmem_shared>>)
      %dma_start3A_591 = arith.constant 13 : i32
      %dma_start3A_592 = arith.constant 1 : i32
      %dma_start3A_593 = arith.constant 0 : i32
      %dma_start3A_594 = arith.constant 0 : i32
      %dma_start3A_595 = tpu.memref_slice %arg8[%dma_start3A_592, %dma_start3A_593, %dma_start3A_594] : memref<4x64x128xf32, #tpu.memory_space<vmem>> -> memref<1x64x128xf32, #tpu.memory_space<vmem>>
      %dma_start3A_596 = tpu.memref_squeeze %dma_start3A_595 : memref<1x64x128xf32, #tpu.memory_space<vmem>> -> memref<64x128xf32, #tpu.memory_space<vmem>>
      %dma_start3A_597 = arith.constant 0 : i32
      %dma_start3A_598 = tpu.memref_slice %arg6[%dma_start3A_591, %dma_start3A_597] : memref<40x64xi32, #tpu.memory_space<vmem>> -> memref<1x64xi32, #tpu.memory_space<vmem>>
      %dma_start3A_599 = tpu.memref_squeeze %dma_start3A_598 : memref<1x64xi32, #tpu.memory_space<vmem>> -> memref<64xi32, #tpu.memory_space<vmem>>
      %dma_start3A_600 = arith.constant 0 : i32
      %dma_start3A_601 = arith.constant 0 : i32
      %dma_start3A_602 = tpu.memref_slice %arg2[%dma_start3A_600, %dma_start3A_601] : memref<10240x128xf32, #tpu.memory_space<hbm>> -> memref<10240x128xf32, #tpu.memory_space<hbm>>
      tpu.enqueue_indirect_dma source(%dma_start3A_602 : memref<10240x128xf32, #tpu.memory_space<hbm>>) target(%dma_start3A_596 : memref<64x128xf32, #tpu.memory_space<vmem>>) offsets(%dma_start3A_599 : memref<64xi32, #tpu.memory_space<vmem>>) semaphore(%arg11 : memref<!tpu.dma_semaphore, #tpu.memory_space<semaphore_mem>>)
      %dma_wait3A_603 = arith.constant 0 : i32
      %dma_wait3A_604 = arith.constant 3 : i32
      %dma_wait3A_605 = arith.constant 0 : i32
      %dma_wait3A_606 = arith.constant 0 : i32
      %dma_wait3A_607 = tpu.memref_slice %arg8[%dma_wait3A_604, %dma_wait3A_605, %dma_wait3A_606] : memref<4x64x128xf32, #tpu.memory_space<vmem>> -> memref<1x64x128xf32, #tpu.memory_space<vmem>>
      %dma_wait3A_608 = tpu.memref_squeeze %dma_wait3A_607 : memref<1x64x128xf32, #tpu.memory_space<vmem>> -> memref<64x128xf32, #tpu.memory_space<vmem>>
      %dma_wait3A_609 = arith.constant 0 : i32
      %dma_wait3A_610 = tpu.memref_slice %arg6[%dma_wait3A_603, %dma_wait3A_609] : memref<40x64xi32, #tpu.memory_space<vmem>> -> memref<1x64xi32, #tpu.memory_space<vmem>>
      %dma_wait3A_611 = tpu.memref_squeeze %dma_wait3A_610 : memref<1x64xi32, #tpu.memory_space<vmem>> -> memref<64xi32, #tpu.memory_space<vmem>>
      %dma_wait3A_612 = arith.constant 0 : i32
      %dma_wait3A_613 = arith.constant 0 : i32
      %dma_wait3A_614 = tpu.memref_slice %arg2[%dma_wait3A_612, %dma_wait3A_613] : memref<10240x128xf32, #tpu.memory_space<hbm>> -> memref<10240x128xf32, #tpu.memory_space<hbm>>
      tpu.wait_indirect_dma semaphore(%arg13 : memref<!tpu.dma_semaphore, #tpu.memory_space<semaphore_mem>>) src(%dma_wait3A_614 : memref<10240x128xf32, #tpu.memory_space<hbm>>) dst(%dma_wait3A_608 : memref<64x128xf32, #tpu.memory_space<vmem>>)
      %dma_start3A_615 = arith.constant 3 : i32
      %dma_start3A_616 = arith.constant 11 : i32
      %dma_start3A_617 = arith.constant 0 : i32
      %dma_start3A_618 = arith.constant 0 : i32
      %dma_start3A_619 = tpu.memref_slice %arg8[%dma_start3A_615, %dma_start3A_617, %dma_start3A_618] : memref<4x64x128xf32, #tpu.memory_space<vmem>> -> memref<1x64x128xf32, #tpu.memory_space<vmem>>
      %dma_start3A_620 = tpu.memref_squeeze %dma_start3A_619 : memref<1x64x128xf32, #tpu.memory_space<vmem>> -> memref<64x128xf32, #tpu.memory_space<vmem>>
      %dma_start3A_621 = arith.constant 0 : i32
      %dma_start3A_622 = tpu.memref_slice %arg7[%dma_start3A_616, %dma_start3A_621] : memref<40x64xi32, #tpu.memory_space<vmem>> -> memref<1x64xi32, #tpu.memory_space<vmem>>
      %dma_start3A_623 = tpu.memref_squeeze %dma_start3A_622 : memref<1x64xi32, #tpu.memory_space<vmem>> -> memref<64xi32, #tpu.memory_space<vmem>>
      %dma_start3A_624 = arith.constant 0 : i32
      %dma_start3A_625 = arith.constant 0 : i32
      %dma_start3A_626 = tpu.memref_slice %arg9[%dma_start3A_624, %dma_start3A_625] : memref<10240x128xf32, #tpu.memory_space<vmem_shared>> -> memref<10240x128xf32, #tpu.memory_space<vmem_shared>>
      tpu.enqueue_indirect_dma source(%dma_start3A_620 : memref<64x128xf32, #tpu.memory_space<vmem>>) target(%dma_start3A_626 : memref<10240x128xf32, #tpu.memory_space<vmem_shared>>) offsets(%dma_start3A_623 : memref<64xi32, #tpu.memory_space<vmem>>) semaphore(%arg17 : memref<!tpu.dma_semaphore, #tpu.memory_space<semaphore_mem>>) {add = true}
      %dma_wait3A_627 = arith.constant 2 : i32
      %dma_wait3A_628 = arith.constant 0 : i32
      %dma_wait3A_629 = arith.constant 0 : i32
      %dma_wait3A_630 = arith.constant 0 : i32
      %dma_wait3A_631 = tpu.memref_slice %arg8[%dma_wait3A_627, %dma_wait3A_629, %dma_wait3A_630] : memref<4x64x128xf32, #tpu.memory_space<vmem>> -> memref<1x64x128xf32, #tpu.memory_space<vmem>>
      %dma_wait3A_632 = tpu.memref_squeeze %dma_wait3A_631 : memref<1x64x128xf32, #tpu.memory_space<vmem>> -> memref<64x128xf32, #tpu.memory_space<vmem>>
      %dma_wait3A_633 = arith.constant 0 : i32
      %dma_wait3A_634 = tpu.memref_slice %arg7[%dma_wait3A_628, %dma_wait3A_633] : memref<40x64xi32, #tpu.memory_space<vmem>> -> memref<1x64xi32, #tpu.memory_space<vmem>>
      %dma_wait3A_635 = tpu.memref_squeeze %dma_wait3A_634 : memref<1x64xi32, #tpu.memory_space<vmem>> -> memref<64xi32, #tpu.memory_space<vmem>>
      %dma_wait3A_636 = arith.constant 0 : i32
      %dma_wait3A_637 = arith.constant 0 : i32
      %dma_wait3A_638 = tpu.memref_slice %arg9[%dma_wait3A_636, %dma_wait3A_637] : memref<10240x128xf32, #tpu.memory_space<vmem_shared>> -> memref<10240x128xf32, #tpu.memory_space<vmem_shared>>
      tpu.wait_indirect_dma semaphore(%arg16 : memref<!tpu.dma_semaphore, #tpu.memory_space<semaphore_mem>>) src(%dma_wait3A_632 : memref<64x128xf32, #tpu.memory_space<vmem>>) dst(%dma_wait3A_638 : memref<10240x128xf32, #tpu.memory_space<vmem_shared>>)
      %dma_start3A_639 = arith.constant 14 : i32
      %dma_start3A_640 = arith.constant 2 : i32
      %dma_start3A_641 = arith.constant 0 : i32
      %dma_start3A_642 = arith.constant 0 : i32
      %dma_start3A_643 = tpu.memref_slice %arg8[%dma_start3A_640, %dma_start3A_641, %dma_start3A_642] : memref<4x64x128xf32, #tpu.memory_space<vmem>> -> memref<1x64x128xf32, #tpu.memory_space<vmem>>
      %dma_start3A_644 = tpu.memref_squeeze %dma_start3A_643 : memref<1x64x128xf32, #tpu.memory_space<vmem>> -> memref<64x128xf32, #tpu.memory_space<vmem>>
      %dma_start3A_645 = arith.constant 0 : i32
      %dma_start3A_646 = tpu.memref_slice %arg6[%dma_start3A_639, %dma_start3A_645] : memref<40x64xi32, #tpu.memory_space<vmem>> -> memref<1x64xi32, #tpu.memory_space<vmem>>
      %dma_start3A_647 = tpu.memref_squeeze %dma_start3A_646 : memref<1x64xi32, #tpu.memory_space<vmem>> -> memref<64xi32, #tpu.memory_space<vmem>>
      %dma_start3A_648 = arith.constant 0 : i32
      %dma_start3A_649 = arith.constant 0 : i32
      %dma_start3A_650 = tpu.memref_slice %arg2[%dma_start3A_648, %dma_start3A_649] : memref<10240x128xf32, #tpu.memory_space<hbm>> -> memref<10240x128xf32, #tpu.memory_space<hbm>>
      tpu.enqueue_indirect_dma source(%dma_start3A_650 : memref<10240x128xf32, #tpu.memory_space<hbm>>) target(%dma_start3A_644 : memref<64x128xf32, #tpu.memory_space<vmem>>) offsets(%dma_start3A_647 : memref<64xi32, #tpu.memory_space<vmem>>) semaphore(%arg12 : memref<!tpu.dma_semaphore, #tpu.memory_space<semaphore_mem>>)
      %dma_wait3A_651 = arith.constant 0 : i32
      %dma_wait3A_652 = arith.constant 0 : i32
      %dma_wait3A_653 = arith.constant 0 : i32
      %dma_wait3A_654 = arith.constant 0 : i32
      %dma_wait3A_655 = tpu.memref_slice %arg8[%dma_wait3A_652, %dma_wait3A_653, %dma_wait3A_654] : memref<4x64x128xf32, #tpu.memory_space<vmem>> -> memref<1x64x128xf32, #tpu.memory_space<vmem>>
      %dma_wait3A_656 = tpu.memref_squeeze %dma_wait3A_655 : memref<1x64x128xf32, #tpu.memory_space<vmem>> -> memref<64x128xf32, #tpu.memory_space<vmem>>
      %dma_wait3A_657 = arith.constant 0 : i32
      %dma_wait3A_658 = tpu.memref_slice %arg6[%dma_wait3A_651, %dma_wait3A_657] : memref<40x64xi32, #tpu.memory_space<vmem>> -> memref<1x64xi32, #tpu.memory_space<vmem>>
      %dma_wait3A_659 = tpu.memref_squeeze %dma_wait3A_658 : memref<1x64xi32, #tpu.memory_space<vmem>> -> memref<64xi32, #tpu.memory_space<vmem>>
      %dma_wait3A_660 = arith.constant 0 : i32
      %dma_wait3A_661 = arith.constant 0 : i32
      %dma_wait3A_662 = tpu.memref_slice %arg2[%dma_wait3A_660, %dma_wait3A_661] : memref<10240x128xf32, #tpu.memory_space<hbm>> -> memref<10240x128xf32, #tpu.memory_space<hbm>>
      tpu.wait_indirect_dma semaphore(%arg10 : memref<!tpu.dma_semaphore, #tpu.memory_space<semaphore_mem>>) src(%dma_wait3A_662 : memref<10240x128xf32, #tpu.memory_space<hbm>>) dst(%dma_wait3A_656 : memref<64x128xf32, #tpu.memory_space<vmem>>)
      %dma_start3A_663 = arith.constant 0 : i32
      %dma_start3A_664 = arith.constant 12 : i32
      %dma_start3A_665 = arith.constant 0 : i32
      %dma_start3A_666 = arith.constant 0 : i32
      %dma_start3A_667 = tpu.memref_slice %arg8[%dma_start3A_663, %dma_start3A_665, %dma_start3A_666] : memref<4x64x128xf32, #tpu.memory_space<vmem>> -> memref<1x64x128xf32, #tpu.memory_space<vmem>>
      %dma_start3A_668 = tpu.memref_squeeze %dma_start3A_667 : memref<1x64x128xf32, #tpu.memory_space<vmem>> -> memref<64x128xf32, #tpu.memory_space<vmem>>
      %dma_start3A_669 = arith.constant 0 : i32
      %dma_start3A_670 = tpu.memref_slice %arg7[%dma_start3A_664, %dma_start3A_669] : memref<40x64xi32, #tpu.memory_space<vmem>> -> memref<1x64xi32, #tpu.memory_space<vmem>>
      %dma_start3A_671 = tpu.memref_squeeze %dma_start3A_670 : memref<1x64xi32, #tpu.memory_space<vmem>> -> memref<64xi32, #tpu.memory_space<vmem>>
      %dma_start3A_672 = arith.constant 0 : i32
      %dma_start3A_673 = arith.constant 0 : i32
      %dma_start3A_674 = tpu.memref_slice %arg9[%dma_start3A_672, %dma_start3A_673] : memref<10240x128xf32, #tpu.memory_space<vmem_shared>> -> memref<10240x128xf32, #tpu.memory_space<vmem_shared>>
      tpu.enqueue_indirect_dma source(%dma_start3A_668 : memref<64x128xf32, #tpu.memory_space<vmem>>) target(%dma_start3A_674 : memref<10240x128xf32, #tpu.memory_space<vmem_shared>>) offsets(%dma_start3A_671 : memref<64xi32, #tpu.memory_space<vmem>>) semaphore(%arg14 : memref<!tpu.dma_semaphore, #tpu.memory_space<semaphore_mem>>) {add = true}
      %dma_wait3A_675 = arith.constant 3 : i32
      %dma_wait3A_676 = arith.constant 0 : i32
      %dma_wait3A_677 = arith.constant 0 : i32
      %dma_wait3A_678 = arith.constant 0 : i32
      %dma_wait3A_679 = tpu.memref_slice %arg8[%dma_wait3A_675, %dma_wait3A_677, %dma_wait3A_678] : memref<4x64x128xf32, #tpu.memory_space<vmem>> -> memref<1x64x128xf32, #tpu.memory_space<vmem>>
      %dma_wait3A_680 = tpu.memref_squeeze %dma_wait3A_679 : memref<1x64x128xf32, #tpu.memory_space<vmem>> -> memref<64x128xf32, #tpu.memory_space<vmem>>
      %dma_wait3A_681 = arith.constant 0 : i32
      %dma_wait3A_682 = tpu.memref_slice %arg7[%dma_wait3A_676, %dma_wait3A_681] : memref<40x64xi32, #tpu.memory_space<vmem>> -> memref<1x64xi32, #tpu.memory_space<vmem>>
      %dma_wait3A_683 = tpu.memref_squeeze %dma_wait3A_682 : memref<1x64xi32, #tpu.memory_space<vmem>> -> memref<64xi32, #tpu.memory_space<vmem>>
      %dma_wait3A_684 = arith.constant 0 : i32
      %dma_wait3A_685 = arith.constant 0 : i32
      %dma_wait3A_686 = tpu.memref_slice %arg9[%dma_wait3A_684, %dma_wait3A_685] : memref<10240x128xf32, #tpu.memory_space<vmem_shared>> -> memref<10240x128xf32, #tpu.memory_space<vmem_shared>>
      tpu.wait_indirect_dma semaphore(%arg17 : memref<!tpu.dma_semaphore, #tpu.memory_space<semaphore_mem>>) src(%dma_wait3A_680 : memref<64x128xf32, #tpu.memory_space<vmem>>) dst(%dma_wait3A_686 : memref<10240x128xf32, #tpu.memory_space<vmem_shared>>)
      %dma_start3A_687 = arith.constant 15 : i32
      %dma_start3A_688 = arith.constant 3 : i32
      %dma_start3A_689 = arith.constant 0 : i32
      %dma_start3A_690 = arith.constant 0 : i32
      %dma_start3A_691 = tpu.memref_slice %arg8[%dma_start3A_688, %dma_start3A_689, %dma_start3A_690] : memref<4x64x128xf32, #tpu.memory_space<vmem>> -> memref<1x64x128xf32, #tpu.memory_space<vmem>>
      %dma_start3A_692 = tpu.memref_squeeze %dma_start3A_691 : memref<1x64x128xf32, #tpu.memory_space<vmem>> -> memref<64x128xf32, #tpu.memory_space<vmem>>
      %dma_start3A_693 = arith.constant 0 : i32
      %dma_start3A_694 = tpu.memref_slice %arg6[%dma_start3A_687, %dma_start3A_693] : memref<40x64xi32, #tpu.memory_space<vmem>> -> memref<1x64xi32, #tpu.memory_space<vmem>>
      %dma_start3A_695 = tpu.memref_squeeze %dma_start3A_694 : memref<1x64xi32, #tpu.memory_space<vmem>> -> memref<64xi32, #tpu.memory_space<vmem>>
      %dma_start3A_696 = arith.constant 0 : i32
      %dma_start3A_697 = arith.constant 0 : i32
      %dma_start3A_698 = tpu.memref_slice %arg2[%dma_start3A_696, %dma_start3A_697] : memref<10240x128xf32, #tpu.memory_space<hbm>> -> memref<10240x128xf32, #tpu.memory_space<hbm>>
      tpu.enqueue_indirect_dma source(%dma_start3A_698 : memref<10240x128xf32, #tpu.memory_space<hbm>>) target(%dma_start3A_692 : memref<64x128xf32, #tpu.memory_space<vmem>>) offsets(%dma_start3A_695 : memref<64xi32, #tpu.memory_space<vmem>>) semaphore(%arg13 : memref<!tpu.dma_semaphore, #tpu.memory_space<semaphore_mem>>)
      %dma_wait3A_699 = arith.constant 0 : i32
      %dma_wait3A_700 = arith.constant 1 : i32
      %dma_wait3A_701 = arith.constant 0 : i32
      %dma_wait3A_702 = arith.constant 0 : i32
      %dma_wait3A_703 = tpu.memref_slice %arg8[%dma_wait3A_700, %dma_wait3A_701, %dma_wait3A_702] : memref<4x64x128xf32, #tpu.memory_space<vmem>> -> memref<1x64x128xf32, #tpu.memory_space<vmem>>
      %dma_wait3A_704 = tpu.memref_squeeze %dma_wait3A_703 : memref<1x64x128xf32, #tpu.memory_space<vmem>> -> memref<64x128xf32, #tpu.memory_space<vmem>>
      %dma_wait3A_705 = arith.constant 0 : i32
      %dma_wait3A_706 = tpu.memref_slice %arg6[%dma_wait3A_699, %dma_wait3A_705] : memref<40x64xi32, #tpu.memory_space<vmem>> -> memref<1x64xi32, #tpu.memory_space<vmem>>
      %dma_wait3A_707 = tpu.memref_squeeze %dma_wait3A_706 : memref<1x64xi32, #tpu.memory_space<vmem>> -> memref<64xi32, #tpu.memory_space<vmem>>
      %dma_wait3A_708 = arith.constant 0 : i32
      %dma_wait3A_709 = arith.constant 0 : i32
      %dma_wait3A_710 = tpu.memref_slice %arg2[%dma_wait3A_708, %dma_wait3A_709] : memref<10240x128xf32, #tpu.memory_space<hbm>> -> memref<10240x128xf32, #tpu.memory_space<hbm>>
      tpu.wait_indirect_dma semaphore(%arg11 : memref<!tpu.dma_semaphore, #tpu.memory_space<semaphore_mem>>) src(%dma_wait3A_710 : memref<10240x128xf32, #tpu.memory_space<hbm>>) dst(%dma_wait3A_704 : memref<64x128xf32, #tpu.memory_space<vmem>>)
      %dma_start3A_711 = arith.constant 1 : i32
      %dma_start3A_712 = arith.constant 13 : i32
      %dma_start3A_713 = arith.constant 0 : i32
      %dma_start3A_714 = arith.constant 0 : i32
      %dma_start3A_715 = tpu.memref_slice %arg8[%dma_start3A_711, %dma_start3A_713, %dma_start3A_714] : memref<4x64x128xf32, #tpu.memory_space<vmem>> -> memref<1x64x128xf32, #tpu.memory_space<vmem>>
      %dma_start3A_716 = tpu.memref_squeeze %dma_start3A_715 : memref<1x64x128xf32, #tpu.memory_space<vmem>> -> memref<64x128xf32, #tpu.memory_space<vmem>>
      %dma_start3A_717 = arith.constant 0 : i32
      %dma_start3A_718 = tpu.memref_slice %arg7[%dma_start3A_712, %dma_start3A_717] : memref<40x64xi32, #tpu.memory_space<vmem>> -> memref<1x64xi32, #tpu.memory_space<vmem>>
      %dma_start3A_719 = tpu.memref_squeeze %dma_start3A_718 : memref<1x64xi32, #tpu.memory_space<vmem>> -> memref<64xi32, #tpu.memory_space<vmem>>
      %dma_start3A_720 = arith.constant 0 : i32
      %dma_start3A_721 = arith.constant 0 : i32
      %dma_start3A_722 = tpu.memref_slice %arg9[%dma_start3A_720, %dma_start3A_721] : memref<10240x128xf32, #tpu.memory_space<vmem_shared>> -> memref<10240x128xf32, #tpu.memory_space<vmem_shared>>
      tpu.enqueue_indirect_dma source(%dma_start3A_716 : memref<64x128xf32, #tpu.memory_space<vmem>>) target(%dma_start3A_722 : memref<10240x128xf32, #tpu.memory_space<vmem_shared>>) offsets(%dma_start3A_719 : memref<64xi32, #tpu.memory_space<vmem>>) semaphore(%arg15 : memref<!tpu.dma_semaphore, #tpu.memory_space<semaphore_mem>>) {add = true}
      %dma_wait3A_723 = arith.constant 0 : i32
      %dma_wait3A_724 = arith.constant 0 : i32
      %dma_wait3A_725 = arith.constant 0 : i32
      %dma_wait3A_726 = arith.constant 0 : i32
      %dma_wait3A_727 = tpu.memref_slice %arg8[%dma_wait3A_723, %dma_wait3A_725, %dma_wait3A_726] : memref<4x64x128xf32, #tpu.memory_space<vmem>> -> memref<1x64x128xf32, #tpu.memory_space<vmem>>
      %dma_wait3A_728 = tpu.memref_squeeze %dma_wait3A_727 : memref<1x64x128xf32, #tpu.memory_space<vmem>> -> memref<64x128xf32, #tpu.memory_space<vmem>>
      %dma_wait3A_729 = arith.constant 0 : i32
      %dma_wait3A_730 = tpu.memref_slice %arg7[%dma_wait3A_724, %dma_wait3A_729] : memref<40x64xi32, #tpu.memory_space<vmem>> -> memref<1x64xi32, #tpu.memory_space<vmem>>
      %dma_wait3A_731 = tpu.memref_squeeze %dma_wait3A_730 : memref<1x64xi32, #tpu.memory_space<vmem>> -> memref<64xi32, #tpu.memory_space<vmem>>
      %dma_wait3A_732 = arith.constant 0 : i32
      %dma_wait3A_733 = arith.constant 0 : i32
      %dma_wait3A_734 = tpu.memref_slice %arg9[%dma_wait3A_732, %dma_wait3A_733] : memref<10240x128xf32, #tpu.memory_space<vmem_shared>> -> memref<10240x128xf32, #tpu.memory_space<vmem_shared>>
      tpu.wait_indirect_dma semaphore(%arg14 : memref<!tpu.dma_semaphore, #tpu.memory_space<semaphore_mem>>) src(%dma_wait3A_728 : memref<64x128xf32, #tpu.memory_space<vmem>>) dst(%dma_wait3A_734 : memref<10240x128xf32, #tpu.memory_space<vmem_shared>>)
      %dma_start3A_735 = arith.constant 16 : i32
      %dma_start3A_736 = arith.constant 0 : i32
      %dma_start3A_737 = arith.constant 0 : i32
      %dma_start3A_738 = arith.constant 0 : i32
      %dma_start3A_739 = tpu.memref_slice %arg8[%dma_start3A_736, %dma_start3A_737, %dma_start3A_738] : memref<4x64x128xf32, #tpu.memory_space<vmem>> -> memref<1x64x128xf32, #tpu.memory_space<vmem>>
      %dma_start3A_740 = tpu.memref_squeeze %dma_start3A_739 : memref<1x64x128xf32, #tpu.memory_space<vmem>> -> memref<64x128xf32, #tpu.memory_space<vmem>>
      %dma_start3A_741 = arith.constant 0 : i32
      %dma_start3A_742 = tpu.memref_slice %arg6[%dma_start3A_735, %dma_start3A_741] : memref<40x64xi32, #tpu.memory_space<vmem>> -> memref<1x64xi32, #tpu.memory_space<vmem>>
      %dma_start3A_743 = tpu.memref_squeeze %dma_start3A_742 : memref<1x64xi32, #tpu.memory_space<vmem>> -> memref<64xi32, #tpu.memory_space<vmem>>
      %dma_start3A_744 = arith.constant 0 : i32
      %dma_start3A_745 = arith.constant 0 : i32
      %dma_start3A_746 = tpu.memref_slice %arg2[%dma_start3A_744, %dma_start3A_745] : memref<10240x128xf32, #tpu.memory_space<hbm>> -> memref<10240x128xf32, #tpu.memory_space<hbm>>
      tpu.enqueue_indirect_dma source(%dma_start3A_746 : memref<10240x128xf32, #tpu.memory_space<hbm>>) target(%dma_start3A_740 : memref<64x128xf32, #tpu.memory_space<vmem>>) offsets(%dma_start3A_743 : memref<64xi32, #tpu.memory_space<vmem>>) semaphore(%arg10 : memref<!tpu.dma_semaphore, #tpu.memory_space<semaphore_mem>>)
      %dma_wait3A_747 = arith.constant 0 : i32
      %dma_wait3A_748 = arith.constant 2 : i32
      %dma_wait3A_749 = arith.constant 0 : i32
      %dma_wait3A_750 = arith.constant 0 : i32
      %dma_wait3A_751 = tpu.memref_slice %arg8[%dma_wait3A_748, %dma_wait3A_749, %dma_wait3A_750] : memref<4x64x128xf32, #tpu.memory_space<vmem>> -> memref<1x64x128xf32, #tpu.memory_space<vmem>>
      %dma_wait3A_752 = tpu.memref_squeeze %dma_wait3A_751 : memref<1x64x128xf32, #tpu.memory_space<vmem>> -> memref<64x128xf32, #tpu.memory_space<vmem>>
      %dma_wait3A_753 = arith.constant 0 : i32
      %dma_wait3A_754 = tpu.memref_slice %arg6[%dma_wait3A_747, %dma_wait3A_753] : memref<40x64xi32, #tpu.memory_space<vmem>> -> memref<1x64xi32, #tpu.memory_space<vmem>>
      %dma_wait3A_755 = tpu.memref_squeeze %dma_wait3A_754 : memref<1x64xi32, #tpu.memory_space<vmem>> -> memref<64xi32, #tpu.memory_space<vmem>>
      %dma_wait3A_756 = arith.constant 0 : i32
      %dma_wait3A_757 = arith.constant 0 : i32
      %dma_wait3A_758 = tpu.memref_slice %arg2[%dma_wait3A_756, %dma_wait3A_757] : memref<10240x128xf32, #tpu.memory_space<hbm>> -> memref<10240x128xf32, #tpu.memory_space<hbm>>
      tpu.wait_indirect_dma semaphore(%arg12 : memref<!tpu.dma_semaphore, #tpu.memory_space<semaphore_mem>>) src(%dma_wait3A_758 : memref<10240x128xf32, #tpu.memory_space<hbm>>) dst(%dma_wait3A_752 : memref<64x128xf32, #tpu.memory_space<vmem>>)
      %dma_start3A_759 = arith.constant 2 : i32
      %dma_start3A_760 = arith.constant 14 : i32
      %dma_start3A_761 = arith.constant 0 : i32
      %dma_start3A_762 = arith.constant 0 : i32
      %dma_start3A_763 = tpu.memref_slice %arg8[%dma_start3A_759, %dma_start3A_761, %dma_start3A_762] : memref<4x64x128xf32, #tpu.memory_space<vmem>> -> memref<1x64x128xf32, #tpu.memory_space<vmem>>
      %dma_start3A_764 = tpu.memref_squeeze %dma_start3A_763 : memref<1x64x128xf32, #tpu.memory_space<vmem>> -> memref<64x128xf32, #tpu.memory_space<vmem>>
      %dma_start3A_765 = arith.constant 0 : i32
      %dma_start3A_766 = tpu.memref_slice %arg7[%dma_start3A_760, %dma_start3A_765] : memref<40x64xi32, #tpu.memory_space<vmem>> -> memref<1x64xi32, #tpu.memory_space<vmem>>
      %dma_start3A_767 = tpu.memref_squeeze %dma_start3A_766 : memref<1x64xi32, #tpu.memory_space<vmem>> -> memref<64xi32, #tpu.memory_space<vmem>>
      %dma_start3A_768 = arith.constant 0 : i32
      %dma_start3A_769 = arith.constant 0 : i32
      %dma_start3A_770 = tpu.memref_slice %arg9[%dma_start3A_768, %dma_start3A_769] : memref<10240x128xf32, #tpu.memory_space<vmem_shared>> -> memref<10240x128xf32, #tpu.memory_space<vmem_shared>>
      tpu.enqueue_indirect_dma source(%dma_start3A_764 : memref<64x128xf32, #tpu.memory_space<vmem>>) target(%dma_start3A_770 : memref<10240x128xf32, #tpu.memory_space<vmem_shared>>) offsets(%dma_start3A_767 : memref<64xi32, #tpu.memory_space<vmem>>) semaphore(%arg16 : memref<!tpu.dma_semaphore, #tpu.memory_space<semaphore_mem>>) {add = true}
      %dma_wait3A_771 = arith.constant 1 : i32
      %dma_wait3A_772 = arith.constant 0 : i32
      %dma_wait3A_773 = arith.constant 0 : i32
      %dma_wait3A_774 = arith.constant 0 : i32
      %dma_wait3A_775 = tpu.memref_slice %arg8[%dma_wait3A_771, %dma_wait3A_773, %dma_wait3A_774] : memref<4x64x128xf32, #tpu.memory_space<vmem>> -> memref<1x64x128xf32, #tpu.memory_space<vmem>>
      %dma_wait3A_776 = tpu.memref_squeeze %dma_wait3A_775 : memref<1x64x128xf32, #tpu.memory_space<vmem>> -> memref<64x128xf32, #tpu.memory_space<vmem>>
      %dma_wait3A_777 = arith.constant 0 : i32
      %dma_wait3A_778 = tpu.memref_slice %arg7[%dma_wait3A_772, %dma_wait3A_777] : memref<40x64xi32, #tpu.memory_space<vmem>> -> memref<1x64xi32, #tpu.memory_space<vmem>>
      %dma_wait3A_779 = tpu.memref_squeeze %dma_wait3A_778 : memref<1x64xi32, #tpu.memory_space<vmem>> -> memref<64xi32, #tpu.memory_space<vmem>>
      %dma_wait3A_780 = arith.constant 0 : i32
      %dma_wait3A_781 = arith.constant 0 : i32
      %dma_wait3A_782 = tpu.memref_slice %arg9[%dma_wait3A_780, %dma_wait3A_781] : memref<10240x128xf32, #tpu.memory_space<vmem_shared>> -> memref<10240x128xf32, #tpu.memory_space<vmem_shared>>
      tpu.wait_indirect_dma semaphore(%arg15 : memref<!tpu.dma_semaphore, #tpu.memory_space<semaphore_mem>>) src(%dma_wait3A_776 : memref<64x128xf32, #tpu.memory_space<vmem>>) dst(%dma_wait3A_782 : memref<10240x128xf32, #tpu.memory_space<vmem_shared>>)
      %dma_start3A_783 = arith.constant 17 : i32
      %dma_start3A_784 = arith.constant 1 : i32
      %dma_start3A_785 = arith.constant 0 : i32
      %dma_start3A_786 = arith.constant 0 : i32
      %dma_start3A_787 = tpu.memref_slice %arg8[%dma_start3A_784, %dma_start3A_785, %dma_start3A_786] : memref<4x64x128xf32, #tpu.memory_space<vmem>> -> memref<1x64x128xf32, #tpu.memory_space<vmem>>
      %dma_start3A_788 = tpu.memref_squeeze %dma_start3A_787 : memref<1x64x128xf32, #tpu.memory_space<vmem>> -> memref<64x128xf32, #tpu.memory_space<vmem>>
      %dma_start3A_789 = arith.constant 0 : i32
      %dma_start3A_790 = tpu.memref_slice %arg6[%dma_start3A_783, %dma_start3A_789] : memref<40x64xi32, #tpu.memory_space<vmem>> -> memref<1x64xi32, #tpu.memory_space<vmem>>
      %dma_start3A_791 = tpu.memref_squeeze %dma_start3A_790 : memref<1x64xi32, #tpu.memory_space<vmem>> -> memref<64xi32, #tpu.memory_space<vmem>>
      %dma_start3A_792 = arith.constant 0 : i32
      %dma_start3A_793 = arith.constant 0 : i32
      %dma_start3A_794 = tpu.memref_slice %arg2[%dma_start3A_792, %dma_start3A_793] : memref<10240x128xf32, #tpu.memory_space<hbm>> -> memref<10240x128xf32, #tpu.memory_space<hbm>>
      tpu.enqueue_indirect_dma source(%dma_start3A_794 : memref<10240x128xf32, #tpu.memory_space<hbm>>) target(%dma_start3A_788 : memref<64x128xf32, #tpu.memory_space<vmem>>) offsets(%dma_start3A_791 : memref<64xi32, #tpu.memory_space<vmem>>) semaphore(%arg11 : memref<!tpu.dma_semaphore, #tpu.memory_space<semaphore_mem>>)
      %dma_wait3A_795 = arith.constant 0 : i32
      %dma_wait3A_796 = arith.constant 3 : i32
      %dma_wait3A_797 = arith.constant 0 : i32
      %dma_wait3A_798 = arith.constant 0 : i32
      %dma_wait3A_799 = tpu.memref_slice %arg8[%dma_wait3A_796, %dma_wait3A_797, %dma_wait3A_798] : memref<4x64x128xf32, #tpu.memory_space<vmem>> -> memref<1x64x128xf32, #tpu.memory_space<vmem>>
      %dma_wait3A_800 = tpu.memref_squeeze %dma_wait3A_799 : memref<1x64x128xf32, #tpu.memory_space<vmem>> -> memref<64x128xf32, #tpu.memory_space<vmem>>
      %dma_wait3A_801 = arith.constant 0 : i32
      %dma_wait3A_802 = tpu.memref_slice %arg6[%dma_wait3A_795, %dma_wait3A_801] : memref<40x64xi32, #tpu.memory_space<vmem>> -> memref<1x64xi32, #tpu.memory_space<vmem>>
      %dma_wait3A_803 = tpu.memref_squeeze %dma_wait3A_802 : memref<1x64xi32, #tpu.memory_space<vmem>> -> memref<64xi32, #tpu.memory_space<vmem>>
      %dma_wait3A_804 = arith.constant 0 : i32
      %dma_wait3A_805 = arith.constant 0 : i32
      %dma_wait3A_806 = tpu.memref_slice %arg2[%dma_wait3A_804, %dma_wait3A_805] : memref<10240x128xf32, #tpu.memory_space<hbm>> -> memref<10240x128xf32, #tpu.memory_space<hbm>>
      tpu.wait_indirect_dma semaphore(%arg13 : memref<!tpu.dma_semaphore, #tpu.memory_space<semaphore_mem>>) src(%dma_wait3A_806 : memref<10240x128xf32, #tpu.memory_space<hbm>>) dst(%dma_wait3A_800 : memref<64x128xf32, #tpu.memory_space<vmem>>)
      %dma_start3A_807 = arith.constant 3 : i32
      %dma_start3A_808 = arith.constant 15 : i32
      %dma_start3A_809 = arith.constant 0 : i32
      %dma_start3A_810 = arith.constant 0 : i32
      %dma_start3A_811 = tpu.memref_slice %arg8[%dma_start3A_807, %dma_start3A_809, %dma_start3A_810] : memref<4x64x128xf32, #tpu.memory_space<vmem>> -> memref<1x64x128xf32, #tpu.memory_space<vmem>>
      %dma_start3A_812 = tpu.memref_squeeze %dma_start3A_811 : memref<1x64x128xf32, #tpu.memory_space<vmem>> -> memref<64x128xf32, #tpu.memory_space<vmem>>
      %dma_start3A_813 = arith.constant 0 : i32
      %dma_start3A_814 = tpu.memref_slice %arg7[%dma_start3A_808, %dma_start3A_813] : memref<40x64xi32, #tpu.memory_space<vmem>> -> memref<1x64xi32, #tpu.memory_space<vmem>>
      %dma_start3A_815 = tpu.memref_squeeze %dma_start3A_814 : memref<1x64xi32, #tpu.memory_space<vmem>> -> memref<64xi32, #tpu.memory_space<vmem>>
      %dma_start3A_816 = arith.constant 0 : i32
      %dma_start3A_817 = arith.constant 0 : i32
      %dma_start3A_818 = tpu.memref_slice %arg9[%dma_start3A_816, %dma_start3A_817] : memref<10240x128xf32, #tpu.memory_space<vmem_shared>> -> memref<10240x128xf32, #tpu.memory_space<vmem_shared>>
      tpu.enqueue_indirect_dma source(%dma_start3A_812 : memref<64x128xf32, #tpu.memory_space<vmem>>) target(%dma_start3A_818 : memref<10240x128xf32, #tpu.memory_space<vmem_shared>>) offsets(%dma_start3A_815 : memref<64xi32, #tpu.memory_space<vmem>>) semaphore(%arg17 : memref<!tpu.dma_semaphore, #tpu.memory_space<semaphore_mem>>) {add = true}
      %dma_wait3A_819 = arith.constant 2 : i32
      %dma_wait3A_820 = arith.constant 0 : i32
      %dma_wait3A_821 = arith.constant 0 : i32
      %dma_wait3A_822 = arith.constant 0 : i32
      %dma_wait3A_823 = tpu.memref_slice %arg8[%dma_wait3A_819, %dma_wait3A_821, %dma_wait3A_822] : memref<4x64x128xf32, #tpu.memory_space<vmem>> -> memref<1x64x128xf32, #tpu.memory_space<vmem>>
      %dma_wait3A_824 = tpu.memref_squeeze %dma_wait3A_823 : memref<1x64x128xf32, #tpu.memory_space<vmem>> -> memref<64x128xf32, #tpu.memory_space<vmem>>
      %dma_wait3A_825 = arith.constant 0 : i32
      %dma_wait3A_826 = tpu.memref_slice %arg7[%dma_wait3A_820, %dma_wait3A_825] : memref<40x64xi32, #tpu.memory_space<vmem>> -> memref<1x64xi32, #tpu.memory_space<vmem>>
      %dma_wait3A_827 = tpu.memref_squeeze %dma_wait3A_826 : memref<1x64xi32, #tpu.memory_space<vmem>> -> memref<64xi32, #tpu.memory_space<vmem>>
      %dma_wait3A_828 = arith.constant 0 : i32
      %dma_wait3A_829 = arith.constant 0 : i32
      %dma_wait3A_830 = tpu.memref_slice %arg9[%dma_wait3A_828, %dma_wait3A_829] : memref<10240x128xf32, #tpu.memory_space<vmem_shared>> -> memref<10240x128xf32, #tpu.memory_space<vmem_shared>>
      tpu.wait_indirect_dma semaphore(%arg16 : memref<!tpu.dma_semaphore, #tpu.memory_space<semaphore_mem>>) src(%dma_wait3A_824 : memref<64x128xf32, #tpu.memory_space<vmem>>) dst(%dma_wait3A_830 : memref<10240x128xf32, #tpu.memory_space<vmem_shared>>)
      %dma_start3A_831 = arith.constant 18 : i32
      %dma_start3A_832 = arith.constant 2 : i32
      %dma_start3A_833 = arith.constant 0 : i32
      %dma_start3A_834 = arith.constant 0 : i32
      %dma_start3A_835 = tpu.memref_slice %arg8[%dma_start3A_832, %dma_start3A_833, %dma_start3A_834] : memref<4x64x128xf32, #tpu.memory_space<vmem>> -> memref<1x64x128xf32, #tpu.memory_space<vmem>>
      %dma_start3A_836 = tpu.memref_squeeze %dma_start3A_835 : memref<1x64x128xf32, #tpu.memory_space<vmem>> -> memref<64x128xf32, #tpu.memory_space<vmem>>
      %dma_start3A_837 = arith.constant 0 : i32
      %dma_start3A_838 = tpu.memref_slice %arg6[%dma_start3A_831, %dma_start3A_837] : memref<40x64xi32, #tpu.memory_space<vmem>> -> memref<1x64xi32, #tpu.memory_space<vmem>>
      %dma_start3A_839 = tpu.memref_squeeze %dma_start3A_838 : memref<1x64xi32, #tpu.memory_space<vmem>> -> memref<64xi32, #tpu.memory_space<vmem>>
      %dma_start3A_840 = arith.constant 0 : i32
      %dma_start3A_841 = arith.constant 0 : i32
      %dma_start3A_842 = tpu.memref_slice %arg2[%dma_start3A_840, %dma_start3A_841] : memref<10240x128xf32, #tpu.memory_space<hbm>> -> memref<10240x128xf32, #tpu.memory_space<hbm>>
      tpu.enqueue_indirect_dma source(%dma_start3A_842 : memref<10240x128xf32, #tpu.memory_space<hbm>>) target(%dma_start3A_836 : memref<64x128xf32, #tpu.memory_space<vmem>>) offsets(%dma_start3A_839 : memref<64xi32, #tpu.memory_space<vmem>>) semaphore(%arg12 : memref<!tpu.dma_semaphore, #tpu.memory_space<semaphore_mem>>)
      %dma_wait3A_843 = arith.constant 0 : i32
      %dma_wait3A_844 = arith.constant 0 : i32
      %dma_wait3A_845 = arith.constant 0 : i32
      %dma_wait3A_846 = arith.constant 0 : i32
      %dma_wait3A_847 = tpu.memref_slice %arg8[%dma_wait3A_844, %dma_wait3A_845, %dma_wait3A_846] : memref<4x64x128xf32, #tpu.memory_space<vmem>> -> memref<1x64x128xf32, #tpu.memory_space<vmem>>
      %dma_wait3A_848 = tpu.memref_squeeze %dma_wait3A_847 : memref<1x64x128xf32, #tpu.memory_space<vmem>> -> memref<64x128xf32, #tpu.memory_space<vmem>>
      %dma_wait3A_849 = arith.constant 0 : i32
      %dma_wait3A_850 = tpu.memref_slice %arg6[%dma_wait3A_843, %dma_wait3A_849] : memref<40x64xi32, #tpu.memory_space<vmem>> -> memref<1x64xi32, #tpu.memory_space<vmem>>
      %dma_wait3A_851 = tpu.memref_squeeze %dma_wait3A_850 : memref<1x64xi32, #tpu.memory_space<vmem>> -> memref<64xi32, #tpu.memory_space<vmem>>
      %dma_wait3A_852 = arith.constant 0 : i32
      %dma_wait3A_853 = arith.constant 0 : i32
      %dma_wait3A_854 = tpu.memref_slice %arg2[%dma_wait3A_852, %dma_wait3A_853] : memref<10240x128xf32, #tpu.memory_space<hbm>> -> memref<10240x128xf32, #tpu.memory_space<hbm>>
      tpu.wait_indirect_dma semaphore(%arg10 : memref<!tpu.dma_semaphore, #tpu.memory_space<semaphore_mem>>) src(%dma_wait3A_854 : memref<10240x128xf32, #tpu.memory_space<hbm>>) dst(%dma_wait3A_848 : memref<64x128xf32, #tpu.memory_space<vmem>>)
      %dma_start3A_855 = arith.constant 0 : i32
      %dma_start3A_856 = arith.constant 16 : i32
      %dma_start3A_857 = arith.constant 0 : i32
      %dma_start3A_858 = arith.constant 0 : i32
      %dma_start3A_859 = tpu.memref_slice %arg8[%dma_start3A_855, %dma_start3A_857, %dma_start3A_858] : memref<4x64x128xf32, #tpu.memory_space<vmem>> -> memref<1x64x128xf32, #tpu.memory_space<vmem>>
      %dma_start3A_860 = tpu.memref_squeeze %dma_start3A_859 : memref<1x64x128xf32, #tpu.memory_space<vmem>> -> memref<64x128xf32, #tpu.memory_space<vmem>>
      %dma_start3A_861 = arith.constant 0 : i32
      %dma_start3A_862 = tpu.memref_slice %arg7[%dma_start3A_856, %dma_start3A_861] : memref<40x64xi32, #tpu.memory_space<vmem>> -> memref<1x64xi32, #tpu.memory_space<vmem>>
      %dma_start3A_863 = tpu.memref_squeeze %dma_start3A_862 : memref<1x64xi32, #tpu.memory_space<vmem>> -> memref<64xi32, #tpu.memory_space<vmem>>
      %dma_start3A_864 = arith.constant 0 : i32
      %dma_start3A_865 = arith.constant 0 : i32
      %dma_start3A_866 = tpu.memref_slice %arg9[%dma_start3A_864, %dma_start3A_865] : memref<10240x128xf32, #tpu.memory_space<vmem_shared>> -> memref<10240x128xf32, #tpu.memory_space<vmem_shared>>
      tpu.enqueue_indirect_dma source(%dma_start3A_860 : memref<64x128xf32, #tpu.memory_space<vmem>>) target(%dma_start3A_866 : memref<10240x128xf32, #tpu.memory_space<vmem_shared>>) offsets(%dma_start3A_863 : memref<64xi32, #tpu.memory_space<vmem>>) semaphore(%arg14 : memref<!tpu.dma_semaphore, #tpu.memory_space<semaphore_mem>>) {add = true}
      %dma_wait3A_867 = arith.constant 3 : i32
      %dma_wait3A_868 = arith.constant 0 : i32
      %dma_wait3A_869 = arith.constant 0 : i32
      %dma_wait3A_870 = arith.constant 0 : i32
      %dma_wait3A_871 = tpu.memref_slice %arg8[%dma_wait3A_867, %dma_wait3A_869, %dma_wait3A_870] : memref<4x64x128xf32, #tpu.memory_space<vmem>> -> memref<1x64x128xf32, #tpu.memory_space<vmem>>
      %dma_wait3A_872 = tpu.memref_squeeze %dma_wait3A_871 : memref<1x64x128xf32, #tpu.memory_space<vmem>> -> memref<64x128xf32, #tpu.memory_space<vmem>>
      %dma_wait3A_873 = arith.constant 0 : i32
      %dma_wait3A_874 = tpu.memref_slice %arg7[%dma_wait3A_868, %dma_wait3A_873] : memref<40x64xi32, #tpu.memory_space<vmem>> -> memref<1x64xi32, #tpu.memory_space<vmem>>
      %dma_wait3A_875 = tpu.memref_squeeze %dma_wait3A_874 : memref<1x64xi32, #tpu.memory_space<vmem>> -> memref<64xi32, #tpu.memory_space<vmem>>
      %dma_wait3A_876 = arith.constant 0 : i32
      %dma_wait3A_877 = arith.constant 0 : i32
      %dma_wait3A_878 = tpu.memref_slice %arg9[%dma_wait3A_876, %dma_wait3A_877] : memref<10240x128xf32, #tpu.memory_space<vmem_shared>> -> memref<10240x128xf32, #tpu.memory_space<vmem_shared>>
      tpu.wait_indirect_dma semaphore(%arg17 : memref<!tpu.dma_semaphore, #tpu.memory_space<semaphore_mem>>) src(%dma_wait3A_872 : memref<64x128xf32, #tpu.memory_space<vmem>>) dst(%dma_wait3A_878 : memref<10240x128xf32, #tpu.memory_space<vmem_shared>>)
      %dma_start3A_879 = arith.constant 19 : i32
      %dma_start3A_880 = arith.constant 3 : i32
      %dma_start3A_881 = arith.constant 0 : i32
      %dma_start3A_882 = arith.constant 0 : i32
      %dma_start3A_883 = tpu.memref_slice %arg8[%dma_start3A_880, %dma_start3A_881, %dma_start3A_882] : memref<4x64x128xf32, #tpu.memory_space<vmem>> -> memref<1x64x128xf32, #tpu.memory_space<vmem>>
      %dma_start3A_884 = tpu.memref_squeeze %dma_start3A_883 : memref<1x64x128xf32, #tpu.memory_space<vmem>> -> memref<64x128xf32, #tpu.memory_space<vmem>>
      %dma_start3A_885 = arith.constant 0 : i32
      %dma_start3A_886 = tpu.memref_slice %arg6[%dma_start3A_879, %dma_start3A_885] : memref<40x64xi32, #tpu.memory_space<vmem>> -> memref<1x64xi32, #tpu.memory_space<vmem>>
      %dma_start3A_887 = tpu.memref_squeeze %dma_start3A_886 : memref<1x64xi32, #tpu.memory_space<vmem>> -> memref<64xi32, #tpu.memory_space<vmem>>
      %dma_start3A_888 = arith.constant 0 : i32
      %dma_start3A_889 = arith.constant 0 : i32
      %dma_start3A_890 = tpu.memref_slice %arg2[%dma_start3A_888, %dma_start3A_889] : memref<10240x128xf32, #tpu.memory_space<hbm>> -> memref<10240x128xf32, #tpu.memory_space<hbm>>
      tpu.enqueue_indirect_dma source(%dma_start3A_890 : memref<10240x128xf32, #tpu.memory_space<hbm>>) target(%dma_start3A_884 : memref<64x128xf32, #tpu.memory_space<vmem>>) offsets(%dma_start3A_887 : memref<64xi32, #tpu.memory_space<vmem>>) semaphore(%arg13 : memref<!tpu.dma_semaphore, #tpu.memory_space<semaphore_mem>>)
      %dma_wait3A_891 = arith.constant 0 : i32
      %dma_wait3A_892 = arith.constant 1 : i32
      %dma_wait3A_893 = arith.constant 0 : i32
      %dma_wait3A_894 = arith.constant 0 : i32
      %dma_wait3A_895 = tpu.memref_slice %arg8[%dma_wait3A_892, %dma_wait3A_893, %dma_wait3A_894] : memref<4x64x128xf32, #tpu.memory_space<vmem>> -> memref<1x64x128xf32, #tpu.memory_space<vmem>>
      %dma_wait3A_896 = tpu.memref_squeeze %dma_wait3A_895 : memref<1x64x128xf32, #tpu.memory_space<vmem>> -> memref<64x128xf32, #tpu.memory_space<vmem>>
      %dma_wait3A_897 = arith.constant 0 : i32
      %dma_wait3A_898 = tpu.memref_slice %arg6[%dma_wait3A_891, %dma_wait3A_897] : memref<40x64xi32, #tpu.memory_space<vmem>> -> memref<1x64xi32, #tpu.memory_space<vmem>>
      %dma_wait3A_899 = tpu.memref_squeeze %dma_wait3A_898 : memref<1x64xi32, #tpu.memory_space<vmem>> -> memref<64xi32, #tpu.memory_space<vmem>>
      %dma_wait3A_900 = arith.constant 0 : i32
      %dma_wait3A_901 = arith.constant 0 : i32
      %dma_wait3A_902 = tpu.memref_slice %arg2[%dma_wait3A_900, %dma_wait3A_901] : memref<10240x128xf32, #tpu.memory_space<hbm>> -> memref<10240x128xf32, #tpu.memory_space<hbm>>
      tpu.wait_indirect_dma semaphore(%arg11 : memref<!tpu.dma_semaphore, #tpu.memory_space<semaphore_mem>>) src(%dma_wait3A_902 : memref<10240x128xf32, #tpu.memory_space<hbm>>) dst(%dma_wait3A_896 : memref<64x128xf32, #tpu.memory_space<vmem>>)
      %dma_start3A_903 = arith.constant 1 : i32
      %dma_start3A_904 = arith.constant 17 : i32
      %dma_start3A_905 = arith.constant 0 : i32
      %dma_start3A_906 = arith.constant 0 : i32
      %dma_start3A_907 = tpu.memref_slice %arg8[%dma_start3A_903, %dma_start3A_905, %dma_start3A_906] : memref<4x64x128xf32, #tpu.memory_space<vmem>> -> memref<1x64x128xf32, #tpu.memory_space<vmem>>
      %dma_start3A_908 = tpu.memref_squeeze %dma_start3A_907 : memref<1x64x128xf32, #tpu.memory_space<vmem>> -> memref<64x128xf32, #tpu.memory_space<vmem>>
      %dma_start3A_909 = arith.constant 0 : i32
      %dma_start3A_910 = tpu.memref_slice %arg7[%dma_start3A_904, %dma_start3A_909] : memref<40x64xi32, #tpu.memory_space<vmem>> -> memref<1x64xi32, #tpu.memory_space<vmem>>
      %dma_start3A_911 = tpu.memref_squeeze %dma_start3A_910 : memref<1x64xi32, #tpu.memory_space<vmem>> -> memref<64xi32, #tpu.memory_space<vmem>>
      %dma_start3A_912 = arith.constant 0 : i32
      %dma_start3A_913 = arith.constant 0 : i32
      %dma_start3A_914 = tpu.memref_slice %arg9[%dma_start3A_912, %dma_start3A_913] : memref<10240x128xf32, #tpu.memory_space<vmem_shared>> -> memref<10240x128xf32, #tpu.memory_space<vmem_shared>>
      tpu.enqueue_indirect_dma source(%dma_start3A_908 : memref<64x128xf32, #tpu.memory_space<vmem>>) target(%dma_start3A_914 : memref<10240x128xf32, #tpu.memory_space<vmem_shared>>) offsets(%dma_start3A_911 : memref<64xi32, #tpu.memory_space<vmem>>) semaphore(%arg15 : memref<!tpu.dma_semaphore, #tpu.memory_space<semaphore_mem>>) {add = true}
      %dma_wait3A_915 = arith.constant 0 : i32
      %dma_wait3A_916 = arith.constant 0 : i32
      %dma_wait3A_917 = arith.constant 0 : i32
      %dma_wait3A_918 = arith.constant 0 : i32
      %dma_wait3A_919 = tpu.memref_slice %arg8[%dma_wait3A_915, %dma_wait3A_917, %dma_wait3A_918] : memref<4x64x128xf32, #tpu.memory_space<vmem>> -> memref<1x64x128xf32, #tpu.memory_space<vmem>>
      %dma_wait3A_920 = tpu.memref_squeeze %dma_wait3A_919 : memref<1x64x128xf32, #tpu.memory_space<vmem>> -> memref<64x128xf32, #tpu.memory_space<vmem>>
      %dma_wait3A_921 = arith.constant 0 : i32
      %dma_wait3A_922 = tpu.memref_slice %arg7[%dma_wait3A_916, %dma_wait3A_921] : memref<40x64xi32, #tpu.memory_space<vmem>> -> memref<1x64xi32, #tpu.memory_space<vmem>>
      %dma_wait3A_923 = tpu.memref_squeeze %dma_wait3A_922 : memref<1x64xi32, #tpu.memory_space<vmem>> -> memref<64xi32, #tpu.memory_space<vmem>>
      %dma_wait3A_924 = arith.constant 0 : i32
      %dma_wait3A_925 = arith.constant 0 : i32
      %dma_wait3A_926 = tpu.memref_slice %arg9[%dma_wait3A_924, %dma_wait3A_925] : memref<10240x128xf32, #tpu.memory_space<vmem_shared>> -> memref<10240x128xf32, #tpu.memory_space<vmem_shared>>
      tpu.wait_indirect_dma semaphore(%arg14 : memref<!tpu.dma_semaphore, #tpu.memory_space<semaphore_mem>>) src(%dma_wait3A_920 : memref<64x128xf32, #tpu.memory_space<vmem>>) dst(%dma_wait3A_926 : memref<10240x128xf32, #tpu.memory_space<vmem_shared>>)
      %dma_start3A_927 = arith.constant 20 : i32
      %dma_start3A_928 = arith.constant 0 : i32
      %dma_start3A_929 = arith.constant 0 : i32
      %dma_start3A_930 = arith.constant 0 : i32
      %dma_start3A_931 = tpu.memref_slice %arg8[%dma_start3A_928, %dma_start3A_929, %dma_start3A_930] : memref<4x64x128xf32, #tpu.memory_space<vmem>> -> memref<1x64x128xf32, #tpu.memory_space<vmem>>
      %dma_start3A_932 = tpu.memref_squeeze %dma_start3A_931 : memref<1x64x128xf32, #tpu.memory_space<vmem>> -> memref<64x128xf32, #tpu.memory_space<vmem>>
      %dma_start3A_933 = arith.constant 0 : i32
      %dma_start3A_934 = tpu.memref_slice %arg6[%dma_start3A_927, %dma_start3A_933] : memref<40x64xi32, #tpu.memory_space<vmem>> -> memref<1x64xi32, #tpu.memory_space<vmem>>
      %dma_start3A_935 = tpu.memref_squeeze %dma_start3A_934 : memref<1x64xi32, #tpu.memory_space<vmem>> -> memref<64xi32, #tpu.memory_space<vmem>>
      %dma_start3A_936 = arith.constant 0 : i32
      %dma_start3A_937 = arith.constant 0 : i32
      %dma_start3A_938 = tpu.memref_slice %arg2[%dma_start3A_936, %dma_start3A_937] : memref<10240x128xf32, #tpu.memory_space<hbm>> -> memref<10240x128xf32, #tpu.memory_space<hbm>>
      tpu.enqueue_indirect_dma source(%dma_start3A_938 : memref<10240x128xf32, #tpu.memory_space<hbm>>) target(%dma_start3A_932 : memref<64x128xf32, #tpu.memory_space<vmem>>) offsets(%dma_start3A_935 : memref<64xi32, #tpu.memory_space<vmem>>) semaphore(%arg10 : memref<!tpu.dma_semaphore, #tpu.memory_space<semaphore_mem>>)
      %dma_wait3A_939 = arith.constant 0 : i32
      %dma_wait3A_940 = arith.constant 2 : i32
      %dma_wait3A_941 = arith.constant 0 : i32
      %dma_wait3A_942 = arith.constant 0 : i32
      %dma_wait3A_943 = tpu.memref_slice %arg8[%dma_wait3A_940, %dma_wait3A_941, %dma_wait3A_942] : memref<4x64x128xf32, #tpu.memory_space<vmem>> -> memref<1x64x128xf32, #tpu.memory_space<vmem>>
      %dma_wait3A_944 = tpu.memref_squeeze %dma_wait3A_943 : memref<1x64x128xf32, #tpu.memory_space<vmem>> -> memref<64x128xf32, #tpu.memory_space<vmem>>
      %dma_wait3A_945 = arith.constant 0 : i32
      %dma_wait3A_946 = tpu.memref_slice %arg6[%dma_wait3A_939, %dma_wait3A_945] : memref<40x64xi32, #tpu.memory_space<vmem>> -> memref<1x64xi32, #tpu.memory_space<vmem>>
      %dma_wait3A_947 = tpu.memref_squeeze %dma_wait3A_946 : memref<1x64xi32, #tpu.memory_space<vmem>> -> memref<64xi32, #tpu.memory_space<vmem>>
      %dma_wait3A_948 = arith.constant 0 : i32
      %dma_wait3A_949 = arith.constant 0 : i32
      %dma_wait3A_950 = tpu.memref_slice %arg2[%dma_wait3A_948, %dma_wait3A_949] : memref<10240x128xf32, #tpu.memory_space<hbm>> -> memref<10240x128xf32, #tpu.memory_space<hbm>>
      tpu.wait_indirect_dma semaphore(%arg12 : memref<!tpu.dma_semaphore, #tpu.memory_space<semaphore_mem>>) src(%dma_wait3A_950 : memref<10240x128xf32, #tpu.memory_space<hbm>>) dst(%dma_wait3A_944 : memref<64x128xf32, #tpu.memory_space<vmem>>)
      %dma_start3A_951 = arith.constant 2 : i32
      %dma_start3A_952 = arith.constant 18 : i32
      %dma_start3A_953 = arith.constant 0 : i32
      %dma_start3A_954 = arith.constant 0 : i32
      %dma_start3A_955 = tpu.memref_slice %arg8[%dma_start3A_951, %dma_start3A_953, %dma_start3A_954] : memref<4x64x128xf32, #tpu.memory_space<vmem>> -> memref<1x64x128xf32, #tpu.memory_space<vmem>>
      %dma_start3A_956 = tpu.memref_squeeze %dma_start3A_955 : memref<1x64x128xf32, #tpu.memory_space<vmem>> -> memref<64x128xf32, #tpu.memory_space<vmem>>
      %dma_start3A_957 = arith.constant 0 : i32
      %dma_start3A_958 = tpu.memref_slice %arg7[%dma_start3A_952, %dma_start3A_957] : memref<40x64xi32, #tpu.memory_space<vmem>> -> memref<1x64xi32, #tpu.memory_space<vmem>>
      %dma_start3A_959 = tpu.memref_squeeze %dma_start3A_958 : memref<1x64xi32, #tpu.memory_space<vmem>> -> memref<64xi32, #tpu.memory_space<vmem>>
      %dma_start3A_960 = arith.constant 0 : i32
      %dma_start3A_961 = arith.constant 0 : i32
      %dma_start3A_962 = tpu.memref_slice %arg9[%dma_start3A_960, %dma_start3A_961] : memref<10240x128xf32, #tpu.memory_space<vmem_shared>> -> memref<10240x128xf32, #tpu.memory_space<vmem_shared>>
      tpu.enqueue_indirect_dma source(%dma_start3A_956 : memref<64x128xf32, #tpu.memory_space<vmem>>) target(%dma_start3A_962 : memref<10240x128xf32, #tpu.memory_space<vmem_shared>>) offsets(%dma_start3A_959 : memref<64xi32, #tpu.memory_space<vmem>>) semaphore(%arg16 : memref<!tpu.dma_semaphore, #tpu.memory_space<semaphore_mem>>) {add = true}
      %dma_wait3A_963 = arith.constant 1 : i32
      %dma_wait3A_964 = arith.constant 0 : i32
      %dma_wait3A_965 = arith.constant 0 : i32
      %dma_wait3A_966 = arith.constant 0 : i32
      %dma_wait3A_967 = tpu.memref_slice %arg8[%dma_wait3A_963, %dma_wait3A_965, %dma_wait3A_966] : memref<4x64x128xf32, #tpu.memory_space<vmem>> -> memref<1x64x128xf32, #tpu.memory_space<vmem>>
      %dma_wait3A_968 = tpu.memref_squeeze %dma_wait3A_967 : memref<1x64x128xf32, #tpu.memory_space<vmem>> -> memref<64x128xf32, #tpu.memory_space<vmem>>
      %dma_wait3A_969 = arith.constant 0 : i32
      %dma_wait3A_970 = tpu.memref_slice %arg7[%dma_wait3A_964, %dma_wait3A_969] : memref<40x64xi32, #tpu.memory_space<vmem>> -> memref<1x64xi32, #tpu.memory_space<vmem>>
      %dma_wait3A_971 = tpu.memref_squeeze %dma_wait3A_970 : memref<1x64xi32, #tpu.memory_space<vmem>> -> memref<64xi32, #tpu.memory_space<vmem>>
      %dma_wait3A_972 = arith.constant 0 : i32
      %dma_wait3A_973 = arith.constant 0 : i32
      %dma_wait3A_974 = tpu.memref_slice %arg9[%dma_wait3A_972, %dma_wait3A_973] : memref<10240x128xf32, #tpu.memory_space<vmem_shared>> -> memref<10240x128xf32, #tpu.memory_space<vmem_shared>>
      tpu.wait_indirect_dma semaphore(%arg15 : memref<!tpu.dma_semaphore, #tpu.memory_space<semaphore_mem>>) src(%dma_wait3A_968 : memref<64x128xf32, #tpu.memory_space<vmem>>) dst(%dma_wait3A_974 : memref<10240x128xf32, #tpu.memory_space<vmem_shared>>)
      %dma_start3A_975 = arith.constant 21 : i32
      %dma_start3A_976 = arith.constant 1 : i32
      %dma_start3A_977 = arith.constant 0 : i32
      %dma_start3A_978 = arith.constant 0 : i32
      %dma_start3A_979 = tpu.memref_slice %arg8[%dma_start3A_976, %dma_start3A_977, %dma_start3A_978] : memref<4x64x128xf32, #tpu.memory_space<vmem>> -> memref<1x64x128xf32, #tpu.memory_space<vmem>>
      %dma_start3A_980 = tpu.memref_squeeze %dma_start3A_979 : memref<1x64x128xf32, #tpu.memory_space<vmem>> -> memref<64x128xf32, #tpu.memory_space<vmem>>
      %dma_start3A_981 = arith.constant 0 : i32
      %dma_start3A_982 = tpu.memref_slice %arg6[%dma_start3A_975, %dma_start3A_981] : memref<40x64xi32, #tpu.memory_space<vmem>> -> memref<1x64xi32, #tpu.memory_space<vmem>>
      %dma_start3A_983 = tpu.memref_squeeze %dma_start3A_982 : memref<1x64xi32, #tpu.memory_space<vmem>> -> memref<64xi32, #tpu.memory_space<vmem>>
      %dma_start3A_984 = arith.constant 0 : i32
      %dma_start3A_985 = arith.constant 0 : i32
      %dma_start3A_986 = tpu.memref_slice %arg2[%dma_start3A_984, %dma_start3A_985] : memref<10240x128xf32, #tpu.memory_space<hbm>> -> memref<10240x128xf32, #tpu.memory_space<hbm>>
      tpu.enqueue_indirect_dma source(%dma_start3A_986 : memref<10240x128xf32, #tpu.memory_space<hbm>>) target(%dma_start3A_980 : memref<64x128xf32, #tpu.memory_space<vmem>>) offsets(%dma_start3A_983 : memref<64xi32, #tpu.memory_space<vmem>>) semaphore(%arg11 : memref<!tpu.dma_semaphore, #tpu.memory_space<semaphore_mem>>)
      %dma_wait3A_987 = arith.constant 0 : i32
      %dma_wait3A_988 = arith.constant 3 : i32
      %dma_wait3A_989 = arith.constant 0 : i32
      %dma_wait3A_990 = arith.constant 0 : i32
      %dma_wait3A_991 = tpu.memref_slice %arg8[%dma_wait3A_988, %dma_wait3A_989, %dma_wait3A_990] : memref<4x64x128xf32, #tpu.memory_space<vmem>> -> memref<1x64x128xf32, #tpu.memory_space<vmem>>
      %dma_wait3A_992 = tpu.memref_squeeze %dma_wait3A_991 : memref<1x64x128xf32, #tpu.memory_space<vmem>> -> memref<64x128xf32, #tpu.memory_space<vmem>>
      %dma_wait3A_993 = arith.constant 0 : i32
      %dma_wait3A_994 = tpu.memref_slice %arg6[%dma_wait3A_987, %dma_wait3A_993] : memref<40x64xi32, #tpu.memory_space<vmem>> -> memref<1x64xi32, #tpu.memory_space<vmem>>
      %dma_wait3A_995 = tpu.memref_squeeze %dma_wait3A_994 : memref<1x64xi32, #tpu.memory_space<vmem>> -> memref<64xi32, #tpu.memory_space<vmem>>
      %dma_wait3A_996 = arith.constant 0 : i32
      %dma_wait3A_997 = arith.constant 0 : i32
      %dma_wait3A_998 = tpu.memref_slice %arg2[%dma_wait3A_996, %dma_wait3A_997] : memref<10240x128xf32, #tpu.memory_space<hbm>> -> memref<10240x128xf32, #tpu.memory_space<hbm>>
      tpu.wait_indirect_dma semaphore(%arg13 : memref<!tpu.dma_semaphore, #tpu.memory_space<semaphore_mem>>) src(%dma_wait3A_998 : memref<10240x128xf32, #tpu.memory_space<hbm>>) dst(%dma_wait3A_992 : memref<64x128xf32, #tpu.memory_space<vmem>>)
      %dma_start3A_999 = arith.constant 3 : i32
      %dma_start3A_1000 = arith.constant 19 : i32
      %dma_start3A_1001 = arith.constant 0 : i32
      %dma_start3A_1002 = arith.constant 0 : i32
      %dma_start3A_1003 = tpu.memref_slice %arg8[%dma_start3A_999, %dma_start3A_1001, %dma_start3A_1002] : memref<4x64x128xf32, #tpu.memory_space<vmem>> -> memref<1x64x128xf32, #tpu.memory_space<vmem>>
      %dma_start3A_1004 = tpu.memref_squeeze %dma_start3A_1003 : memref<1x64x128xf32, #tpu.memory_space<vmem>> -> memref<64x128xf32, #tpu.memory_space<vmem>>
      %dma_start3A_1005 = arith.constant 0 : i32
      %dma_start3A_1006 = tpu.memref_slice %arg7[%dma_start3A_1000, %dma_start3A_1005] : memref<40x64xi32, #tpu.memory_space<vmem>> -> memref<1x64xi32, #tpu.memory_space<vmem>>
      %dma_start3A_1007 = tpu.memref_squeeze %dma_start3A_1006 : memref<1x64xi32, #tpu.memory_space<vmem>> -> memref<64xi32, #tpu.memory_space<vmem>>
      %dma_start3A_1008 = arith.constant 0 : i32
      %dma_start3A_1009 = arith.constant 0 : i32
      %dma_start3A_1010 = tpu.memref_slice %arg9[%dma_start3A_1008, %dma_start3A_1009] : memref<10240x128xf32, #tpu.memory_space<vmem_shared>> -> memref<10240x128xf32, #tpu.memory_space<vmem_shared>>
      tpu.enqueue_indirect_dma source(%dma_start3A_1004 : memref<64x128xf32, #tpu.memory_space<vmem>>) target(%dma_start3A_1010 : memref<10240x128xf32, #tpu.memory_space<vmem_shared>>) offsets(%dma_start3A_1007 : memref<64xi32, #tpu.memory_space<vmem>>) semaphore(%arg17 : memref<!tpu.dma_semaphore, #tpu.memory_space<semaphore_mem>>) {add = true}
      %dma_wait3A_1011 = arith.constant 2 : i32
      %dma_wait3A_1012 = arith.constant 0 : i32
      %dma_wait3A_1013 = arith.constant 0 : i32
      %dma_wait3A_1014 = arith.constant 0 : i32
      %dma_wait3A_1015 = tpu.memref_slice %arg8[%dma_wait3A_1011, %dma_wait3A_1013, %dma_wait3A_1014] : memref<4x64x128xf32, #tpu.memory_space<vmem>> -> memref<1x64x128xf32, #tpu.memory_space<vmem>>
      %dma_wait3A_1016 = tpu.memref_squeeze %dma_wait3A_1015 : memref<1x64x128xf32, #tpu.memory_space<vmem>> -> memref<64x128xf32, #tpu.memory_space<vmem>>
      %dma_wait3A_1017 = arith.constant 0 : i32
      %dma_wait3A_1018 = tpu.memref_slice %arg7[%dma_wait3A_1012, %dma_wait3A_1017] : memref<40x64xi32, #tpu.memory_space<vmem>> -> memref<1x64xi32, #tpu.memory_space<vmem>>
      %dma_wait3A_1019 = tpu.memref_squeeze %dma_wait3A_1018 : memref<1x64xi32, #tpu.memory_space<vmem>> -> memref<64xi32, #tpu.memory_space<vmem>>
      %dma_wait3A_1020 = arith.constant 0 : i32
      %dma_wait3A_1021 = arith.constant 0 : i32
      %dma_wait3A_1022 = tpu.memref_slice %arg9[%dma_wait3A_1020, %dma_wait3A_1021] : memref<10240x128xf32, #tpu.memory_space<vmem_shared>> -> memref<10240x128xf32, #tpu.memory_space<vmem_shared>>
      tpu.wait_indirect_dma semaphore(%arg16 : memref<!tpu.dma_semaphore, #tpu.memory_space<semaphore_mem>>) src(%dma_wait3A_1016 : memref<64x128xf32, #tpu.memory_space<vmem>>) dst(%dma_wait3A_1022 : memref<10240x128xf32, #tpu.memory_space<vmem_shared>>)
      %dma_start3A_1023 = arith.constant 22 : i32
      %dma_start3A_1024 = arith.constant 2 : i32
      %dma_start3A_1025 = arith.constant 0 : i32
      %dma_start3A_1026 = arith.constant 0 : i32
      %dma_start3A_1027 = tpu.memref_slice %arg8[%dma_start3A_1024, %dma_start3A_1025, %dma_start3A_1026] : memref<4x64x128xf32, #tpu.memory_space<vmem>> -> memref<1x64x128xf32, #tpu.memory_space<vmem>>
      %dma_start3A_1028 = tpu.memref_squeeze %dma_start3A_1027 : memref<1x64x128xf32, #tpu.memory_space<vmem>> -> memref<64x128xf32, #tpu.memory_space<vmem>>
      %dma_start3A_1029 = arith.constant 0 : i32
      %dma_start3A_1030 = tpu.memref_slice %arg6[%dma_start3A_1023, %dma_start3A_1029] : memref<40x64xi32, #tpu.memory_space<vmem>> -> memref<1x64xi32, #tpu.memory_space<vmem>>
      %dma_start3A_1031 = tpu.memref_squeeze %dma_start3A_1030 : memref<1x64xi32, #tpu.memory_space<vmem>> -> memref<64xi32, #tpu.memory_space<vmem>>
      %dma_start3A_1032 = arith.constant 0 : i32
      %dma_start3A_1033 = arith.constant 0 : i32
      %dma_start3A_1034 = tpu.memref_slice %arg2[%dma_start3A_1032, %dma_start3A_1033] : memref<10240x128xf32, #tpu.memory_space<hbm>> -> memref<10240x128xf32, #tpu.memory_space<hbm>>
      tpu.enqueue_indirect_dma source(%dma_start3A_1034 : memref<10240x128xf32, #tpu.memory_space<hbm>>) target(%dma_start3A_1028 : memref<64x128xf32, #tpu.memory_space<vmem>>) offsets(%dma_start3A_1031 : memref<64xi32, #tpu.memory_space<vmem>>) semaphore(%arg12 : memref<!tpu.dma_semaphore, #tpu.memory_space<semaphore_mem>>)
      %dma_wait3A_1035 = arith.constant 0 : i32
      %dma_wait3A_1036 = arith.constant 0 : i32
      %dma_wait3A_1037 = arith.constant 0 : i32
      %dma_wait3A_1038 = arith.constant 0 : i32
      %dma_wait3A_1039 = tpu.memref_slice %arg8[%dma_wait3A_1036, %dma_wait3A_1037, %dma_wait3A_1038] : memref<4x64x128xf32, #tpu.memory_space<vmem>> -> memref<1x64x128xf32, #tpu.memory_space<vmem>>
      %dma_wait3A_1040 = tpu.memref_squeeze %dma_wait3A_1039 : memref<1x64x128xf32, #tpu.memory_space<vmem>> -> memref<64x128xf32, #tpu.memory_space<vmem>>
      %dma_wait3A_1041 = arith.constant 0 : i32
      %dma_wait3A_1042 = tpu.memref_slice %arg6[%dma_wait3A_1035, %dma_wait3A_1041] : memref<40x64xi32, #tpu.memory_space<vmem>> -> memref<1x64xi32, #tpu.memory_space<vmem>>
      %dma_wait3A_1043 = tpu.memref_squeeze %dma_wait3A_1042 : memref<1x64xi32, #tpu.memory_space<vmem>> -> memref<64xi32, #tpu.memory_space<vmem>>
      %dma_wait3A_1044 = arith.constant 0 : i32
      %dma_wait3A_1045 = arith.constant 0 : i32
      %dma_wait3A_1046 = tpu.memref_slice %arg2[%dma_wait3A_1044, %dma_wait3A_1045] : memref<10240x128xf32, #tpu.memory_space<hbm>> -> memref<10240x128xf32, #tpu.memory_space<hbm>>
      tpu.wait_indirect_dma semaphore(%arg10 : memref<!tpu.dma_semaphore, #tpu.memory_space<semaphore_mem>>) src(%dma_wait3A_1046 : memref<10240x128xf32, #tpu.memory_space<hbm>>) dst(%dma_wait3A_1040 : memref<64x128xf32, #tpu.memory_space<vmem>>)
      %dma_start3A_1047 = arith.constant 0 : i32
      %dma_start3A_1048 = arith.constant 20 : i32
      %dma_start3A_1049 = arith.constant 0 : i32
      %dma_start3A_1050 = arith.constant 0 : i32
      %dma_start3A_1051 = tpu.memref_slice %arg8[%dma_start3A_1047, %dma_start3A_1049, %dma_start3A_1050] : memref<4x64x128xf32, #tpu.memory_space<vmem>> -> memref<1x64x128xf32, #tpu.memory_space<vmem>>
      %dma_start3A_1052 = tpu.memref_squeeze %dma_start3A_1051 : memref<1x64x128xf32, #tpu.memory_space<vmem>> -> memref<64x128xf32, #tpu.memory_space<vmem>>
      %dma_start3A_1053 = arith.constant 0 : i32
      %dma_start3A_1054 = tpu.memref_slice %arg7[%dma_start3A_1048, %dma_start3A_1053] : memref<40x64xi32, #tpu.memory_space<vmem>> -> memref<1x64xi32, #tpu.memory_space<vmem>>
      %dma_start3A_1055 = tpu.memref_squeeze %dma_start3A_1054 : memref<1x64xi32, #tpu.memory_space<vmem>> -> memref<64xi32, #tpu.memory_space<vmem>>
      %dma_start3A_1056 = arith.constant 0 : i32
      %dma_start3A_1057 = arith.constant 0 : i32
      %dma_start3A_1058 = tpu.memref_slice %arg9[%dma_start3A_1056, %dma_start3A_1057] : memref<10240x128xf32, #tpu.memory_space<vmem_shared>> -> memref<10240x128xf32, #tpu.memory_space<vmem_shared>>
      tpu.enqueue_indirect_dma source(%dma_start3A_1052 : memref<64x128xf32, #tpu.memory_space<vmem>>) target(%dma_start3A_1058 : memref<10240x128xf32, #tpu.memory_space<vmem_shared>>) offsets(%dma_start3A_1055 : memref<64xi32, #tpu.memory_space<vmem>>) semaphore(%arg14 : memref<!tpu.dma_semaphore, #tpu.memory_space<semaphore_mem>>) {add = true}
      %dma_wait3A_1059 = arith.constant 3 : i32
      %dma_wait3A_1060 = arith.constant 0 : i32
      %dma_wait3A_1061 = arith.constant 0 : i32
      %dma_wait3A_1062 = arith.constant 0 : i32
      %dma_wait3A_1063 = tpu.memref_slice %arg8[%dma_wait3A_1059, %dma_wait3A_1061, %dma_wait3A_1062] : memref<4x64x128xf32, #tpu.memory_space<vmem>> -> memref<1x64x128xf32, #tpu.memory_space<vmem>>
      %dma_wait3A_1064 = tpu.memref_squeeze %dma_wait3A_1063 : memref<1x64x128xf32, #tpu.memory_space<vmem>> -> memref<64x128xf32, #tpu.memory_space<vmem>>
      %dma_wait3A_1065 = arith.constant 0 : i32
      %dma_wait3A_1066 = tpu.memref_slice %arg7[%dma_wait3A_1060, %dma_wait3A_1065] : memref<40x64xi32, #tpu.memory_space<vmem>> -> memref<1x64xi32, #tpu.memory_space<vmem>>
      %dma_wait3A_1067 = tpu.memref_squeeze %dma_wait3A_1066 : memref<1x64xi32, #tpu.memory_space<vmem>> -> memref<64xi32, #tpu.memory_space<vmem>>
      %dma_wait3A_1068 = arith.constant 0 : i32
      %dma_wait3A_1069 = arith.constant 0 : i32
      %dma_wait3A_1070 = tpu.memref_slice %arg9[%dma_wait3A_1068, %dma_wait3A_1069] : memref<10240x128xf32, #tpu.memory_space<vmem_shared>> -> memref<10240x128xf32, #tpu.memory_space<vmem_shared>>
      tpu.wait_indirect_dma semaphore(%arg17 : memref<!tpu.dma_semaphore, #tpu.memory_space<semaphore_mem>>) src(%dma_wait3A_1064 : memref<64x128xf32, #tpu.memory_space<vmem>>) dst(%dma_wait3A_1070 : memref<10240x128xf32, #tpu.memory_space<vmem_shared>>)
      %dma_start3A_1071 = arith.constant 23 : i32
      %dma_start3A_1072 = arith.constant 3 : i32
      %dma_start3A_1073 = arith.constant 0 : i32
      %dma_start3A_1074 = arith.constant 0 : i32
      %dma_start3A_1075 = tpu.memref_slice %arg8[%dma_start3A_1072, %dma_start3A_1073, %dma_start3A_1074] : memref<4x64x128xf32, #tpu.memory_space<vmem>> -> memref<1x64x128xf32, #tpu.memory_space<vmem>>
      %dma_start3A_1076 = tpu.memref_squeeze %dma_start3A_1075 : memref<1x64x128xf32, #tpu.memory_space<vmem>> -> memref<64x128xf32, #tpu.memory_space<vmem>>
      %dma_start3A_1077 = arith.constant 0 : i32
      %dma_start3A_1078 = tpu.memref_slice %arg6[%dma_start3A_1071, %dma_start3A_1077] : memref<40x64xi32, #tpu.memory_space<vmem>> -> memref<1x64xi32, #tpu.memory_space<vmem>>
      %dma_start3A_1079 = tpu.memref_squeeze %dma_start3A_1078 : memref<1x64xi32, #tpu.memory_space<vmem>> -> memref<64xi32, #tpu.memory_space<vmem>>
      %dma_start3A_1080 = arith.constant 0 : i32
      %dma_start3A_1081 = arith.constant 0 : i32
      %dma_start3A_1082 = tpu.memref_slice %arg2[%dma_start3A_1080, %dma_start3A_1081] : memref<10240x128xf32, #tpu.memory_space<hbm>> -> memref<10240x128xf32, #tpu.memory_space<hbm>>
      tpu.enqueue_indirect_dma source(%dma_start3A_1082 : memref<10240x128xf32, #tpu.memory_space<hbm>>) target(%dma_start3A_1076 : memref<64x128xf32, #tpu.memory_space<vmem>>) offsets(%dma_start3A_1079 : memref<64xi32, #tpu.memory_space<vmem>>) semaphore(%arg13 : memref<!tpu.dma_semaphore, #tpu.memory_space<semaphore_mem>>)
      %dma_wait3A_1083 = arith.constant 0 : i32
      %dma_wait3A_1084 = arith.constant 1 : i32
      %dma_wait3A_1085 = arith.constant 0 : i32
      %dma_wait3A_1086 = arith.constant 0 : i32
      %dma_wait3A_1087 = tpu.memref_slice %arg8[%dma_wait3A_1084, %dma_wait3A_1085, %dma_wait3A_1086] : memref<4x64x128xf32, #tpu.memory_space<vmem>> -> memref<1x64x128xf32, #tpu.memory_space<vmem>>
      %dma_wait3A_1088 = tpu.memref_squeeze %dma_wait3A_1087 : memref<1x64x128xf32, #tpu.memory_space<vmem>> -> memref<64x128xf32, #tpu.memory_space<vmem>>
      %dma_wait3A_1089 = arith.constant 0 : i32
      %dma_wait3A_1090 = tpu.memref_slice %arg6[%dma_wait3A_1083, %dma_wait3A_1089] : memref<40x64xi32, #tpu.memory_space<vmem>> -> memref<1x64xi32, #tpu.memory_space<vmem>>
      %dma_wait3A_1091 = tpu.memref_squeeze %dma_wait3A_1090 : memref<1x64xi32, #tpu.memory_space<vmem>> -> memref<64xi32, #tpu.memory_space<vmem>>
      %dma_wait3A_1092 = arith.constant 0 : i32
      %dma_wait3A_1093 = arith.constant 0 : i32
      %dma_wait3A_1094 = tpu.memref_slice %arg2[%dma_wait3A_1092, %dma_wait3A_1093] : memref<10240x128xf32, #tpu.memory_space<hbm>> -> memref<10240x128xf32, #tpu.memory_space<hbm>>
      tpu.wait_indirect_dma semaphore(%arg11 : memref<!tpu.dma_semaphore, #tpu.memory_space<semaphore_mem>>) src(%dma_wait3A_1094 : memref<10240x128xf32, #tpu.memory_space<hbm>>) dst(%dma_wait3A_1088 : memref<64x128xf32, #tpu.memory_space<vmem>>)
      %dma_start3A_1095 = arith.constant 1 : i32
      %dma_start3A_1096 = arith.constant 21 : i32
      %dma_start3A_1097 = arith.constant 0 : i32
      %dma_start3A_1098 = arith.constant 0 : i32
      %dma_start3A_1099 = tpu.memref_slice %arg8[%dma_start3A_1095, %dma_start3A_1097, %dma_start3A_1098] : memref<4x64x128xf32, #tpu.memory_space<vmem>> -> memref<1x64x128xf32, #tpu.memory_space<vmem>>
      %dma_start3A_1100 = tpu.memref_squeeze %dma_start3A_1099 : memref<1x64x128xf32, #tpu.memory_space<vmem>> -> memref<64x128xf32, #tpu.memory_space<vmem>>
      %dma_start3A_1101 = arith.constant 0 : i32
      %dma_start3A_1102 = tpu.memref_slice %arg7[%dma_start3A_1096, %dma_start3A_1101] : memref<40x64xi32, #tpu.memory_space<vmem>> -> memref<1x64xi32, #tpu.memory_space<vmem>>
      %dma_start3A_1103 = tpu.memref_squeeze %dma_start3A_1102 : memref<1x64xi32, #tpu.memory_space<vmem>> -> memref<64xi32, #tpu.memory_space<vmem>>
      %dma_start3A_1104 = arith.constant 0 : i32
      %dma_start3A_1105 = arith.constant 0 : i32
      %dma_start3A_1106 = tpu.memref_slice %arg9[%dma_start3A_1104, %dma_start3A_1105] : memref<10240x128xf32, #tpu.memory_space<vmem_shared>> -> memref<10240x128xf32, #tpu.memory_space<vmem_shared>>
      tpu.enqueue_indirect_dma source(%dma_start3A_1100 : memref<64x128xf32, #tpu.memory_space<vmem>>) target(%dma_start3A_1106 : memref<10240x128xf32, #tpu.memory_space<vmem_shared>>) offsets(%dma_start3A_1103 : memref<64xi32, #tpu.memory_space<vmem>>) semaphore(%arg15 : memref<!tpu.dma_semaphore, #tpu.memory_space<semaphore_mem>>) {add = true}
      %dma_wait3A_1107 = arith.constant 0 : i32
      %dma_wait3A_1108 = arith.constant 0 : i32
      %dma_wait3A_1109 = arith.constant 0 : i32
      %dma_wait3A_1110 = arith.constant 0 : i32
      %dma_wait3A_1111 = tpu.memref_slice %arg8[%dma_wait3A_1107, %dma_wait3A_1109, %dma_wait3A_1110] : memref<4x64x128xf32, #tpu.memory_space<vmem>> -> memref<1x64x128xf32, #tpu.memory_space<vmem>>
      %dma_wait3A_1112 = tpu.memref_squeeze %dma_wait3A_1111 : memref<1x64x128xf32, #tpu.memory_space<vmem>> -> memref<64x128xf32, #tpu.memory_space<vmem>>
      %dma_wait3A_1113 = arith.constant 0 : i32
      %dma_wait3A_1114 = tpu.memref_slice %arg7[%dma_wait3A_1108, %dma_wait3A_1113] : memref<40x64xi32, #tpu.memory_space<vmem>> -> memref<1x64xi32, #tpu.memory_space<vmem>>
      %dma_wait3A_1115 = tpu.memref_squeeze %dma_wait3A_1114 : memref<1x64xi32, #tpu.memory_space<vmem>> -> memref<64xi32, #tpu.memory_space<vmem>>
      %dma_wait3A_1116 = arith.constant 0 : i32
      %dma_wait3A_1117 = arith.constant 0 : i32
      %dma_wait3A_1118 = tpu.memref_slice %arg9[%dma_wait3A_1116, %dma_wait3A_1117] : memref<10240x128xf32, #tpu.memory_space<vmem_shared>> -> memref<10240x128xf32, #tpu.memory_space<vmem_shared>>
      tpu.wait_indirect_dma semaphore(%arg14 : memref<!tpu.dma_semaphore, #tpu.memory_space<semaphore_mem>>) src(%dma_wait3A_1112 : memref<64x128xf32, #tpu.memory_space<vmem>>) dst(%dma_wait3A_1118 : memref<10240x128xf32, #tpu.memory_space<vmem_shared>>)
      %dma_start3A_1119 = arith.constant 24 : i32
      %dma_start3A_1120 = arith.constant 0 : i32
      %dma_start3A_1121 = arith.constant 0 : i32
      %dma_start3A_1122 = arith.constant 0 : i32
      %dma_start3A_1123 = tpu.memref_slice %arg8[%dma_start3A_1120, %dma_start3A_1121, %dma_start3A_1122] : memref<4x64x128xf32, #tpu.memory_space<vmem>> -> memref<1x64x128xf32, #tpu.memory_space<vmem>>
      %dma_start3A_1124 = tpu.memref_squeeze %dma_start3A_1123 : memref<1x64x128xf32, #tpu.memory_space<vmem>> -> memref<64x128xf32, #tpu.memory_space<vmem>>
      %dma_start3A_1125 = arith.constant 0 : i32
      %dma_start3A_1126 = tpu.memref_slice %arg6[%dma_start3A_1119, %dma_start3A_1125] : memref<40x64xi32, #tpu.memory_space<vmem>> -> memref<1x64xi32, #tpu.memory_space<vmem>>
      %dma_start3A_1127 = tpu.memref_squeeze %dma_start3A_1126 : memref<1x64xi32, #tpu.memory_space<vmem>> -> memref<64xi32, #tpu.memory_space<vmem>>
      %dma_start3A_1128 = arith.constant 0 : i32
      %dma_start3A_1129 = arith.constant 0 : i32
      %dma_start3A_1130 = tpu.memref_slice %arg2[%dma_start3A_1128, %dma_start3A_1129] : memref<10240x128xf32, #tpu.memory_space<hbm>> -> memref<10240x128xf32, #tpu.memory_space<hbm>>
      tpu.enqueue_indirect_dma source(%dma_start3A_1130 : memref<10240x128xf32, #tpu.memory_space<hbm>>) target(%dma_start3A_1124 : memref<64x128xf32, #tpu.memory_space<vmem>>) offsets(%dma_start3A_1127 : memref<64xi32, #tpu.memory_space<vmem>>) semaphore(%arg10 : memref<!tpu.dma_semaphore, #tpu.memory_space<semaphore_mem>>)
      %dma_wait3A_1131 = arith.constant 0 : i32
      %dma_wait3A_1132 = arith.constant 2 : i32
      %dma_wait3A_1133 = arith.constant 0 : i32
      %dma_wait3A_1134 = arith.constant 0 : i32
      %dma_wait3A_1135 = tpu.memref_slice %arg8[%dma_wait3A_1132, %dma_wait3A_1133, %dma_wait3A_1134] : memref<4x64x128xf32, #tpu.memory_space<vmem>> -> memref<1x64x128xf32, #tpu.memory_space<vmem>>
      %dma_wait3A_1136 = tpu.memref_squeeze %dma_wait3A_1135 : memref<1x64x128xf32, #tpu.memory_space<vmem>> -> memref<64x128xf32, #tpu.memory_space<vmem>>
      %dma_wait3A_1137 = arith.constant 0 : i32
      %dma_wait3A_1138 = tpu.memref_slice %arg6[%dma_wait3A_1131, %dma_wait3A_1137] : memref<40x64xi32, #tpu.memory_space<vmem>> -> memref<1x64xi32, #tpu.memory_space<vmem>>
      %dma_wait3A_1139 = tpu.memref_squeeze %dma_wait3A_1138 : memref<1x64xi32, #tpu.memory_space<vmem>> -> memref<64xi32, #tpu.memory_space<vmem>>
      %dma_wait3A_1140 = arith.constant 0 : i32
      %dma_wait3A_1141 = arith.constant 0 : i32
      %dma_wait3A_1142 = tpu.memref_slice %arg2[%dma_wait3A_1140, %dma_wait3A_1141] : memref<10240x128xf32, #tpu.memory_space<hbm>> -> memref<10240x128xf32, #tpu.memory_space<hbm>>
      tpu.wait_indirect_dma semaphore(%arg12 : memref<!tpu.dma_semaphore, #tpu.memory_space<semaphore_mem>>) src(%dma_wait3A_1142 : memref<10240x128xf32, #tpu.memory_space<hbm>>) dst(%dma_wait3A_1136 : memref<64x128xf32, #tpu.memory_space<vmem>>)
      %dma_start3A_1143 = arith.constant 2 : i32
      %dma_start3A_1144 = arith.constant 22 : i32
      %dma_start3A_1145 = arith.constant 0 : i32
      %dma_start3A_1146 = arith.constant 0 : i32
      %dma_start3A_1147 = tpu.memref_slice %arg8[%dma_start3A_1143, %dma_start3A_1145, %dma_start3A_1146] : memref<4x64x128xf32, #tpu.memory_space<vmem>> -> memref<1x64x128xf32, #tpu.memory_space<vmem>>
      %dma_start3A_1148 = tpu.memref_squeeze %dma_start3A_1147 : memref<1x64x128xf32, #tpu.memory_space<vmem>> -> memref<64x128xf32, #tpu.memory_space<vmem>>
      %dma_start3A_1149 = arith.constant 0 : i32
      %dma_start3A_1150 = tpu.memref_slice %arg7[%dma_start3A_1144, %dma_start3A_1149] : memref<40x64xi32, #tpu.memory_space<vmem>> -> memref<1x64xi32, #tpu.memory_space<vmem>>
      %dma_start3A_1151 = tpu.memref_squeeze %dma_start3A_1150 : memref<1x64xi32, #tpu.memory_space<vmem>> -> memref<64xi32, #tpu.memory_space<vmem>>
      %dma_start3A_1152 = arith.constant 0 : i32
      %dma_start3A_1153 = arith.constant 0 : i32
      %dma_start3A_1154 = tpu.memref_slice %arg9[%dma_start3A_1152, %dma_start3A_1153] : memref<10240x128xf32, #tpu.memory_space<vmem_shared>> -> memref<10240x128xf32, #tpu.memory_space<vmem_shared>>
      tpu.enqueue_indirect_dma source(%dma_start3A_1148 : memref<64x128xf32, #tpu.memory_space<vmem>>) target(%dma_start3A_1154 : memref<10240x128xf32, #tpu.memory_space<vmem_shared>>) offsets(%dma_start3A_1151 : memref<64xi32, #tpu.memory_space<vmem>>) semaphore(%arg16 : memref<!tpu.dma_semaphore, #tpu.memory_space<semaphore_mem>>) {add = true}
      %dma_wait3A_1155 = arith.constant 1 : i32
      %dma_wait3A_1156 = arith.constant 0 : i32
      %dma_wait3A_1157 = arith.constant 0 : i32
      %dma_wait3A_1158 = arith.constant 0 : i32
      %dma_wait3A_1159 = tpu.memref_slice %arg8[%dma_wait3A_1155, %dma_wait3A_1157, %dma_wait3A_1158] : memref<4x64x128xf32, #tpu.memory_space<vmem>> -> memref<1x64x128xf32, #tpu.memory_space<vmem>>
      %dma_wait3A_1160 = tpu.memref_squeeze %dma_wait3A_1159 : memref<1x64x128xf32, #tpu.memory_space<vmem>> -> memref<64x128xf32, #tpu.memory_space<vmem>>
      %dma_wait3A_1161 = arith.constant 0 : i32
      %dma_wait3A_1162 = tpu.memref_slice %arg7[%dma_wait3A_1156, %dma_wait3A_1161] : memref<40x64xi32, #tpu.memory_space<vmem>> -> memref<1x64xi32, #tpu.memory_space<vmem>>
      %dma_wait3A_1163 = tpu.memref_squeeze %dma_wait3A_1162 : memref<1x64xi32, #tpu.memory_space<vmem>> -> memref<64xi32, #tpu.memory_space<vmem>>
      %dma_wait3A_1164 = arith.constant 0 : i32
      %dma_wait3A_1165 = arith.constant 0 : i32
      %dma_wait3A_1166 = tpu.memref_slice %arg9[%dma_wait3A_1164, %dma_wait3A_1165] : memref<10240x128xf32, #tpu.memory_space<vmem_shared>> -> memref<10240x128xf32, #tpu.memory_space<vmem_shared>>
      tpu.wait_indirect_dma semaphore(%arg15 : memref<!tpu.dma_semaphore, #tpu.memory_space<semaphore_mem>>) src(%dma_wait3A_1160 : memref<64x128xf32, #tpu.memory_space<vmem>>) dst(%dma_wait3A_1166 : memref<10240x128xf32, #tpu.memory_space<vmem_shared>>)
      %dma_start3A_1167 = arith.constant 25 : i32
      %dma_start3A_1168 = arith.constant 1 : i32
      %dma_start3A_1169 = arith.constant 0 : i32
      %dma_start3A_1170 = arith.constant 0 : i32
      %dma_start3A_1171 = tpu.memref_slice %arg8[%dma_start3A_1168, %dma_start3A_1169, %dma_start3A_1170] : memref<4x64x128xf32, #tpu.memory_space<vmem>> -> memref<1x64x128xf32, #tpu.memory_space<vmem>>
      %dma_start3A_1172 = tpu.memref_squeeze %dma_start3A_1171 : memref<1x64x128xf32, #tpu.memory_space<vmem>> -> memref<64x128xf32, #tpu.memory_space<vmem>>
      %dma_start3A_1173 = arith.constant 0 : i32
      %dma_start3A_1174 = tpu.memref_slice %arg6[%dma_start3A_1167, %dma_start3A_1173] : memref<40x64xi32, #tpu.memory_space<vmem>> -> memref<1x64xi32, #tpu.memory_space<vmem>>
      %dma_start3A_1175 = tpu.memref_squeeze %dma_start3A_1174 : memref<1x64xi32, #tpu.memory_space<vmem>> -> memref<64xi32, #tpu.memory_space<vmem>>
      %dma_start3A_1176 = arith.constant 0 : i32
      %dma_start3A_1177 = arith.constant 0 : i32
      %dma_start3A_1178 = tpu.memref_slice %arg2[%dma_start3A_1176, %dma_start3A_1177] : memref<10240x128xf32, #tpu.memory_space<hbm>> -> memref<10240x128xf32, #tpu.memory_space<hbm>>
      tpu.enqueue_indirect_dma source(%dma_start3A_1178 : memref<10240x128xf32, #tpu.memory_space<hbm>>) target(%dma_start3A_1172 : memref<64x128xf32, #tpu.memory_space<vmem>>) offsets(%dma_start3A_1175 : memref<64xi32, #tpu.memory_space<vmem>>) semaphore(%arg11 : memref<!tpu.dma_semaphore, #tpu.memory_space<semaphore_mem>>)
      %dma_wait3A_1179 = arith.constant 0 : i32
      %dma_wait3A_1180 = arith.constant 3 : i32
      %dma_wait3A_1181 = arith.constant 0 : i32
      %dma_wait3A_1182 = arith.constant 0 : i32
      %dma_wait3A_1183 = tpu.memref_slice %arg8[%dma_wait3A_1180, %dma_wait3A_1181, %dma_wait3A_1182] : memref<4x64x128xf32, #tpu.memory_space<vmem>> -> memref<1x64x128xf32, #tpu.memory_space<vmem>>
      %dma_wait3A_1184 = tpu.memref_squeeze %dma_wait3A_1183 : memref<1x64x128xf32, #tpu.memory_space<vmem>> -> memref<64x128xf32, #tpu.memory_space<vmem>>
      %dma_wait3A_1185 = arith.constant 0 : i32
      %dma_wait3A_1186 = tpu.memref_slice %arg6[%dma_wait3A_1179, %dma_wait3A_1185] : memref<40x64xi32, #tpu.memory_space<vmem>> -> memref<1x64xi32, #tpu.memory_space<vmem>>
      %dma_wait3A_1187 = tpu.memref_squeeze %dma_wait3A_1186 : memref<1x64xi32, #tpu.memory_space<vmem>> -> memref<64xi32, #tpu.memory_space<vmem>>
      %dma_wait3A_1188 = arith.constant 0 : i32
      %dma_wait3A_1189 = arith.constant 0 : i32
      %dma_wait3A_1190 = tpu.memref_slice %arg2[%dma_wait3A_1188, %dma_wait3A_1189] : memref<10240x128xf32, #tpu.memory_space<hbm>> -> memref<10240x128xf32, #tpu.memory_space<hbm>>
      tpu.wait_indirect_dma semaphore(%arg13 : memref<!tpu.dma_semaphore, #tpu.memory_space<semaphore_mem>>) src(%dma_wait3A_1190 : memref<10240x128xf32, #tpu.memory_space<hbm>>) dst(%dma_wait3A_1184 : memref<64x128xf32, #tpu.memory_space<vmem>>)
      %dma_start3A_1191 = arith.constant 3 : i32
      %dma_start3A_1192 = arith.constant 23 : i32
      %dma_start3A_1193 = arith.constant 0 : i32
      %dma_start3A_1194 = arith.constant 0 : i32
      %dma_start3A_1195 = tpu.memref_slice %arg8[%dma_start3A_1191, %dma_start3A_1193, %dma_start3A_1194] : memref<4x64x128xf32, #tpu.memory_space<vmem>> -> memref<1x64x128xf32, #tpu.memory_space<vmem>>
      %dma_start3A_1196 = tpu.memref_squeeze %dma_start3A_1195 : memref<1x64x128xf32, #tpu.memory_space<vmem>> -> memref<64x128xf32, #tpu.memory_space<vmem>>
      %dma_start3A_1197 = arith.constant 0 : i32
      %dma_start3A_1198 = tpu.memref_slice %arg7[%dma_start3A_1192, %dma_start3A_1197] : memref<40x64xi32, #tpu.memory_space<vmem>> -> memref<1x64xi32, #tpu.memory_space<vmem>>
      %dma_start3A_1199 = tpu.memref_squeeze %dma_start3A_1198 : memref<1x64xi32, #tpu.memory_space<vmem>> -> memref<64xi32, #tpu.memory_space<vmem>>
      %dma_start3A_1200 = arith.constant 0 : i32
      %dma_start3A_1201 = arith.constant 0 : i32
      %dma_start3A_1202 = tpu.memref_slice %arg9[%dma_start3A_1200, %dma_start3A_1201] : memref<10240x128xf32, #tpu.memory_space<vmem_shared>> -> memref<10240x128xf32, #tpu.memory_space<vmem_shared>>
      tpu.enqueue_indirect_dma source(%dma_start3A_1196 : memref<64x128xf32, #tpu.memory_space<vmem>>) target(%dma_start3A_1202 : memref<10240x128xf32, #tpu.memory_space<vmem_shared>>) offsets(%dma_start3A_1199 : memref<64xi32, #tpu.memory_space<vmem>>) semaphore(%arg17 : memref<!tpu.dma_semaphore, #tpu.memory_space<semaphore_mem>>) {add = true}
      %dma_wait3A_1203 = arith.constant 2 : i32
      %dma_wait3A_1204 = arith.constant 0 : i32
      %dma_wait3A_1205 = arith.constant 0 : i32
      %dma_wait3A_1206 = arith.constant 0 : i32
      %dma_wait3A_1207 = tpu.memref_slice %arg8[%dma_wait3A_1203, %dma_wait3A_1205, %dma_wait3A_1206] : memref<4x64x128xf32, #tpu.memory_space<vmem>> -> memref<1x64x128xf32, #tpu.memory_space<vmem>>
      %dma_wait3A_1208 = tpu.memref_squeeze %dma_wait3A_1207 : memref<1x64x128xf32, #tpu.memory_space<vmem>> -> memref<64x128xf32, #tpu.memory_space<vmem>>
      %dma_wait3A_1209 = arith.constant 0 : i32
      %dma_wait3A_1210 = tpu.memref_slice %arg7[%dma_wait3A_1204, %dma_wait3A_1209] : memref<40x64xi32, #tpu.memory_space<vmem>> -> memref<1x64xi32, #tpu.memory_space<vmem>>
      %dma_wait3A_1211 = tpu.memref_squeeze %dma_wait3A_1210 : memref<1x64xi32, #tpu.memory_space<vmem>> -> memref<64xi32, #tpu.memory_space<vmem>>
      %dma_wait3A_1212 = arith.constant 0 : i32
      %dma_wait3A_1213 = arith.constant 0 : i32
      %dma_wait3A_1214 = tpu.memref_slice %arg9[%dma_wait3A_1212, %dma_wait3A_1213] : memref<10240x128xf32, #tpu.memory_space<vmem_shared>> -> memref<10240x128xf32, #tpu.memory_space<vmem_shared>>
      tpu.wait_indirect_dma semaphore(%arg16 : memref<!tpu.dma_semaphore, #tpu.memory_space<semaphore_mem>>) src(%dma_wait3A_1208 : memref<64x128xf32, #tpu.memory_space<vmem>>) dst(%dma_wait3A_1214 : memref<10240x128xf32, #tpu.memory_space<vmem_shared>>)
      %dma_start3A_1215 = arith.constant 26 : i32
      %dma_start3A_1216 = arith.constant 2 : i32
      %dma_start3A_1217 = arith.constant 0 : i32
      %dma_start3A_1218 = arith.constant 0 : i32
      %dma_start3A_1219 = tpu.memref_slice %arg8[%dma_start3A_1216, %dma_start3A_1217, %dma_start3A_1218] : memref<4x64x128xf32, #tpu.memory_space<vmem>> -> memref<1x64x128xf32, #tpu.memory_space<vmem>>
      %dma_start3A_1220 = tpu.memref_squeeze %dma_start3A_1219 : memref<1x64x128xf32, #tpu.memory_space<vmem>> -> memref<64x128xf32, #tpu.memory_space<vmem>>
      %dma_start3A_1221 = arith.constant 0 : i32
      %dma_start3A_1222 = tpu.memref_slice %arg6[%dma_start3A_1215, %dma_start3A_1221] : memref<40x64xi32, #tpu.memory_space<vmem>> -> memref<1x64xi32, #tpu.memory_space<vmem>>
      %dma_start3A_1223 = tpu.memref_squeeze %dma_start3A_1222 : memref<1x64xi32, #tpu.memory_space<vmem>> -> memref<64xi32, #tpu.memory_space<vmem>>
      %dma_start3A_1224 = arith.constant 0 : i32
      %dma_start3A_1225 = arith.constant 0 : i32
      %dma_start3A_1226 = tpu.memref_slice %arg2[%dma_start3A_1224, %dma_start3A_1225] : memref<10240x128xf32, #tpu.memory_space<hbm>> -> memref<10240x128xf32, #tpu.memory_space<hbm>>
      tpu.enqueue_indirect_dma source(%dma_start3A_1226 : memref<10240x128xf32, #tpu.memory_space<hbm>>) target(%dma_start3A_1220 : memref<64x128xf32, #tpu.memory_space<vmem>>) offsets(%dma_start3A_1223 : memref<64xi32, #tpu.memory_space<vmem>>) semaphore(%arg12 : memref<!tpu.dma_semaphore, #tpu.memory_space<semaphore_mem>>)
      %dma_wait3A_1227 = arith.constant 0 : i32
      %dma_wait3A_1228 = arith.constant 0 : i32
      %dma_wait3A_1229 = arith.constant 0 : i32
      %dma_wait3A_1230 = arith.constant 0 : i32
      %dma_wait3A_1231 = tpu.memref_slice %arg8[%dma_wait3A_1228, %dma_wait3A_1229, %dma_wait3A_1230] : memref<4x64x128xf32, #tpu.memory_space<vmem>> -> memref<1x64x128xf32, #tpu.memory_space<vmem>>
      %dma_wait3A_1232 = tpu.memref_squeeze %dma_wait3A_1231 : memref<1x64x128xf32, #tpu.memory_space<vmem>> -> memref<64x128xf32, #tpu.memory_space<vmem>>
      %dma_wait3A_1233 = arith.constant 0 : i32
      %dma_wait3A_1234 = tpu.memref_slice %arg6[%dma_wait3A_1227, %dma_wait3A_1233] : memref<40x64xi32, #tpu.memory_space<vmem>> -> memref<1x64xi32, #tpu.memory_space<vmem>>
      %dma_wait3A_1235 = tpu.memref_squeeze %dma_wait3A_1234 : memref<1x64xi32, #tpu.memory_space<vmem>> -> memref<64xi32, #tpu.memory_space<vmem>>
      %dma_wait3A_1236 = arith.constant 0 : i32
      %dma_wait3A_1237 = arith.constant 0 : i32
      %dma_wait3A_1238 = tpu.memref_slice %arg2[%dma_wait3A_1236, %dma_wait3A_1237] : memref<10240x128xf32, #tpu.memory_space<hbm>> -> memref<10240x128xf32, #tpu.memory_space<hbm>>
      tpu.wait_indirect_dma semaphore(%arg10 : memref<!tpu.dma_semaphore, #tpu.memory_space<semaphore_mem>>) src(%dma_wait3A_1238 : memref<10240x128xf32, #tpu.memory_space<hbm>>) dst(%dma_wait3A_1232 : memref<64x128xf32, #tpu.memory_space<vmem>>)
      %dma_start3A_1239 = arith.constant 0 : i32
      %dma_start3A_1240 = arith.constant 24 : i32
      %dma_start3A_1241 = arith.constant 0 : i32
      %dma_start3A_1242 = arith.constant 0 : i32
      %dma_start3A_1243 = tpu.memref_slice %arg8[%dma_start3A_1239, %dma_start3A_1241, %dma_start3A_1242] : memref<4x64x128xf32, #tpu.memory_space<vmem>> -> memref<1x64x128xf32, #tpu.memory_space<vmem>>
      %dma_start3A_1244 = tpu.memref_squeeze %dma_start3A_1243 : memref<1x64x128xf32, #tpu.memory_space<vmem>> -> memref<64x128xf32, #tpu.memory_space<vmem>>
      %dma_start3A_1245 = arith.constant 0 : i32
      %dma_start3A_1246 = tpu.memref_slice %arg7[%dma_start3A_1240, %dma_start3A_1245] : memref<40x64xi32, #tpu.memory_space<vmem>> -> memref<1x64xi32, #tpu.memory_space<vmem>>
      %dma_start3A_1247 = tpu.memref_squeeze %dma_start3A_1246 : memref<1x64xi32, #tpu.memory_space<vmem>> -> memref<64xi32, #tpu.memory_space<vmem>>
      %dma_start3A_1248 = arith.constant 0 : i32
      %dma_start3A_1249 = arith.constant 0 : i32
      %dma_start3A_1250 = tpu.memref_slice %arg9[%dma_start3A_1248, %dma_start3A_1249] : memref<10240x128xf32, #tpu.memory_space<vmem_shared>> -> memref<10240x128xf32, #tpu.memory_space<vmem_shared>>
      tpu.enqueue_indirect_dma source(%dma_start3A_1244 : memref<64x128xf32, #tpu.memory_space<vmem>>) target(%dma_start3A_1250 : memref<10240x128xf32, #tpu.memory_space<vmem_shared>>) offsets(%dma_start3A_1247 : memref<64xi32, #tpu.memory_space<vmem>>) semaphore(%arg14 : memref<!tpu.dma_semaphore, #tpu.memory_space<semaphore_mem>>) {add = true}
      %dma_wait3A_1251 = arith.constant 3 : i32
      %dma_wait3A_1252 = arith.constant 0 : i32
      %dma_wait3A_1253 = arith.constant 0 : i32
      %dma_wait3A_1254 = arith.constant 0 : i32
      %dma_wait3A_1255 = tpu.memref_slice %arg8[%dma_wait3A_1251, %dma_wait3A_1253, %dma_wait3A_1254] : memref<4x64x128xf32, #tpu.memory_space<vmem>> -> memref<1x64x128xf32, #tpu.memory_space<vmem>>
      %dma_wait3A_1256 = tpu.memref_squeeze %dma_wait3A_1255 : memref<1x64x128xf32, #tpu.memory_space<vmem>> -> memref<64x128xf32, #tpu.memory_space<vmem>>
      %dma_wait3A_1257 = arith.constant 0 : i32
      %dma_wait3A_1258 = tpu.memref_slice %arg7[%dma_wait3A_1252, %dma_wait3A_1257] : memref<40x64xi32, #tpu.memory_space<vmem>> -> memref<1x64xi32, #tpu.memory_space<vmem>>
      %dma_wait3A_1259 = tpu.memref_squeeze %dma_wait3A_1258 : memref<1x64xi32, #tpu.memory_space<vmem>> -> memref<64xi32, #tpu.memory_space<vmem>>
      %dma_wait3A_1260 = arith.constant 0 : i32
      %dma_wait3A_1261 = arith.constant 0 : i32
      %dma_wait3A_1262 = tpu.memref_slice %arg9[%dma_wait3A_1260, %dma_wait3A_1261] : memref<10240x128xf32, #tpu.memory_space<vmem_shared>> -> memref<10240x128xf32, #tpu.memory_space<vmem_shared>>
      tpu.wait_indirect_dma semaphore(%arg17 : memref<!tpu.dma_semaphore, #tpu.memory_space<semaphore_mem>>) src(%dma_wait3A_1256 : memref<64x128xf32, #tpu.memory_space<vmem>>) dst(%dma_wait3A_1262 : memref<10240x128xf32, #tpu.memory_space<vmem_shared>>)
      %dma_start3A_1263 = arith.constant 27 : i32
      %dma_start3A_1264 = arith.constant 3 : i32
      %dma_start3A_1265 = arith.constant 0 : i32
      %dma_start3A_1266 = arith.constant 0 : i32
      %dma_start3A_1267 = tpu.memref_slice %arg8[%dma_start3A_1264, %dma_start3A_1265, %dma_start3A_1266] : memref<4x64x128xf32, #tpu.memory_space<vmem>> -> memref<1x64x128xf32, #tpu.memory_space<vmem>>
      %dma_start3A_1268 = tpu.memref_squeeze %dma_start3A_1267 : memref<1x64x128xf32, #tpu.memory_space<vmem>> -> memref<64x128xf32, #tpu.memory_space<vmem>>
      %dma_start3A_1269 = arith.constant 0 : i32
      %dma_start3A_1270 = tpu.memref_slice %arg6[%dma_start3A_1263, %dma_start3A_1269] : memref<40x64xi32, #tpu.memory_space<vmem>> -> memref<1x64xi32, #tpu.memory_space<vmem>>
      %dma_start3A_1271 = tpu.memref_squeeze %dma_start3A_1270 : memref<1x64xi32, #tpu.memory_space<vmem>> -> memref<64xi32, #tpu.memory_space<vmem>>
      %dma_start3A_1272 = arith.constant 0 : i32
      %dma_start3A_1273 = arith.constant 0 : i32
      %dma_start3A_1274 = tpu.memref_slice %arg2[%dma_start3A_1272, %dma_start3A_1273] : memref<10240x128xf32, #tpu.memory_space<hbm>> -> memref<10240x128xf32, #tpu.memory_space<hbm>>
      tpu.enqueue_indirect_dma source(%dma_start3A_1274 : memref<10240x128xf32, #tpu.memory_space<hbm>>) target(%dma_start3A_1268 : memref<64x128xf32, #tpu.memory_space<vmem>>) offsets(%dma_start3A_1271 : memref<64xi32, #tpu.memory_space<vmem>>) semaphore(%arg13 : memref<!tpu.dma_semaphore, #tpu.memory_space<semaphore_mem>>)
      %dma_wait3A_1275 = arith.constant 0 : i32
      %dma_wait3A_1276 = arith.constant 1 : i32
      %dma_wait3A_1277 = arith.constant 0 : i32
      %dma_wait3A_1278 = arith.constant 0 : i32
      %dma_wait3A_1279 = tpu.memref_slice %arg8[%dma_wait3A_1276, %dma_wait3A_1277, %dma_wait3A_1278] : memref<4x64x128xf32, #tpu.memory_space<vmem>> -> memref<1x64x128xf32, #tpu.memory_space<vmem>>
      %dma_wait3A_1280 = tpu.memref_squeeze %dma_wait3A_1279 : memref<1x64x128xf32, #tpu.memory_space<vmem>> -> memref<64x128xf32, #tpu.memory_space<vmem>>
      %dma_wait3A_1281 = arith.constant 0 : i32
      %dma_wait3A_1282 = tpu.memref_slice %arg6[%dma_wait3A_1275, %dma_wait3A_1281] : memref<40x64xi32, #tpu.memory_space<vmem>> -> memref<1x64xi32, #tpu.memory_space<vmem>>
      %dma_wait3A_1283 = tpu.memref_squeeze %dma_wait3A_1282 : memref<1x64xi32, #tpu.memory_space<vmem>> -> memref<64xi32, #tpu.memory_space<vmem>>
      %dma_wait3A_1284 = arith.constant 0 : i32
      %dma_wait3A_1285 = arith.constant 0 : i32
      %dma_wait3A_1286 = tpu.memref_slice %arg2[%dma_wait3A_1284, %dma_wait3A_1285] : memref<10240x128xf32, #tpu.memory_space<hbm>> -> memref<10240x128xf32, #tpu.memory_space<hbm>>
      tpu.wait_indirect_dma semaphore(%arg11 : memref<!tpu.dma_semaphore, #tpu.memory_space<semaphore_mem>>) src(%dma_wait3A_1286 : memref<10240x128xf32, #tpu.memory_space<hbm>>) dst(%dma_wait3A_1280 : memref<64x128xf32, #tpu.memory_space<vmem>>)
      %dma_start3A_1287 = arith.constant 1 : i32
      %dma_start3A_1288 = arith.constant 25 : i32
      %dma_start3A_1289 = arith.constant 0 : i32
      %dma_start3A_1290 = arith.constant 0 : i32
      %dma_start3A_1291 = tpu.memref_slice %arg8[%dma_start3A_1287, %dma_start3A_1289, %dma_start3A_1290] : memref<4x64x128xf32, #tpu.memory_space<vmem>> -> memref<1x64x128xf32, #tpu.memory_space<vmem>>
      %dma_start3A_1292 = tpu.memref_squeeze %dma_start3A_1291 : memref<1x64x128xf32, #tpu.memory_space<vmem>> -> memref<64x128xf32, #tpu.memory_space<vmem>>
      %dma_start3A_1293 = arith.constant 0 : i32
      %dma_start3A_1294 = tpu.memref_slice %arg7[%dma_start3A_1288, %dma_start3A_1293] : memref<40x64xi32, #tpu.memory_space<vmem>> -> memref<1x64xi32, #tpu.memory_space<vmem>>
      %dma_start3A_1295 = tpu.memref_squeeze %dma_start3A_1294 : memref<1x64xi32, #tpu.memory_space<vmem>> -> memref<64xi32, #tpu.memory_space<vmem>>
      %dma_start3A_1296 = arith.constant 0 : i32
      %dma_start3A_1297 = arith.constant 0 : i32
      %dma_start3A_1298 = tpu.memref_slice %arg9[%dma_start3A_1296, %dma_start3A_1297] : memref<10240x128xf32, #tpu.memory_space<vmem_shared>> -> memref<10240x128xf32, #tpu.memory_space<vmem_shared>>
      tpu.enqueue_indirect_dma source(%dma_start3A_1292 : memref<64x128xf32, #tpu.memory_space<vmem>>) target(%dma_start3A_1298 : memref<10240x128xf32, #tpu.memory_space<vmem_shared>>) offsets(%dma_start3A_1295 : memref<64xi32, #tpu.memory_space<vmem>>) semaphore(%arg15 : memref<!tpu.dma_semaphore, #tpu.memory_space<semaphore_mem>>) {add = true}
      %dma_wait3A_1299 = arith.constant 0 : i32
      %dma_wait3A_1300 = arith.constant 0 : i32
      %dma_wait3A_1301 = arith.constant 0 : i32
      %dma_wait3A_1302 = arith.constant 0 : i32
      %dma_wait3A_1303 = tpu.memref_slice %arg8[%dma_wait3A_1299, %dma_wait3A_1301, %dma_wait3A_1302] : memref<4x64x128xf32, #tpu.memory_space<vmem>> -> memref<1x64x128xf32, #tpu.memory_space<vmem>>
      %dma_wait3A_1304 = tpu.memref_squeeze %dma_wait3A_1303 : memref<1x64x128xf32, #tpu.memory_space<vmem>> -> memref<64x128xf32, #tpu.memory_space<vmem>>
      %dma_wait3A_1305 = arith.constant 0 : i32
      %dma_wait3A_1306 = tpu.memref_slice %arg7[%dma_wait3A_1300, %dma_wait3A_1305] : memref<40x64xi32, #tpu.memory_space<vmem>> -> memref<1x64xi32, #tpu.memory_space<vmem>>
      %dma_wait3A_1307 = tpu.memref_squeeze %dma_wait3A_1306 : memref<1x64xi32, #tpu.memory_space<vmem>> -> memref<64xi32, #tpu.memory_space<vmem>>
      %dma_wait3A_1308 = arith.constant 0 : i32
      %dma_wait3A_1309 = arith.constant 0 : i32
      %dma_wait3A_1310 = tpu.memref_slice %arg9[%dma_wait3A_1308, %dma_wait3A_1309] : memref<10240x128xf32, #tpu.memory_space<vmem_shared>> -> memref<10240x128xf32, #tpu.memory_space<vmem_shared>>
      tpu.wait_indirect_dma semaphore(%arg14 : memref<!tpu.dma_semaphore, #tpu.memory_space<semaphore_mem>>) src(%dma_wait3A_1304 : memref<64x128xf32, #tpu.memory_space<vmem>>) dst(%dma_wait3A_1310 : memref<10240x128xf32, #tpu.memory_space<vmem_shared>>)
      %dma_start3A_1311 = arith.constant 28 : i32
      %dma_start3A_1312 = arith.constant 0 : i32
      %dma_start3A_1313 = arith.constant 0 : i32
      %dma_start3A_1314 = arith.constant 0 : i32
      %dma_start3A_1315 = tpu.memref_slice %arg8[%dma_start3A_1312, %dma_start3A_1313, %dma_start3A_1314] : memref<4x64x128xf32, #tpu.memory_space<vmem>> -> memref<1x64x128xf32, #tpu.memory_space<vmem>>
      %dma_start3A_1316 = tpu.memref_squeeze %dma_start3A_1315 : memref<1x64x128xf32, #tpu.memory_space<vmem>> -> memref<64x128xf32, #tpu.memory_space<vmem>>
      %dma_start3A_1317 = arith.constant 0 : i32
      %dma_start3A_1318 = tpu.memref_slice %arg6[%dma_start3A_1311, %dma_start3A_1317] : memref<40x64xi32, #tpu.memory_space<vmem>> -> memref<1x64xi32, #tpu.memory_space<vmem>>
      %dma_start3A_1319 = tpu.memref_squeeze %dma_start3A_1318 : memref<1x64xi32, #tpu.memory_space<vmem>> -> memref<64xi32, #tpu.memory_space<vmem>>
      %dma_start3A_1320 = arith.constant 0 : i32
      %dma_start3A_1321 = arith.constant 0 : i32
      %dma_start3A_1322 = tpu.memref_slice %arg2[%dma_start3A_1320, %dma_start3A_1321] : memref<10240x128xf32, #tpu.memory_space<hbm>> -> memref<10240x128xf32, #tpu.memory_space<hbm>>
      tpu.enqueue_indirect_dma source(%dma_start3A_1322 : memref<10240x128xf32, #tpu.memory_space<hbm>>) target(%dma_start3A_1316 : memref<64x128xf32, #tpu.memory_space<vmem>>) offsets(%dma_start3A_1319 : memref<64xi32, #tpu.memory_space<vmem>>) semaphore(%arg10 : memref<!tpu.dma_semaphore, #tpu.memory_space<semaphore_mem>>)
      %dma_wait3A_1323 = arith.constant 0 : i32
      %dma_wait3A_1324 = arith.constant 2 : i32
      %dma_wait3A_1325 = arith.constant 0 : i32
      %dma_wait3A_1326 = arith.constant 0 : i32
      %dma_wait3A_1327 = tpu.memref_slice %arg8[%dma_wait3A_1324, %dma_wait3A_1325, %dma_wait3A_1326] : memref<4x64x128xf32, #tpu.memory_space<vmem>> -> memref<1x64x128xf32, #tpu.memory_space<vmem>>
      %dma_wait3A_1328 = tpu.memref_squeeze %dma_wait3A_1327 : memref<1x64x128xf32, #tpu.memory_space<vmem>> -> memref<64x128xf32, #tpu.memory_space<vmem>>
      %dma_wait3A_1329 = arith.constant 0 : i32
      %dma_wait3A_1330 = tpu.memref_slice %arg6[%dma_wait3A_1323, %dma_wait3A_1329] : memref<40x64xi32, #tpu.memory_space<vmem>> -> memref<1x64xi32, #tpu.memory_space<vmem>>
      %dma_wait3A_1331 = tpu.memref_squeeze %dma_wait3A_1330 : memref<1x64xi32, #tpu.memory_space<vmem>> -> memref<64xi32, #tpu.memory_space<vmem>>
      %dma_wait3A_1332 = arith.constant 0 : i32
      %dma_wait3A_1333 = arith.constant 0 : i32
      %dma_wait3A_1334 = tpu.memref_slice %arg2[%dma_wait3A_1332, %dma_wait3A_1333] : memref<10240x128xf32, #tpu.memory_space<hbm>> -> memref<10240x128xf32, #tpu.memory_space<hbm>>
      tpu.wait_indirect_dma semaphore(%arg12 : memref<!tpu.dma_semaphore, #tpu.memory_space<semaphore_mem>>) src(%dma_wait3A_1334 : memref<10240x128xf32, #tpu.memory_space<hbm>>) dst(%dma_wait3A_1328 : memref<64x128xf32, #tpu.memory_space<vmem>>)
      %dma_start3A_1335 = arith.constant 2 : i32
      %dma_start3A_1336 = arith.constant 26 : i32
      %dma_start3A_1337 = arith.constant 0 : i32
      %dma_start3A_1338 = arith.constant 0 : i32
      %dma_start3A_1339 = tpu.memref_slice %arg8[%dma_start3A_1335, %dma_start3A_1337, %dma_start3A_1338] : memref<4x64x128xf32, #tpu.memory_space<vmem>> -> memref<1x64x128xf32, #tpu.memory_space<vmem>>
      %dma_start3A_1340 = tpu.memref_squeeze %dma_start3A_1339 : memref<1x64x128xf32, #tpu.memory_space<vmem>> -> memref<64x128xf32, #tpu.memory_space<vmem>>
      %dma_start3A_1341 = arith.constant 0 : i32
      %dma_start3A_1342 = tpu.memref_slice %arg7[%dma_start3A_1336, %dma_start3A_1341] : memref<40x64xi32, #tpu.memory_space<vmem>> -> memref<1x64xi32, #tpu.memory_space<vmem>>
      %dma_start3A_1343 = tpu.memref_squeeze %dma_start3A_1342 : memref<1x64xi32, #tpu.memory_space<vmem>> -> memref<64xi32, #tpu.memory_space<vmem>>
      %dma_start3A_1344 = arith.constant 0 : i32
      %dma_start3A_1345 = arith.constant 0 : i32
      %dma_start3A_1346 = tpu.memref_slice %arg9[%dma_start3A_1344, %dma_start3A_1345] : memref<10240x128xf32, #tpu.memory_space<vmem_shared>> -> memref<10240x128xf32, #tpu.memory_space<vmem_shared>>
      tpu.enqueue_indirect_dma source(%dma_start3A_1340 : memref<64x128xf32, #tpu.memory_space<vmem>>) target(%dma_start3A_1346 : memref<10240x128xf32, #tpu.memory_space<vmem_shared>>) offsets(%dma_start3A_1343 : memref<64xi32, #tpu.memory_space<vmem>>) semaphore(%arg16 : memref<!tpu.dma_semaphore, #tpu.memory_space<semaphore_mem>>) {add = true}
      %dma_wait3A_1347 = arith.constant 1 : i32
      %dma_wait3A_1348 = arith.constant 0 : i32
      %dma_wait3A_1349 = arith.constant 0 : i32
      %dma_wait3A_1350 = arith.constant 0 : i32
      %dma_wait3A_1351 = tpu.memref_slice %arg8[%dma_wait3A_1347, %dma_wait3A_1349, %dma_wait3A_1350] : memref<4x64x128xf32, #tpu.memory_space<vmem>> -> memref<1x64x128xf32, #tpu.memory_space<vmem>>
      %dma_wait3A_1352 = tpu.memref_squeeze %dma_wait3A_1351 : memref<1x64x128xf32, #tpu.memory_space<vmem>> -> memref<64x128xf32, #tpu.memory_space<vmem>>
      %dma_wait3A_1353 = arith.constant 0 : i32
      %dma_wait3A_1354 = tpu.memref_slice %arg7[%dma_wait3A_1348, %dma_wait3A_1353] : memref<40x64xi32, #tpu.memory_space<vmem>> -> memref<1x64xi32, #tpu.memory_space<vmem>>
      %dma_wait3A_1355 = tpu.memref_squeeze %dma_wait3A_1354 : memref<1x64xi32, #tpu.memory_space<vmem>> -> memref<64xi32, #tpu.memory_space<vmem>>
      %dma_wait3A_1356 = arith.constant 0 : i32
      %dma_wait3A_1357 = arith.constant 0 : i32
      %dma_wait3A_1358 = tpu.memref_slice %arg9[%dma_wait3A_1356, %dma_wait3A_1357] : memref<10240x128xf32, #tpu.memory_space<vmem_shared>> -> memref<10240x128xf32, #tpu.memory_space<vmem_shared>>
      tpu.wait_indirect_dma semaphore(%arg15 : memref<!tpu.dma_semaphore, #tpu.memory_space<semaphore_mem>>) src(%dma_wait3A_1352 : memref<64x128xf32, #tpu.memory_space<vmem>>) dst(%dma_wait3A_1358 : memref<10240x128xf32, #tpu.memory_space<vmem_shared>>)
      %dma_start3A_1359 = arith.constant 29 : i32
      %dma_start3A_1360 = arith.constant 1 : i32
      %dma_start3A_1361 = arith.constant 0 : i32
      %dma_start3A_1362 = arith.constant 0 : i32
      %dma_start3A_1363 = tpu.memref_slice %arg8[%dma_start3A_1360, %dma_start3A_1361, %dma_start3A_1362] : memref<4x64x128xf32, #tpu.memory_space<vmem>> -> memref<1x64x128xf32, #tpu.memory_space<vmem>>
      %dma_start3A_1364 = tpu.memref_squeeze %dma_start3A_1363 : memref<1x64x128xf32, #tpu.memory_space<vmem>> -> memref<64x128xf32, #tpu.memory_space<vmem>>
      %dma_start3A_1365 = arith.constant 0 : i32
      %dma_start3A_1366 = tpu.memref_slice %arg6[%dma_start3A_1359, %dma_start3A_1365] : memref<40x64xi32, #tpu.memory_space<vmem>> -> memref<1x64xi32, #tpu.memory_space<vmem>>
      %dma_start3A_1367 = tpu.memref_squeeze %dma_start3A_1366 : memref<1x64xi32, #tpu.memory_space<vmem>> -> memref<64xi32, #tpu.memory_space<vmem>>
      %dma_start3A_1368 = arith.constant 0 : i32
      %dma_start3A_1369 = arith.constant 0 : i32
      %dma_start3A_1370 = tpu.memref_slice %arg2[%dma_start3A_1368, %dma_start3A_1369] : memref<10240x128xf32, #tpu.memory_space<hbm>> -> memref<10240x128xf32, #tpu.memory_space<hbm>>
      tpu.enqueue_indirect_dma source(%dma_start3A_1370 : memref<10240x128xf32, #tpu.memory_space<hbm>>) target(%dma_start3A_1364 : memref<64x128xf32, #tpu.memory_space<vmem>>) offsets(%dma_start3A_1367 : memref<64xi32, #tpu.memory_space<vmem>>) semaphore(%arg11 : memref<!tpu.dma_semaphore, #tpu.memory_space<semaphore_mem>>)
      %dma_wait3A_1371 = arith.constant 0 : i32
      %dma_wait3A_1372 = arith.constant 3 : i32
      %dma_wait3A_1373 = arith.constant 0 : i32
      %dma_wait3A_1374 = arith.constant 0 : i32
      %dma_wait3A_1375 = tpu.memref_slice %arg8[%dma_wait3A_1372, %dma_wait3A_1373, %dma_wait3A_1374] : memref<4x64x128xf32, #tpu.memory_space<vmem>> -> memref<1x64x128xf32, #tpu.memory_space<vmem>>
      %dma_wait3A_1376 = tpu.memref_squeeze %dma_wait3A_1375 : memref<1x64x128xf32, #tpu.memory_space<vmem>> -> memref<64x128xf32, #tpu.memory_space<vmem>>
      %dma_wait3A_1377 = arith.constant 0 : i32
      %dma_wait3A_1378 = tpu.memref_slice %arg6[%dma_wait3A_1371, %dma_wait3A_1377] : memref<40x64xi32, #tpu.memory_space<vmem>> -> memref<1x64xi32, #tpu.memory_space<vmem>>
      %dma_wait3A_1379 = tpu.memref_squeeze %dma_wait3A_1378 : memref<1x64xi32, #tpu.memory_space<vmem>> -> memref<64xi32, #tpu.memory_space<vmem>>
      %dma_wait3A_1380 = arith.constant 0 : i32
      %dma_wait3A_1381 = arith.constant 0 : i32
      %dma_wait3A_1382 = tpu.memref_slice %arg2[%dma_wait3A_1380, %dma_wait3A_1381] : memref<10240x128xf32, #tpu.memory_space<hbm>> -> memref<10240x128xf32, #tpu.memory_space<hbm>>
      tpu.wait_indirect_dma semaphore(%arg13 : memref<!tpu.dma_semaphore, #tpu.memory_space<semaphore_mem>>) src(%dma_wait3A_1382 : memref<10240x128xf32, #tpu.memory_space<hbm>>) dst(%dma_wait3A_1376 : memref<64x128xf32, #tpu.memory_space<vmem>>)
      %dma_start3A_1383 = arith.constant 3 : i32
      %dma_start3A_1384 = arith.constant 27 : i32
      %dma_start3A_1385 = arith.constant 0 : i32
      %dma_start3A_1386 = arith.constant 0 : i32
      %dma_start3A_1387 = tpu.memref_slice %arg8[%dma_start3A_1383, %dma_start3A_1385, %dma_start3A_1386] : memref<4x64x128xf32, #tpu.memory_space<vmem>> -> memref<1x64x128xf32, #tpu.memory_space<vmem>>
      %dma_start3A_1388 = tpu.memref_squeeze %dma_start3A_1387 : memref<1x64x128xf32, #tpu.memory_space<vmem>> -> memref<64x128xf32, #tpu.memory_space<vmem>>
      %dma_start3A_1389 = arith.constant 0 : i32
      %dma_start3A_1390 = tpu.memref_slice %arg7[%dma_start3A_1384, %dma_start3A_1389] : memref<40x64xi32, #tpu.memory_space<vmem>> -> memref<1x64xi32, #tpu.memory_space<vmem>>
      %dma_start3A_1391 = tpu.memref_squeeze %dma_start3A_1390 : memref<1x64xi32, #tpu.memory_space<vmem>> -> memref<64xi32, #tpu.memory_space<vmem>>
      %dma_start3A_1392 = arith.constant 0 : i32
      %dma_start3A_1393 = arith.constant 0 : i32
      %dma_start3A_1394 = tpu.memref_slice %arg9[%dma_start3A_1392, %dma_start3A_1393] : memref<10240x128xf32, #tpu.memory_space<vmem_shared>> -> memref<10240x128xf32, #tpu.memory_space<vmem_shared>>
      tpu.enqueue_indirect_dma source(%dma_start3A_1388 : memref<64x128xf32, #tpu.memory_space<vmem>>) target(%dma_start3A_1394 : memref<10240x128xf32, #tpu.memory_space<vmem_shared>>) offsets(%dma_start3A_1391 : memref<64xi32, #tpu.memory_space<vmem>>) semaphore(%arg17 : memref<!tpu.dma_semaphore, #tpu.memory_space<semaphore_mem>>) {add = true}
      %dma_wait3A_1395 = arith.constant 2 : i32
      %dma_wait3A_1396 = arith.constant 0 : i32
      %dma_wait3A_1397 = arith.constant 0 : i32
      %dma_wait3A_1398 = arith.constant 0 : i32
      %dma_wait3A_1399 = tpu.memref_slice %arg8[%dma_wait3A_1395, %dma_wait3A_1397, %dma_wait3A_1398] : memref<4x64x128xf32, #tpu.memory_space<vmem>> -> memref<1x64x128xf32, #tpu.memory_space<vmem>>
      %dma_wait3A_1400 = tpu.memref_squeeze %dma_wait3A_1399 : memref<1x64x128xf32, #tpu.memory_space<vmem>> -> memref<64x128xf32, #tpu.memory_space<vmem>>
      %dma_wait3A_1401 = arith.constant 0 : i32
      %dma_wait3A_1402 = tpu.memref_slice %arg7[%dma_wait3A_1396, %dma_wait3A_1401] : memref<40x64xi32, #tpu.memory_space<vmem>> -> memref<1x64xi32, #tpu.memory_space<vmem>>
      %dma_wait3A_1403 = tpu.memref_squeeze %dma_wait3A_1402 : memref<1x64xi32, #tpu.memory_space<vmem>> -> memref<64xi32, #tpu.memory_space<vmem>>
      %dma_wait3A_1404 = arith.constant 0 : i32
      %dma_wait3A_1405 = arith.constant 0 : i32
      %dma_wait3A_1406 = tpu.memref_slice %arg9[%dma_wait3A_1404, %dma_wait3A_1405] : memref<10240x128xf32, #tpu.memory_space<vmem_shared>> -> memref<10240x128xf32, #tpu.memory_space<vmem_shared>>
      tpu.wait_indirect_dma semaphore(%arg16 : memref<!tpu.dma_semaphore, #tpu.memory_space<semaphore_mem>>) src(%dma_wait3A_1400 : memref<64x128xf32, #tpu.memory_space<vmem>>) dst(%dma_wait3A_1406 : memref<10240x128xf32, #tpu.memory_space<vmem_shared>>)
      %dma_start3A_1407 = arith.constant 30 : i32
      %dma_start3A_1408 = arith.constant 2 : i32
      %dma_start3A_1409 = arith.constant 0 : i32
      %dma_start3A_1410 = arith.constant 0 : i32
      %dma_start3A_1411 = tpu.memref_slice %arg8[%dma_start3A_1408, %dma_start3A_1409, %dma_start3A_1410] : memref<4x64x128xf32, #tpu.memory_space<vmem>> -> memref<1x64x128xf32, #tpu.memory_space<vmem>>
      %dma_start3A_1412 = tpu.memref_squeeze %dma_start3A_1411 : memref<1x64x128xf32, #tpu.memory_space<vmem>> -> memref<64x128xf32, #tpu.memory_space<vmem>>
      %dma_start3A_1413 = arith.constant 0 : i32
      %dma_start3A_1414 = tpu.memref_slice %arg6[%dma_start3A_1407, %dma_start3A_1413] : memref<40x64xi32, #tpu.memory_space<vmem>> -> memref<1x64xi32, #tpu.memory_space<vmem>>
      %dma_start3A_1415 = tpu.memref_squeeze %dma_start3A_1414 : memref<1x64xi32, #tpu.memory_space<vmem>> -> memref<64xi32, #tpu.memory_space<vmem>>
      %dma_start3A_1416 = arith.constant 0 : i32
      %dma_start3A_1417 = arith.constant 0 : i32
      %dma_start3A_1418 = tpu.memref_slice %arg2[%dma_start3A_1416, %dma_start3A_1417] : memref<10240x128xf32, #tpu.memory_space<hbm>> -> memref<10240x128xf32, #tpu.memory_space<hbm>>
      tpu.enqueue_indirect_dma source(%dma_start3A_1418 : memref<10240x128xf32, #tpu.memory_space<hbm>>) target(%dma_start3A_1412 : memref<64x128xf32, #tpu.memory_space<vmem>>) offsets(%dma_start3A_1415 : memref<64xi32, #tpu.memory_space<vmem>>) semaphore(%arg12 : memref<!tpu.dma_semaphore, #tpu.memory_space<semaphore_mem>>)
      %dma_wait3A_1419 = arith.constant 0 : i32
      %dma_wait3A_1420 = arith.constant 0 : i32
      %dma_wait3A_1421 = arith.constant 0 : i32
      %dma_wait3A_1422 = arith.constant 0 : i32
      %dma_wait3A_1423 = tpu.memref_slice %arg8[%dma_wait3A_1420, %dma_wait3A_1421, %dma_wait3A_1422] : memref<4x64x128xf32, #tpu.memory_space<vmem>> -> memref<1x64x128xf32, #tpu.memory_space<vmem>>
      %dma_wait3A_1424 = tpu.memref_squeeze %dma_wait3A_1423 : memref<1x64x128xf32, #tpu.memory_space<vmem>> -> memref<64x128xf32, #tpu.memory_space<vmem>>
      %dma_wait3A_1425 = arith.constant 0 : i32
      %dma_wait3A_1426 = tpu.memref_slice %arg6[%dma_wait3A_1419, %dma_wait3A_1425] : memref<40x64xi32, #tpu.memory_space<vmem>> -> memref<1x64xi32, #tpu.memory_space<vmem>>
      %dma_wait3A_1427 = tpu.memref_squeeze %dma_wait3A_1426 : memref<1x64xi32, #tpu.memory_space<vmem>> -> memref<64xi32, #tpu.memory_space<vmem>>
      %dma_wait3A_1428 = arith.constant 0 : i32
      %dma_wait3A_1429 = arith.constant 0 : i32
      %dma_wait3A_1430 = tpu.memref_slice %arg2[%dma_wait3A_1428, %dma_wait3A_1429] : memref<10240x128xf32, #tpu.memory_space<hbm>> -> memref<10240x128xf32, #tpu.memory_space<hbm>>
      tpu.wait_indirect_dma semaphore(%arg10 : memref<!tpu.dma_semaphore, #tpu.memory_space<semaphore_mem>>) src(%dma_wait3A_1430 : memref<10240x128xf32, #tpu.memory_space<hbm>>) dst(%dma_wait3A_1424 : memref<64x128xf32, #tpu.memory_space<vmem>>)
      %dma_start3A_1431 = arith.constant 0 : i32
      %dma_start3A_1432 = arith.constant 28 : i32
      %dma_start3A_1433 = arith.constant 0 : i32
      %dma_start3A_1434 = arith.constant 0 : i32
      %dma_start3A_1435 = tpu.memref_slice %arg8[%dma_start3A_1431, %dma_start3A_1433, %dma_start3A_1434] : memref<4x64x128xf32, #tpu.memory_space<vmem>> -> memref<1x64x128xf32, #tpu.memory_space<vmem>>
      %dma_start3A_1436 = tpu.memref_squeeze %dma_start3A_1435 : memref<1x64x128xf32, #tpu.memory_space<vmem>> -> memref<64x128xf32, #tpu.memory_space<vmem>>
      %dma_start3A_1437 = arith.constant 0 : i32
      %dma_start3A_1438 = tpu.memref_slice %arg7[%dma_start3A_1432, %dma_start3A_1437] : memref<40x64xi32, #tpu.memory_space<vmem>> -> memref<1x64xi32, #tpu.memory_space<vmem>>
      %dma_start3A_1439 = tpu.memref_squeeze %dma_start3A_1438 : memref<1x64xi32, #tpu.memory_space<vmem>> -> memref<64xi32, #tpu.memory_space<vmem>>
      %dma_start3A_1440 = arith.constant 0 : i32
      %dma_start3A_1441 = arith.constant 0 : i32
      %dma_start3A_1442 = tpu.memref_slice %arg9[%dma_start3A_1440, %dma_start3A_1441] : memref<10240x128xf32, #tpu.memory_space<vmem_shared>> -> memref<10240x128xf32, #tpu.memory_space<vmem_shared>>
      tpu.enqueue_indirect_dma source(%dma_start3A_1436 : memref<64x128xf32, #tpu.memory_space<vmem>>) target(%dma_start3A_1442 : memref<10240x128xf32, #tpu.memory_space<vmem_shared>>) offsets(%dma_start3A_1439 : memref<64xi32, #tpu.memory_space<vmem>>) semaphore(%arg14 : memref<!tpu.dma_semaphore, #tpu.memory_space<semaphore_mem>>) {add = true}
      %dma_wait3A_1443 = arith.constant 3 : i32
      %dma_wait3A_1444 = arith.constant 0 : i32
      %dma_wait3A_1445 = arith.constant 0 : i32
      %dma_wait3A_1446 = arith.constant 0 : i32
      %dma_wait3A_1447 = tpu.memref_slice %arg8[%dma_wait3A_1443, %dma_wait3A_1445, %dma_wait3A_1446] : memref<4x64x128xf32, #tpu.memory_space<vmem>> -> memref<1x64x128xf32, #tpu.memory_space<vmem>>
      %dma_wait3A_1448 = tpu.memref_squeeze %dma_wait3A_1447 : memref<1x64x128xf32, #tpu.memory_space<vmem>> -> memref<64x128xf32, #tpu.memory_space<vmem>>
      %dma_wait3A_1449 = arith.constant 0 : i32
      %dma_wait3A_1450 = tpu.memref_slice %arg7[%dma_wait3A_1444, %dma_wait3A_1449] : memref<40x64xi32, #tpu.memory_space<vmem>> -> memref<1x64xi32, #tpu.memory_space<vmem>>
      %dma_wait3A_1451 = tpu.memref_squeeze %dma_wait3A_1450 : memref<1x64xi32, #tpu.memory_space<vmem>> -> memref<64xi32, #tpu.memory_space<vmem>>
      %dma_wait3A_1452 = arith.constant 0 : i32
      %dma_wait3A_1453 = arith.constant 0 : i32
      %dma_wait3A_1454 = tpu.memref_slice %arg9[%dma_wait3A_1452, %dma_wait3A_1453] : memref<10240x128xf32, #tpu.memory_space<vmem_shared>> -> memref<10240x128xf32, #tpu.memory_space<vmem_shared>>
      tpu.wait_indirect_dma semaphore(%arg17 : memref<!tpu.dma_semaphore, #tpu.memory_space<semaphore_mem>>) src(%dma_wait3A_1448 : memref<64x128xf32, #tpu.memory_space<vmem>>) dst(%dma_wait3A_1454 : memref<10240x128xf32, #tpu.memory_space<vmem_shared>>)
      %dma_start3A_1455 = arith.constant 31 : i32
      %dma_start3A_1456 = arith.constant 3 : i32
      %dma_start3A_1457 = arith.constant 0 : i32
      %dma_start3A_1458 = arith.constant 0 : i32
      %dma_start3A_1459 = tpu.memref_slice %arg8[%dma_start3A_1456, %dma_start3A_1457, %dma_start3A_1458] : memref<4x64x128xf32, #tpu.memory_space<vmem>> -> memref<1x64x128xf32, #tpu.memory_space<vmem>>
      %dma_start3A_1460 = tpu.memref_squeeze %dma_start3A_1459 : memref<1x64x128xf32, #tpu.memory_space<vmem>> -> memref<64x128xf32, #tpu.memory_space<vmem>>
      %dma_start3A_1461 = arith.constant 0 : i32
      %dma_start3A_1462 = tpu.memref_slice %arg6[%dma_start3A_1455, %dma_start3A_1461] : memref<40x64xi32, #tpu.memory_space<vmem>> -> memref<1x64xi32, #tpu.memory_space<vmem>>
      %dma_start3A_1463 = tpu.memref_squeeze %dma_start3A_1462 : memref<1x64xi32, #tpu.memory_space<vmem>> -> memref<64xi32, #tpu.memory_space<vmem>>
      %dma_start3A_1464 = arith.constant 0 : i32
      %dma_start3A_1465 = arith.constant 0 : i32
      %dma_start3A_1466 = tpu.memref_slice %arg2[%dma_start3A_1464, %dma_start3A_1465] : memref<10240x128xf32, #tpu.memory_space<hbm>> -> memref<10240x128xf32, #tpu.memory_space<hbm>>
      tpu.enqueue_indirect_dma source(%dma_start3A_1466 : memref<10240x128xf32, #tpu.memory_space<hbm>>) target(%dma_start3A_1460 : memref<64x128xf32, #tpu.memory_space<vmem>>) offsets(%dma_start3A_1463 : memref<64xi32, #tpu.memory_space<vmem>>) semaphore(%arg13 : memref<!tpu.dma_semaphore, #tpu.memory_space<semaphore_mem>>)
      %dma_wait3A_1467 = arith.constant 0 : i32
      %dma_wait3A_1468 = arith.constant 1 : i32
      %dma_wait3A_1469 = arith.constant 0 : i32
      %dma_wait3A_1470 = arith.constant 0 : i32
      %dma_wait3A_1471 = tpu.memref_slice %arg8[%dma_wait3A_1468, %dma_wait3A_1469, %dma_wait3A_1470] : memref<4x64x128xf32, #tpu.memory_space<vmem>> -> memref<1x64x128xf32, #tpu.memory_space<vmem>>
      %dma_wait3A_1472 = tpu.memref_squeeze %dma_wait3A_1471 : memref<1x64x128xf32, #tpu.memory_space<vmem>> -> memref<64x128xf32, #tpu.memory_space<vmem>>
      %dma_wait3A_1473 = arith.constant 0 : i32
      %dma_wait3A_1474 = tpu.memref_slice %arg6[%dma_wait3A_1467, %dma_wait3A_1473] : memref<40x64xi32, #tpu.memory_space<vmem>> -> memref<1x64xi32, #tpu.memory_space<vmem>>
      %dma_wait3A_1475 = tpu.memref_squeeze %dma_wait3A_1474 : memref<1x64xi32, #tpu.memory_space<vmem>> -> memref<64xi32, #tpu.memory_space<vmem>>
      %dma_wait3A_1476 = arith.constant 0 : i32
      %dma_wait3A_1477 = arith.constant 0 : i32
      %dma_wait3A_1478 = tpu.memref_slice %arg2[%dma_wait3A_1476, %dma_wait3A_1477] : memref<10240x128xf32, #tpu.memory_space<hbm>> -> memref<10240x128xf32, #tpu.memory_space<hbm>>
      tpu.wait_indirect_dma semaphore(%arg11 : memref<!tpu.dma_semaphore, #tpu.memory_space<semaphore_mem>>) src(%dma_wait3A_1478 : memref<10240x128xf32, #tpu.memory_space<hbm>>) dst(%dma_wait3A_1472 : memref<64x128xf32, #tpu.memory_space<vmem>>)
      %dma_start3A_1479 = arith.constant 1 : i32
      %dma_start3A_1480 = arith.constant 29 : i32
      %dma_start3A_1481 = arith.constant 0 : i32
      %dma_start3A_1482 = arith.constant 0 : i32
      %dma_start3A_1483 = tpu.memref_slice %arg8[%dma_start3A_1479, %dma_start3A_1481, %dma_start3A_1482] : memref<4x64x128xf32, #tpu.memory_space<vmem>> -> memref<1x64x128xf32, #tpu.memory_space<vmem>>
      %dma_start3A_1484 = tpu.memref_squeeze %dma_start3A_1483 : memref<1x64x128xf32, #tpu.memory_space<vmem>> -> memref<64x128xf32, #tpu.memory_space<vmem>>
      %dma_start3A_1485 = arith.constant 0 : i32
      %dma_start3A_1486 = tpu.memref_slice %arg7[%dma_start3A_1480, %dma_start3A_1485] : memref<40x64xi32, #tpu.memory_space<vmem>> -> memref<1x64xi32, #tpu.memory_space<vmem>>
      %dma_start3A_1487 = tpu.memref_squeeze %dma_start3A_1486 : memref<1x64xi32, #tpu.memory_space<vmem>> -> memref<64xi32, #tpu.memory_space<vmem>>
      %dma_start3A_1488 = arith.constant 0 : i32
      %dma_start3A_1489 = arith.constant 0 : i32
      %dma_start3A_1490 = tpu.memref_slice %arg9[%dma_start3A_1488, %dma_start3A_1489] : memref<10240x128xf32, #tpu.memory_space<vmem_shared>> -> memref<10240x128xf32, #tpu.memory_space<vmem_shared>>
      tpu.enqueue_indirect_dma source(%dma_start3A_1484 : memref<64x128xf32, #tpu.memory_space<vmem>>) target(%dma_start3A_1490 : memref<10240x128xf32, #tpu.memory_space<vmem_shared>>) offsets(%dma_start3A_1487 : memref<64xi32, #tpu.memory_space<vmem>>) semaphore(%arg15 : memref<!tpu.dma_semaphore, #tpu.memory_space<semaphore_mem>>) {add = true}
      %dma_wait3A_1491 = arith.constant 0 : i32
      %dma_wait3A_1492 = arith.constant 0 : i32
      %dma_wait3A_1493 = arith.constant 0 : i32
      %dma_wait3A_1494 = arith.constant 0 : i32
      %dma_wait3A_1495 = tpu.memref_slice %arg8[%dma_wait3A_1491, %dma_wait3A_1493, %dma_wait3A_1494] : memref<4x64x128xf32, #tpu.memory_space<vmem>> -> memref<1x64x128xf32, #tpu.memory_space<vmem>>
      %dma_wait3A_1496 = tpu.memref_squeeze %dma_wait3A_1495 : memref<1x64x128xf32, #tpu.memory_space<vmem>> -> memref<64x128xf32, #tpu.memory_space<vmem>>
      %dma_wait3A_1497 = arith.constant 0 : i32
      %dma_wait3A_1498 = tpu.memref_slice %arg7[%dma_wait3A_1492, %dma_wait3A_1497] : memref<40x64xi32, #tpu.memory_space<vmem>> -> memref<1x64xi32, #tpu.memory_space<vmem>>
      %dma_wait3A_1499 = tpu.memref_squeeze %dma_wait3A_1498 : memref<1x64xi32, #tpu.memory_space<vmem>> -> memref<64xi32, #tpu.memory_space<vmem>>
      %dma_wait3A_1500 = arith.constant 0 : i32
      %dma_wait3A_1501 = arith.constant 0 : i32
      %dma_wait3A_1502 = tpu.memref_slice %arg9[%dma_wait3A_1500, %dma_wait3A_1501] : memref<10240x128xf32, #tpu.memory_space<vmem_shared>> -> memref<10240x128xf32, #tpu.memory_space<vmem_shared>>
      tpu.wait_indirect_dma semaphore(%arg14 : memref<!tpu.dma_semaphore, #tpu.memory_space<semaphore_mem>>) src(%dma_wait3A_1496 : memref<64x128xf32, #tpu.memory_space<vmem>>) dst(%dma_wait3A_1502 : memref<10240x128xf32, #tpu.memory_space<vmem_shared>>)
      %dma_start3A_1503 = arith.constant 32 : i32
      %dma_start3A_1504 = arith.constant 0 : i32
      %dma_start3A_1505 = arith.constant 0 : i32
      %dma_start3A_1506 = arith.constant 0 : i32
      %dma_start3A_1507 = tpu.memref_slice %arg8[%dma_start3A_1504, %dma_start3A_1505, %dma_start3A_1506] : memref<4x64x128xf32, #tpu.memory_space<vmem>> -> memref<1x64x128xf32, #tpu.memory_space<vmem>>
      %dma_start3A_1508 = tpu.memref_squeeze %dma_start3A_1507 : memref<1x64x128xf32, #tpu.memory_space<vmem>> -> memref<64x128xf32, #tpu.memory_space<vmem>>
      %dma_start3A_1509 = arith.constant 0 : i32
      %dma_start3A_1510 = tpu.memref_slice %arg6[%dma_start3A_1503, %dma_start3A_1509] : memref<40x64xi32, #tpu.memory_space<vmem>> -> memref<1x64xi32, #tpu.memory_space<vmem>>
      %dma_start3A_1511 = tpu.memref_squeeze %dma_start3A_1510 : memref<1x64xi32, #tpu.memory_space<vmem>> -> memref<64xi32, #tpu.memory_space<vmem>>
      %dma_start3A_1512 = arith.constant 0 : i32
      %dma_start3A_1513 = arith.constant 0 : i32
      %dma_start3A_1514 = tpu.memref_slice %arg2[%dma_start3A_1512, %dma_start3A_1513] : memref<10240x128xf32, #tpu.memory_space<hbm>> -> memref<10240x128xf32, #tpu.memory_space<hbm>>
      tpu.enqueue_indirect_dma source(%dma_start3A_1514 : memref<10240x128xf32, #tpu.memory_space<hbm>>) target(%dma_start3A_1508 : memref<64x128xf32, #tpu.memory_space<vmem>>) offsets(%dma_start3A_1511 : memref<64xi32, #tpu.memory_space<vmem>>) semaphore(%arg10 : memref<!tpu.dma_semaphore, #tpu.memory_space<semaphore_mem>>)
      %dma_wait3A_1515 = arith.constant 0 : i32
      %dma_wait3A_1516 = arith.constant 2 : i32
      %dma_wait3A_1517 = arith.constant 0 : i32
      %dma_wait3A_1518 = arith.constant 0 : i32
      %dma_wait3A_1519 = tpu.memref_slice %arg8[%dma_wait3A_1516, %dma_wait3A_1517, %dma_wait3A_1518] : memref<4x64x128xf32, #tpu.memory_space<vmem>> -> memref<1x64x128xf32, #tpu.memory_space<vmem>>
      %dma_wait3A_1520 = tpu.memref_squeeze %dma_wait3A_1519 : memref<1x64x128xf32, #tpu.memory_space<vmem>> -> memref<64x128xf32, #tpu.memory_space<vmem>>
      %dma_wait3A_1521 = arith.constant 0 : i32
      %dma_wait3A_1522 = tpu.memref_slice %arg6[%dma_wait3A_1515, %dma_wait3A_1521] : memref<40x64xi32, #tpu.memory_space<vmem>> -> memref<1x64xi32, #tpu.memory_space<vmem>>
      %dma_wait3A_1523 = tpu.memref_squeeze %dma_wait3A_1522 : memref<1x64xi32, #tpu.memory_space<vmem>> -> memref<64xi32, #tpu.memory_space<vmem>>
      %dma_wait3A_1524 = arith.constant 0 : i32
      %dma_wait3A_1525 = arith.constant 0 : i32
      %dma_wait3A_1526 = tpu.memref_slice %arg2[%dma_wait3A_1524, %dma_wait3A_1525] : memref<10240x128xf32, #tpu.memory_space<hbm>> -> memref<10240x128xf32, #tpu.memory_space<hbm>>
      tpu.wait_indirect_dma semaphore(%arg12 : memref<!tpu.dma_semaphore, #tpu.memory_space<semaphore_mem>>) src(%dma_wait3A_1526 : memref<10240x128xf32, #tpu.memory_space<hbm>>) dst(%dma_wait3A_1520 : memref<64x128xf32, #tpu.memory_space<vmem>>)
      %dma_start3A_1527 = arith.constant 2 : i32
      %dma_start3A_1528 = arith.constant 30 : i32
      %dma_start3A_1529 = arith.constant 0 : i32
      %dma_start3A_1530 = arith.constant 0 : i32
      %dma_start3A_1531 = tpu.memref_slice %arg8[%dma_start3A_1527, %dma_start3A_1529, %dma_start3A_1530] : memref<4x64x128xf32, #tpu.memory_space<vmem>> -> memref<1x64x128xf32, #tpu.memory_space<vmem>>
      %dma_start3A_1532 = tpu.memref_squeeze %dma_start3A_1531 : memref<1x64x128xf32, #tpu.memory_space<vmem>> -> memref<64x128xf32, #tpu.memory_space<vmem>>
      %dma_start3A_1533 = arith.constant 0 : i32
      %dma_start3A_1534 = tpu.memref_slice %arg7[%dma_start3A_1528, %dma_start3A_1533] : memref<40x64xi32, #tpu.memory_space<vmem>> -> memref<1x64xi32, #tpu.memory_space<vmem>>
      %dma_start3A_1535 = tpu.memref_squeeze %dma_start3A_1534 : memref<1x64xi32, #tpu.memory_space<vmem>> -> memref<64xi32, #tpu.memory_space<vmem>>
      %dma_start3A_1536 = arith.constant 0 : i32
      %dma_start3A_1537 = arith.constant 0 : i32
      %dma_start3A_1538 = tpu.memref_slice %arg9[%dma_start3A_1536, %dma_start3A_1537] : memref<10240x128xf32, #tpu.memory_space<vmem_shared>> -> memref<10240x128xf32, #tpu.memory_space<vmem_shared>>
      tpu.enqueue_indirect_dma source(%dma_start3A_1532 : memref<64x128xf32, #tpu.memory_space<vmem>>) target(%dma_start3A_1538 : memref<10240x128xf32, #tpu.memory_space<vmem_shared>>) offsets(%dma_start3A_1535 : memref<64xi32, #tpu.memory_space<vmem>>) semaphore(%arg16 : memref<!tpu.dma_semaphore, #tpu.memory_space<semaphore_mem>>) {add = true}
      %dma_wait3A_1539 = arith.constant 1 : i32
      %dma_wait3A_1540 = arith.constant 0 : i32
      %dma_wait3A_1541 = arith.constant 0 : i32
      %dma_wait3A_1542 = arith.constant 0 : i32
      %dma_wait3A_1543 = tpu.memref_slice %arg8[%dma_wait3A_1539, %dma_wait3A_1541, %dma_wait3A_1542] : memref<4x64x128xf32, #tpu.memory_space<vmem>> -> memref<1x64x128xf32, #tpu.memory_space<vmem>>
      %dma_wait3A_1544 = tpu.memref_squeeze %dma_wait3A_1543 : memref<1x64x128xf32, #tpu.memory_space<vmem>> -> memref<64x128xf32, #tpu.memory_space<vmem>>
      %dma_wait3A_1545 = arith.constant 0 : i32
      %dma_wait3A_1546 = tpu.memref_slice %arg7[%dma_wait3A_1540, %dma_wait3A_1545] : memref<40x64xi32, #tpu.memory_space<vmem>> -> memref<1x64xi32, #tpu.memory_space<vmem>>
      %dma_wait3A_1547 = tpu.memref_squeeze %dma_wait3A_1546 : memref<1x64xi32, #tpu.memory_space<vmem>> -> memref<64xi32, #tpu.memory_space<vmem>>
      %dma_wait3A_1548 = arith.constant 0 : i32
      %dma_wait3A_1549 = arith.constant 0 : i32
      %dma_wait3A_1550 = tpu.memref_slice %arg9[%dma_wait3A_1548, %dma_wait3A_1549] : memref<10240x128xf32, #tpu.memory_space<vmem_shared>> -> memref<10240x128xf32, #tpu.memory_space<vmem_shared>>
      tpu.wait_indirect_dma semaphore(%arg15 : memref<!tpu.dma_semaphore, #tpu.memory_space<semaphore_mem>>) src(%dma_wait3A_1544 : memref<64x128xf32, #tpu.memory_space<vmem>>) dst(%dma_wait3A_1550 : memref<10240x128xf32, #tpu.memory_space<vmem_shared>>)
      %dma_start3A_1551 = arith.constant 33 : i32
      %dma_start3A_1552 = arith.constant 1 : i32
      %dma_start3A_1553 = arith.constant 0 : i32
      %dma_start3A_1554 = arith.constant 0 : i32
      %dma_start3A_1555 = tpu.memref_slice %arg8[%dma_start3A_1552, %dma_start3A_1553, %dma_start3A_1554] : memref<4x64x128xf32, #tpu.memory_space<vmem>> -> memref<1x64x128xf32, #tpu.memory_space<vmem>>
      %dma_start3A_1556 = tpu.memref_squeeze %dma_start3A_1555 : memref<1x64x128xf32, #tpu.memory_space<vmem>> -> memref<64x128xf32, #tpu.memory_space<vmem>>
      %dma_start3A_1557 = arith.constant 0 : i32
      %dma_start3A_1558 = tpu.memref_slice %arg6[%dma_start3A_1551, %dma_start3A_1557] : memref<40x64xi32, #tpu.memory_space<vmem>> -> memref<1x64xi32, #tpu.memory_space<vmem>>
      %dma_start3A_1559 = tpu.memref_squeeze %dma_start3A_1558 : memref<1x64xi32, #tpu.memory_space<vmem>> -> memref<64xi32, #tpu.memory_space<vmem>>
      %dma_start3A_1560 = arith.constant 0 : i32
      %dma_start3A_1561 = arith.constant 0 : i32
      %dma_start3A_1562 = tpu.memref_slice %arg2[%dma_start3A_1560, %dma_start3A_1561] : memref<10240x128xf32, #tpu.memory_space<hbm>> -> memref<10240x128xf32, #tpu.memory_space<hbm>>
      tpu.enqueue_indirect_dma source(%dma_start3A_1562 : memref<10240x128xf32, #tpu.memory_space<hbm>>) target(%dma_start3A_1556 : memref<64x128xf32, #tpu.memory_space<vmem>>) offsets(%dma_start3A_1559 : memref<64xi32, #tpu.memory_space<vmem>>) semaphore(%arg11 : memref<!tpu.dma_semaphore, #tpu.memory_space<semaphore_mem>>)
      %dma_wait3A_1563 = arith.constant 0 : i32
      %dma_wait3A_1564 = arith.constant 3 : i32
      %dma_wait3A_1565 = arith.constant 0 : i32
      %dma_wait3A_1566 = arith.constant 0 : i32
      %dma_wait3A_1567 = tpu.memref_slice %arg8[%dma_wait3A_1564, %dma_wait3A_1565, %dma_wait3A_1566] : memref<4x64x128xf32, #tpu.memory_space<vmem>> -> memref<1x64x128xf32, #tpu.memory_space<vmem>>
      %dma_wait3A_1568 = tpu.memref_squeeze %dma_wait3A_1567 : memref<1x64x128xf32, #tpu.memory_space<vmem>> -> memref<64x128xf32, #tpu.memory_space<vmem>>
      %dma_wait3A_1569 = arith.constant 0 : i32
      %dma_wait3A_1570 = tpu.memref_slice %arg6[%dma_wait3A_1563, %dma_wait3A_1569] : memref<40x64xi32, #tpu.memory_space<vmem>> -> memref<1x64xi32, #tpu.memory_space<vmem>>
      %dma_wait3A_1571 = tpu.memref_squeeze %dma_wait3A_1570 : memref<1x64xi32, #tpu.memory_space<vmem>> -> memref<64xi32, #tpu.memory_space<vmem>>
      %dma_wait3A_1572 = arith.constant 0 : i32
      %dma_wait3A_1573 = arith.constant 0 : i32
      %dma_wait3A_1574 = tpu.memref_slice %arg2[%dma_wait3A_1572, %dma_wait3A_1573] : memref<10240x128xf32, #tpu.memory_space<hbm>> -> memref<10240x128xf32, #tpu.memory_space<hbm>>
      tpu.wait_indirect_dma semaphore(%arg13 : memref<!tpu.dma_semaphore, #tpu.memory_space<semaphore_mem>>) src(%dma_wait3A_1574 : memref<10240x128xf32, #tpu.memory_space<hbm>>) dst(%dma_wait3A_1568 : memref<64x128xf32, #tpu.memory_space<vmem>>)
      %dma_start3A_1575 = arith.constant 3 : i32
      %dma_start3A_1576 = arith.constant 31 : i32
      %dma_start3A_1577 = arith.constant 0 : i32
      %dma_start3A_1578 = arith.constant 0 : i32
      %dma_start3A_1579 = tpu.memref_slice %arg8[%dma_start3A_1575, %dma_start3A_1577, %dma_start3A_1578] : memref<4x64x128xf32, #tpu.memory_space<vmem>> -> memref<1x64x128xf32, #tpu.memory_space<vmem>>
      %dma_start3A_1580 = tpu.memref_squeeze %dma_start3A_1579 : memref<1x64x128xf32, #tpu.memory_space<vmem>> -> memref<64x128xf32, #tpu.memory_space<vmem>>
      %dma_start3A_1581 = arith.constant 0 : i32
      %dma_start3A_1582 = tpu.memref_slice %arg7[%dma_start3A_1576, %dma_start3A_1581] : memref<40x64xi32, #tpu.memory_space<vmem>> -> memref<1x64xi32, #tpu.memory_space<vmem>>
      %dma_start3A_1583 = tpu.memref_squeeze %dma_start3A_1582 : memref<1x64xi32, #tpu.memory_space<vmem>> -> memref<64xi32, #tpu.memory_space<vmem>>
      %dma_start3A_1584 = arith.constant 0 : i32
      %dma_start3A_1585 = arith.constant 0 : i32
      %dma_start3A_1586 = tpu.memref_slice %arg9[%dma_start3A_1584, %dma_start3A_1585] : memref<10240x128xf32, #tpu.memory_space<vmem_shared>> -> memref<10240x128xf32, #tpu.memory_space<vmem_shared>>
      tpu.enqueue_indirect_dma source(%dma_start3A_1580 : memref<64x128xf32, #tpu.memory_space<vmem>>) target(%dma_start3A_1586 : memref<10240x128xf32, #tpu.memory_space<vmem_shared>>) offsets(%dma_start3A_1583 : memref<64xi32, #tpu.memory_space<vmem>>) semaphore(%arg17 : memref<!tpu.dma_semaphore, #tpu.memory_space<semaphore_mem>>) {add = true}
      %dma_wait3A_1587 = arith.constant 2 : i32
      %dma_wait3A_1588 = arith.constant 0 : i32
      %dma_wait3A_1589 = arith.constant 0 : i32
      %dma_wait3A_1590 = arith.constant 0 : i32
      %dma_wait3A_1591 = tpu.memref_slice %arg8[%dma_wait3A_1587, %dma_wait3A_1589, %dma_wait3A_1590] : memref<4x64x128xf32, #tpu.memory_space<vmem>> -> memref<1x64x128xf32, #tpu.memory_space<vmem>>
      %dma_wait3A_1592 = tpu.memref_squeeze %dma_wait3A_1591 : memref<1x64x128xf32, #tpu.memory_space<vmem>> -> memref<64x128xf32, #tpu.memory_space<vmem>>
      %dma_wait3A_1593 = arith.constant 0 : i32
      %dma_wait3A_1594 = tpu.memref_slice %arg7[%dma_wait3A_1588, %dma_wait3A_1593] : memref<40x64xi32, #tpu.memory_space<vmem>> -> memref<1x64xi32, #tpu.memory_space<vmem>>
      %dma_wait3A_1595 = tpu.memref_squeeze %dma_wait3A_1594 : memref<1x64xi32, #tpu.memory_space<vmem>> -> memref<64xi32, #tpu.memory_space<vmem>>
      %dma_wait3A_1596 = arith.constant 0 : i32
      %dma_wait3A_1597 = arith.constant 0 : i32
      %dma_wait3A_1598 = tpu.memref_slice %arg9[%dma_wait3A_1596, %dma_wait3A_1597] : memref<10240x128xf32, #tpu.memory_space<vmem_shared>> -> memref<10240x128xf32, #tpu.memory_space<vmem_shared>>
      tpu.wait_indirect_dma semaphore(%arg16 : memref<!tpu.dma_semaphore, #tpu.memory_space<semaphore_mem>>) src(%dma_wait3A_1592 : memref<64x128xf32, #tpu.memory_space<vmem>>) dst(%dma_wait3A_1598 : memref<10240x128xf32, #tpu.memory_space<vmem_shared>>)
      %dma_start3A_1599 = arith.constant 34 : i32
      %dma_start3A_1600 = arith.constant 2 : i32
      %dma_start3A_1601 = arith.constant 0 : i32
      %dma_start3A_1602 = arith.constant 0 : i32
      %dma_start3A_1603 = tpu.memref_slice %arg8[%dma_start3A_1600, %dma_start3A_1601, %dma_start3A_1602] : memref<4x64x128xf32, #tpu.memory_space<vmem>> -> memref<1x64x128xf32, #tpu.memory_space<vmem>>
      %dma_start3A_1604 = tpu.memref_squeeze %dma_start3A_1603 : memref<1x64x128xf32, #tpu.memory_space<vmem>> -> memref<64x128xf32, #tpu.memory_space<vmem>>
      %dma_start3A_1605 = arith.constant 0 : i32
      %dma_start3A_1606 = tpu.memref_slice %arg6[%dma_start3A_1599, %dma_start3A_1605] : memref<40x64xi32, #tpu.memory_space<vmem>> -> memref<1x64xi32, #tpu.memory_space<vmem>>
      %dma_start3A_1607 = tpu.memref_squeeze %dma_start3A_1606 : memref<1x64xi32, #tpu.memory_space<vmem>> -> memref<64xi32, #tpu.memory_space<vmem>>
      %dma_start3A_1608 = arith.constant 0 : i32
      %dma_start3A_1609 = arith.constant 0 : i32
      %dma_start3A_1610 = tpu.memref_slice %arg2[%dma_start3A_1608, %dma_start3A_1609] : memref<10240x128xf32, #tpu.memory_space<hbm>> -> memref<10240x128xf32, #tpu.memory_space<hbm>>
      tpu.enqueue_indirect_dma source(%dma_start3A_1610 : memref<10240x128xf32, #tpu.memory_space<hbm>>) target(%dma_start3A_1604 : memref<64x128xf32, #tpu.memory_space<vmem>>) offsets(%dma_start3A_1607 : memref<64xi32, #tpu.memory_space<vmem>>) semaphore(%arg12 : memref<!tpu.dma_semaphore, #tpu.memory_space<semaphore_mem>>)
      %dma_wait3A_1611 = arith.constant 0 : i32
      %dma_wait3A_1612 = arith.constant 0 : i32
      %dma_wait3A_1613 = arith.constant 0 : i32
      %dma_wait3A_1614 = arith.constant 0 : i32
      %dma_wait3A_1615 = tpu.memref_slice %arg8[%dma_wait3A_1612, %dma_wait3A_1613, %dma_wait3A_1614] : memref<4x64x128xf32, #tpu.memory_space<vmem>> -> memref<1x64x128xf32, #tpu.memory_space<vmem>>
      %dma_wait3A_1616 = tpu.memref_squeeze %dma_wait3A_1615 : memref<1x64x128xf32, #tpu.memory_space<vmem>> -> memref<64x128xf32, #tpu.memory_space<vmem>>
      %dma_wait3A_1617 = arith.constant 0 : i32
      %dma_wait3A_1618 = tpu.memref_slice %arg6[%dma_wait3A_1611, %dma_wait3A_1617] : memref<40x64xi32, #tpu.memory_space<vmem>> -> memref<1x64xi32, #tpu.memory_space<vmem>>
      %dma_wait3A_1619 = tpu.memref_squeeze %dma_wait3A_1618 : memref<1x64xi32, #tpu.memory_space<vmem>> -> memref<64xi32, #tpu.memory_space<vmem>>
      %dma_wait3A_1620 = arith.constant 0 : i32
      %dma_wait3A_1621 = arith.constant 0 : i32
      %dma_wait3A_1622 = tpu.memref_slice %arg2[%dma_wait3A_1620, %dma_wait3A_1621] : memref<10240x128xf32, #tpu.memory_space<hbm>> -> memref<10240x128xf32, #tpu.memory_space<hbm>>
      tpu.wait_indirect_dma semaphore(%arg10 : memref<!tpu.dma_semaphore, #tpu.memory_space<semaphore_mem>>) src(%dma_wait3A_1622 : memref<10240x128xf32, #tpu.memory_space<hbm>>) dst(%dma_wait3A_1616 : memref<64x128xf32, #tpu.memory_space<vmem>>)
      %dma_start3A_1623 = arith.constant 0 : i32
      %dma_start3A_1624 = arith.constant 32 : i32
      %dma_start3A_1625 = arith.constant 0 : i32
      %dma_start3A_1626 = arith.constant 0 : i32
      %dma_start3A_1627 = tpu.memref_slice %arg8[%dma_start3A_1623, %dma_start3A_1625, %dma_start3A_1626] : memref<4x64x128xf32, #tpu.memory_space<vmem>> -> memref<1x64x128xf32, #tpu.memory_space<vmem>>
      %dma_start3A_1628 = tpu.memref_squeeze %dma_start3A_1627 : memref<1x64x128xf32, #tpu.memory_space<vmem>> -> memref<64x128xf32, #tpu.memory_space<vmem>>
      %dma_start3A_1629 = arith.constant 0 : i32
      %dma_start3A_1630 = tpu.memref_slice %arg7[%dma_start3A_1624, %dma_start3A_1629] : memref<40x64xi32, #tpu.memory_space<vmem>> -> memref<1x64xi32, #tpu.memory_space<vmem>>
      %dma_start3A_1631 = tpu.memref_squeeze %dma_start3A_1630 : memref<1x64xi32, #tpu.memory_space<vmem>> -> memref<64xi32, #tpu.memory_space<vmem>>
      %dma_start3A_1632 = arith.constant 0 : i32
      %dma_start3A_1633 = arith.constant 0 : i32
      %dma_start3A_1634 = tpu.memref_slice %arg9[%dma_start3A_1632, %dma_start3A_1633] : memref<10240x128xf32, #tpu.memory_space<vmem_shared>> -> memref<10240x128xf32, #tpu.memory_space<vmem_shared>>
      tpu.enqueue_indirect_dma source(%dma_start3A_1628 : memref<64x128xf32, #tpu.memory_space<vmem>>) target(%dma_start3A_1634 : memref<10240x128xf32, #tpu.memory_space<vmem_shared>>) offsets(%dma_start3A_1631 : memref<64xi32, #tpu.memory_space<vmem>>) semaphore(%arg14 : memref<!tpu.dma_semaphore, #tpu.memory_space<semaphore_mem>>) {add = true}
      %dma_wait3A_1635 = arith.constant 3 : i32
      %dma_wait3A_1636 = arith.constant 0 : i32
      %dma_wait3A_1637 = arith.constant 0 : i32
      %dma_wait3A_1638 = arith.constant 0 : i32
      %dma_wait3A_1639 = tpu.memref_slice %arg8[%dma_wait3A_1635, %dma_wait3A_1637, %dma_wait3A_1638] : memref<4x64x128xf32, #tpu.memory_space<vmem>> -> memref<1x64x128xf32, #tpu.memory_space<vmem>>
      %dma_wait3A_1640 = tpu.memref_squeeze %dma_wait3A_1639 : memref<1x64x128xf32, #tpu.memory_space<vmem>> -> memref<64x128xf32, #tpu.memory_space<vmem>>
      %dma_wait3A_1641 = arith.constant 0 : i32
      %dma_wait3A_1642 = tpu.memref_slice %arg7[%dma_wait3A_1636, %dma_wait3A_1641] : memref<40x64xi32, #tpu.memory_space<vmem>> -> memref<1x64xi32, #tpu.memory_space<vmem>>
      %dma_wait3A_1643 = tpu.memref_squeeze %dma_wait3A_1642 : memref<1x64xi32, #tpu.memory_space<vmem>> -> memref<64xi32, #tpu.memory_space<vmem>>
      %dma_wait3A_1644 = arith.constant 0 : i32
      %dma_wait3A_1645 = arith.constant 0 : i32
      %dma_wait3A_1646 = tpu.memref_slice %arg9[%dma_wait3A_1644, %dma_wait3A_1645] : memref<10240x128xf32, #tpu.memory_space<vmem_shared>> -> memref<10240x128xf32, #tpu.memory_space<vmem_shared>>
      tpu.wait_indirect_dma semaphore(%arg17 : memref<!tpu.dma_semaphore, #tpu.memory_space<semaphore_mem>>) src(%dma_wait3A_1640 : memref<64x128xf32, #tpu.memory_space<vmem>>) dst(%dma_wait3A_1646 : memref<10240x128xf32, #tpu.memory_space<vmem_shared>>)
      %dma_start3A_1647 = arith.constant 35 : i32
      %dma_start3A_1648 = arith.constant 3 : i32
      %dma_start3A_1649 = arith.constant 0 : i32
      %dma_start3A_1650 = arith.constant 0 : i32
      %dma_start3A_1651 = tpu.memref_slice %arg8[%dma_start3A_1648, %dma_start3A_1649, %dma_start3A_1650] : memref<4x64x128xf32, #tpu.memory_space<vmem>> -> memref<1x64x128xf32, #tpu.memory_space<vmem>>
      %dma_start3A_1652 = tpu.memref_squeeze %dma_start3A_1651 : memref<1x64x128xf32, #tpu.memory_space<vmem>> -> memref<64x128xf32, #tpu.memory_space<vmem>>
      %dma_start3A_1653 = arith.constant 0 : i32
      %dma_start3A_1654 = tpu.memref_slice %arg6[%dma_start3A_1647, %dma_start3A_1653] : memref<40x64xi32, #tpu.memory_space<vmem>> -> memref<1x64xi32, #tpu.memory_space<vmem>>
      %dma_start3A_1655 = tpu.memref_squeeze %dma_start3A_1654 : memref<1x64xi32, #tpu.memory_space<vmem>> -> memref<64xi32, #tpu.memory_space<vmem>>
      %dma_start3A_1656 = arith.constant 0 : i32
      %dma_start3A_1657 = arith.constant 0 : i32
      %dma_start3A_1658 = tpu.memref_slice %arg2[%dma_start3A_1656, %dma_start3A_1657] : memref<10240x128xf32, #tpu.memory_space<hbm>> -> memref<10240x128xf32, #tpu.memory_space<hbm>>
      tpu.enqueue_indirect_dma source(%dma_start3A_1658 : memref<10240x128xf32, #tpu.memory_space<hbm>>) target(%dma_start3A_1652 : memref<64x128xf32, #tpu.memory_space<vmem>>) offsets(%dma_start3A_1655 : memref<64xi32, #tpu.memory_space<vmem>>) semaphore(%arg13 : memref<!tpu.dma_semaphore, #tpu.memory_space<semaphore_mem>>)
      %dma_wait3A_1659 = arith.constant 0 : i32
      %dma_wait3A_1660 = arith.constant 1 : i32
      %dma_wait3A_1661 = arith.constant 0 : i32
      %dma_wait3A_1662 = arith.constant 0 : i32
      %dma_wait3A_1663 = tpu.memref_slice %arg8[%dma_wait3A_1660, %dma_wait3A_1661, %dma_wait3A_1662] : memref<4x64x128xf32, #tpu.memory_space<vmem>> -> memref<1x64x128xf32, #tpu.memory_space<vmem>>
      %dma_wait3A_1664 = tpu.memref_squeeze %dma_wait3A_1663 : memref<1x64x128xf32, #tpu.memory_space<vmem>> -> memref<64x128xf32, #tpu.memory_space<vmem>>
      %dma_wait3A_1665 = arith.constant 0 : i32
      %dma_wait3A_1666 = tpu.memref_slice %arg6[%dma_wait3A_1659, %dma_wait3A_1665] : memref<40x64xi32, #tpu.memory_space<vmem>> -> memref<1x64xi32, #tpu.memory_space<vmem>>
      %dma_wait3A_1667 = tpu.memref_squeeze %dma_wait3A_1666 : memref<1x64xi32, #tpu.memory_space<vmem>> -> memref<64xi32, #tpu.memory_space<vmem>>
      %dma_wait3A_1668 = arith.constant 0 : i32
      %dma_wait3A_1669 = arith.constant 0 : i32
      %dma_wait3A_1670 = tpu.memref_slice %arg2[%dma_wait3A_1668, %dma_wait3A_1669] : memref<10240x128xf32, #tpu.memory_space<hbm>> -> memref<10240x128xf32, #tpu.memory_space<hbm>>
      tpu.wait_indirect_dma semaphore(%arg11 : memref<!tpu.dma_semaphore, #tpu.memory_space<semaphore_mem>>) src(%dma_wait3A_1670 : memref<10240x128xf32, #tpu.memory_space<hbm>>) dst(%dma_wait3A_1664 : memref<64x128xf32, #tpu.memory_space<vmem>>)
      %dma_start3A_1671 = arith.constant 1 : i32
      %dma_start3A_1672 = arith.constant 33 : i32
      %dma_start3A_1673 = arith.constant 0 : i32
      %dma_start3A_1674 = arith.constant 0 : i32
      %dma_start3A_1675 = tpu.memref_slice %arg8[%dma_start3A_1671, %dma_start3A_1673, %dma_start3A_1674] : memref<4x64x128xf32, #tpu.memory_space<vmem>> -> memref<1x64x128xf32, #tpu.memory_space<vmem>>
      %dma_start3A_1676 = tpu.memref_squeeze %dma_start3A_1675 : memref<1x64x128xf32, #tpu.memory_space<vmem>> -> memref<64x128xf32, #tpu.memory_space<vmem>>
      %dma_start3A_1677 = arith.constant 0 : i32
      %dma_start3A_1678 = tpu.memref_slice %arg7[%dma_start3A_1672, %dma_start3A_1677] : memref<40x64xi32, #tpu.memory_space<vmem>> -> memref<1x64xi32, #tpu.memory_space<vmem>>
      %dma_start3A_1679 = tpu.memref_squeeze %dma_start3A_1678 : memref<1x64xi32, #tpu.memory_space<vmem>> -> memref<64xi32, #tpu.memory_space<vmem>>
      %dma_start3A_1680 = arith.constant 0 : i32
      %dma_start3A_1681 = arith.constant 0 : i32
      %dma_start3A_1682 = tpu.memref_slice %arg9[%dma_start3A_1680, %dma_start3A_1681] : memref<10240x128xf32, #tpu.memory_space<vmem_shared>> -> memref<10240x128xf32, #tpu.memory_space<vmem_shared>>
      tpu.enqueue_indirect_dma source(%dma_start3A_1676 : memref<64x128xf32, #tpu.memory_space<vmem>>) target(%dma_start3A_1682 : memref<10240x128xf32, #tpu.memory_space<vmem_shared>>) offsets(%dma_start3A_1679 : memref<64xi32, #tpu.memory_space<vmem>>) semaphore(%arg15 : memref<!tpu.dma_semaphore, #tpu.memory_space<semaphore_mem>>) {add = true}
      %dma_wait3A_1683 = arith.constant 0 : i32
      %dma_wait3A_1684 = arith.constant 0 : i32
      %dma_wait3A_1685 = arith.constant 0 : i32
      %dma_wait3A_1686 = arith.constant 0 : i32
      %dma_wait3A_1687 = tpu.memref_slice %arg8[%dma_wait3A_1683, %dma_wait3A_1685, %dma_wait3A_1686] : memref<4x64x128xf32, #tpu.memory_space<vmem>> -> memref<1x64x128xf32, #tpu.memory_space<vmem>>
      %dma_wait3A_1688 = tpu.memref_squeeze %dma_wait3A_1687 : memref<1x64x128xf32, #tpu.memory_space<vmem>> -> memref<64x128xf32, #tpu.memory_space<vmem>>
      %dma_wait3A_1689 = arith.constant 0 : i32
      %dma_wait3A_1690 = tpu.memref_slice %arg7[%dma_wait3A_1684, %dma_wait3A_1689] : memref<40x64xi32, #tpu.memory_space<vmem>> -> memref<1x64xi32, #tpu.memory_space<vmem>>
      %dma_wait3A_1691 = tpu.memref_squeeze %dma_wait3A_1690 : memref<1x64xi32, #tpu.memory_space<vmem>> -> memref<64xi32, #tpu.memory_space<vmem>>
      %dma_wait3A_1692 = arith.constant 0 : i32
      %dma_wait3A_1693 = arith.constant 0 : i32
      %dma_wait3A_1694 = tpu.memref_slice %arg9[%dma_wait3A_1692, %dma_wait3A_1693] : memref<10240x128xf32, #tpu.memory_space<vmem_shared>> -> memref<10240x128xf32, #tpu.memory_space<vmem_shared>>
      tpu.wait_indirect_dma semaphore(%arg14 : memref<!tpu.dma_semaphore, #tpu.memory_space<semaphore_mem>>) src(%dma_wait3A_1688 : memref<64x128xf32, #tpu.memory_space<vmem>>) dst(%dma_wait3A_1694 : memref<10240x128xf32, #tpu.memory_space<vmem_shared>>)
      %dma_start3A_1695 = arith.constant 36 : i32
      %dma_start3A_1696 = arith.constant 0 : i32
      %dma_start3A_1697 = arith.constant 0 : i32
      %dma_start3A_1698 = arith.constant 0 : i32
      %dma_start3A_1699 = tpu.memref_slice %arg8[%dma_start3A_1696, %dma_start3A_1697, %dma_start3A_1698] : memref<4x64x128xf32, #tpu.memory_space<vmem>> -> memref<1x64x128xf32, #tpu.memory_space<vmem>>
      %dma_start3A_1700 = tpu.memref_squeeze %dma_start3A_1699 : memref<1x64x128xf32, #tpu.memory_space<vmem>> -> memref<64x128xf32, #tpu.memory_space<vmem>>
      %dma_start3A_1701 = arith.constant 0 : i32
      %dma_start3A_1702 = tpu.memref_slice %arg6[%dma_start3A_1695, %dma_start3A_1701] : memref<40x64xi32, #tpu.memory_space<vmem>> -> memref<1x64xi32, #tpu.memory_space<vmem>>
      %dma_start3A_1703 = tpu.memref_squeeze %dma_start3A_1702 : memref<1x64xi32, #tpu.memory_space<vmem>> -> memref<64xi32, #tpu.memory_space<vmem>>
      %dma_start3A_1704 = arith.constant 0 : i32
      %dma_start3A_1705 = arith.constant 0 : i32
      %dma_start3A_1706 = tpu.memref_slice %arg2[%dma_start3A_1704, %dma_start3A_1705] : memref<10240x128xf32, #tpu.memory_space<hbm>> -> memref<10240x128xf32, #tpu.memory_space<hbm>>
      tpu.enqueue_indirect_dma source(%dma_start3A_1706 : memref<10240x128xf32, #tpu.memory_space<hbm>>) target(%dma_start3A_1700 : memref<64x128xf32, #tpu.memory_space<vmem>>) offsets(%dma_start3A_1703 : memref<64xi32, #tpu.memory_space<vmem>>) semaphore(%arg10 : memref<!tpu.dma_semaphore, #tpu.memory_space<semaphore_mem>>)
      %dma_wait3A_1707 = arith.constant 0 : i32
      %dma_wait3A_1708 = arith.constant 2 : i32
      %dma_wait3A_1709 = arith.constant 0 : i32
      %dma_wait3A_1710 = arith.constant 0 : i32
      %dma_wait3A_1711 = tpu.memref_slice %arg8[%dma_wait3A_1708, %dma_wait3A_1709, %dma_wait3A_1710] : memref<4x64x128xf32, #tpu.memory_space<vmem>> -> memref<1x64x128xf32, #tpu.memory_space<vmem>>
      %dma_wait3A_1712 = tpu.memref_squeeze %dma_wait3A_1711 : memref<1x64x128xf32, #tpu.memory_space<vmem>> -> memref<64x128xf32, #tpu.memory_space<vmem>>
      %dma_wait3A_1713 = arith.constant 0 : i32
      %dma_wait3A_1714 = tpu.memref_slice %arg6[%dma_wait3A_1707, %dma_wait3A_1713] : memref<40x64xi32, #tpu.memory_space<vmem>> -> memref<1x64xi32, #tpu.memory_space<vmem>>
      %dma_wait3A_1715 = tpu.memref_squeeze %dma_wait3A_1714 : memref<1x64xi32, #tpu.memory_space<vmem>> -> memref<64xi32, #tpu.memory_space<vmem>>
      %dma_wait3A_1716 = arith.constant 0 : i32
      %dma_wait3A_1717 = arith.constant 0 : i32
      %dma_wait3A_1718 = tpu.memref_slice %arg2[%dma_wait3A_1716, %dma_wait3A_1717] : memref<10240x128xf32, #tpu.memory_space<hbm>> -> memref<10240x128xf32, #tpu.memory_space<hbm>>
      tpu.wait_indirect_dma semaphore(%arg12 : memref<!tpu.dma_semaphore, #tpu.memory_space<semaphore_mem>>) src(%dma_wait3A_1718 : memref<10240x128xf32, #tpu.memory_space<hbm>>) dst(%dma_wait3A_1712 : memref<64x128xf32, #tpu.memory_space<vmem>>)
      %dma_start3A_1719 = arith.constant 2 : i32
      %dma_start3A_1720 = arith.constant 34 : i32
      %dma_start3A_1721 = arith.constant 0 : i32
      %dma_start3A_1722 = arith.constant 0 : i32
      %dma_start3A_1723 = tpu.memref_slice %arg8[%dma_start3A_1719, %dma_start3A_1721, %dma_start3A_1722] : memref<4x64x128xf32, #tpu.memory_space<vmem>> -> memref<1x64x128xf32, #tpu.memory_space<vmem>>
      %dma_start3A_1724 = tpu.memref_squeeze %dma_start3A_1723 : memref<1x64x128xf32, #tpu.memory_space<vmem>> -> memref<64x128xf32, #tpu.memory_space<vmem>>
      %dma_start3A_1725 = arith.constant 0 : i32
      %dma_start3A_1726 = tpu.memref_slice %arg7[%dma_start3A_1720, %dma_start3A_1725] : memref<40x64xi32, #tpu.memory_space<vmem>> -> memref<1x64xi32, #tpu.memory_space<vmem>>
      %dma_start3A_1727 = tpu.memref_squeeze %dma_start3A_1726 : memref<1x64xi32, #tpu.memory_space<vmem>> -> memref<64xi32, #tpu.memory_space<vmem>>
      %dma_start3A_1728 = arith.constant 0 : i32
      %dma_start3A_1729 = arith.constant 0 : i32
      %dma_start3A_1730 = tpu.memref_slice %arg9[%dma_start3A_1728, %dma_start3A_1729] : memref<10240x128xf32, #tpu.memory_space<vmem_shared>> -> memref<10240x128xf32, #tpu.memory_space<vmem_shared>>
      tpu.enqueue_indirect_dma source(%dma_start3A_1724 : memref<64x128xf32, #tpu.memory_space<vmem>>) target(%dma_start3A_1730 : memref<10240x128xf32, #tpu.memory_space<vmem_shared>>) offsets(%dma_start3A_1727 : memref<64xi32, #tpu.memory_space<vmem>>) semaphore(%arg16 : memref<!tpu.dma_semaphore, #tpu.memory_space<semaphore_mem>>) {add = true}
      %dma_wait3A_1731 = arith.constant 1 : i32
      %dma_wait3A_1732 = arith.constant 0 : i32
      %dma_wait3A_1733 = arith.constant 0 : i32
      %dma_wait3A_1734 = arith.constant 0 : i32
      %dma_wait3A_1735 = tpu.memref_slice %arg8[%dma_wait3A_1731, %dma_wait3A_1733, %dma_wait3A_1734] : memref<4x64x128xf32, #tpu.memory_space<vmem>> -> memref<1x64x128xf32, #tpu.memory_space<vmem>>
      %dma_wait3A_1736 = tpu.memref_squeeze %dma_wait3A_1735 : memref<1x64x128xf32, #tpu.memory_space<vmem>> -> memref<64x128xf32, #tpu.memory_space<vmem>>
      %dma_wait3A_1737 = arith.constant 0 : i32
      %dma_wait3A_1738 = tpu.memref_slice %arg7[%dma_wait3A_1732, %dma_wait3A_1737] : memref<40x64xi32, #tpu.memory_space<vmem>> -> memref<1x64xi32, #tpu.memory_space<vmem>>
      %dma_wait3A_1739 = tpu.memref_squeeze %dma_wait3A_1738 : memref<1x64xi32, #tpu.memory_space<vmem>> -> memref<64xi32, #tpu.memory_space<vmem>>
      %dma_wait3A_1740 = arith.constant 0 : i32
      %dma_wait3A_1741 = arith.constant 0 : i32
      %dma_wait3A_1742 = tpu.memref_slice %arg9[%dma_wait3A_1740, %dma_wait3A_1741] : memref<10240x128xf32, #tpu.memory_space<vmem_shared>> -> memref<10240x128xf32, #tpu.memory_space<vmem_shared>>
      tpu.wait_indirect_dma semaphore(%arg15 : memref<!tpu.dma_semaphore, #tpu.memory_space<semaphore_mem>>) src(%dma_wait3A_1736 : memref<64x128xf32, #tpu.memory_space<vmem>>) dst(%dma_wait3A_1742 : memref<10240x128xf32, #tpu.memory_space<vmem_shared>>)
      %dma_start3A_1743 = arith.constant 37 : i32
      %dma_start3A_1744 = arith.constant 1 : i32
      %dma_start3A_1745 = arith.constant 0 : i32
      %dma_start3A_1746 = arith.constant 0 : i32
      %dma_start3A_1747 = tpu.memref_slice %arg8[%dma_start3A_1744, %dma_start3A_1745, %dma_start3A_1746] : memref<4x64x128xf32, #tpu.memory_space<vmem>> -> memref<1x64x128xf32, #tpu.memory_space<vmem>>
      %dma_start3A_1748 = tpu.memref_squeeze %dma_start3A_1747 : memref<1x64x128xf32, #tpu.memory_space<vmem>> -> memref<64x128xf32, #tpu.memory_space<vmem>>
      %dma_start3A_1749 = arith.constant 0 : i32
      %dma_start3A_1750 = tpu.memref_slice %arg6[%dma_start3A_1743, %dma_start3A_1749] : memref<40x64xi32, #tpu.memory_space<vmem>> -> memref<1x64xi32, #tpu.memory_space<vmem>>
      %dma_start3A_1751 = tpu.memref_squeeze %dma_start3A_1750 : memref<1x64xi32, #tpu.memory_space<vmem>> -> memref<64xi32, #tpu.memory_space<vmem>>
      %dma_start3A_1752 = arith.constant 0 : i32
      %dma_start3A_1753 = arith.constant 0 : i32
      %dma_start3A_1754 = tpu.memref_slice %arg2[%dma_start3A_1752, %dma_start3A_1753] : memref<10240x128xf32, #tpu.memory_space<hbm>> -> memref<10240x128xf32, #tpu.memory_space<hbm>>
      tpu.enqueue_indirect_dma source(%dma_start3A_1754 : memref<10240x128xf32, #tpu.memory_space<hbm>>) target(%dma_start3A_1748 : memref<64x128xf32, #tpu.memory_space<vmem>>) offsets(%dma_start3A_1751 : memref<64xi32, #tpu.memory_space<vmem>>) semaphore(%arg11 : memref<!tpu.dma_semaphore, #tpu.memory_space<semaphore_mem>>)
      %dma_wait3A_1755 = arith.constant 0 : i32
      %dma_wait3A_1756 = arith.constant 3 : i32
      %dma_wait3A_1757 = arith.constant 0 : i32
      %dma_wait3A_1758 = arith.constant 0 : i32
      %dma_wait3A_1759 = tpu.memref_slice %arg8[%dma_wait3A_1756, %dma_wait3A_1757, %dma_wait3A_1758] : memref<4x64x128xf32, #tpu.memory_space<vmem>> -> memref<1x64x128xf32, #tpu.memory_space<vmem>>
      %dma_wait3A_1760 = tpu.memref_squeeze %dma_wait3A_1759 : memref<1x64x128xf32, #tpu.memory_space<vmem>> -> memref<64x128xf32, #tpu.memory_space<vmem>>
      %dma_wait3A_1761 = arith.constant 0 : i32
      %dma_wait3A_1762 = tpu.memref_slice %arg6[%dma_wait3A_1755, %dma_wait3A_1761] : memref<40x64xi32, #tpu.memory_space<vmem>> -> memref<1x64xi32, #tpu.memory_space<vmem>>
      %dma_wait3A_1763 = tpu.memref_squeeze %dma_wait3A_1762 : memref<1x64xi32, #tpu.memory_space<vmem>> -> memref<64xi32, #tpu.memory_space<vmem>>
      %dma_wait3A_1764 = arith.constant 0 : i32
      %dma_wait3A_1765 = arith.constant 0 : i32
      %dma_wait3A_1766 = tpu.memref_slice %arg2[%dma_wait3A_1764, %dma_wait3A_1765] : memref<10240x128xf32, #tpu.memory_space<hbm>> -> memref<10240x128xf32, #tpu.memory_space<hbm>>
      tpu.wait_indirect_dma semaphore(%arg13 : memref<!tpu.dma_semaphore, #tpu.memory_space<semaphore_mem>>) src(%dma_wait3A_1766 : memref<10240x128xf32, #tpu.memory_space<hbm>>) dst(%dma_wait3A_1760 : memref<64x128xf32, #tpu.memory_space<vmem>>)
      %dma_start3A_1767 = arith.constant 3 : i32
      %dma_start3A_1768 = arith.constant 35 : i32
      %dma_start3A_1769 = arith.constant 0 : i32
      %dma_start3A_1770 = arith.constant 0 : i32
      %dma_start3A_1771 = tpu.memref_slice %arg8[%dma_start3A_1767, %dma_start3A_1769, %dma_start3A_1770] : memref<4x64x128xf32, #tpu.memory_space<vmem>> -> memref<1x64x128xf32, #tpu.memory_space<vmem>>
      %dma_start3A_1772 = tpu.memref_squeeze %dma_start3A_1771 : memref<1x64x128xf32, #tpu.memory_space<vmem>> -> memref<64x128xf32, #tpu.memory_space<vmem>>
      %dma_start3A_1773 = arith.constant 0 : i32
      %dma_start3A_1774 = tpu.memref_slice %arg7[%dma_start3A_1768, %dma_start3A_1773] : memref<40x64xi32, #tpu.memory_space<vmem>> -> memref<1x64xi32, #tpu.memory_space<vmem>>
      %dma_start3A_1775 = tpu.memref_squeeze %dma_start3A_1774 : memref<1x64xi32, #tpu.memory_space<vmem>> -> memref<64xi32, #tpu.memory_space<vmem>>
      %dma_start3A_1776 = arith.constant 0 : i32
      %dma_start3A_1777 = arith.constant 0 : i32
      %dma_start3A_1778 = tpu.memref_slice %arg9[%dma_start3A_1776, %dma_start3A_1777] : memref<10240x128xf32, #tpu.memory_space<vmem_shared>> -> memref<10240x128xf32, #tpu.memory_space<vmem_shared>>
      tpu.enqueue_indirect_dma source(%dma_start3A_1772 : memref<64x128xf32, #tpu.memory_space<vmem>>) target(%dma_start3A_1778 : memref<10240x128xf32, #tpu.memory_space<vmem_shared>>) offsets(%dma_start3A_1775 : memref<64xi32, #tpu.memory_space<vmem>>) semaphore(%arg17 : memref<!tpu.dma_semaphore, #tpu.memory_space<semaphore_mem>>) {add = true}
      %dma_wait3A_1779 = arith.constant 2 : i32
      %dma_wait3A_1780 = arith.constant 0 : i32
      %dma_wait3A_1781 = arith.constant 0 : i32
      %dma_wait3A_1782 = arith.constant 0 : i32
      %dma_wait3A_1783 = tpu.memref_slice %arg8[%dma_wait3A_1779, %dma_wait3A_1781, %dma_wait3A_1782] : memref<4x64x128xf32, #tpu.memory_space<vmem>> -> memref<1x64x128xf32, #tpu.memory_space<vmem>>
      %dma_wait3A_1784 = tpu.memref_squeeze %dma_wait3A_1783 : memref<1x64x128xf32, #tpu.memory_space<vmem>> -> memref<64x128xf32, #tpu.memory_space<vmem>>
      %dma_wait3A_1785 = arith.constant 0 : i32
      %dma_wait3A_1786 = tpu.memref_slice %arg7[%dma_wait3A_1780, %dma_wait3A_1785] : memref<40x64xi32, #tpu.memory_space<vmem>> -> memref<1x64xi32, #tpu.memory_space<vmem>>
      %dma_wait3A_1787 = tpu.memref_squeeze %dma_wait3A_1786 : memref<1x64xi32, #tpu.memory_space<vmem>> -> memref<64xi32, #tpu.memory_space<vmem>>
      %dma_wait3A_1788 = arith.constant 0 : i32
      %dma_wait3A_1789 = arith.constant 0 : i32
      %dma_wait3A_1790 = tpu.memref_slice %arg9[%dma_wait3A_1788, %dma_wait3A_1789] : memref<10240x128xf32, #tpu.memory_space<vmem_shared>> -> memref<10240x128xf32, #tpu.memory_space<vmem_shared>>
      tpu.wait_indirect_dma semaphore(%arg16 : memref<!tpu.dma_semaphore, #tpu.memory_space<semaphore_mem>>) src(%dma_wait3A_1784 : memref<64x128xf32, #tpu.memory_space<vmem>>) dst(%dma_wait3A_1790 : memref<10240x128xf32, #tpu.memory_space<vmem_shared>>)
      %dma_start3A_1791 = arith.constant 38 : i32
      %dma_start3A_1792 = arith.constant 2 : i32
      %dma_start3A_1793 = arith.constant 0 : i32
      %dma_start3A_1794 = arith.constant 0 : i32
      %dma_start3A_1795 = tpu.memref_slice %arg8[%dma_start3A_1792, %dma_start3A_1793, %dma_start3A_1794] : memref<4x64x128xf32, #tpu.memory_space<vmem>> -> memref<1x64x128xf32, #tpu.memory_space<vmem>>
      %dma_start3A_1796 = tpu.memref_squeeze %dma_start3A_1795 : memref<1x64x128xf32, #tpu.memory_space<vmem>> -> memref<64x128xf32, #tpu.memory_space<vmem>>
      %dma_start3A_1797 = arith.constant 0 : i32
      %dma_start3A_1798 = tpu.memref_slice %arg6[%dma_start3A_1791, %dma_start3A_1797] : memref<40x64xi32, #tpu.memory_space<vmem>> -> memref<1x64xi32, #tpu.memory_space<vmem>>
      %dma_start3A_1799 = tpu.memref_squeeze %dma_start3A_1798 : memref<1x64xi32, #tpu.memory_space<vmem>> -> memref<64xi32, #tpu.memory_space<vmem>>
      %dma_start3A_1800 = arith.constant 0 : i32
      %dma_start3A_1801 = arith.constant 0 : i32
      %dma_start3A_1802 = tpu.memref_slice %arg2[%dma_start3A_1800, %dma_start3A_1801] : memref<10240x128xf32, #tpu.memory_space<hbm>> -> memref<10240x128xf32, #tpu.memory_space<hbm>>
      tpu.enqueue_indirect_dma source(%dma_start3A_1802 : memref<10240x128xf32, #tpu.memory_space<hbm>>) target(%dma_start3A_1796 : memref<64x128xf32, #tpu.memory_space<vmem>>) offsets(%dma_start3A_1799 : memref<64xi32, #tpu.memory_space<vmem>>) semaphore(%arg12 : memref<!tpu.dma_semaphore, #tpu.memory_space<semaphore_mem>>)
      %dma_wait3A_1803 = arith.constant 0 : i32
      %dma_wait3A_1804 = arith.constant 0 : i32
      %dma_wait3A_1805 = arith.constant 0 : i32
      %dma_wait3A_1806 = arith.constant 0 : i32
      %dma_wait3A_1807 = tpu.memref_slice %arg8[%dma_wait3A_1804, %dma_wait3A_1805, %dma_wait3A_1806] : memref<4x64x128xf32, #tpu.memory_space<vmem>> -> memref<1x64x128xf32, #tpu.memory_space<vmem>>
      %dma_wait3A_1808 = tpu.memref_squeeze %dma_wait3A_1807 : memref<1x64x128xf32, #tpu.memory_space<vmem>> -> memref<64x128xf32, #tpu.memory_space<vmem>>
      %dma_wait3A_1809 = arith.constant 0 : i32
      %dma_wait3A_1810 = tpu.memref_slice %arg6[%dma_wait3A_1803, %dma_wait3A_1809] : memref<40x64xi32, #tpu.memory_space<vmem>> -> memref<1x64xi32, #tpu.memory_space<vmem>>
      %dma_wait3A_1811 = tpu.memref_squeeze %dma_wait3A_1810 : memref<1x64xi32, #tpu.memory_space<vmem>> -> memref<64xi32, #tpu.memory_space<vmem>>
      %dma_wait3A_1812 = arith.constant 0 : i32
      %dma_wait3A_1813 = arith.constant 0 : i32
      %dma_wait3A_1814 = tpu.memref_slice %arg2[%dma_wait3A_1812, %dma_wait3A_1813] : memref<10240x128xf32, #tpu.memory_space<hbm>> -> memref<10240x128xf32, #tpu.memory_space<hbm>>
      tpu.wait_indirect_dma semaphore(%arg10 : memref<!tpu.dma_semaphore, #tpu.memory_space<semaphore_mem>>) src(%dma_wait3A_1814 : memref<10240x128xf32, #tpu.memory_space<hbm>>) dst(%dma_wait3A_1808 : memref<64x128xf32, #tpu.memory_space<vmem>>)
      %dma_start3A_1815 = arith.constant 0 : i32
      %dma_start3A_1816 = arith.constant 36 : i32
      %dma_start3A_1817 = arith.constant 0 : i32
      %dma_start3A_1818 = arith.constant 0 : i32
      %dma_start3A_1819 = tpu.memref_slice %arg8[%dma_start3A_1815, %dma_start3A_1817, %dma_start3A_1818] : memref<4x64x128xf32, #tpu.memory_space<vmem>> -> memref<1x64x128xf32, #tpu.memory_space<vmem>>
      %dma_start3A_1820 = tpu.memref_squeeze %dma_start3A_1819 : memref<1x64x128xf32, #tpu.memory_space<vmem>> -> memref<64x128xf32, #tpu.memory_space<vmem>>
      %dma_start3A_1821 = arith.constant 0 : i32
      %dma_start3A_1822 = tpu.memref_slice %arg7[%dma_start3A_1816, %dma_start3A_1821] : memref<40x64xi32, #tpu.memory_space<vmem>> -> memref<1x64xi32, #tpu.memory_space<vmem>>
      %dma_start3A_1823 = tpu.memref_squeeze %dma_start3A_1822 : memref<1x64xi32, #tpu.memory_space<vmem>> -> memref<64xi32, #tpu.memory_space<vmem>>
      %dma_start3A_1824 = arith.constant 0 : i32
      %dma_start3A_1825 = arith.constant 0 : i32
      %dma_start3A_1826 = tpu.memref_slice %arg9[%dma_start3A_1824, %dma_start3A_1825] : memref<10240x128xf32, #tpu.memory_space<vmem_shared>> -> memref<10240x128xf32, #tpu.memory_space<vmem_shared>>
      tpu.enqueue_indirect_dma source(%dma_start3A_1820 : memref<64x128xf32, #tpu.memory_space<vmem>>) target(%dma_start3A_1826 : memref<10240x128xf32, #tpu.memory_space<vmem_shared>>) offsets(%dma_start3A_1823 : memref<64xi32, #tpu.memory_space<vmem>>) semaphore(%arg14 : memref<!tpu.dma_semaphore, #tpu.memory_space<semaphore_mem>>) {add = true}
      %dma_wait3A_1827 = arith.constant 3 : i32
      %dma_wait3A_1828 = arith.constant 0 : i32
      %dma_wait3A_1829 = arith.constant 0 : i32
      %dma_wait3A_1830 = arith.constant 0 : i32
      %dma_wait3A_1831 = tpu.memref_slice %arg8[%dma_wait3A_1827, %dma_wait3A_1829, %dma_wait3A_1830] : memref<4x64x128xf32, #tpu.memory_space<vmem>> -> memref<1x64x128xf32, #tpu.memory_space<vmem>>
      %dma_wait3A_1832 = tpu.memref_squeeze %dma_wait3A_1831 : memref<1x64x128xf32, #tpu.memory_space<vmem>> -> memref<64x128xf32, #tpu.memory_space<vmem>>
      %dma_wait3A_1833 = arith.constant 0 : i32
      %dma_wait3A_1834 = tpu.memref_slice %arg7[%dma_wait3A_1828, %dma_wait3A_1833] : memref<40x64xi32, #tpu.memory_space<vmem>> -> memref<1x64xi32, #tpu.memory_space<vmem>>
      %dma_wait3A_1835 = tpu.memref_squeeze %dma_wait3A_1834 : memref<1x64xi32, #tpu.memory_space<vmem>> -> memref<64xi32, #tpu.memory_space<vmem>>
      %dma_wait3A_1836 = arith.constant 0 : i32
      %dma_wait3A_1837 = arith.constant 0 : i32
      %dma_wait3A_1838 = tpu.memref_slice %arg9[%dma_wait3A_1836, %dma_wait3A_1837] : memref<10240x128xf32, #tpu.memory_space<vmem_shared>> -> memref<10240x128xf32, #tpu.memory_space<vmem_shared>>
      tpu.wait_indirect_dma semaphore(%arg17 : memref<!tpu.dma_semaphore, #tpu.memory_space<semaphore_mem>>) src(%dma_wait3A_1832 : memref<64x128xf32, #tpu.memory_space<vmem>>) dst(%dma_wait3A_1838 : memref<10240x128xf32, #tpu.memory_space<vmem_shared>>)
      %dma_start3A_1839 = arith.constant 39 : i32
      %dma_start3A_1840 = arith.constant 3 : i32
      %dma_start3A_1841 = arith.constant 0 : i32
      %dma_start3A_1842 = arith.constant 0 : i32
      %dma_start3A_1843 = tpu.memref_slice %arg8[%dma_start3A_1840, %dma_start3A_1841, %dma_start3A_1842] : memref<4x64x128xf32, #tpu.memory_space<vmem>> -> memref<1x64x128xf32, #tpu.memory_space<vmem>>
      %dma_start3A_1844 = tpu.memref_squeeze %dma_start3A_1843 : memref<1x64x128xf32, #tpu.memory_space<vmem>> -> memref<64x128xf32, #tpu.memory_space<vmem>>
      %dma_start3A_1845 = arith.constant 0 : i32
      %dma_start3A_1846 = tpu.memref_slice %arg6[%dma_start3A_1839, %dma_start3A_1845] : memref<40x64xi32, #tpu.memory_space<vmem>> -> memref<1x64xi32, #tpu.memory_space<vmem>>
      %dma_start3A_1847 = tpu.memref_squeeze %dma_start3A_1846 : memref<1x64xi32, #tpu.memory_space<vmem>> -> memref<64xi32, #tpu.memory_space<vmem>>
      %dma_start3A_1848 = arith.constant 0 : i32
      %dma_start3A_1849 = arith.constant 0 : i32
      %dma_start3A_1850 = tpu.memref_slice %arg2[%dma_start3A_1848, %dma_start3A_1849] : memref<10240x128xf32, #tpu.memory_space<hbm>> -> memref<10240x128xf32, #tpu.memory_space<hbm>>
      tpu.enqueue_indirect_dma source(%dma_start3A_1850 : memref<10240x128xf32, #tpu.memory_space<hbm>>) target(%dma_start3A_1844 : memref<64x128xf32, #tpu.memory_space<vmem>>) offsets(%dma_start3A_1847 : memref<64xi32, #tpu.memory_space<vmem>>) semaphore(%arg13 : memref<!tpu.dma_semaphore, #tpu.memory_space<semaphore_mem>>)
      %dma_wait3A_1851 = arith.constant 0 : i32
      %dma_wait3A_1852 = arith.constant 1 : i32
      %dma_wait3A_1853 = arith.constant 0 : i32
      %dma_wait3A_1854 = arith.constant 0 : i32
      %dma_wait3A_1855 = tpu.memref_slice %arg8[%dma_wait3A_1852, %dma_wait3A_1853, %dma_wait3A_1854] : memref<4x64x128xf32, #tpu.memory_space<vmem>> -> memref<1x64x128xf32, #tpu.memory_space<vmem>>
      %dma_wait3A_1856 = tpu.memref_squeeze %dma_wait3A_1855 : memref<1x64x128xf32, #tpu.memory_space<vmem>> -> memref<64x128xf32, #tpu.memory_space<vmem>>
      %dma_wait3A_1857 = arith.constant 0 : i32
      %dma_wait3A_1858 = tpu.memref_slice %arg6[%dma_wait3A_1851, %dma_wait3A_1857] : memref<40x64xi32, #tpu.memory_space<vmem>> -> memref<1x64xi32, #tpu.memory_space<vmem>>
      %dma_wait3A_1859 = tpu.memref_squeeze %dma_wait3A_1858 : memref<1x64xi32, #tpu.memory_space<vmem>> -> memref<64xi32, #tpu.memory_space<vmem>>
      %dma_wait3A_1860 = arith.constant 0 : i32
      %dma_wait3A_1861 = arith.constant 0 : i32
      %dma_wait3A_1862 = tpu.memref_slice %arg2[%dma_wait3A_1860, %dma_wait3A_1861] : memref<10240x128xf32, #tpu.memory_space<hbm>> -> memref<10240x128xf32, #tpu.memory_space<hbm>>
      tpu.wait_indirect_dma semaphore(%arg11 : memref<!tpu.dma_semaphore, #tpu.memory_space<semaphore_mem>>) src(%dma_wait3A_1862 : memref<10240x128xf32, #tpu.memory_space<hbm>>) dst(%dma_wait3A_1856 : memref<64x128xf32, #tpu.memory_space<vmem>>)
      %dma_start3A_1863 = arith.constant 1 : i32
      %dma_start3A_1864 = arith.constant 37 : i32
      %dma_start3A_1865 = arith.constant 0 : i32
      %dma_start3A_1866 = arith.constant 0 : i32
      %dma_start3A_1867 = tpu.memref_slice %arg8[%dma_start3A_1863, %dma_start3A_1865, %dma_start3A_1866] : memref<4x64x128xf32, #tpu.memory_space<vmem>> -> memref<1x64x128xf32, #tpu.memory_space<vmem>>
      %dma_start3A_1868 = tpu.memref_squeeze %dma_start3A_1867 : memref<1x64x128xf32, #tpu.memory_space<vmem>> -> memref<64x128xf32, #tpu.memory_space<vmem>>
      %dma_start3A_1869 = arith.constant 0 : i32
      %dma_start3A_1870 = tpu.memref_slice %arg7[%dma_start3A_1864, %dma_start3A_1869] : memref<40x64xi32, #tpu.memory_space<vmem>> -> memref<1x64xi32, #tpu.memory_space<vmem>>
      %dma_start3A_1871 = tpu.memref_squeeze %dma_start3A_1870 : memref<1x64xi32, #tpu.memory_space<vmem>> -> memref<64xi32, #tpu.memory_space<vmem>>
      %dma_start3A_1872 = arith.constant 0 : i32
      %dma_start3A_1873 = arith.constant 0 : i32
      %dma_start3A_1874 = tpu.memref_slice %arg9[%dma_start3A_1872, %dma_start3A_1873] : memref<10240x128xf32, #tpu.memory_space<vmem_shared>> -> memref<10240x128xf32, #tpu.memory_space<vmem_shared>>
      tpu.enqueue_indirect_dma source(%dma_start3A_1868 : memref<64x128xf32, #tpu.memory_space<vmem>>) target(%dma_start3A_1874 : memref<10240x128xf32, #tpu.memory_space<vmem_shared>>) offsets(%dma_start3A_1871 : memref<64xi32, #tpu.memory_space<vmem>>) semaphore(%arg15 : memref<!tpu.dma_semaphore, #tpu.memory_space<semaphore_mem>>) {add = true}
      %dma_wait3A_1875 = arith.constant 0 : i32
      %dma_wait3A_1876 = arith.constant 2 : i32
      %dma_wait3A_1877 = arith.constant 0 : i32
      %dma_wait3A_1878 = arith.constant 0 : i32
      %dma_wait3A_1879 = tpu.memref_slice %arg8[%dma_wait3A_1876, %dma_wait3A_1877, %dma_wait3A_1878] : memref<4x64x128xf32, #tpu.memory_space<vmem>> -> memref<1x64x128xf32, #tpu.memory_space<vmem>>
      %dma_wait3A_1880 = tpu.memref_squeeze %dma_wait3A_1879 : memref<1x64x128xf32, #tpu.memory_space<vmem>> -> memref<64x128xf32, #tpu.memory_space<vmem>>
      %dma_wait3A_1881 = arith.constant 0 : i32
      %dma_wait3A_1882 = tpu.memref_slice %arg6[%dma_wait3A_1875, %dma_wait3A_1881] : memref<40x64xi32, #tpu.memory_space<vmem>> -> memref<1x64xi32, #tpu.memory_space<vmem>>
      %dma_wait3A_1883 = tpu.memref_squeeze %dma_wait3A_1882 : memref<1x64xi32, #tpu.memory_space<vmem>> -> memref<64xi32, #tpu.memory_space<vmem>>
      %dma_wait3A_1884 = arith.constant 0 : i32
      %dma_wait3A_1885 = arith.constant 0 : i32
      %dma_wait3A_1886 = tpu.memref_slice %arg2[%dma_wait3A_1884, %dma_wait3A_1885] : memref<10240x128xf32, #tpu.memory_space<hbm>> -> memref<10240x128xf32, #tpu.memory_space<hbm>>
      tpu.wait_indirect_dma semaphore(%arg12 : memref<!tpu.dma_semaphore, #tpu.memory_space<semaphore_mem>>) src(%dma_wait3A_1886 : memref<10240x128xf32, #tpu.memory_space<hbm>>) dst(%dma_wait3A_1880 : memref<64x128xf32, #tpu.memory_space<vmem>>)
      %dma_start3A_1887 = arith.constant 2 : i32
      %dma_start3A_1888 = arith.constant 38 : i32
      %dma_start3A_1889 = arith.constant 0 : i32
      %dma_start3A_1890 = arith.constant 0 : i32
      %dma_start3A_1891 = tpu.memref_slice %arg8[%dma_start3A_1887, %dma_start3A_1889, %dma_start3A_1890] : memref<4x64x128xf32, #tpu.memory_space<vmem>> -> memref<1x64x128xf32, #tpu.memory_space<vmem>>
      %dma_start3A_1892 = tpu.memref_squeeze %dma_start3A_1891 : memref<1x64x128xf32, #tpu.memory_space<vmem>> -> memref<64x128xf32, #tpu.memory_space<vmem>>
      %dma_start3A_1893 = arith.constant 0 : i32
      %dma_start3A_1894 = tpu.memref_slice %arg7[%dma_start3A_1888, %dma_start3A_1893] : memref<40x64xi32, #tpu.memory_space<vmem>> -> memref<1x64xi32, #tpu.memory_space<vmem>>
      %dma_start3A_1895 = tpu.memref_squeeze %dma_start3A_1894 : memref<1x64xi32, #tpu.memory_space<vmem>> -> memref<64xi32, #tpu.memory_space<vmem>>
      %dma_start3A_1896 = arith.constant 0 : i32
      %dma_start3A_1897 = arith.constant 0 : i32
      %dma_start3A_1898 = tpu.memref_slice %arg9[%dma_start3A_1896, %dma_start3A_1897] : memref<10240x128xf32, #tpu.memory_space<vmem_shared>> -> memref<10240x128xf32, #tpu.memory_space<vmem_shared>>
      tpu.enqueue_indirect_dma source(%dma_start3A_1892 : memref<64x128xf32, #tpu.memory_space<vmem>>) target(%dma_start3A_1898 : memref<10240x128xf32, #tpu.memory_space<vmem_shared>>) offsets(%dma_start3A_1895 : memref<64xi32, #tpu.memory_space<vmem>>) semaphore(%arg16 : memref<!tpu.dma_semaphore, #tpu.memory_space<semaphore_mem>>) {add = true}
      %dma_wait3A_1899 = arith.constant 0 : i32
      %dma_wait3A_1900 = arith.constant 3 : i32
      %dma_wait3A_1901 = arith.constant 0 : i32
      %dma_wait3A_1902 = arith.constant 0 : i32
      %dma_wait3A_1903 = tpu.memref_slice %arg8[%dma_wait3A_1900, %dma_wait3A_1901, %dma_wait3A_1902] : memref<4x64x128xf32, #tpu.memory_space<vmem>> -> memref<1x64x128xf32, #tpu.memory_space<vmem>>
      %dma_wait3A_1904 = tpu.memref_squeeze %dma_wait3A_1903 : memref<1x64x128xf32, #tpu.memory_space<vmem>> -> memref<64x128xf32, #tpu.memory_space<vmem>>
      %dma_wait3A_1905 = arith.constant 0 : i32
      %dma_wait3A_1906 = tpu.memref_slice %arg6[%dma_wait3A_1899, %dma_wait3A_1905] : memref<40x64xi32, #tpu.memory_space<vmem>> -> memref<1x64xi32, #tpu.memory_space<vmem>>
      %dma_wait3A_1907 = tpu.memref_squeeze %dma_wait3A_1906 : memref<1x64xi32, #tpu.memory_space<vmem>> -> memref<64xi32, #tpu.memory_space<vmem>>
      %dma_wait3A_1908 = arith.constant 0 : i32
      %dma_wait3A_1909 = arith.constant 0 : i32
      %dma_wait3A_1910 = tpu.memref_slice %arg2[%dma_wait3A_1908, %dma_wait3A_1909] : memref<10240x128xf32, #tpu.memory_space<hbm>> -> memref<10240x128xf32, #tpu.memory_space<hbm>>
      tpu.wait_indirect_dma semaphore(%arg13 : memref<!tpu.dma_semaphore, #tpu.memory_space<semaphore_mem>>) src(%dma_wait3A_1910 : memref<10240x128xf32, #tpu.memory_space<hbm>>) dst(%dma_wait3A_1904 : memref<64x128xf32, #tpu.memory_space<vmem>>)
      %dma_start3A_1911 = arith.constant 3 : i32
      %dma_start3A_1912 = arith.constant 39 : i32
      %dma_start3A_1913 = arith.constant 0 : i32
      %dma_start3A_1914 = arith.constant 0 : i32
      %dma_start3A_1915 = tpu.memref_slice %arg8[%dma_start3A_1911, %dma_start3A_1913, %dma_start3A_1914] : memref<4x64x128xf32, #tpu.memory_space<vmem>> -> memref<1x64x128xf32, #tpu.memory_space<vmem>>
      %dma_start3A_1916 = tpu.memref_squeeze %dma_start3A_1915 : memref<1x64x128xf32, #tpu.memory_space<vmem>> -> memref<64x128xf32, #tpu.memory_space<vmem>>
      %dma_start3A_1917 = arith.constant 0 : i32
      %dma_start3A_1918 = tpu.memref_slice %arg7[%dma_start3A_1912, %dma_start3A_1917] : memref<40x64xi32, #tpu.memory_space<vmem>> -> memref<1x64xi32, #tpu.memory_space<vmem>>
      %dma_start3A_1919 = tpu.memref_squeeze %dma_start3A_1918 : memref<1x64xi32, #tpu.memory_space<vmem>> -> memref<64xi32, #tpu.memory_space<vmem>>
      %dma_start3A_1920 = arith.constant 0 : i32
      %dma_start3A_1921 = arith.constant 0 : i32
      %dma_start3A_1922 = tpu.memref_slice %arg9[%dma_start3A_1920, %dma_start3A_1921] : memref<10240x128xf32, #tpu.memory_space<vmem_shared>> -> memref<10240x128xf32, #tpu.memory_space<vmem_shared>>
      tpu.enqueue_indirect_dma source(%dma_start3A_1916 : memref<64x128xf32, #tpu.memory_space<vmem>>) target(%dma_start3A_1922 : memref<10240x128xf32, #tpu.memory_space<vmem_shared>>) offsets(%dma_start3A_1919 : memref<64xi32, #tpu.memory_space<vmem>>) semaphore(%arg17 : memref<!tpu.dma_semaphore, #tpu.memory_space<semaphore_mem>>) {add = true}
      %dma_wait3A_1923 = arith.constant 0 : i32
      %dma_wait3A_1924 = arith.constant 0 : i32
      %dma_wait3A_1925 = arith.constant 0 : i32
      %dma_wait3A_1926 = arith.constant 0 : i32
      %dma_wait3A_1927 = tpu.memref_slice %arg8[%dma_wait3A_1923, %dma_wait3A_1925, %dma_wait3A_1926] : memref<4x64x128xf32, #tpu.memory_space<vmem>> -> memref<1x64x128xf32, #tpu.memory_space<vmem>>
      %dma_wait3A_1928 = tpu.memref_squeeze %dma_wait3A_1927 : memref<1x64x128xf32, #tpu.memory_space<vmem>> -> memref<64x128xf32, #tpu.memory_space<vmem>>
      %dma_wait3A_1929 = arith.constant 0 : i32
      %dma_wait3A_1930 = tpu.memref_slice %arg7[%dma_wait3A_1924, %dma_wait3A_1929] : memref<40x64xi32, #tpu.memory_space<vmem>> -> memref<1x64xi32, #tpu.memory_space<vmem>>
      %dma_wait3A_1931 = tpu.memref_squeeze %dma_wait3A_1930 : memref<1x64xi32, #tpu.memory_space<vmem>> -> memref<64xi32, #tpu.memory_space<vmem>>
      %dma_wait3A_1932 = arith.constant 0 : i32
      %dma_wait3A_1933 = arith.constant 0 : i32
      %dma_wait3A_1934 = tpu.memref_slice %arg9[%dma_wait3A_1932, %dma_wait3A_1933] : memref<10240x128xf32, #tpu.memory_space<vmem_shared>> -> memref<10240x128xf32, #tpu.memory_space<vmem_shared>>
      tpu.wait_indirect_dma semaphore(%arg14 : memref<!tpu.dma_semaphore, #tpu.memory_space<semaphore_mem>>) src(%dma_wait3A_1928 : memref<64x128xf32, #tpu.memory_space<vmem>>) dst(%dma_wait3A_1934 : memref<10240x128xf32, #tpu.memory_space<vmem_shared>>)
      %dma_wait3A_1935 = arith.constant 1 : i32
      %dma_wait3A_1936 = arith.constant 0 : i32
      %dma_wait3A_1937 = arith.constant 0 : i32
      %dma_wait3A_1938 = arith.constant 0 : i32
      %dma_wait3A_1939 = tpu.memref_slice %arg8[%dma_wait3A_1935, %dma_wait3A_1937, %dma_wait3A_1938] : memref<4x64x128xf32, #tpu.memory_space<vmem>> -> memref<1x64x128xf32, #tpu.memory_space<vmem>>
      %dma_wait3A_1940 = tpu.memref_squeeze %dma_wait3A_1939 : memref<1x64x128xf32, #tpu.memory_space<vmem>> -> memref<64x128xf32, #tpu.memory_space<vmem>>
      %dma_wait3A_1941 = arith.constant 0 : i32
      %dma_wait3A_1942 = tpu.memref_slice %arg7[%dma_wait3A_1936, %dma_wait3A_1941] : memref<40x64xi32, #tpu.memory_space<vmem>> -> memref<1x64xi32, #tpu.memory_space<vmem>>
      %dma_wait3A_1943 = tpu.memref_squeeze %dma_wait3A_1942 : memref<1x64xi32, #tpu.memory_space<vmem>> -> memref<64xi32, #tpu.memory_space<vmem>>
      %dma_wait3A_1944 = arith.constant 0 : i32
      %dma_wait3A_1945 = arith.constant 0 : i32
      %dma_wait3A_1946 = tpu.memref_slice %arg9[%dma_wait3A_1944, %dma_wait3A_1945] : memref<10240x128xf32, #tpu.memory_space<vmem_shared>> -> memref<10240x128xf32, #tpu.memory_space<vmem_shared>>
      tpu.wait_indirect_dma semaphore(%arg15 : memref<!tpu.dma_semaphore, #tpu.memory_space<semaphore_mem>>) src(%dma_wait3A_1940 : memref<64x128xf32, #tpu.memory_space<vmem>>) dst(%dma_wait3A_1946 : memref<10240x128xf32, #tpu.memory_space<vmem_shared>>)
      %dma_wait3A_1947 = arith.constant 2 : i32
      %dma_wait3A_1948 = arith.constant 0 : i32
      %dma_wait3A_1949 = arith.constant 0 : i32
      %dma_wait3A_1950 = arith.constant 0 : i32
      %dma_wait3A_1951 = tpu.memref_slice %arg8[%dma_wait3A_1947, %dma_wait3A_1949, %dma_wait3A_1950] : memref<4x64x128xf32, #tpu.memory_space<vmem>> -> memref<1x64x128xf32, #tpu.memory_space<vmem>>
      %dma_wait3A_1952 = tpu.memref_squeeze %dma_wait3A_1951 : memref<1x64x128xf32, #tpu.memory_space<vmem>> -> memref<64x128xf32, #tpu.memory_space<vmem>>
      %dma_wait3A_1953 = arith.constant 0 : i32
      %dma_wait3A_1954 = tpu.memref_slice %arg7[%dma_wait3A_1948, %dma_wait3A_1953] : memref<40x64xi32, #tpu.memory_space<vmem>> -> memref<1x64xi32, #tpu.memory_space<vmem>>
      %dma_wait3A_1955 = tpu.memref_squeeze %dma_wait3A_1954 : memref<1x64xi32, #tpu.memory_space<vmem>> -> memref<64xi32, #tpu.memory_space<vmem>>
      %dma_wait3A_1956 = arith.constant 0 : i32
      %dma_wait3A_1957 = arith.constant 0 : i32
      %dma_wait3A_1958 = tpu.memref_slice %arg9[%dma_wait3A_1956, %dma_wait3A_1957] : memref<10240x128xf32, #tpu.memory_space<vmem_shared>> -> memref<10240x128xf32, #tpu.memory_space<vmem_shared>>
      tpu.wait_indirect_dma semaphore(%arg16 : memref<!tpu.dma_semaphore, #tpu.memory_space<semaphore_mem>>) src(%dma_wait3A_1952 : memref<64x128xf32, #tpu.memory_space<vmem>>) dst(%dma_wait3A_1958 : memref<10240x128xf32, #tpu.memory_space<vmem_shared>>)
      %dma_wait3A_1959 = arith.constant 3 : i32
      %dma_wait3A_1960 = arith.constant 0 : i32
      %dma_wait3A_1961 = arith.constant 0 : i32
      %dma_wait3A_1962 = arith.constant 0 : i32
      %dma_wait3A_1963 = tpu.memref_slice %arg8[%dma_wait3A_1959, %dma_wait3A_1961, %dma_wait3A_1962] : memref<4x64x128xf32, #tpu.memory_space<vmem>> -> memref<1x64x128xf32, #tpu.memory_space<vmem>>
      %dma_wait3A_1964 = tpu.memref_squeeze %dma_wait3A_1963 : memref<1x64x128xf32, #tpu.memory_space<vmem>> -> memref<64x128xf32, #tpu.memory_space<vmem>>
      %dma_wait3A_1965 = arith.constant 0 : i32
      %dma_wait3A_1966 = tpu.memref_slice %arg7[%dma_wait3A_1960, %dma_wait3A_1965] : memref<40x64xi32, #tpu.memory_space<vmem>> -> memref<1x64xi32, #tpu.memory_space<vmem>>
      %dma_wait3A_1967 = tpu.memref_squeeze %dma_wait3A_1966 : memref<1x64xi32, #tpu.memory_space<vmem>> -> memref<64xi32, #tpu.memory_space<vmem>>
      %dma_wait3A_1968 = arith.constant 0 : i32
      %dma_wait3A_1969 = arith.constant 0 : i32
      %dma_wait3A_1970 = tpu.memref_slice %arg9[%dma_wait3A_1968, %dma_wait3A_1969] : memref<10240x128xf32, #tpu.memory_space<vmem_shared>> -> memref<10240x128xf32, #tpu.memory_space<vmem_shared>>
      tpu.wait_indirect_dma semaphore(%arg17 : memref<!tpu.dma_semaphore, #tpu.memory_space<semaphore_mem>>) src(%dma_wait3A_1964 : memref<64x128xf32, #tpu.memory_space<vmem>>) dst(%dma_wait3A_1970 : memref<10240x128xf32, #tpu.memory_space<vmem_shared>>)
      %scan3A_1971 = arith.constant 0 : i32
      scf.yield %scan3A_1971 : i32
    }
    %scan3A_45 = arith.constant 4 : i32
    %barrier3A_46 = arith.constant 0 : index
    tpu.barrier barrier_id(%barrier3A_46)
    "tpu.region"() ({
      %run_scoped3A_47 = tpu.sem_alloc : memref<!tpu.dma_semaphore, #tpu.memory_space<semaphore_mem>>
      %dma_start3A = arith.constant 0 : i32
      %dma_start3A_48 = tpu.memref_slice %arg5[%arg0, %mul3A_9, %dma_start3A] : memref<2x10240x128xf32, #tpu.memory_space<hbm>> -> memref<1x640x128xf32, #tpu.memory_space<hbm>>
      %dma_start3A_49 = tpu.memref_squeeze %dma_start3A_48 : memref<1x640x128xf32, #tpu.memory_space<hbm>> -> memref<640x128xf32, #tpu.memory_space<hbm>>
      %dma_start3A_50 = arith.constant 0 : i32
      %dma_start3A_51 = tpu.memref_slice %arg9[%mul3A_9, %dma_start3A_50] : memref<10240x128xf32, #tpu.memory_space<vmem_shared>> -> memref<640x128xf32, #tpu.memory_space<vmem_shared>>
      tpu.enqueue_dma source(%dma_start3A_51 : memref<640x128xf32, #tpu.memory_space<vmem_shared>>) target(%dma_start3A_49 : memref<640x128xf32, #tpu.memory_space<hbm>>) target_semaphore(%run_scoped3A_47 : memref<!tpu.dma_semaphore, #tpu.memory_space<semaphore_mem>>)
      %dma_wait3A = arith.constant 0 : i32
      %dma_wait3A_52 = tpu.memref_slice %arg5[%arg0, %mul3A_9, %dma_wait3A] : memref<2x10240x128xf32, #tpu.memory_space<hbm>> -> memref<1x640x128xf32, #tpu.memory_space<hbm>>
      %dma_wait3A_53 = tpu.memref_squeeze %dma_wait3A_52 : memref<1x640x128xf32, #tpu.memory_space<hbm>> -> memref<640x128xf32, #tpu.memory_space<hbm>>
      %dma_wait3A_54 = arith.constant 0 : i32
      %dma_wait3A_55 = tpu.memref_slice %arg9[%mul3A_9, %dma_wait3A_54] : memref<10240x128xf32, #tpu.memory_space<vmem_shared>> -> memref<640x128xf32, #tpu.memory_space<vmem_shared>>
      tpu.wait_dma2 semaphore(%run_scoped3A_47 : memref<!tpu.dma_semaphore, #tpu.memory_space<semaphore_mem>>) src(%dma_wait3A_55 : memref<640x128xf32, #tpu.memory_space<vmem_shared>>) dst(%dma_wait3A_53 : memref<640x128xf32, #tpu.memory_space<hbm>>)
      tpu.yield
    }) : () -> ()
    return
  }
}

module attributes {stable_mosaic.version = 14 : i64} {
  func.func @_scale_body(%arg0: i32, %arg1: memref<1024x128xf32, #tpu.memory_space<vmem>>, %arg2: memref<2x1024x1xf32, #tpu.memory_space<vmem>>, %arg3: memref<1024x128xf32, #tpu.memory_space<vmem>>) attributes {dimension_semantics = [#tpu.dimension_semantics<arbitrary>], iteration_bounds = array<i64: 10>, scalar_prefetch = 0 : i64, scratch_operands = 0 : i64, tpu.core_type = #tpu.core_type<tc>, window_params = [{transform_indices = @transform_0, window_bounds = array<i64: 1024, 128>}, {transform_indices = @transform_1, window_bounds = array<i64: 2, 1024, 1>}, {transform_indices = @transform_2, window_bounds = array<i64: 1024, 128>}]} {
    %get3A = arith.constant 0 : index
    %get3A_0 = arith.constant 0 : index
    %get3A_1 = arith.constant 0 : index
    %get3A_2 = vector.load %arg2[%get3A, %get3A_0, %get3A_1] : memref<2x1024x1xf32, #tpu.memory_space<vmem>>, vector<1x1024x1xf32>
    %get3A_3 = vector.shape_cast %get3A_2 : vector<1x1024x1xf32> to vector<1024x1xf32>
    %get3A_4 = arith.constant 1 : index
    %get3A_5 = arith.constant 0 : index
    %get3A_6 = arith.constant 0 : index
    %get3A_7 = vector.load %arg2[%get3A_4, %get3A_5, %get3A_6] : memref<2x1024x1xf32, #tpu.memory_space<vmem>>, vector<1x1024x1xf32>
    %get3A_8 = vector.shape_cast %get3A_7 : vector<1x1024x1xf32> to vector<1024x1xf32>
    %add3A = arith.addf %get3A_3, %get3A_8 : vector<1024x1xf32>
    %max3A = arith.constant 1.000000e+00 : f32
    %max3A_9 = vector.broadcast %max3A : f32 to vector<1024x1xf32>
    %max3A_10 = arith.maximumf %add3A, %max3A_9 : vector<1024x1xf32>
    %rsqrt3A = math.rsqrt %max3A_10 : vector<1024x1xf32>
    %get3A_11 = arith.constant 0 : index
    %get3A_12 = arith.constant 0 : index
    %get3A_13 = vector.load %arg1[%get3A_11, %get3A_12] : memref<1024x128xf32, #tpu.memory_space<vmem>>, vector<1024x128xf32>
    %mul3A = vector.broadcast %rsqrt3A : vector<1024x1xf32> to vector<1024x128xf32>
    %mul3A_14 = arith.mulf %get3A_13, %mul3A : vector<1024x128xf32>
    %swap3A = arith.constant 0 : index
    %swap3A_15 = arith.constant 0 : index
    %swap3A_16 = vector.load %arg3[%swap3A, %swap3A_15] : memref<1024x128xf32, #tpu.memory_space<vmem>>, vector<1024x128xf32>
    tpu.vector_store %arg3[%swap3A, %swap3A_15], %mul3A_14 {strides = array<i32>} : memref<1024x128xf32, #tpu.memory_space<vmem>>, vector<1024x128xf32>,
    return
  }
  func.func @transform_0(%arg0: i32) -> (i32, i32) {
    %c0_i32 = arith.constant 0 : i32
    %c0_i32_0 = arith.constant 0 : i32
    return %arg0, %c0_i32 : i32, i32
  }
  func.func @transform_1(%arg0: i32) -> (i32, i32, i32) {
    %c0_i32 = arith.constant 0 : i32
    %c0_i32_0 = arith.constant 0 : i32
    %c0_i32_1 = arith.constant 0 : i32
    return %c0_i32, %arg0, %c0_i32_0 : i32, i32, i32
  }
  func.func @transform_2(%arg0: i32) -> (i32, i32) {
    %c0_i32 = arith.constant 0 : i32
    %c0_i32_0 = arith.constant 0 : i32
    return %arg0, %c0_i32 : i32, i32
  }
}

module attributes {stable_mosaic.version = 14 : i64} {
  func.func @_final_body(%arg0: i32, %arg1: memref<2x1024x128xf32, #tpu.memory_space<vmem>>, %arg2: memref<128x128xf32, #tpu.memory_space<vmem>>, %arg3: memref<128x128xf32, #tpu.memory_space<vmem>>, %arg4: memref<2x1024x1xf32, #tpu.memory_space<vmem>>, %arg5: memref<1x128xf32, #tpu.memory_space<vmem>>, %arg6: memref<1024x128xf32, #tpu.memory_space<vmem>>) attributes {dimension_semantics = [#tpu.dimension_semantics<arbitrary>], iteration_bounds = array<i64: 10>, scalar_prefetch = 0 : i64, scratch_operands = 0 : i64, tpu.core_type = #tpu.core_type<tc>, window_params = [{transform_indices = @transform_0, window_bounds = array<i64: 2, 1024, 128>}, {pipeline_mode = #tpu.pipeline_mode<synchronous>, transform_indices = @transform_1, window_bounds = array<i64: 128, 128>}, {pipeline_mode = #tpu.pipeline_mode<synchronous>, transform_indices = @transform_2, window_bounds = array<i64: 128, 128>}, {transform_indices = @transform_3, window_bounds = array<i64: 2, 1024, 1>}, {pipeline_mode = #tpu.pipeline_mode<synchronous>, transform_indices = @transform_4, window_bounds = array<i64: 1, 128>}, {transform_indices = @transform_5, window_bounds = array<i64: 1024, 128>}]} {
    %get3A = arith.constant 0 : index
    %get3A_0 = arith.constant 0 : index
    %get3A_1 = arith.constant 0 : index
    %get3A_2 = vector.load %arg1[%get3A, %get3A_0, %get3A_1] : memref<2x1024x128xf32, #tpu.memory_space<vmem>>, vector<1x1024x128xf32>
    %get3A_3 = vector.shape_cast %get3A_2 : vector<1x1024x128xf32> to vector<1024x128xf32>
    %get3A_4 = arith.constant 1 : index
    %get3A_5 = arith.constant 0 : index
    %get3A_6 = arith.constant 0 : index
    %get3A_7 = vector.load %arg1[%get3A_4, %get3A_5, %get3A_6] : memref<2x1024x128xf32, #tpu.memory_space<vmem>>, vector<1x1024x128xf32>
    %get3A_8 = vector.shape_cast %get3A_7 : vector<1x1024x128xf32> to vector<1024x128xf32>
    %add3A = arith.addf %get3A_3, %get3A_8 : vector<1024x128xf32>
    %get3A_9 = arith.constant 0 : index
    %get3A_10 = arith.constant 0 : index
    %get3A_11 = vector.load %arg3[%get3A_9, %get3A_10] : memref<128x128xf32, #tpu.memory_space<vmem>>, vector<128x128xf32>
    %gt3A = arith.constant 5.000000e-03 : f32
    %gt3A_12 = vector.broadcast %gt3A : f32 to vector<128x128xf32>
    %gt3A_13 = arith.cmpf ogt, %get3A_11, %gt3A_12 : vector<128x128xf32>
    %get3A_14 = arith.constant 0 : index
    %get3A_15 = arith.constant 0 : index
    %get3A_16 = vector.load %arg2[%get3A_14, %get3A_15] : memref<128x128xf32, #tpu.memory_space<vmem>>, vector<128x128xf32>
    %jit3A = arith.constant 0.000000e+00 : f32
    %broadcast_in_dim3A = vector.broadcast %jit3A : f32 to vector<128x128xf32>
    %select_n3A = arith.select %gt3A_13, %get3A_16, %broadcast_in_dim3A : vector<128x128xi1>, vector<128x128xf32>
    %dot_general3A = arith.constant dense<0.000000e+00> : vector<1024x128xf32>
    %dot_general3A_17 = tpu.matmul %add3A, %select_n3A, %dot_general3A {dimension_numbers = #tpu.dot_dimension_numbers<[1], [0], [0], [1], [0, 0, 1, 1], [], []>, transpose_lhs_hint = false} : vector<1024x128xf32>, vector<128x128xf32>, vector<1024x128xf32> -> vector<1024x128xf32>
    %get3A_18 = arith.constant 0 : index
    %get3A_19 = arith.constant 0 : index
    %get3A_20 = arith.constant 0 : index
    %get3A_21 = vector.load %arg4[%get3A_18, %get3A_19, %get3A_20] : memref<2x1024x1xf32, #tpu.memory_space<vmem>>, vector<1x1024x1xf32>
    %get3A_22 = vector.shape_cast %get3A_21 : vector<1x1024x1xf32> to vector<1024x1xf32>
    %get3A_23 = arith.constant 1 : index
    %get3A_24 = arith.constant 0 : index
    %get3A_25 = arith.constant 0 : index
    %get3A_26 = vector.load %arg4[%get3A_23, %get3A_24, %get3A_25] : memref<2x1024x1xf32, #tpu.memory_space<vmem>>, vector<1x1024x1xf32>
    %get3A_27 = vector.shape_cast %get3A_26 : vector<1x1024x1xf32> to vector<1024x1xf32>
    %add3A_28 = arith.addf %get3A_22, %get3A_27 : vector<1024x1xf32>
    %max3A = arith.constant 1.000000e+00 : f32
    %max3A_29 = vector.broadcast %max3A : f32 to vector<1024x1xf32>
    %max3A_30 = arith.maximumf %add3A_28, %max3A_29 : vector<1024x1xf32>
    %rsqrt3A = math.rsqrt %max3A_30 : vector<1024x1xf32>
    %mul3A = vector.broadcast %rsqrt3A : vector<1024x1xf32> to vector<1024x128xf32>
    %mul3A_31 = arith.mulf %dot_general3A_17, %mul3A : vector<1024x128xf32>
    %get3A_32 = arith.constant 0 : index
    %get3A_33 = arith.constant 0 : index
    %get3A_34 = vector.load %arg5[%get3A_32, %get3A_33] : memref<1x128xf32, #tpu.memory_space<vmem>>, vector<1x128xf32>
    %add3A_35 = vector.broadcast %get3A_34 : vector<1x128xf32> to vector<1024x128xf32>
    %add3A_36 = arith.addf %mul3A_31, %add3A_35 : vector<1024x128xf32>
    %swap3A = arith.constant 0 : index
    %swap3A_37 = arith.constant 0 : index
    %swap3A_38 = vector.load %arg6[%swap3A, %swap3A_37] : memref<1024x128xf32, #tpu.memory_space<vmem>>, vector<1024x128xf32>
    tpu.vector_store %arg6[%swap3A, %swap3A_37], %add3A_36 {strides = array<i32>} : memref<1024x128xf32, #tpu.memory_space<vmem>>, vector<1024x128xf32>,
    return
  }
  func.func @transform_0(%arg0: i32) -> (i32, i32, i32) {
    %c0_i32 = arith.constant 0 : i32
    %c0_i32_0 = arith.constant 0 : i32
    %c0_i32_1 = arith.constant 0 : i32
    return %c0_i32, %arg0, %c0_i32_0 : i32, i32, i32
  }
  func.func @transform_1(%arg0: i32) -> (i32, i32) {
    %c0_i32 = arith.constant 0 : i32
    %c0_i32_0 = arith.constant 0 : i32
    %c0_i32_1 = arith.constant 0 : i32
    return %c0_i32, %c0_i32_0 : i32, i32
  }
  func.func @transform_2(%arg0: i32) -> (i32, i32) {
    %c0_i32 = arith.constant 0 : i32
    %c0_i32_0 = arith.constant 0 : i32
    %c0_i32_1 = arith.constant 0 : i32
    return %c0_i32, %c0_i32_0 : i32, i32
  }
  func.func @transform_3(%arg0: i32) -> (i32, i32, i32) {
    %c0_i32 = arith.constant 0 : i32
    %c0_i32_0 = arith.constant 0 : i32
    %c0_i32_1 = arith.constant 0 : i32
    return %c0_i32, %arg0, %c0_i32_0 : i32, i32, i32
  }
  func.func @transform_4(%arg0: i32) -> (i32, i32) {
    %c0_i32 = arith.constant 0 : i32
    %c0_i32_0 = arith.constant 0 : i32
    %c0_i32_1 = arith.constant 0 : i32
    return %c0_i32, %c0_i32_0 : i32, i32
  }
  func.func @transform_5(%arg0: i32) -> (i32, i32) {
    %c0_i32 = arith.constant 0 : i32
    %c0_i32_0 = arith.constant 0 : i32
    return %arg0, %c0_i32 : i32, i32
  }
}

</mosaic_0001>

<sc_bundles>
// kernel: kernel.6.cloned.1.call-start
scs
__scs_entry_jumppad:
0x0: {  	(pc) =	sbr.rel $0x88, $3  }
0x1: {  	(tag) =	ssettag $0x0;
	lr =	simm.s32 $0x1  }
0x2: {  	[smem:$0x3F9C] =	sst lr;
	_ =	strace $0xD0000000  }
0x3: {  	_ = 	snop  }
0x4: {  	_ = 	snop  }
0x5: {  	_ = 	snop  }
0x6: {  	_ = 	snop  }
0x7: {  	_ = 	snop  }
__scs_overlays_trampoline_lowered:
0x8: {  	[smem:$0x3FAB] =	sst s0  }
0x9: {  	[smem:$0x3FAC] =	sst s1  }
0xa: {  	[smem:$0x3FAD] =	sst s2  }
0xb: {  	[smem:$0x3FAE] =	sst s3  }
0xc: {  	[smem:$0x3FAF] =	sst s4  }
0xd: {  	[smem:$0x3FB0] =	sst s5  }
0xe: {  	[smem:$0x3FB1] =	sst s6  }
0xf: {  	[smem:$0x3FB2] =	sst s7  }
0x10: {  	[smem:$0x3FB3] =	sst s8  }
0x11: {  	[smem:$0x3FB4] =	sst s9;
	s0 =	simm.s32 @!p0 $0x0  }
0x12: {  	s1 =	sld [smem:$0x3F9A];
	s0 =	simm.s32 @p0 $0x1  }
0x13: {  	[smem:$0x3FB5] =	sst s0;
	s0 =	simm.s32 @!p1 $0x0  }
0x14: {  	s2 =	sld [smem:$0x3F99];
	s0 =	simm.s32 @p1 $0x1  }
0x15: {  	[smem:$0x3FB6] =	sst s0;
	s0 =	simm.s32 @!p2 $0x0  }
0x16: {  	s3 =	sld [smem:$0x3FDB];
	s0 =	simm.s32 @p2 $0x1  }
0x17: {  	s4 =	simm.s32 $0x1BF5;
	[smem:$0x3FB8] =	sst s0  }
0x18: {  	s0 =	sld [smem:$0x3F9B];
	_ =	swait.ge [sflag:s4], $0x0  }
0x19: {  	s7 =	sld [smem:$0x3F9C]  }
0x1a: {  	s8 =	sadd.s32 $0xFFFFE003, lr  }
0x1b: {  	s9 =	sadd.s32 $0xFFFFFEF7, lr;
	s5 =	simm.s32 $0xFFFFFFFF;
	p2 =	slt.u32 s8, $0xFFFFF086  }
0x1c: {  	p1 =	slt.u32 s9, $0xF7A;
	s5 =	simm.s32 @!p2 $0x0  }
0x1d: {  	s5 =	simm.s32 @p1 $0x1;
	p0 =	seq.s32 s7, s2  }
0x1e: {  	s7 =	smul.u32 @!p0 $0xF7A, s2;
	p2 =	seq.s32 @!p0 s5, $0x0  }
0x1f: {  	s9 =	smul.u32 $0xF7A, s1;
	s8 =	simm.s32 @!p0 $0x1BF5;
	p2 =	por !p2, p0  }
0x20: {  	[sflag:s8] =	ssyncset.s32 @!p0 $0xFFFFF086;
	s6 =	sadd.s32 @!p0 s3, s7;
	s7 =	simm.s32 @!p0 $0x108  }
0x21: {  	s3 =	sadd.s32 s3, s9;
	s6 =	sadd.s32 @!p0 $0x88, s6;
	s7 =	simm.s32 @p2 $0x1082  }
0x22: {  	[simem:s7], [sflag:s8] =	dma.local @!p0 [hbm:s6], $0xF7A  }
0x23: {  	s9 =	sor.u32 $0xD0000000, s2;
	s6 =	simm.s32 $0x108;
	_ =	swait.ge @!p0 [sflag:s8], $0x0  }
0x24: {  	s3 =	sadd.s32 $0x88, s3;
	s6 =	simm.s32 @!p1 $0x1082;
	[sflag:s4] =	ssyncset.s32 $0xFFFFF086  }
0x25: {  	[simem:s6], [sflag:s4] =	dma.local [hbm:s3], $0xF7A  }
0x26: {  	[smem:$0x3F9C] =	sst s1;
	(tag) =	ssettag s2;
	_ =	strace s9  }
0x27: {  	s1 =	sld [smem:$0x3FAC]  }
0x28: {  	s2 =	sld [smem:$0x3FAD]  }
0x29: {  	s4 =	sld [smem:$0x3FAF]  }
0x2a: {  	p0 =	seq.s32 s5, $0x0;
	s5 =	sld [smem:$0x3FB0]  }
0x2b: {  	s6 =	sld [smem:$0x3FB1]  }
0x2c: {  	s7 =	sld [smem:$0x3FB2]  }
0x2d: {  	s3 =	simm.s32 $0x108;
	s8 =	sld [smem:$0x3FB3]  }
0x2e: {  	s3 =	simm.s32 @!p0 $0x1082;
	s9 =	sld [smem:$0x3FB4]  }
0x2f: {  	lr =	sadd.s32 s0, s3;
	s0 =	sld [smem:$0x3FAB]  }
0x30: {  	s3 =	sld [smem:$0x3FAE]  }
0x31: {  	[smem:$0x3FB7] =	sst s10  }
0x32: {  	s10 =	sld [smem:$0x3FB5];
	_ =	sdelay $0x3  }
0x33: {  	p0 =	seq.s32 s10, $0x1;
	s10 =	sld [smem:$0x3FB7];
	_ =	sdelay $0x3  }
0x34: {  	[smem:$0x3FB7] =	sst s10  }
0x35: {  	s10 =	sld [smem:$0x3FB6];
	_ =	sdelay $0x3  }
0x36: {  	p1 =	seq.s32 s10, $0x1;
	s10 =	sld [smem:$0x3FB7];
	_ =	sdelay $0x3  }
0x37: {  	[smem:$0x3FB7] =	sst s10  }
0x38: {  	s10 =	sld [smem:$0x3FB8]  }
0x39: {  	_ = 	snop;
	(pc) =	sbr.ind lr, $3  }
0x3a: {  	_ = 	snop  }
0x3b: {  	_ = 	snop  }
0x3c: {  	p2 =	seq.s32 s10, $0x1;
	s10 =	sld [smem:$0x3FB7]  }
0x3d: {  	_ =	shalt  }
0x3e: {  	_ =	shalt  }
0x3f: {  	_ =	shalt  }
0x40: {  	_ =	shalt  }
0x41: {  	_ =	shalt  }
0x42: {  	_ =	shalt  }
0x43: {  	_ =	shalt  }
0x44: {  	_ =	shalt  }
0x45: {  	_ =	shalt  }
0x46: {  	_ =	shalt  }
0x47: {  	_ =	shalt  }
0x48: {  	_ =	shalt  }
0x49: {  	_ =	shalt  }
0x4a: {  	_ =	shalt  }
0x4b: {  	_ =	shalt  }
0x4c: {  	_ =	shalt  }
0x4d: {  	_ =	shalt  }
0x4e: {  	_ =	shalt  }
0x4f: {  	_ =	shalt  }
0x50: {  	_ =	shalt  }
0x51: {  	_ =	shalt  }
0x52: {  	_ =	shalt  }
0x53: {  	_ =	shalt  }
0x54: {  	_ =	shalt  }
0x55: {  	_ =	shalt  }
0x56: {  	_ =	shalt  }
0x57: {  	_ =	shalt  }
0x58: {  	_ =	shalt  }
0x59: {  	_ =	shalt  }
0x5a: {  	_ =	shalt  }
0x5b: {  	_ =	shalt  }
0x5c: {  	_ =	shalt  }
0x5d: {  	_ =	shalt  }
0x5e: {  	_ =	shalt  }
0x5f: {  	_ =	shalt  }
0x60: {  	_ =	shalt  }
0x61: {  	_ =	shalt  }
0x62: {  	_ =	shalt  }
0x63: {  	_ =	shalt  }
0x64: {  	_ =	shalt  }
0x65: {  	_ =	shalt  }
0x66: {  	_ =	shalt  }
0x67: {  	_ =	shalt  }
0x68: {  	_ =	shalt  }
0x69: {  	_ =	shalt  }
0x6a: {  	_ =	shalt  }
0x6b: {  	_ =	shalt  }
0x6c: {  	_ =	shalt  }
0x6d: {  	_ =	shalt  }
0x6e: {  	_ =	shalt  }
0x6f: {  	_ =	shalt  }
0x70: {  	_ =	shalt  }
0x71: {  	_ =	shalt  }
0x72: {  	_ =	shalt  }
0x73: {  	_ =	shalt  }
0x74: {  	_ =	shalt  }
0x75: {  	_ =	shalt  }
0x76: {  	_ =	shalt  }
0x77: {  	_ =	shalt  }
0x78: {  	_ =	shalt  }
0x79: {  	_ =	shalt  }
0x7a: {  	_ =	shalt  }
0x7b: {  	_ =	shalt  }
0x7c: {  	_ =	shalt  }
0x7d: {  	_ =	shalt  }
0x7e: {  	_ =	shalt  }
0x7f: {  	_ =	shalt  }
0x80: {  	_ =	shalt  }
0x81: {  	_ =	shalt  }
0x82: {  	_ =	shalt  }
0x83: {  	_ =	shalt  }
0x84: {  	_ =	shalt  }
0x85: {  	_ =	shalt  }
0x86: {  	_ =	shalt  }
0x87: {  	_ =	shalt  }
.Lfunc_end0:
.L_simem_size_0:
called_computation_lowered:
.L_overlay_start_0:
0x88: {  	s2 =	sld [smem:$0x3FD9]  }
0x89: {  	s3 =	sld [smem:$0x3FFE];
	_ =	sdelay $0x1  }
0x8a: {  	s1 =	srdreg.scid  }
0x8b: {  	s0 =	sand.u32 $0x1, s1  }
0x8c: {  	s16 =	sshll.u32 s0, $0xA;
	s2 =	sadd.s32 s3, s2  }
0x8d: {  	s2 =	sadd.s32 s2, s16  }
0x8e: {  	[smem:$0x3FC3] =	sst s2  }
0x8f: {  	_ = 	snop  }
0x90: {  	(tm) =	ssettm $0x1  }
0x91: {  	s17 =	sld [smem:$0x3FFB];
	_ =	sdelay $0x3  }
0x92: {  	_ =	strace s17  }
0x93: {  	s2 =	sld [smem:$0x3FFC];
	_ =	sdelay $0x3  }
0x94: {  	_ =	strace s2  }
0x95: {  	s2 =	sld [smem:$0x3FFD];
	_ =	sdelay $0x3  }
0x96: {  	_ =	strace s2  }
0x97: {  	_ =	strace $0x8FFFFFFF  }
0x98: {  	s18 =	sld [smem:$0x3FDB];
	_ =	sdelay $0x1  }
0x99: {  	s19 =	simm.s32 $_scs_section_size  }
0x9a: {  	s4 =	simm.s32 $_size__tile_overlayer_lowered;
	s5 =	simm.s32 $_tile_overlayer_lowered  }
0x9b: {  	s22 =	simm.s32 $0x1BFF;
	s21 =	sshll.u32 s5, $0x1;
	s2 =	sadd.s32 s19, s18  }
0x9c: {  	s6 =	simm.s32 $0x0;
	s20 =	sshll.u32 s4, $0x1;
	s4 =	sadd.s32 s21, s2  }
0x9d: {  	[timem:s6], [sflag:s22] =	dma.local [hbm:s4], s20  }
0x9e: {  	_ =	swait.ge [sflag:s22], s20  }
0x9f: {  	s3 =	ssub.s32 $0x0, s20;
	[sflag:s22] =	ssyncset.done $0x0  }
0xa0: {  	[sflag:s22] =	ssyncadd.s32 s3;
	_ =	sdelay $0x1  }
0xa1: {  	s23 =	simm.s32 $0x1B8B  }
0xa2: {  	_ =	swait.ge [sflag:s23], $0x1  }
0xa3: {  	[sflag:s23] =	ssyncset.done $0x0  }
0xa4: {  	s25 =	simm.s32 $0x1B8E;
	s24 =	sld [smem:$0x3FFE];
	[sflag:s23] =	ssyncadd.s32 $0xFFFFFFFF  }
0xa5: {  	s26 =	simm.s32 $execute0_lowered;
	[smem:$0x3FD2] =	sst s25  }
0xa6: {  	s4 =	sshll.u32 s26, $0x1;
	_ =	strace $0x80000046;
	[dreg:$0x1] =	wrdreg $0xFFFFFFFF  }
0xa7: {  	s28 =	simm.s32 $_size_execute0_lowered;
	s2 =	sadd.s32 s2, s4;
	[dreg:$0x0] =	wrdreg $0x0  }
0xa8: {  	s4 =	sshll.u32 s28, $0x1;
	[dreg:$0x2] =	wrdreg s2  }
0xa9: {  	[dreg:$0x3] =	wrdreg s4  }
0xaa: {  	[dreg:$0x4] =	wrdreg $0xC0  }
0xab: {  	_ =	task [dreg:s6], $0x5FFFF  }
0xac: {  	[dreg:$0x1] =	wrdreg $0xFFFFFFFF  }
0xad: {  	[dreg:$0x0] =	wrdreg $0x60  }
0xae: {  	[dreg:$0x2] =	wrdreg s24  }
0xaf: {  	[dreg:$0x3] =	wrdreg $0x53000  }
0xb0: {  	[dreg:$0x4] =	wrdreg $0x55800  }
0xb1: {  	[dreg:$0x5] =	wrdreg $0x9  }
0xb2: {  	_ =	task.clear_ibuf [dreg:s6], $0x6FFFF;
	_ =	strace $0x90000046  }
0xb3: {  	s29 =	simm.s32 $0x9;
	_ =	strace $0x80000048  }
0xb4: {  	_ =	swait.ge [sflag:s29], $0x1  }
0xb5: {  	[sflag:s29] =	ssyncadd.s32 $0xFFFFFFFF  }
0xb6: {  	_ =	strace $0x90000048  }
0xb7: {  	_ =	sfence  }
0xb8: {  	s30 =	sld [smem:$0x0];
	_ =	sdelay $0x2  }
0xb9: {  	s31 =	sshll.u32 s1, $0xD;
	s1 =	sshrl.u32 s1, $0x2  }
0xba: {  	s3 =	sand.u32 $0x4000, s31;
	s1 =	sadd.s32 s1, s30  }
0xbb: {  	s0 =	sor.u32 s3, s0;
	s1 =	sshll.u32 s1, $0x11  }
0xbc: {  	s0 =	sor.u32 s1, s0  }
0xbd: {  	s0 =	sadd.s32 $0x8F2B, s0  }
0xbe: {  	[sflag:s0] =	ssyncadd.remote.s32 $0x1  }
0xbf: {  	_ =	sfence.sel $0xFFFF  }
0xc0: {  	[dreg:$0x0] =	wrdreg $0xFFFFFFFF;
	(pc) =	sbr.abs _section_cstart, $3  }
0xc1: {  	[dreg:$0x1] =	wrdreg $0xFFFFFFFF  }
0xc2: {  	_ =	task.clear_ibuf [dreg:s6], $0x2FFFF;
	_ =	strace $0x9FFFFFFF  }
0xc3: {  	(tm) =	ssettm $0x7FFFFFFF  }
tec
execute0_lowered:
.L_overlay_start_1:
0x0: {  	(tag) =	ssettag $0x1  }
0x1: {  	s5 =	rddreg [dreg:$0x0]  }
0x2: {  	s1 =	rddreg [dreg:$0x1]  }
0x3: {  	s2 =	rddreg [dreg:$0x2]  }
0x4: {  	s3 =	srdreg.scid;
	s0 =	rddreg [dreg:$0x3];
	s4 =	simm.s32 $0x0  }
0x5: {  	s13 =	simm.s32 $0x3;
	s14 =	simm.s32 $0x2800;
	s15 =	simm.s32 $0x80  }
0x6: {  	s16 =	simm.s32 $0x5000;
	s17 =	simm.s32 $0x1;
	s18 =	simm.s32 $0x2  }
0x7: {  	s20 =	simm.s32 $0x20;
	s21 =	simm.s32 $0x10;
	s22 =	simm.s32 $0x0  }
0x8: {  	s6 =	sand.u32 $0x1, s3;
	s3 =	stileid.u32;
	[smem:$0x7FF] =	sst s4  }
0x9: {  	s7 =	sshll.u32 s6, $0x4;
	s8 =	smul.u32 $0x500, s3;
	_ =	strace $0x80000047  }
0xa: {  	s9 =	sshll.u32 s6, $0x7;
	s6 =	ssub.s32 $0x2, s6;
	s29 =	smul.u32 $0x280, s3  }
0xb: {  	s19 =	sshll.u32 s3, $0x6;
	s7 =	sor.u32 s3, s7;
	s31 =	sshrl.u32 s6, $0x1  }
0xc: {  	s19 =	sor.u32 $0x1C03, s19;
	s7 =	smul.u32 $0x500, s7;
	s8 =	sor.u32 s9, s8  }
0xd: {  	s12 =	ssub.s32 s6, s31;
	s6 =	sadd.s32 s29, s2;
	s30 =	sshrl.u32 s8, $0x3  }
0xe: {  	s10 =	sadd.s32 s7, s5;
	s11 =	sadd.s32 s30, s5;
	s5 =	sadd.s32 s29, s1  }
0xf: {  	s7 =	sadd.s32 $0xBE00, s10;
	s8 =	sadd.s32 $0x1E00, s10;
	s9 =	sadd.s32 $0x15E00, s11  }
0x10: {  	v0 =	vimm.f32 $1.000000000e+00;
	v1 =	vimm.f32 $0.0e+00;
	s10 =	sadd.s32 $0x16800, s11;
	s11 =	smax.u32 s12, $0x1;
	s12 =	simm.s32 $0x5080  }
.LBB2_1:
0x11: {  	[tilespmem:$0x5000] =	vst v0  }
0x12: {  	[tilespmem:$0x5010] =	vst v0  }
0x13: {  	[tilespmem:$0x5020] =	vst v0  }
0x14: {  	[tilespmem:$0x5030] =	vst v0  }
0x15: {  	[tilespmem:$0x5040] =	vst v0  }
0x16: {  	[tilespmem:$0x5050] =	vst v0  }
0x17: {  	[tilespmem:$0x5060] =	vst v0  }
0x18: {  	[tilespmem:$0x5070] =	vst v0  }
0x19: {  	[tilespmem:$0x5080] =	vst v1  }
0x1a: {  	[tilespmem:$0x5090] =	vst v1  }
0x1b: {  	[tilespmem:$0x50A0] =	vst v1  }
0x1c: {  	[tilespmem:$0x50B0] =	vst v1  }
0x1d: {  	[tilespmem:$0x50C0] =	vst v1  }
0x1e: {  	[tilespmem:$0x50D0] =	vst v1  }
0x1f: {  	[tilespmem:$0x50E0] =	vst v1  }
0x20: {  	[tilespmem:$0x50F0] =	vst v1  }
0x21: {  	[tilespmem:$0x5100] =	vst v1  }
0x22: {  	[tilespmem:$0x5110] =	vst v1  }
0x23: {  	[tilespmem:$0x5120] =	vst v1  }
0x24: {  	[tilespmem:$0x5130] =	vst v1  }
0x25: {  	[tilespmem:$0x5140] =	vst v1  }
0x26: {  	[tilespmem:$0x5150] =	vst v1  }
0x27: {  	[tilespmem:$0x5160] =	vst v1  }
0x28: {  	[tilespmem:$0x5170] =	vst v1  }
0x29: {  	[tilespmem:$0x5180] =	vst v1  }
0x2a: {  	[tilespmem:$0x5190] =	vst v1  }
0x2b: {  	[tilespmem:$0x51A0] =	vst v1  }
0x2c: {  	[tilespmem:$0x51B0] =	vst v1  }
0x2d: {  	[tilespmem:$0x51C0] =	vst v1  }
0x2e: {  	[tilespmem:$0x51D0] =	vst v1  }
0x2f: {  	[tilespmem:$0x51E0] =	vst v1  }
0x30: {  	[tilespmem:$0x51F0] =	vst v1  }
0x31: {  	[tilespmem:$0x5200] =	vst v1  }
0x32: {  	[tilespmem:$0x5210] =	vst v1  }
0x33: {  	[tilespmem:$0x5220] =	vst v1  }
0x34: {  	[tilespmem:$0x5230] =	vst v1  }
0x35: {  	[tilespmem:$0x5240] =	vst v1  }
0x36: {  	[tilespmem:$0x5250] =	vst v1  }
0x37: {  	[tilespmem:$0x5260] =	vst v1  }
0x38: {  	[tilespmem:$0x5270] =	vst v1  }
0x39: {  	[tilespmem:$0x5280] =	vst v1  }
0x3a: {  	[tilespmem:$0x5290] =	vst v1  }
0x3b: {  	[tilespmem:$0x52A0] =	vst v1  }
0x3c: {  	[tilespmem:$0x52B0] =	vst v1  }
0x3d: {  	[tilespmem:$0x52C0] =	vst v1  }
0x3e: {  	[tilespmem:$0x52D0] =	vst v1  }
0x3f: {  	[tilespmem:$0x52E0] =	vst v1  }
0x40: {  	[tilespmem:$0x52F0] =	vst v1  }
0x41: {  	[spmem:s5] =	stream.linear.scatter [tilespmem:s12], [sflag:$0x3], $0x280, $0x38;
	[tilespmem:$0x5800] =	vst v63  }
0x42: {  	_ =	swait.ge [sflag:s13], $0x280  }
0x43: {  	[sflag:s13] =	ssyncset.done $0x0  }
0x44: {  	[sflag:s13] =	ssyncadd.s32 $0xFFFFFD80  }
0x45: {  	[spmem:s6] =	stream.linear.scatter [tilespmem:s12], [sflag:$0x3], $0x280, $0x38;
	[tilespmem:$0x5800] =	vst v63  }
0x46: {  	_ =	swait.ge [sflag:s13], $0x280  }
0x47: {  	[sflag:s13] =	ssyncset.done $0x0  }
0x48: {  	[sflag:s13] =	ssyncadd.s32 $0xFFFFFD80  }
0x49: {  	[tilespmem:s4], [sflag:$0x3] =	stream.linear.gather [hbm4b:s7+s4], $0x2800, $0x38;
	[tilespmem:$0x5800] =	vst v63  }
0x4a: {  	_ =	swait.ge [sflag:s13], $0x2800  }
0x4b: {  	[sflag:s13] =	ssyncset.done $0x0  }
0x4c: {  	[sflag:s13] =	ssyncadd.s32 $0xFFFFD800  }
0x4d: {  	[tilespmem:s14], [sflag:$0x3] =	stream.linear.gather [hbm4b:s8+s4], $0x2800, $0x38;
	[tilespmem:$0x5800] =	vst v63  }
0x4e: {  	_ =	swait.ge [sflag:s13], $0x2800  }
0x4f: {  	[sflag:s13] =	ssyncset.done $0x0  }
0x50: {  	[sflag:s13] =	ssyncadd.s32 $0xFFFFD800  }
0x51: {  	s23 =	simm.s32 $0x0;
	[bflag:$0x0] =	sbarrier.arrive $0xFFFF  }
0x52: {  	[spmem:s1] =	stream.indirect.scatter.add.f32 [tilespmem:s16], [sflag:$0x1], $0x1, s23, s15, $0xb8;
	[tilespmem:$0x5800] =	vst v63  }
0x53: {  	s24 =	simm.s32 $0x2800;
	s23 =	simm.s32 $0x200  }
.LBB2_2:
0x54: {  	[spmem:s2] =	stream.indirect.scatter.add.f32 [tilespmem:s16], [sflag:$0x2], $0x1, s24, s15, $0xb8;
	[tilespmem:$0x5800] =	vst v63  }
0x55: {  	s24 =	smov.u32 s23;
	p0 =	sne.s32 s23, $0x9E00  }
.Ltmp0:
0x56: {  	s23 =	sadd.s32 $0x200, s23;
	(pc) =	sbr.rel @p0 .LBB2_2-.Ltmp0, $4  }
0x57: {  	_ = 	snop  }
0x58: {  	s24 =	sshra.s32 s24, $0x2  }
0x59: {  	[spmem:s1] =	stream.indirect.scatter.add.f32 [tilespmem:s16], [sflag:$0x1], $0x1, s24, s15, $0xb8;
	[tilespmem:$0x5800] =	vst v63  }
0x5a: {  	s24 =	sadd.s32 $0x2800, s24  }
0x5b: {  	[spmem:s2] =	stream.indirect.scatter.add.f32 [tilespmem:s16], [sflag:$0x2], $0x1, s24, s15, $0xb8;
	[tilespmem:$0x5800] =	vst v63  }
0x5c: {  	_ =	swait.ge [sflag:s17], $0x80  }
0x5d: {  	[sflag:s17] =	ssyncset.done $0x0  }
0x5e: {  	[sflag:s17] =	ssyncadd.s32 $0xFFFFFF80  }
0x5f: {  	_ =	swait.ge [sflag:s18], $0x80  }
0x60: {  	s23 =	simm.s32 $0x4F;
	[sflag:s18] =	ssyncset.done $0x0  }
.LBB2_4:
0x61: {  	p0 =	sne.s32 s23, $0x1;
	s23 =	sadd.s32 $0xFFFFFFFF, s23;
	[sflag:s18] =	ssyncadd.s32 $0xFFFFFF80  }
.Ltmp1:
0x62: {  	_ =	swait.ge [sflag:s17], $0x80;
	(pc) =	sbr.rel @p0 .LBB2_4-.Ltmp1, $4  }
0x63: {  	[sflag:s17] =	ssyncset.done $0x0  }
0x64: {  	[sflag:s17] =	ssyncadd.s32 $0xFFFFFF80  }
0x65: {  	_ =	swait.ge [sflag:s18], $0x80  }
0x66: {  	[sflag:s18] =	ssyncset.done $0x0  }
0x67: {  	[sflag:s18] =	ssyncadd.s32 $0xFFFFFF80  }
0x68: {  	s23 =	sshrl.u32 s5, $0x3;
	[bflag:$0x0] =	sbarrier.arrive $0xFFFF  }
0x69: {  	[hbm:s9@s20], [sflag:s19] =	dma.strided [spmem:s23@s21], $0x50, s17, $0x10   }
0x6a: {  	s22 =	sadd.s32 $0x1, s22;
	_ =	swait.ge [sflag:s13], $0x50  }
0x6b: {  	p0 =	sne.s32 s22, s11;
	[sflag:s13] =	ssyncset.done $0x0  }
.Ltmp2:
0x6c: {  	s31 =	sshrl.u32 s6, $0x3;
	[sflag:s13] =	ssyncadd.s32 $0xFFFFFFB0;
	(pc) =	sbr.rel @p0 .LBB2_1-.Ltmp2, $4  }
0x6d: {  	[hbm:s10@s20], [sflag:s19] =	dma.strided [spmem:s31@s21], $0x50, s17, $0x10   }
0x6e: {  	_ =	swait.ge [sflag:s13], $0x50  }
0x6f: {  	[sflag:s13] =	ssyncset.done $0x0  }
0x70: {  	[sflag:s13] =	ssyncadd.s32 $0xFFFFFFB0  }
0x71: {  	_ =	sfence.sel $0x180000  }
0x72: {  	[bflag:$0x0] =	sbarrier.arrive $0xFFFF  }
0x73: {  	p0 =	sne.s32 s3, $0x0;
	_ =	strace $0x90000047  }
0x74: {  	s0 =	sadd.s32 @!p0 $0x100000, s0;
	[bflag:$0x2] =	sbarrier.arrive $0xFFFF  }
0x75: {  	[sflag:s0] =	ssyncadd.tile.s32 @!p0 $0x1;
	_ =	shalt  }
.Lfunc_end2:
_tile_overlayer_lowered:
.L_overlay_start_2:
0x76: {  	(tag) =	ssettag $0x2  }
0x77: {  	s0 =	rddreg [dreg:$0x0];
	s2 =	stileid.u32  }
0x78: {  	s1 =	rddreg [dreg:$0x1];
	p0 =	sne.s32 s2, $0x0  }
0x79: {  	s3 =	rddreg [dreg:$0x2];
	[bflag:$0x3] =	sbarrier.arrive $0xFFFF;
	s2 =	simm.s32 @!p0 $0x1C03  }
0x7a: {  	[timem:s3], [sflag:s2] =	dma.local @!p0 [hbm:s0], s1  }
0x7b: {  	s0 =	simm.s32 @!p0 $0x3  }
0x7c: {  	_ =	swait.ge @!p0 [sflag:s0], s1  }
0x7d: {  	s1 =	ssub.s32 @!p0 $0x0, s1;
	[sflag:s0] =	ssyncset.done @!p0 $0x0  }
0x7e: {  	[sflag:s0] =	ssyncadd.s32 @!p0 s1  }
0x7f: {  	[bflag:$0x3] =	sbarrier.arrive $0xFFFF  }
0x80: {  	_ =	shalt  }

// kernel: kernel.9.cloned.1.call-start
scs
__scs_entry_jumppad:
0x0: {  	(pc) =	sbr.rel $0x88, $3  }
0x1: {  	(tag) =	ssettag $0x0;
	lr =	simm.s32 $0x1  }
0x2: {  	[smem:$0x3F9C] =	sst lr;
	_ =	strace $0xD0000000  }
0x3: {  	_ = 	snop  }
0x4: {  	_ = 	snop  }
0x5: {  	_ = 	snop  }
0x6: {  	_ = 	snop  }
0x7: {  	_ = 	snop  }
__scs_overlays_trampoline_lowered:
0x8: {  	[smem:$0x3FAB] =	sst s0  }
0x9: {  	[smem:$0x3FAC] =	sst s1  }
0xa: {  	[smem:$0x3FAD] =	sst s2  }
0xb: {  	[smem:$0x3FAE] =	sst s3  }
0xc: {  	[smem:$0x3FAF] =	sst s4  }
0xd: {  	[smem:$0x3FB0] =	sst s5  }
0xe: {  	[smem:$0x3FB1] =	sst s6  }
0xf: {  	[smem:$0x3FB2] =	sst s7  }
0x10: {  	[smem:$0x3FB3] =	sst s8  }
0x11: {  	[smem:$0x3FB4] =	sst s9;
	s0 =	simm.s32 @!p0 $0x0  }
0x12: {  	s1 =	sld [smem:$0x3F9A];
	s0 =	simm.s32 @p0 $0x1  }
0x13: {  	[smem:$0x3FB5] =	sst s0;
	s0 =	simm.s32 @!p1 $0x0  }
0x14: {  	s2 =	sld [smem:$0x3F99];
	s0 =	simm.s32 @p1 $0x1  }
0x15: {  	[smem:$0x3FB6] =	sst s0;
	s0 =	simm.s32 @!p2 $0x0  }
0x16: {  	s3 =	sld [smem:$0x3FDB];
	s0 =	simm.s32 @p2 $0x1  }
0x17: {  	s4 =	simm.s32 $0x1BF5;
	[smem:$0x3FB8] =	sst s0  }
0x18: {  	s0 =	sld [smem:$0x3F9B];
	_ =	swait.ge [sflag:s4], $0x0  }
0x19: {  	s7 =	sld [smem:$0x3F9C]  }
0x1a: {  	s8 =	sadd.s32 $0xFFFFE003, lr  }
0x1b: {  	s9 =	sadd.s32 $0xFFFFFEF7, lr;
	s5 =	simm.s32 $0xFFFFFFFF;
	p2 =	slt.u32 s8, $0xFFFFF086  }
0x1c: {  	p1 =	slt.u32 s9, $0xF7A;
	s5 =	simm.s32 @!p2 $0x0  }
0x1d: {  	s5 =	simm.s32 @p1 $0x1;
	p0 =	seq.s32 s7, s2  }
0x1e: {  	s7 =	smul.u32 @!p0 $0xF7A, s2;
	p2 =	seq.s32 @!p0 s5, $0x0  }
0x1f: {  	s9 =	smul.u32 $0xF7A, s1;
	s8 =	simm.s32 @!p0 $0x1BF5;
	p2 =	por !p2, p0  }
0x20: {  	[sflag:s8] =	ssyncset.s32 @!p0 $0xFFFFF086;
	s6 =	sadd.s32 @!p0 s3, s7;
	s7 =	simm.s32 @!p0 $0x108  }
0x21: {  	s3 =	sadd.s32 s3, s9;
	s6 =	sadd.s32 @!p0 $0x88, s6;
	s7 =	simm.s32 @p2 $0x1082  }
0x22: {  	[simem:s7], [sflag:s8] =	dma.local @!p0 [hbm:s6], $0xF7A  }
0x23: {  	s9 =	sor.u32 $0xD0000000, s2;
	s6 =	simm.s32 $0x108;
	_ =	swait.ge @!p0 [sflag:s8], $0x0  }
0x24: {  	s3 =	sadd.s32 $0x88, s3;
	s6 =	simm.s32 @!p1 $0x1082;
	[sflag:s4] =	ssyncset.s32 $0xFFFFF086  }
0x25: {  	[simem:s6], [sflag:s4] =	dma.local [hbm:s3], $0xF7A  }
0x26: {  	[smem:$0x3F9C] =	sst s1;
	(tag) =	ssettag s2;
	_ =	strace s9  }
0x27: {  	s1 =	sld [smem:$0x3FAC]  }
0x28: {  	s2 =	sld [smem:$0x3FAD]  }
0x29: {  	s4 =	sld [smem:$0x3FAF]  }
0x2a: {  	p0 =	seq.s32 s5, $0x0;
	s5 =	sld [smem:$0x3FB0]  }
0x2b: {  	s6 =	sld [smem:$0x3FB1]  }
0x2c: {  	s7 =	sld [smem:$0x3FB2]  }
0x2d: {  	s3 =	simm.s32 $0x108;
	s8 =	sld [smem:$0x3FB3]  }
0x2e: {  	s3 =	simm.s32 @!p0 $0x1082;
	s9 =	sld [smem:$0x3FB4]  }
0x2f: {  	lr =	sadd.s32 s0, s3;
	s0 =	sld [smem:$0x3FAB]  }
0x30: {  	s3 =	sld [smem:$0x3FAE]  }
0x31: {  	[smem:$0x3FB7] =	sst s10  }
0x32: {  	s10 =	sld [smem:$0x3FB5];
	_ =	sdelay $0x3  }
0x33: {  	p0 =	seq.s32 s10, $0x1;
	s10 =	sld [smem:$0x3FB7];
	_ =	sdelay $0x3  }
0x34: {  	[smem:$0x3FB7] =	sst s10  }
0x35: {  	s10 =	sld [smem:$0x3FB6];
	_ =	sdelay $0x3  }
0x36: {  	p1 =	seq.s32 s10, $0x1;
	s10 =	sld [smem:$0x3FB7];
	_ =	sdelay $0x3  }
0x37: {  	[smem:$0x3FB7] =	sst s10  }
0x38: {  	s10 =	sld [smem:$0x3FB8]  }
0x39: {  	_ = 	snop;
	(pc) =	sbr.ind lr, $3  }
0x3a: {  	_ = 	snop  }
0x3b: {  	_ = 	snop  }
0x3c: {  	p2 =	seq.s32 s10, $0x1;
	s10 =	sld [smem:$0x3FB7]  }
0x3d: {  	_ =	shalt  }
0x3e: {  	_ =	shalt  }
0x3f: {  	_ =	shalt  }
0x40: {  	_ =	shalt  }
0x41: {  	_ =	shalt  }
0x42: {  	_ =	shalt  }
0x43: {  	_ =	shalt  }
0x44: {  	_ =	shalt  }
0x45: {  	_ =	shalt  }
0x46: {  	_ =	shalt  }
0x47: {  	_ =	shalt  }
0x48: {  	_ =	shalt  }
0x49: {  	_ =	shalt  }
0x4a: {  	_ =	shalt  }
0x4b: {  	_ =	shalt  }
0x4c: {  	_ =	shalt  }
0x4d: {  	_ =	shalt  }
0x4e: {  	_ =	shalt  }
0x4f: {  	_ =	shalt  }
0x50: {  	_ =	shalt  }
0x51: {  	_ =	shalt  }
0x52: {  	_ =	shalt  }
0x53: {  	_ =	shalt  }
0x54: {  	_ =	shalt  }
0x55: {  	_ =	shalt  }
0x56: {  	_ =	shalt  }
0x57: {  	_ =	shalt  }
0x58: {  	_ =	shalt  }
0x59: {  	_ =	shalt  }
0x5a: {  	_ =	shalt  }
0x5b: {  	_ =	shalt  }
0x5c: {  	_ =	shalt  }
0x5d: {  	_ =	shalt  }
0x5e: {  	_ =	shalt  }
0x5f: {  	_ =	shalt  }
0x60: {  	_ =	shalt  }
0x61: {  	_ =	shalt  }
0x62: {  	_ =	shalt  }
0x63: {  	_ =	shalt  }
0x64: {  	_ =	shalt  }
0x65: {  	_ =	shalt  }
0x66: {  	_ =	shalt  }
0x67: {  	_ =	shalt  }
0x68: {  	_ =	shalt  }
0x69: {  	_ =	shalt  }
0x6a: {  	_ =	shalt  }
0x6b: {  	_ =	shalt  }
0x6c: {  	_ =	shalt  }
0x6d: {  	_ =	shalt  }
0x6e: {  	_ =	shalt  }
0x6f: {  	_ =	shalt  }
0x70: {  	_ =	shalt  }
0x71: {  	_ =	shalt  }
0x72: {  	_ =	shalt  }
0x73: {  	_ =	shalt  }
0x74: {  	_ =	shalt  }
0x75: {  	_ =	shalt  }
0x76: {  	_ =	shalt  }
0x77: {  	_ =	shalt  }
0x78: {  	_ =	shalt  }
0x79: {  	_ =	shalt  }
0x7a: {  	_ =	shalt  }
0x7b: {  	_ =	shalt  }
0x7c: {  	_ =	shalt  }
0x7d: {  	_ =	shalt  }
0x7e: {  	_ =	shalt  }
0x7f: {  	_ =	shalt  }
0x80: {  	_ =	shalt  }
0x81: {  	_ =	shalt  }
0x82: {  	_ =	shalt  }
0x83: {  	_ =	shalt  }
0x84: {  	_ =	shalt  }
0x85: {  	_ =	shalt  }
0x86: {  	_ =	shalt  }
0x87: {  	_ =	shalt  }
.Lfunc_end0:
.L_simem_size_0:
called_computation.1_lowered:
.L_overlay_start_0:
0x88: {  	s2 =	sld [smem:$0x3FD9]  }
0x89: {  	s3 =	sld [smem:$0x3FFE];
	_ =	sdelay $0x1  }
0x8a: {  	s1 =	srdreg.scid  }
0x8b: {  	s0 =	sand.u32 $0x1, s1  }
0x8c: {  	s17 =	sshll.u32 s0, $0xA;
	s2 =	sadd.s32 s3, s2  }
0x8d: {  	s2 =	sadd.s32 s2, s17  }
0x8e: {  	[smem:$0x3FC3] =	sst s2  }
0x8f: {  	_ = 	snop  }
0x90: {  	s2 =	sld [smem:$0x3FD0];
	(tm) =	ssettm $0x1  }
0x91: {  	s18 =	sld [smem:$0x3FFB];
	_ =	sdelay $0x3  }
0x92: {  	_ =	strace s18  }
0x93: {  	s3 =	sld [smem:$0x3FFC];
	_ =	sdelay $0x3  }
0x94: {  	_ =	strace s3  }
0x95: {  	s3 =	sld [smem:$0x3FFD];
	_ =	sdelay $0x3  }
0x96: {  	_ =	strace s3  }
0x97: {  	_ =	strace $0x8FFFFFFF  }
0x98: {  	s19 =	sld [smem:$0x3FDB];
	_ =	sdelay $0x1  }
0x99: {  	s4 =	simm.s32 $_scs_section_size  }
0x9a: {  	s5 =	simm.s32 $_size__tile_overlayer_lowered;
	s6 =	simm.s32 $_tile_overlayer_lowered  }
0x9b: {  	s22 =	simm.s32 $0x1BFF;
	s21 =	sshll.u32 s6, $0x1;
	s3 =	sadd.s32 s4, s19  }
0x9c: {  	s7 =	simm.s32 $0x0;
	s20 =	sshll.u32 s5, $0x1;
	s5 =	sadd.s32 s21, s3  }
0x9d: {  	[timem:s7], [sflag:s22] =	dma.local [hbm:s5], s20  }
0x9e: {  	_ =	swait.ge [sflag:s22], s20  }
0x9f: {  	s4 =	ssub.s32 $0x0, s20;
	[sflag:s22] =	ssyncset.done $0x0  }
0xa0: {  	[sflag:s22] =	ssyncadd.s32 s4;
	_ =	sdelay $0x1  }
0xa1: {  	s23 =	simm.s32 $0x1B8B  }
0xa2: {  	_ =	swait.ge [sflag:s23], $0x1  }
0xa3: {  	[sflag:s23] =	ssyncset.done $0x0  }
0xa4: {  	s25 =	simm.s32 $0x1B8E;
	s24 =	sld [smem:$0x3FFE];
	[sflag:s23] =	ssyncadd.s32 $0xFFFFFFFF  }
0xa5: {  	s26 =	simm.s32 $execute0_lowered;
	[smem:$0x3FD2] =	sst s25  }
0xa6: {  	s5 =	sshll.u32 s26, $0x1;
	_ =	strace $0x80000049;
	[dreg:$0x1] =	wrdreg $0xFFFFFFFF  }
0xa7: {  	s28 =	simm.s32 $_size_execute0_lowered;
	s3 =	sadd.s32 s3, s5;
	[dreg:$0x0] =	wrdreg $0x0  }
0xa8: {  	s5 =	sshll.u32 s28, $0x1;
	[dreg:$0x2] =	wrdreg s3  }
0xa9: {  	[dreg:$0x3] =	wrdreg s5  }
0xaa: {  	[dreg:$0x4] =	wrdreg $0xC0  }
0xab: {  	_ =	task [dreg:s7], $0x5FFFF  }
0xac: {  	[dreg:$0x1] =	wrdreg $0xFFFFFFFF  }
0xad: {  	[dreg:$0x0] =	wrdreg $0x60  }
0xae: {  	[dreg:$0x2] =	wrdreg s24  }
0xaf: {  	[dreg:$0x3] =	wrdreg s2  }
0xb0: {  	[dreg:$0x4] =	wrdreg $0xA8000  }
0xb1: {  	[dreg:$0x5] =	wrdreg $0x9  }
0xb2: {  	_ =	task.clear_ibuf [dreg:s7], $0x6FFFF;
	_ =	strace $0x90000049  }
0xb3: {  	s29 =	simm.s32 $0x9;
	_ =	strace $0x8000004B  }
0xb4: {  	_ =	swait.ge [sflag:s29], $0x1  }
0xb5: {  	[sflag:s29] =	ssyncadd.s32 $0xFFFFFFFF  }
0xb6: {  	_ =	strace $0x9000004B  }
0xb7: {  	_ =	sfence  }
0xb8: {  	s30 =	sld [smem:$0x0];
	_ =	sdelay $0x2  }
0xb9: {  	s31 =	sshll.u32 s1, $0xD;
	s1 =	sshrl.u32 s1, $0x2  }
0xba: {  	s3 =	sand.u32 $0x4000, s31;
	s1 =	sadd.s32 s1, s30  }
0xbb: {  	s0 =	sor.u32 s3, s0;
	s1 =	sshll.u32 s1, $0x11  }
0xbc: {  	s0 =	sor.u32 s1, s0  }
0xbd: {  	s0 =	sadd.s32 $0x8F2B, s0  }
0xbe: {  	[sflag:s0] =	ssyncadd.remote.s32 $0x1  }
0xbf: {  	_ =	sfence.sel $0xFFFF  }
0xc0: {  	[dreg:$0x0] =	wrdreg $0xFFFFFFFF;
	(pc) =	sbr.abs _section_cstart, $3  }
0xc1: {  	[dreg:$0x1] =	wrdreg $0xFFFFFFFF  }
0xc2: {  	_ =	task.clear_ibuf [dreg:s7], $0x2FFFF;
	_ =	strace $0x9FFFFFFF  }
0xc3: {  	(tm) =	ssettm $0x7FFFFFFF  }
tec
execute0_lowered:
.L_overlay_start_1:
0x0: {  	(tag) =	ssettag $0x1  }
0x1: {  	s0 =	srdreg.scid;
	s8 =	stileid.u32  }
0x2: {  	s0 =	sand.u32 $0x1, s0;
	s4 =	smul.u32 $0x5000, s8  }
0x3: {  	s1 =	rddreg [dreg:$0x0];
	s3 =	smul.u32 $0x50000, s0  }
0x4: {  	s5 =	rddreg [dreg:$0x1]  }
0x5: {  	s2 =	rddreg [dreg:$0x2];
	s4 =	sadd.s32 s4, s3;
	s3 =	simm.s32 $0x0  }
0x6: {  	s26 =	simm.s32 $0x80;
	[smem:$0x7FF] =	sst s3  }
0x7: {  	s7 =	simm.s32 $0x1480;
	_ =	strace $0x8000004A;
	[dreg:$0x6] =	wrdreg s26  }
0x8: {  	s9 =	simm.s32 $0x200;
	[dreg:$0x9] =	wrdreg s7  }
0x9: {  	s10 =	simm.s32 $0x1500;
	[dreg:$0xa] =	wrdreg s9  }
0xa: {  	s11 =	simm.s32 $0x280;
	[dreg:$0xb] =	wrdreg s10  }
0xb: {  	s12 =	simm.s32 $0x1580;
	[dreg:$0xc] =	wrdreg s11  }
0xc: {  	s13 =	simm.s32 $0x300;
	[dreg:$0xd] =	wrdreg s12  }
0xd: {  	s14 =	simm.s32 $0x1600;
	[dreg:$0xe] =	wrdreg s13  }
0xe: {  	s15 =	simm.s32 $0x380;
	[dreg:$0xf] =	wrdreg s14  }
0xf: {  	s16 =	simm.s32 $0x1680;
	[dreg:$0x10] =	wrdreg s15  }
0x10: {  	s17 =	simm.s32 $0x400;
	[dreg:$0x11] =	wrdreg s16  }
0x11: {  	s18 =	simm.s32 $0x1700;
	[dreg:$0x12] =	wrdreg s17  }
0x12: {  	s19 =	simm.s32 $0x480;
	[dreg:$0x13] =	wrdreg s18  }
0x13: {  	s20 =	simm.s32 $0x1780;
	[dreg:$0x14] =	wrdreg s19  }
0x14: {  	s21 =	simm.s32 $0x500;
	[dreg:$0x15] =	wrdreg s20  }
0x15: {  	s22 =	simm.s32 $0x1800;
	[dreg:$0x16] =	wrdreg s21  }
0x16: {  	s23 =	simm.s32 $0x580;
	[dreg:$0x17] =	wrdreg s22  }
0x17: {  	s24 =	simm.s32 $0x1880;
	[dreg:$0x18] =	wrdreg s23  }
0x18: {  	s25 =	simm.s32 $0x600;
	s4 =	sshrl.u32 s4, $0x3;
	[dreg:$0x19] =	wrdreg s24  }
0x19: {  	s6 =	sadd.s32 s4, s1;
	s4 =	sadd.s32 s4, s5;
	[dreg:$0x1a] =	wrdreg s25  }
0x1a: {  	s5 =	simm.s32 $0x100;
	[dreg:$0x5] =	wrdreg s4  }
0x1b: {  	s26 =	simm.s32 $0x1900;
	[dreg:$0x7] =	wrdreg s5  }
0x1c: {  	s7 =	simm.s32 $0x700;
	[dreg:$0x1b] =	wrdreg s26  }
0x1d: {  	s9 =	simm.s32 $0x1A00;
	[dreg:$0x1e] =	wrdreg s7  }
0x1e: {  	s10 =	simm.s32 $0x780;
	[dreg:$0x1f] =	wrdreg s9  }
0x1f: {  	s11 =	simm.s32 $0x1A80;
	[smem:$0x7C7] =	sst s10  }
0x20: {  	s12 =	simm.s32 $0x800;
	[smem:$0x7C8] =	sst s11  }
0x21: {  	s13 =	simm.s32 $0x1B00;
	[smem:$0x7C9] =	sst s12  }
0x22: {  	s14 =	simm.s32 $0x880;
	[smem:$0x7CA] =	sst s13  }
0x23: {  	s15 =	simm.s32 $0x1B80;
	[smem:$0x7CB] =	sst s14  }
0x24: {  	s16 =	simm.s32 $0x900;
	[smem:$0x7CC] =	sst s15  }
0x25: {  	s17 =	simm.s32 $0x1C00;
	[smem:$0x7CD] =	sst s16  }
0x26: {  	s18 =	simm.s32 $0x980;
	[smem:$0x7CE] =	sst s17  }
0x27: {  	s19 =	simm.s32 $0x1C80;
	[smem:$0x7CF] =	sst s18  }
0x28: {  	s20 =	simm.s32 $0xA00;
	[smem:$0x7D0] =	sst s19  }
0x29: {  	s21 =	simm.s32 $0x1D00;
	[smem:$0x7D1] =	sst s20  }
0x2a: {  	s23 =	simm.s32 $0xA80;
	[smem:$0x7D2] =	sst s21  }
0x2b: {  	s25 =	simm.s32 $0xB00;
	[smem:$0x7D3] =	sst s23  }
0x2c: {  	s6 =	sadd.s32 $0x17200, s6;
	[smem:$0x7D5] =	sst s25  }
0x2d: {  	s5 =	simm.s32 $0x680;
	[dreg:$0x4] =	wrdreg s6  }
0x2e: {  	s7 =	simm.s32 $0x1D80;
	[dreg:$0x1c] =	wrdreg s5  }
0x2f: {  	s26 =	simm.s32 $0x1E00;
	[smem:$0x7D4] =	sst s7  }
0x30: {  	s9 =	simm.s32 $0x1E80;
	[smem:$0x7D6] =	sst s26  }
0x31: {  	s10 =	simm.s32 $0xC00;
	[smem:$0x7D8] =	sst s9  }
0x32: {  	s12 =	simm.s32 $0x1F00;
	[smem:$0x7D9] =	sst s10  }
0x33: {  	s14 =	simm.s32 $0xC80;
	[smem:$0x7DA] =	sst s12  }
0x34: {  	s15 =	simm.s32 $0x1F80;
	[smem:$0x7DB] =	sst s14  }
0x35: {  	s17 =	simm.s32 $0xD00;
	[smem:$0x7DC] =	sst s15  }
0x36: {  	s18 =	simm.s32 $0x2000;
	[smem:$0x7DD] =	sst s17  }
0x37: {  	s22 =	smul.u32 $0x140000, s0;
	s20 =	simm.s32 $0xD80;
	[smem:$0x7DF] =	sst s18  }
0x38: {  	s24 =	smul.u32 $0x14000, s8;
	s6 =	simm.s32 $0x180;
	[smem:$0x7E1] =	sst s20  }
0x39: {  	s7 =	simm.s32 $0xB80;
	[dreg:$0x8] =	wrdreg s6  }
0x3a: {  	s5 =	sadd.s32 s24, s22;
	s22 =	simm.s32 $0x2080;
	[smem:$0x7D7] =	sst s7  }
0x3b: {  	s24 =	simm.s32 $0xE00;
	[smem:$0x7E3] =	sst s22  }
0x3c: {  	s0 =	ssub.s32 $0x2, s0;
	s26 =	simm.s32 $0x2100;
	[smem:$0x7E5] =	sst s24  }
0x3d: {  	s11 =	sshrl.u32 s0, $0x1;
	s9 =	simm.s32 $0xE80;
	[smem:$0x7E7] =	sst s26  }
0x3e: {  	s0 =	ssub.s32 s0, s11;
	s11 =	simm.s32 $0x2180;
	[smem:$0x7E9] =	sst s9  }
0x3f: {  	s15 =	simm.s32 $0x2200;
	[smem:$0x7EB] =	sst s11  }
0x40: {  	s17 =	simm.s32 $0x2280;
	[smem:$0x7F0] =	sst s15  }
0x41: {  	s18 =	simm.s32 $0x1000;
	[smem:$0x7F4] =	sst s17  }
0x42: {  	s13 =	smul.u32 $0x50000, s8;
	s20 =	simm.s32 $0x1080;
	[smem:$0x7F5] =	sst s18  }
0x43: {  	s6 =	simm.s32 $0x1980;
	[smem:$0x7F7] =	sst s20  }
0x44: {  	s16 =	sshrl.u32 s13, $0x2;
	s13 =	simm.s32 $0xF00;
	[dreg:$0x1d] =	wrdreg s6  }
0x45: {  	s28 =	simm.s32 $0x3;
	s0 =	smax.u32 s0, $0x1;
	[smem:$0x7ED] =	sst s13  }
0x46: {  	s29 =	simm.s32 $0x6;
	s22 =	simm.s32 $0x1100;
	[smem:$0x7F3] =	sst s0  }
0x47: {  	s30 =	simm.s32 $0x4;
	s24 =	simm.s32 $0x1180;
	[smem:$0x7F9] =	sst s22  }
0x48: {  	s31 =	simm.s32 $0x7;
	s26 =	simm.s32 $0x1200;
	[smem:$0x7FB] =	sst s24  }
0x49: {  	s4 =	sadd.s32 $0x2B200, s1;
	s6 =	sadd.s32 s16, s2;
	[smem:$0x7FD] =	sst s26  }
0x4a: {  	s5 =	sshrl.u32 s5, $0x3;
	s16 =	simm.s32 $0xF80;
	[smem:$0x7EE] =	sst s6  }
0x4b: {  	s17 =	simm.s32 $0x2800;
	s19 =	sadd.s32 $0x2000, s6;
	[smem:$0x7F2] =	sst s16  }
0x4c: {  	s18 =	simm.s32 $0x9;
	s21 =	sadd.s32 $0x4000, s6;
	[smem:$0x7DE] =	sst s19  }
0x4d: {  	s20 =	simm.s32 $0x40;
	s23 =	sadd.s32 $0x6000, s6;
	[smem:$0x7E0] =	sst s21  }
0x4e: {  	s7 =	simm.s32 $0x2580;
	s25 =	sadd.s32 $0x8000, s6;
	[smem:$0x7E2] =	sst s23  }
0x4f: {  	s9 =	simm.s32 $0x2600;
	s8 =	sadd.s32 $0xA000, s6;
	[smem:$0x7E4] =	sst s25  }
0x50: {  	s11 =	simm.s32 $0x2680;
	s10 =	sadd.s32 $0xC000, s6;
	[smem:$0x7E6] =	sst s8  }
0x51: {  	s1 =	sadd.s32 s5, s1;
	s12 =	sadd.s32 $0xE000, s6;
	[smem:$0x7E8] =	sst s10  }
0x52: {  	s22 =	simm.s32 $0x6800;
	s14 =	sadd.s32 $0x10000, s6;
	[smem:$0x7EA] =	sst s12  }
0x53: {  	s24 =	simm.s32 $0x8800;
	s6 =	sadd.s32 $0x12000, s6;
	[smem:$0x7EC] =	sst s14  }
0x54: {  	s26 =	simm.s32 $0x5;
	s1 =	sadd.s32 $0x53200, s1;
	[smem:$0x7EF] =	sst s6  }
0x55: {  	s0 =	simm.s32 $0x2500;
	s13 =	simm.s32 $0x2780;
	[smem:$0x7F1] =	sst s1  }
0x56: {  	s19 =	simm.s32 $0x2300;
	s21 =	simm.s32 $0x2380;
	s23 =	simm.s32 $0x2400  }
0x57: {  	s25 =	simm.s32 $0x2480;
	s1 =	simm.s32 $0x8;
	s6 =	simm.s32 $0x1280  }
0x58: {  	s8 =	simm.s32 $0x1300;
	s10 =	simm.s32 $0x1380;
	[smem:$0x7F6] =	sst s19  }
0x59: {  	s12 =	simm.s32 $0x2700;
	s14 =	simm.s32 $0x0;
	[smem:$0x7F8] =	sst s21  }
0x5a: {  	s19 =	simm.s32 $0x1400;
	s21 =	simm.s32 $0x4800;
	[smem:$0x7FA] =	sst s23  }
0x5b: {  	v0 =	vimm.f32 $0.0e+00;
	s23 =	simm.s32 $0x1;
	[smem:$0x7FC] =	sst s25;
	s25 =	simm.s32 $0x2  }
.LBB2_1:
0x5c: {  	s15 =	simm.s32 $0x0;
	s16 =	simm.s32 $0x200  }
.LBB2_2:
0x5d: {  	p0 =	sne.s32 s16, $0x7E00;
	[tilespmem:s15+$0x2870] =	vst v0  }
0x5e: {  	[tilespmem:s15+$0x2800] =	vst v0  }
0x5f: {  	[tilespmem:s15+$0x2810] =	vst v0  }
.Ltmp0:
0x60: {  	[tilespmem:s15+$0x2820] =	vst v0;
	(pc) =	sbr.rel @p0 .LBB2_2-.Ltmp0, $4  }
0x61: {  	[tilespmem:s15+$0x2830] =	vst v0  }
0x62: {  	[tilespmem:s15+$0x2840] =	vst v0  }
0x63: {  	[tilespmem:s15+$0x2850] =	vst v0  }
0x64: {  	[tilespmem:s15+$0x2860] =	vst v0;
	s15 =	sshra.s32 s16, $0x2;
	s16 =	sadd.s32 $0x200, s16  }
0x65: {  	[tilespmem:s15+$0x2870] =	vst v0  }
0x66: {  	[tilespmem:s15+$0x2800] =	vst v0  }
0x67: {  	[tilespmem:s15+$0x2810] =	vst v0  }
0x68: {  	[tilespmem:s15+$0x2820] =	vst v0  }
0x69: {  	[tilespmem:s15+$0x2830] =	vst v0  }
0x6a: {  	[tilespmem:s15+$0x2840] =	vst v0;
	s5 =	sld [smem:$0x7EE]  }
0x6b: {  	[tilespmem:s15+$0x2850] =	vst v0  }
0x6c: {  	[smem:$0x7C6] =	sst s14;
	[tilespmem:s15+$0x2860] =	vst v0  }
0x6d: {  	[spmem:s5] =	stream.linear.scatter [tilespmem:s17], [sflag:$0x9], $0x2000, $0x38;
	[tilespmem:$0x1E800] =	vst v63  }
0x6e: {  	_ =	swait.ge [sflag:s18], $0x2000  }
0x6f: {  	s14 =	sld [smem:$0x7DE]  }
0x70: {  	[sflag:s18] =	ssyncset.done $0x0  }
0x71: {  	[sflag:s18] =	ssyncadd.s32 $0xFFFFE000  }
0x72: {  	[spmem:s14] =	stream.linear.scatter [tilespmem:s17], [sflag:$0x9], $0x2000, $0x38;
	[tilespmem:$0x1E800] =	vst v63  }
0x73: {  	_ =	swait.ge [sflag:s18], $0x2000  }
0x74: {  	s15 =	sld [smem:$0x7E0]  }
0x75: {  	[sflag:s18] =	ssyncset.done $0x0  }
0x76: {  	[sflag:s18] =	ssyncadd.s32 $0xFFFFE000  }
0x77: {  	[spmem:s15] =	stream.linear.scatter [tilespmem:s17], [sflag:$0x9], $0x2000, $0x38;
	[tilespmem:$0x1E800] =	vst v63  }
0x78: {  	_ =	swait.ge [sflag:s18], $0x2000  }
0x79: {  	s16 =	sld [smem:$0x7E2]  }
0x7a: {  	[sflag:s18] =	ssyncset.done $0x0  }
0x7b: {  	[sflag:s18] =	ssyncadd.s32 $0xFFFFE000  }
0x7c: {  	[spmem:s16] =	stream.linear.scatter [tilespmem:s17], [sflag:$0x9], $0x2000, $0x38;
	[tilespmem:$0x1E800] =	vst v63  }
0x7d: {  	_ =	swait.ge [sflag:s18], $0x2000  }
0x7e: {  	s14 =	sld [smem:$0x7E4]  }
0x7f: {  	[sflag:s18] =	ssyncset.done $0x0  }
0x80: {  	[sflag:s18] =	ssyncadd.s32 $0xFFFFE000  }
0x81: {  	[spmem:s14] =	stream.linear.scatter [tilespmem:s17], [sflag:$0x9], $0x2000, $0x38;
	[tilespmem:$0x1E800] =	vst v63  }
0x82: {  	_ =	swait.ge [sflag:s18], $0x2000  }
0x83: {  	s15 =	sld [smem:$0x7E6]  }
0x84: {  	[sflag:s18] =	ssyncset.done $0x0  }
0x85: {  	[sflag:s18] =	ssyncadd.s32 $0xFFFFE000  }
0x86: {  	[spmem:s15] =	stream.linear.scatter [tilespmem:s17], [sflag:$0x9], $0x2000, $0x38;
	[tilespmem:$0x1E800] =	vst v63  }
0x87: {  	_ =	swait.ge [sflag:s18], $0x2000  }
0x88: {  	s16 =	sld [smem:$0x7E8]  }
0x89: {  	[sflag:s18] =	ssyncset.done $0x0  }
0x8a: {  	[sflag:s18] =	ssyncadd.s32 $0xFFFFE000  }
0x8b: {  	[spmem:s16] =	stream.linear.scatter [tilespmem:s17], [sflag:$0x9], $0x2000, $0x38;
	[tilespmem:$0x1E800] =	vst v63  }
0x8c: {  	_ =	swait.ge [sflag:s18], $0x2000  }
0x8d: {  	s14 =	sld [smem:$0x7EA]  }
0x8e: {  	[sflag:s18] =	ssyncset.done $0x0  }
0x8f: {  	[sflag:s18] =	ssyncadd.s32 $0xFFFFE000  }
0x90: {  	[spmem:s14] =	stream.linear.scatter [tilespmem:s17], [sflag:$0x9], $0x2000, $0x38;
	[tilespmem:$0x1E800] =	vst v63  }
0x91: {  	_ =	swait.ge [sflag:s18], $0x2000  }
0x92: {  	s15 =	sld [smem:$0x7EC]  }
0x93: {  	[sflag:s18] =	ssyncset.done $0x0  }
0x94: {  	[sflag:s18] =	ssyncadd.s32 $0xFFFFE000  }
0x95: {  	[spmem:s15] =	stream.linear.scatter [tilespmem:s17], [sflag:$0x9], $0x2000, $0x38;
	[tilespmem:$0x1E800] =	vst v63  }
0x96: {  	_ =	swait.ge [sflag:s18], $0x2000  }
0x97: {  	s16 =	sld [smem:$0x7EF]  }
0x98: {  	[sflag:s18] =	ssyncset.done $0x0  }
0x99: {  	[sflag:s18] =	ssyncadd.s32 $0xFFFFE000  }
0x9a: {  	[spmem:s16] =	stream.linear.scatter [tilespmem:s17], [sflag:$0x9], $0x2000, $0x38;
	[tilespmem:$0x1E800] =	vst v63  }
0x9b: {  	_ =	swait.ge [sflag:s18], $0x2000  }
0x9c: {  	[sflag:s18] =	ssyncset.done $0x0  }
0x9d: {  	[sflag:s18] =	ssyncadd.s32 $0xFFFFE000  }
0x9e: {  	[bflag:$0x0] =	sbarrier.arrive $0xFFFF  }
0x9f: {  	s14 =	rddreg [dreg:$0x5]  }
0xa0: {  	s5 =	sadd.s32 $0x0, s14  }
0xa1: {  	[tilespmem:s3], [sflag:$0x9] =	stream.linear.gather [hbm4b:s5+s3], $0x1400, $0x38;
	[tilespmem:$0x1E800] =	vst v63  }
0xa2: {  	_ =	swait.ge [sflag:s18], $0x1400  }
0xa3: {  	s15 =	rddreg [dreg:$0x4];
	[sflag:s18] =	ssyncset.done $0x0  }
0xa4: {  	[sflag:s18] =	ssyncadd.s32 $0xFFFFEC00;
	s5 =	sadd.s32 $0x0, s15  }
0xa5: {  	[tilespmem:s19], [sflag:$0x9] =	stream.linear.gather [hbm4b:s5+s3], $0x1400, $0x38;
	[tilespmem:$0x1E800] =	vst v63  }
0xa6: {  	_ =	swait.ge [sflag:s18], $0x1400  }
0xa7: {  	[sflag:s18] =	ssyncset.done $0x0  }
0xa8: {  	[sflag:s18] =	ssyncadd.s32 $0xFFFFEC00  }
0xa9: {  	[tilespmem:s17], [sflag:$0x1] =	stream.indirect.gather [hbm4b:s4+s20], $0x80, s3, s20, $0xb8;
	[tilespmem:$0x1E800] =	vst v63  }
0xaa: {  	s16 =	rddreg [dreg:$0x6]  }
0xab: {  	[tilespmem:s21], [sflag:$0x2] =	stream.indirect.gather [hbm4b:s4+s20], $0x80, s16, s20, $0xb8;
	[tilespmem:$0x1E800] =	vst v63  }
0xac: {  	s14 =	rddreg [dreg:$0x7]  }
0xad: {  	[tilespmem:s22], [sflag:$0x3] =	stream.indirect.gather [hbm4b:s4+s20], $0x80, s14, s20, $0xb8;
	[tilespmem:$0x1E800] =	vst v63  }
0xae: {  	_ =	swait.ge [sflag:s23], $0x2000  }
0xaf: {  	[sflag:s23] =	ssyncset.done $0x0  }
0xb0: {  	[sflag:s23] =	ssyncadd.s32 $0xFFFFE000  }
0xb1: {  	[spmem:s2] =	stream.indirect.scatter.add.f32 [tilespmem:s17], [sflag:$0x5], $0x80, s19, s20, $0xb8;
	[tilespmem:$0x1E800] =	vst v63  }
0xb2: {  	s16 =	rddreg [dreg:$0x8]  }
0xb3: {  	[tilespmem:s24], [sflag:$0x4] =	stream.indirect.gather [hbm4b:s4+s20], $0x80, s16, s20, $0xb8;
	[tilespmem:$0x1E800] =	vst v63  }
0xb4: {  	_ =	swait.ge [sflag:s25], $0x2000  }
0xb5: {  	[sflag:s25] =	ssyncset.done $0x0  }
0xb6: {  	s14 =	rddreg [dreg:$0x9];
	[sflag:s25] =	ssyncadd.s32 $0xFFFFE000  }
0xb7: {  	[spmem:s2] =	stream.indirect.scatter.add.f32 [tilespmem:s21], [sflag:$0x6], $0x80, s14, s20, $0xb8;
	[tilespmem:$0x1E800] =	vst v63  }
0xb8: {  	_ =	swait.ge [sflag:s26], $0x2000  }
0xb9: {  	[sflag:s26] =	ssyncset.done $0x0  }
0xba: {  	s15 =	rddreg [dreg:$0xa];
	[sflag:s26] =	ssyncadd.s32 $0xFFFFE000  }
0xbb: {  	[tilespmem:s17], [sflag:$0x1] =	stream.indirect.gather [hbm4b:s4+s20], $0x80, s15, s20, $0xb8;
	[tilespmem:$0x1E800] =	vst v63  }
0xbc: {  	_ =	swait.ge [sflag:s28], $0x2000  }
0xbd: {  	[sflag:s28] =	ssyncset.done $0x0  }
0xbe: {  	s16 =	rddreg [dreg:$0xb];
	[sflag:s28] =	ssyncadd.s32 $0xFFFFE000  }
0xbf: {  	[spmem:s2] =	stream.indirect.scatter.add.f32 [tilespmem:s22], [sflag:$0x7], $0x80, s16, s20, $0xb8;
	[tilespmem:$0x1E800] =	vst v63  }
0xc0: {  	_ =	swait.ge [sflag:s29], $0x2000  }
0xc1: {  	[sflag:s29] =	ssyncset.done $0x0  }
0xc2: {  	s14 =	rddreg [dreg:$0xc];
	[sflag:s29] =	ssyncadd.s32 $0xFFFFE000  }
0xc3: {  	[tilespmem:s21], [sflag:$0x2] =	stream.indirect.gather [hbm4b:s4+s20], $0x80, s14, s20, $0xb8;
	[tilespmem:$0x1E800] =	vst v63  }
0xc4: {  	_ =	swait.ge [sflag:s30], $0x2000  }
0xc5: {  	[sflag:s30] =	ssyncset.done $0x0  }
0xc6: {  	s15 =	rddreg [dreg:$0xd];
	[sflag:s30] =	ssyncadd.s32 $0xFFFFE000  }
0xc7: {  	[spmem:s2] =	stream.indirect.scatter.add.f32 [tilespmem:s24], [sflag:$0x8], $0x80, s15, s20, $0xb8;
	[tilespmem:$0x1E800] =	vst v63  }
0xc8: {  	_ =	swait.ge [sflag:s31], $0x2000  }
0xc9: {  	[sflag:s31] =	ssyncset.done $0x0  }
0xca: {  	s16 =	rddreg [dreg:$0xe];
	[sflag:s31] =	ssyncadd.s32 $0xFFFFE000  }
0xcb: {  	[tilespmem:s22], [sflag:$0x3] =	stream.indirect.gather [hbm4b:s4+s20], $0x80, s16, s20, $0xb8;
	[tilespmem:$0x1E800] =	vst v63  }
0xcc: {  	_ =	swait.ge [sflag:s23], $0x2000  }
0xcd: {  	[sflag:s23] =	ssyncset.done $0x0  }
0xce: {  	s14 =	rddreg [dreg:$0xf];
	[sflag:s23] =	ssyncadd.s32 $0xFFFFE000  }
0xcf: {  	[spmem:s2] =	stream.indirect.scatter.add.f32 [tilespmem:s17], [sflag:$0x5], $0x80, s14, s20, $0xb8;
	[tilespmem:$0x1E800] =	vst v63  }
0xd0: {  	_ =	swait.ge [sflag:s1], $0x2000  }
0xd1: {  	[sflag:s1] =	ssyncset.done $0x0  }
0xd2: {  	s15 =	rddreg [dreg:$0x10];
	[sflag:s1] =	ssyncadd.s32 $0xFFFFE000  }
0xd3: {  	[tilespmem:s24], [sflag:$0x4] =	stream.indirect.gather [hbm4b:s4+s20], $0x80, s15, s20, $0xb8;
	[tilespmem:$0x1E800] =	vst v63  }
0xd4: {  	_ =	swait.ge [sflag:s25], $0x2000  }
0xd5: {  	[sflag:s25] =	ssyncset.done $0x0  }
0xd6: {  	s16 =	rddreg [dreg:$0x11];
	[sflag:s25] =	ssyncadd.s32 $0xFFFFE000  }
0xd7: {  	[spmem:s2] =	stream.indirect.scatter.add.f32 [tilespmem:s21], [sflag:$0x6], $0x80, s16, s20, $0xb8;
	[tilespmem:$0x1E800] =	vst v63  }
0xd8: {  	_ =	swait.ge [sflag:s26], $0x2000  }
0xd9: {  	[sflag:s26] =	ssyncset.done $0x0  }
0xda: {  	s14 =	rddreg [dreg:$0x12];
	[sflag:s26] =	ssyncadd.s32 $0xFFFFE000  }
0xdb: {  	[tilespmem:s17], [sflag:$0x1] =	stream.indirect.gather [hbm4b:s4+s20], $0x80, s14, s20, $0xb8;
	[tilespmem:$0x1E800] =	vst v63  }
0xdc: {  	_ =	swait.ge [sflag:s28], $0x2000  }
0xdd: {  	[sflag:s28] =	ssyncset.done $0x0  }
0xde: {  	s15 =	rddreg [dreg:$0x13];
	[sflag:s28] =	ssyncadd.s32 $0xFFFFE000  }
0xdf: {  	[spmem:s2] =	stream.indirect.scatter.add.f32 [tilespmem:s22], [sflag:$0x7], $0x80, s15, s20, $0xb8;
	[tilespmem:$0x1E800] =	vst v63  }
0xe0: {  	_ =	swait.ge [sflag:s29], $0x2000  }
0xe1: {  	[sflag:s29] =	ssyncset.done $0x0  }
0xe2: {  	s16 =	rddreg [dreg:$0x14];
	[sflag:s29] =	ssyncadd.s32 $0xFFFFE000  }
0xe3: {  	[tilespmem:s21], [sflag:$0x2] =	stream.indirect.gather [hbm4b:s4+s20], $0x80, s16, s20, $0xb8;
	[tilespmem:$0x1E800] =	vst v63  }
0xe4: {  	_ =	swait.ge [sflag:s30], $0x2000  }
0xe5: {  	[sflag:s30] =	ssyncset.done $0x0  }
0xe6: {  	s14 =	rddreg [dreg:$0x15];
	[sflag:s30] =	ssyncadd.s32 $0xFFFFE000  }
0xe7: {  	[spmem:s2] =	stream.indirect.scatter.add.f32 [tilespmem:s24], [sflag:$0x8], $0x80, s14, s20, $0xb8;
	[tilespmem:$0x1E800] =	vst v63  }
0xe8: {  	_ =	swait.ge [sflag:s31], $0x2000  }
0xe9: {  	[sflag:s31] =	ssyncset.done $0x0  }
0xea: {  	s15 =	rddreg [dreg:$0x16];
	[sflag:s31] =	ssyncadd.s32 $0xFFFFE000  }
0xeb: {  	[tilespmem:s22], [sflag:$0x3] =	stream.indirect.gather [hbm4b:s4+s20], $0x80, s15, s20, $0xb8;
	[tilespmem:$0x1E800] =	vst v63  }
0xec: {  	_ =	swait.ge [sflag:s23], $0x2000  }
0xed: {  	[sflag:s23] =	ssyncset.done $0x0  }
0xee: {  	s16 =	rddreg [dreg:$0x17];
	[sflag:s23] =	ssyncadd.s32 $0xFFFFE000  }
0xef: {  	[spmem:s2] =	stream.indirect.scatter.add.f32 [tilespmem:s17], [sflag:$0x5], $0x80, s16, s20, $0xb8;
	[tilespmem:$0x1E800] =	vst v63  }
0xf0: {  	_ =	swait.ge [sflag:s1], $0x2000  }
0xf1: {  	[sflag:s1] =	ssyncset.done $0x0  }
0xf2: {  	s14 =	rddreg [dreg:$0x18];
	[sflag:s1] =	ssyncadd.s32 $0xFFFFE000  }
0xf3: {  	[tilespmem:s24], [sflag:$0x4] =	stream.indirect.gather [hbm4b:s4+s20], $0x80, s14, s20, $0xb8;
	[tilespmem:$0x1E800] =	vst v63  }
0xf4: {  	_ =	swait.ge [sflag:s25], $0x2000  }
0xf5: {  	[sflag:s25] =	ssyncset.done $0x0  }
0xf6: {  	s15 =	rddreg [dreg:$0x19];
	[sflag:s25] =	ssyncadd.s32 $0xFFFFE000  }
0xf7: {  	[spmem:s2] =	stream.indirect.scatter.add.f32 [tilespmem:s21], [sflag:$0x6], $0x80, s15, s20, $0xb8;
	[tilespmem:$0x1E800] =	vst v63  }
0xf8: {  	_ =	swait.ge [sflag:s26], $0x2000  }
0xf9: {  	[sflag:s26] =	ssyncset.done $0x0  }
0xfa: {  	s16 =	rddreg [dreg:$0x1a];
	[sflag:s26] =	ssyncadd.s32 $0xFFFFE000  }
0xfb: {  	[tilespmem:s17], [sflag:$0x1] =	stream.indirect.gather [hbm4b:s4+s20], $0x80, s16, s20, $0xb8;
	[tilespmem:$0x1E800] =	vst v63  }
0xfc: {  	_ =	swait.ge [sflag:s28], $0x2000  }
0xfd: {  	[sflag:s28] =	ssyncset.done $0x0  }
0xfe: {  	s14 =	rddreg [dreg:$0x1b];
	[sflag:s28] =	ssyncadd.s32 $0xFFFFE000  }
0xff: {  	[spmem:s2] =	stream.indirect.scatter.add.f32 [tilespmem:s22], [sflag:$0x7], $0x80, s14, s20, $0xb8;
	[tilespmem:$0x1E800] =	vst v63  }
0x100: {  	_ =	swait.ge [sflag:s29], $0x2000  }
0x101: {  	[sflag:s29] =	ssyncset.done $0x0  }
0x102: {  	s15 =	rddreg [dreg:$0x1c];
	[sflag:s29] =	ssyncadd.s32 $0xFFFFE000  }
0x103: {  	[tilespmem:s21], [sflag:$0x2] =	stream.indirect.gather [hbm4b:s4+s20], $0x80, s15, s20, $0xb8;
	[tilespmem:$0x1E800] =	vst v63  }
0x104: {  	_ =	swait.ge [sflag:s30], $0x2000  }
0x105: {  	[sflag:s30] =	ssyncset.done $0x0  }
0x106: {  	s16 =	rddreg [dreg:$0x1d];
	[sflag:s30] =	ssyncadd.s32 $0xFFFFE000  }
0x107: {  	[spmem:s2] =	stream.indirect.scatter.add.f32 [tilespmem:s24], [sflag:$0x8], $0x80, s16, s20, $0xb8;
	[tilespmem:$0x1E800] =	vst v63  }
0x108: {  	_ =	swait.ge [sflag:s31], $0x2000  }
0x109: {  	[sflag:s31] =	ssyncset.done $0x0  }
0x10a: {  	s14 =	rddreg [dreg:$0x1e];
	[sflag:s31] =	ssyncadd.s32 $0xFFFFE000  }
0x10b: {  	[tilespmem:s22], [sflag:$0x3] =	stream.indirect.gather [hbm4b:s4+s20], $0x80, s14, s20, $0xb8;
	[tilespmem:$0x1E800] =	vst v63  }
0x10c: {  	_ =	swait.ge [sflag:s23], $0x2000  }
0x10d: {  	[sflag:s23] =	ssyncset.done $0x0  }
0x10e: {  	s15 =	rddreg [dreg:$0x1f];
	[sflag:s23] =	ssyncadd.s32 $0xFFFFE000  }
0x10f: {  	[spmem:s2] =	stream.indirect.scatter.add.f32 [tilespmem:s17], [sflag:$0x5], $0x80, s15, s20, $0xb8;
	[tilespmem:$0x1E800] =	vst v63  }
0x110: {  	_ =	swait.ge [sflag:s1], $0x2000  }
0x111: {  	s16 =	sld [smem:$0x7C7]  }
0x112: {  	[sflag:s1] =	ssyncset.done $0x0  }
0x113: {  	[sflag:s1] =	ssyncadd.s32 $0xFFFFE000  }
0x114: {  	[tilespmem:s24], [sflag:$0x4] =	stream.indirect.gather [hbm4b:s4+s20], $0x80, s16, s20, $0xb8;
	[tilespmem:$0x1E800] =	vst v63  }
0x115: {  	_ =	swait.ge [sflag:s25], $0x2000  }
0x116: {  	s14 =	sld [smem:$0x7C8]  }
0x117: {  	[sflag:s25] =	ssyncset.done $0x0  }
0x118: {  	[sflag:s25] =	ssyncadd.s32 $0xFFFFE000  }
0x119: {  	[spmem:s2] =	stream.indirect.scatter.add.f32 [tilespmem:s21], [sflag:$0x6], $0x80, s14, s20, $0xb8;
	[tilespmem:$0x1E800] =	vst v63  }
0x11a: {  	_ =	swait.ge [sflag:s26], $0x2000  }
0x11b: {  	s15 =	sld [smem:$0x7C9]  }
0x11c: {  	[sflag:s26] =	ssyncset.done $0x0  }
0x11d: {  	[sflag:s26] =	ssyncadd.s32 $0xFFFFE000  }
0x11e: {  	[tilespmem:s17], [sflag:$0x1] =	stream.indirect.gather [hbm4b:s4+s20], $0x80, s15, s20, $0xb8;
	[tilespmem:$0x1E800] =	vst v63  }
0x11f: {  	_ =	swait.ge [sflag:s28], $0x2000  }
0x120: {  	s16 =	sld [smem:$0x7CA]  }
0x121: {  	[sflag:s28] =	ssyncset.done $0x0  }
0x122: {  	[sflag:s28] =	ssyncadd.s32 $0xFFFFE000  }
0x123: {  	[spmem:s2] =	stream.indirect.scatter.add.f32 [tilespmem:s22], [sflag:$0x7], $0x80, s16, s20, $0xb8;
	[tilespmem:$0x1E800] =	vst v63  }
0x124: {  	_ =	swait.ge [sflag:s29], $0x2000  }
0x125: {  	s14 =	sld [smem:$0x7CB]  }
0x126: {  	[sflag:s29] =	ssyncset.done $0x0  }
0x127: {  	[sflag:s29] =	ssyncadd.s32 $0xFFFFE000  }
0x128: {  	[tilespmem:s21], [sflag:$0x2] =	stream.indirect.gather [hbm4b:s4+s20], $0x80, s14, s20, $0xb8;
	[tilespmem:$0x1E800] =	vst v63  }
0x129: {  	_ =	swait.ge [sflag:s30], $0x2000  }
0x12a: {  	s15 =	sld [smem:$0x7CC]  }
0x12b: {  	[sflag:s30] =	ssyncset.done $0x0  }
0x12c: {  	[sflag:s30] =	ssyncadd.s32 $0xFFFFE000  }
0x12d: {  	[spmem:s2] =	stream.indirect.scatter.add.f32 [tilespmem:s24], [sflag:$0x8], $0x80, s15, s20, $0xb8;
	[tilespmem:$0x1E800] =	vst v63  }
0x12e: {  	_ =	swait.ge [sflag:s31], $0x2000  }
0x12f: {  	s16 =	sld [smem:$0x7CD]  }
0x130: {  	[sflag:s31] =	ssyncset.done $0x0  }
0x131: {  	[sflag:s31] =	ssyncadd.s32 $0xFFFFE000  }
0x132: {  	[tilespmem:s22], [sflag:$0x3] =	stream.indirect.gather [hbm4b:s4+s20], $0x80, s16, s20, $0xb8;
	[tilespmem:$0x1E800] =	vst v63  }
0x133: {  	_ =	swait.ge [sflag:s23], $0x2000  }
0x134: {  	s14 =	sld [smem:$0x7CE]  }
0x135: {  	[sflag:s23] =	ssyncset.done $0x0  }
0x136: {  	[sflag:s23] =	ssyncadd.s32 $0xFFFFE000  }
0x137: {  	[spmem:s2] =	stream.indirect.scatter.add.f32 [tilespmem:s17], [sflag:$0x5], $0x80, s14, s20, $0xb8;
	[tilespmem:$0x1E800] =	vst v63  }
0x138: {  	_ =	swait.ge [sflag:s1], $0x2000  }
0x139: {  	s15 =	sld [smem:$0x7CF]  }
0x13a: {  	[sflag:s1] =	ssyncset.done $0x0  }
0x13b: {  	[sflag:s1] =	ssyncadd.s32 $0xFFFFE000  }
0x13c: {  	[tilespmem:s24], [sflag:$0x4] =	stream.indirect.gather [hbm4b:s4+s20], $0x80, s15, s20, $0xb8;
	[tilespmem:$0x1E800] =	vst v63  }
0x13d: {  	_ =	swait.ge [sflag:s25], $0x2000  }
0x13e: {  	s16 =	sld [smem:$0x7D0]  }
0x13f: {  	[sflag:s25] =	ssyncset.done $0x0  }
0x140: {  	[sflag:s25] =	ssyncadd.s32 $0xFFFFE000  }
0x141: {  	[spmem:s2] =	stream.indirect.scatter.add.f32 [tilespmem:s21], [sflag:$0x6], $0x80, s16, s20, $0xb8;
	[tilespmem:$0x1E800] =	vst v63  }
0x142: {  	_ =	swait.ge [sflag:s26], $0x2000  }
0x143: {  	s14 =	sld [smem:$0x7D1]  }
0x144: {  	[sflag:s26] =	ssyncset.done $0x0  }
0x145: {  	[sflag:s26] =	ssyncadd.s32 $0xFFFFE000  }
0x146: {  	[tilespmem:s17], [sflag:$0x1] =	stream.indirect.gather [hbm4b:s4+s20], $0x80, s14, s20, $0xb8;
	[tilespmem:$0x1E800] =	vst v63  }
0x147: {  	_ =	swait.ge [sflag:s28], $0x2000  }
0x148: {  	s15 =	sld [smem:$0x7D2]  }
0x149: {  	[sflag:s28] =	ssyncset.done $0x0  }
0x14a: {  	[sflag:s28] =	ssyncadd.s32 $0xFFFFE000  }
0x14b: {  	[spmem:s2] =	stream.indirect.scatter.add.f32 [tilespmem:s22], [sflag:$0x7], $0x80, s15, s20, $0xb8;
	[tilespmem:$0x1E800] =	vst v63  }
0x14c: {  	_ =	swait.ge [sflag:s29], $0x2000  }
0x14d: {  	s16 =	sld [smem:$0x7D3]  }
0x14e: {  	[sflag:s29] =	ssyncset.done $0x0  }
0x14f: {  	[sflag:s29] =	ssyncadd.s32 $0xFFFFE000  }
0x150: {  	[tilespmem:s21], [sflag:$0x2] =	stream.indirect.gather [hbm4b:s4+s20], $0x80, s16, s20, $0xb8;
	[tilespmem:$0x1E800] =	vst v63  }
0x151: {  	_ =	swait.ge [sflag:s30], $0x2000  }
0x152: {  	s14 =	sld [smem:$0x7D4]  }
0x153: {  	[sflag:s30] =	ssyncset.done $0x0  }
0x154: {  	[sflag:s30] =	ssyncadd.s32 $0xFFFFE000  }
0x155: {  	[spmem:s2] =	stream.indirect.scatter.add.f32 [tilespmem:s24], [sflag:$0x8], $0x80, s14, s20, $0xb8;
	[tilespmem:$0x1E800] =	vst v63  }
0x156: {  	_ =	swait.ge [sflag:s31], $0x2000  }
0x157: {  	s15 =	sld [smem:$0x7D5]  }
0x158: {  	[sflag:s31] =	ssyncset.done $0x0  }
0x159: {  	[sflag:s31] =	ssyncadd.s32 $0xFFFFE000  }
0x15a: {  	[tilespmem:s22], [sflag:$0x3] =	stream.indirect.gather [hbm4b:s4+s20], $0x80, s15, s20, $0xb8;
	[tilespmem:$0x1E800] =	vst v63  }
0x15b: {  	_ =	swait.ge [sflag:s23], $0x2000  }
0x15c: {  	s16 =	sld [smem:$0x7D6]  }
0x15d: {  	[sflag:s23] =	ssyncset.done $0x0  }
0x15e: {  	[sflag:s23] =	ssyncadd.s32 $0xFFFFE000  }
0x15f: {  	[spmem:s2] =	stream.indirect.scatter.add.f32 [tilespmem:s17], [sflag:$0x5], $0x80, s16, s20, $0xb8;
	[tilespmem:$0x1E800] =	vst v63  }
0x160: {  	_ =	swait.ge [sflag:s1], $0x2000  }
0x161: {  	s14 =	sld [smem:$0x7D7]  }
0x162: {  	[sflag:s1] =	ssyncset.done $0x0  }
0x163: {  	[sflag:s1] =	ssyncadd.s32 $0xFFFFE000  }
0x164: {  	[tilespmem:s24], [sflag:$0x4] =	stream.indirect.gather [hbm4b:s4+s20], $0x80, s14, s20, $0xb8;
	[tilespmem:$0x1E800] =	vst v63  }
0x165: {  	_ =	swait.ge [sflag:s25], $0x2000  }
0x166: {  	s15 =	sld [smem:$0x7D8]  }
0x167: {  	[sflag:s25] =	ssyncset.done $0x0  }
0x168: {  	[sflag:s25] =	ssyncadd.s32 $0xFFFFE000  }
0x169: {  	[spmem:s2] =	stream.indirect.scatter.add.f32 [tilespmem:s21], [sflag:$0x6], $0x80, s15, s20, $0xb8;
	[tilespmem:$0x1E800] =	vst v63  }
0x16a: {  	_ =	swait.ge [sflag:s26], $0x2000  }
0x16b: {  	s16 =	sld [smem:$0x7D9]  }
0x16c: {  	[sflag:s26] =	ssyncset.done $0x0  }
0x16d: {  	[sflag:s26] =	ssyncadd.s32 $0xFFFFE000  }
0x16e: {  	[tilespmem:s17], [sflag:$0x1] =	stream.indirect.gather [hbm4b:s4+s20], $0x80, s16, s20, $0xb8;
	[tilespmem:$0x1E800] =	vst v63  }
0x16f: {  	_ =	swait.ge [sflag:s28], $0x2000  }
0x170: {  	s14 =	sld [smem:$0x7DA]  }
0x171: {  	[sflag:s28] =	ssyncset.done $0x0  }
0x172: {  	[sflag:s28] =	ssyncadd.s32 $0xFFFFE000  }
0x173: {  	[spmem:s2] =	stream.indirect.scatter.add.f32 [tilespmem:s22], [sflag:$0x7], $0x80, s14, s20, $0xb8;
	[tilespmem:$0x1E800] =	vst v63  }
0x174: {  	_ =	swait.ge [sflag:s29], $0x2000  }
0x175: {  	s15 =	sld [smem:$0x7DB]  }
0x176: {  	[sflag:s29] =	ssyncset.done $0x0  }
0x177: {  	[sflag:s29] =	ssyncadd.s32 $0xFFFFE000  }
0x178: {  	[tilespmem:s21], [sflag:$0x2] =	stream.indirect.gather [hbm4b:s4+s20], $0x80, s15, s20, $0xb8;
	[tilespmem:$0x1E800] =	vst v63  }
0x179: {  	_ =	swait.ge [sflag:s30], $0x2000  }
0x17a: {  	s16 =	sld [smem:$0x7DC]  }
0x17b: {  	[sflag:s30] =	ssyncset.done $0x0  }
0x17c: {  	[sflag:s30] =	ssyncadd.s32 $0xFFFFE000  }
0x17d: {  	[spmem:s2] =	stream.indirect.scatter.add.f32 [tilespmem:s24], [sflag:$0x8], $0x80, s16, s20, $0xb8;
	[tilespmem:$0x1E800] =	vst v63  }
0x17e: {  	_ =	swait.ge [sflag:s31], $0x2000  }
0x17f: {  	s14 =	sld [smem:$0x7DD]  }
0x180: {  	[sflag:s31] =	ssyncset.done $0x0  }
0x181: {  	[sflag:s31] =	ssyncadd.s32 $0xFFFFE000  }
0x182: {  	[tilespmem:s22], [sflag:$0x3] =	stream.indirect.gather [hbm4b:s4+s20], $0x80, s14, s20, $0xb8;
	[tilespmem:$0x1E800] =	vst v63  }
0x183: {  	_ =	swait.ge [sflag:s23], $0x2000  }
0x184: {  	s15 =	sld [smem:$0x7DF]  }
0x185: {  	[sflag:s23] =	ssyncset.done $0x0  }
0x186: {  	[sflag:s23] =	ssyncadd.s32 $0xFFFFE000  }
0x187: {  	[spmem:s2] =	stream.indirect.scatter.add.f32 [tilespmem:s17], [sflag:$0x5], $0x80, s15, s20, $0xb8;
	[tilespmem:$0x1E800] =	vst v63  }
0x188: {  	_ =	swait.ge [sflag:s1], $0x2000  }
0x189: {  	s16 =	sld [smem:$0x7E1]  }
0x18a: {  	[sflag:s1] =	ssyncset.done $0x0  }
0x18b: {  	[sflag:s1] =	ssyncadd.s32 $0xFFFFE000  }
0x18c: {  	[tilespmem:s24], [sflag:$0x4] =	stream.indirect.gather [hbm4b:s4+s20], $0x80, s16, s20, $0xb8;
	[tilespmem:$0x1E800] =	vst v63  }
0x18d: {  	_ =	swait.ge [sflag:s25], $0x2000  }
0x18e: {  	s14 =	sld [smem:$0x7E3]  }
0x18f: {  	[sflag:s25] =	ssyncset.done $0x0  }
0x190: {  	[sflag:s25] =	ssyncadd.s32 $0xFFFFE000  }
0x191: {  	[spmem:s2] =	stream.indirect.scatter.add.f32 [tilespmem:s21], [sflag:$0x6], $0x80, s14, s20, $0xb8;
	[tilespmem:$0x1E800] =	vst v63  }
0x192: {  	_ =	swait.ge [sflag:s26], $0x2000  }
0x193: {  	s15 =	sld [smem:$0x7E5]  }
0x194: {  	[sflag:s26] =	ssyncset.done $0x0  }
0x195: {  	[sflag:s26] =	ssyncadd.s32 $0xFFFFE000  }
0x196: {  	[tilespmem:s17], [sflag:$0x1] =	stream.indirect.gather [hbm4b:s4+s20], $0x80, s15, s20, $0xb8;
	[tilespmem:$0x1E800] =	vst v63  }
0x197: {  	_ =	swait.ge [sflag:s28], $0x2000  }
0x198: {  	s16 =	sld [smem:$0x7E7]  }
0x199: {  	[sflag:s28] =	ssyncset.done $0x0  }
0x19a: {  	[sflag:s28] =	ssyncadd.s32 $0xFFFFE000  }
0x19b: {  	[spmem:s2] =	stream.indirect.scatter.add.f32 [tilespmem:s22], [sflag:$0x7], $0x80, s16, s20, $0xb8;
	[tilespmem:$0x1E800] =	vst v63  }
0x19c: {  	_ =	swait.ge [sflag:s29], $0x2000  }
0x19d: {  	s14 =	sld [smem:$0x7E9]  }
0x19e: {  	[sflag:s29] =	ssyncset.done $0x0  }
0x19f: {  	[sflag:s29] =	ssyncadd.s32 $0xFFFFE000  }
0x1a0: {  	[tilespmem:s21], [sflag:$0x2] =	stream.indirect.gather [hbm4b:s4+s20], $0x80, s14, s20, $0xb8;
	[tilespmem:$0x1E800] =	vst v63  }
0x1a1: {  	_ =	swait.ge [sflag:s30], $0x2000  }
0x1a2: {  	s15 =	sld [smem:$0x7EB]  }
0x1a3: {  	[sflag:s30] =	ssyncset.done $0x0  }
0x1a4: {  	[sflag:s30] =	ssyncadd.s32 $0xFFFFE000  }
0x1a5: {  	[spmem:s2] =	stream.indirect.scatter.add.f32 [tilespmem:s24], [sflag:$0x8], $0x80, s15, s20, $0xb8;
	[tilespmem:$0x1E800] =	vst v63  }
0x1a6: {  	_ =	swait.ge [sflag:s31], $0x2000  }
0x1a7: {  	s16 =	sld [smem:$0x7ED]  }
0x1a8: {  	[sflag:s31] =	ssyncset.done $0x0  }
0x1a9: {  	[sflag:s31] =	ssyncadd.s32 $0xFFFFE000  }
0x1aa: {  	[tilespmem:s22], [sflag:$0x3] =	stream.indirect.gather [hbm4b:s4+s20], $0x80, s16, s20, $0xb8;
	[tilespmem:$0x1E800] =	vst v63  }
0x1ab: {  	_ =	swait.ge [sflag:s23], $0x2000  }
0x1ac: {  	s14 =	sld [smem:$0x7F0]  }
0x1ad: {  	[sflag:s23] =	ssyncset.done $0x0  }
0x1ae: {  	[sflag:s23] =	ssyncadd.s32 $0xFFFFE000  }
0x1af: {  	[spmem:s2] =	stream.indirect.scatter.add.f32 [tilespmem:s17], [sflag:$0x5], $0x80, s14, s20, $0xb8;
	[tilespmem:$0x1E800] =	vst v63  }
0x1b0: {  	_ =	swait.ge [sflag:s1], $0x2000  }
0x1b1: {  	s15 =	sld [smem:$0x7F2]  }
0x1b2: {  	[sflag:s1] =	ssyncset.done $0x0  }
0x1b3: {  	[sflag:s1] =	ssyncadd.s32 $0xFFFFE000  }
0x1b4: {  	[tilespmem:s24], [sflag:$0x4] =	stream.indirect.gather [hbm4b:s4+s20], $0x80, s15, s20, $0xb8;
	[tilespmem:$0x1E800] =	vst v63  }
0x1b5: {  	_ =	swait.ge [sflag:s25], $0x2000  }
0x1b6: {  	s16 =	sld [smem:$0x7F4]  }
0x1b7: {  	[sflag:s25] =	ssyncset.done $0x0  }
0x1b8: {  	[sflag:s25] =	ssyncadd.s32 $0xFFFFE000  }
0x1b9: {  	[spmem:s2] =	stream.indirect.scatter.add.f32 [tilespmem:s21], [sflag:$0x6], $0x80, s16, s20, $0xb8;
	[tilespmem:$0x1E800] =	vst v63  }
0x1ba: {  	_ =	swait.ge [sflag:s26], $0x2000  }
0x1bb: {  	s14 =	sld [smem:$0x7F5]  }
0x1bc: {  	[sflag:s26] =	ssyncset.done $0x0  }
0x1bd: {  	[sflag:s26] =	ssyncadd.s32 $0xFFFFE000  }
0x1be: {  	[tilespmem:s17], [sflag:$0x1] =	stream.indirect.gather [hbm4b:s4+s20], $0x80, s14, s20, $0xb8;
	[tilespmem:$0x1E800] =	vst v63  }
0x1bf: {  	_ =	swait.ge [sflag:s28], $0x2000  }
0x1c0: {  	s15 =	sld [smem:$0x7F6]  }
0x1c1: {  	[sflag:s28] =	ssyncset.done $0x0  }
0x1c2: {  	[sflag:s28] =	ssyncadd.s32 $0xFFFFE000  }
0x1c3: {  	[spmem:s2] =	stream.indirect.scatter.add.f32 [tilespmem:s22], [sflag:$0x7], $0x80, s15, s20, $0xb8;
	[tilespmem:$0x1E800] =	vst v63  }
0x1c4: {  	_ =	swait.ge [sflag:s29], $0x2000  }
0x1c5: {  	s16 =	sld [smem:$0x7F7]  }
0x1c6: {  	[sflag:s29] =	ssyncset.done $0x0  }
0x1c7: {  	[sflag:s29] =	ssyncadd.s32 $0xFFFFE000  }
0x1c8: {  	[tilespmem:s21], [sflag:$0x2] =	stream.indirect.gather [hbm4b:s4+s20], $0x80, s16, s20, $0xb8;
	[tilespmem:$0x1E800] =	vst v63  }
0x1c9: {  	_ =	swait.ge [sflag:s30], $0x2000  }
0x1ca: {  	s14 =	sld [smem:$0x7F8]  }
0x1cb: {  	[sflag:s30] =	ssyncset.done $0x0  }
0x1cc: {  	[sflag:s30] =	ssyncadd.s32 $0xFFFFE000  }
0x1cd: {  	[spmem:s2] =	stream.indirect.scatter.add.f32 [tilespmem:s24], [sflag:$0x8], $0x80, s14, s20, $0xb8;
	[tilespmem:$0x1E800] =	vst v63  }
0x1ce: {  	_ =	swait.ge [sflag:s31], $0x2000  }
0x1cf: {  	s15 =	sld [smem:$0x7F9]  }
0x1d0: {  	[sflag:s31] =	ssyncset.done $0x0  }
0x1d1: {  	[sflag:s31] =	ssyncadd.s32 $0xFFFFE000  }
0x1d2: {  	[tilespmem:s22], [sflag:$0x3] =	stream.indirect.gather [hbm4b:s4+s20], $0x80, s15, s20, $0xb8;
	[tilespmem:$0x1E800] =	vst v63  }
0x1d3: {  	_ =	swait.ge [sflag:s23], $0x2000  }
0x1d4: {  	s16 =	sld [smem:$0x7FA]  }
0x1d5: {  	[sflag:s23] =	ssyncset.done $0x0  }
0x1d6: {  	[sflag:s23] =	ssyncadd.s32 $0xFFFFE000  }
0x1d7: {  	[spmem:s2] =	stream.indirect.scatter.add.f32 [tilespmem:s17], [sflag:$0x5], $0x80, s16, s20, $0xb8;
	[tilespmem:$0x1E800] =	vst v63  }
0x1d8: {  	_ =	swait.ge [sflag:s1], $0x2000  }
0x1d9: {  	s14 =	sld [smem:$0x7FB]  }
0x1da: {  	[sflag:s1] =	ssyncset.done $0x0  }
0x1db: {  	[sflag:s1] =	ssyncadd.s32 $0xFFFFE000  }
0x1dc: {  	[tilespmem:s24], [sflag:$0x4] =	stream.indirect.gather [hbm4b:s4+s20], $0x80, s14, s20, $0xb8;
	[tilespmem:$0x1E800] =	vst v63  }
0x1dd: {  	_ =	swait.ge [sflag:s25], $0x2000  }
0x1de: {  	s15 =	sld [smem:$0x7FC]  }
0x1df: {  	[sflag:s25] =	ssyncset.done $0x0  }
0x1e0: {  	[sflag:s25] =	ssyncadd.s32 $0xFFFFE000  }
0x1e1: {  	[spmem:s2] =	stream.indirect.scatter.add.f32 [tilespmem:s21], [sflag:$0x6], $0x80, s15, s20, $0xb8;
	[tilespmem:$0x1E800] =	vst v63  }
0x1e2: {  	_ =	swait.ge [sflag:s26], $0x2000  }
0x1e3: {  	s16 =	sld [smem:$0x7FD]  }
0x1e4: {  	[sflag:s26] =	ssyncset.done $0x0  }
0x1e5: {  	[sflag:s26] =	ssyncadd.s32 $0xFFFFE000  }
0x1e6: {  	[tilespmem:s17], [sflag:$0x1] =	stream.indirect.gather [hbm4b:s4+s20], $0x80, s16, s20, $0xb8;
	[tilespmem:$0x1E800] =	vst v63  }
0x1e7: {  	_ =	swait.ge [sflag:s28], $0x2000  }
0x1e8: {  	[sflag:s28] =	ssyncset.done $0x0  }
0x1e9: {  	[sflag:s28] =	ssyncadd.s32 $0xFFFFE000  }
0x1ea: {  	[spmem:s2] =	stream.indirect.scatter.add.f32 [tilespmem:s22], [sflag:$0x7], $0x80, s0, s20, $0xb8;
	[tilespmem:$0x1E800] =	vst v63  }
0x1eb: {  	_ =	swait.ge [sflag:s29], $0x2000  }
0x1ec: {  	[sflag:s29] =	ssyncset.done $0x0  }
0x1ed: {  	[sflag:s29] =	ssyncadd.s32 $0xFFFFE000  }
0x1ee: {  	[tilespmem:s21], [sflag:$0x2] =	stream.indirect.gather [hbm4b:s4+s20], $0x80, s6, s20, $0xb8;
	[tilespmem:$0x1E800] =	vst v63  }
0x1ef: {  	_ =	swait.ge [sflag:s30], $0x2000  }
0x1f0: {  	[sflag:s30] =	ssyncset.done $0x0  }
0x1f1: {  	[sflag:s30] =	ssyncadd.s32 $0xFFFFE000  }
0x1f2: {  	[spmem:s2] =	stream.indirect.scatter.add.f32 [tilespmem:s24], [sflag:$0x8], $0x80, s7, s20, $0xb8;
	[tilespmem:$0x1E800] =	vst v63  }
0x1f3: {  	_ =	swait.ge [sflag:s31], $0x2000  }
0x1f4: {  	[sflag:s31] =	ssyncset.done $0x0  }
0x1f5: {  	[sflag:s31] =	ssyncadd.s32 $0xFFFFE000  }
0x1f6: {  	[tilespmem:s22], [sflag:$0x3] =	stream.indirect.gather [hbm4b:s4+s20], $0x80, s8, s20, $0xb8;
	[tilespmem:$0x1E800] =	vst v63  }
0x1f7: {  	_ =	swait.ge [sflag:s23], $0x2000  }
0x1f8: {  	[sflag:s23] =	ssyncset.done $0x0  }
0x1f9: {  	[sflag:s23] =	ssyncadd.s32 $0xFFFFE000  }
0x1fa: {  	[spmem:s2] =	stream.indirect.scatter.add.f32 [tilespmem:s17], [sflag:$0x5], $0x80, s9, s20, $0xb8;
	[tilespmem:$0x1E800] =	vst v63  }
0x1fb: {  	_ =	swait.ge [sflag:s1], $0x2000  }
0x1fc: {  	[sflag:s1] =	ssyncset.done $0x0  }
0x1fd: {  	[sflag:s1] =	ssyncadd.s32 $0xFFFFE000  }
0x1fe: {  	[tilespmem:s24], [sflag:$0x4] =	stream.indirect.gather [hbm4b:s4+s20], $0x80, s10, s20, $0xb8;
	[tilespmem:$0x1E800] =	vst v63  }
0x1ff: {  	_ =	swait.ge [sflag:s25], $0x2000  }
0x200: {  	[sflag:s25] =	ssyncset.done $0x0  }
0x201: {  	[sflag:s25] =	ssyncadd.s32 $0xFFFFE000  }
0x202: {  	[spmem:s2] =	stream.indirect.scatter.add.f32 [tilespmem:s21], [sflag:$0x6], $0x80, s11, s20, $0xb8;
	[tilespmem:$0x1E800] =	vst v63  }
0x203: {  	_ =	swait.ge [sflag:s28], $0x2000  }
0x204: {  	[sflag:s28] =	ssyncset.done $0x0  }
0x205: {  	[sflag:s28] =	ssyncadd.s32 $0xFFFFE000  }
0x206: {  	[spmem:s2] =	stream.indirect.scatter.add.f32 [tilespmem:s22], [sflag:$0x7], $0x80, s12, s20, $0xb8;
	[tilespmem:$0x1E800] =	vst v63  }
0x207: {  	_ =	swait.ge [sflag:s30], $0x2000  }
0x208: {  	[sflag:s30] =	ssyncset.done $0x0  }
0x209: {  	[sflag:s30] =	ssyncadd.s32 $0xFFFFE000  }
0x20a: {  	[spmem:s2] =	stream.indirect.scatter.add.f32 [tilespmem:s24], [sflag:$0x8], $0x80, s13, s20, $0xb8;
	[tilespmem:$0x1E800] =	vst v63  }
0x20b: {  	_ =	swait.ge [sflag:s26], $0x2000  }
0x20c: {  	[sflag:s26] =	ssyncset.done $0x0  }
0x20d: {  	[sflag:s26] =	ssyncadd.s32 $0xFFFFE000  }
0x20e: {  	_ =	swait.ge [sflag:s29], $0x2000  }
0x20f: {  	[sflag:s29] =	ssyncset.done $0x0  }
0x210: {  	[sflag:s29] =	ssyncadd.s32 $0xFFFFE000  }
0x211: {  	_ =	swait.ge [sflag:s31], $0x2000  }
0x212: {  	[sflag:s31] =	ssyncset.done $0x0  }
0x213: {  	[sflag:s31] =	ssyncadd.s32 $0xFFFFE000  }
0x214: {  	s15 =	simm.s32 $0x280;
	_ =	swait.ge [sflag:s1], $0x2000  }
0x215: {  	s16 =	simm.s32 $0x500;
	s5 =	rddreg [dreg:$0x5];
	[sflag:s1] =	ssyncset.done $0x0  }
.LBB2_4:
0x216: {  	[sflag:s1] =	ssyncadd.s32 $0xFFFFE000;
	s5 =	sadd.s32 s15, s5  }
0x217: {  	[tilespmem:s3], [sflag:$0x9] =	stream.linear.gather [hbm4b:s5+s3], $0x1400, $0x38;
	[tilespmem:$0x1E800] =	vst v63  }
0x218: {  	_ =	swait.ge [sflag:s18], $0x1400  }
0x219: {  	s5 =	rddreg [dreg:$0x4];
	[sflag:s18] =	ssyncset.done $0x0  }
0x21a: {  	[sflag:s18] =	ssyncadd.s32 $0xFFFFEC00;
	s5 =	sadd.s32 s15, s5  }
0x21b: {  	[tilespmem:s19], [sflag:$0x9] =	stream.linear.gather [hbm4b:s5+s3], $0x1400, $0x38;
	[tilespmem:$0x1E800] =	vst v63  }
0x21c: {  	_ =	swait.ge [sflag:s18], $0x1400  }
0x21d: {  	[sflag:s18] =	ssyncset.done $0x0  }
0x21e: {  	[sflag:s18] =	ssyncadd.s32 $0xFFFFEC00  }
0x21f: {  	[tilespmem:s17], [sflag:$0x1] =	stream.indirect.gather [hbm4b:s4+s20], $0x80, s3, s20, $0xb8;
	[tilespmem:$0x1E800] =	vst v63  }
0x220: {  	s14 =	smov.u32 s16;
	s5 =	rddreg [dreg:$0x6]  }
0x221: {  	[tilespmem:s21], [sflag:$0x2] =	stream.indirect.gather [hbm4b:s4+s20], $0x80, s5, s20, $0xb8;
	[tilespmem:$0x1E800] =	vst v63  }
0x222: {  	s15 =	smov.u32 s14;
	s14 =	rddreg [dreg:$0x7]  }
0x223: {  	[tilespmem:s22], [sflag:$0x3] =	stream.indirect.gather [hbm4b:s4+s20], $0x80, s14, s20, $0xb8;
	[tilespmem:$0x1E800] =	vst v63  }
0x224: {  	_ =	swait.ge [sflag:s23], $0x2000  }
0x225: {  	[sflag:s23] =	ssyncset.done $0x0  }
0x226: {  	[sflag:s23] =	ssyncadd.s32 $0xFFFFE000  }
0x227: {  	[spmem:s2] =	stream.indirect.scatter.add.f32 [tilespmem:s17], [sflag:$0x5], $0x80, s19, s20, $0xb8;
	[tilespmem:$0x1E800] =	vst v63  }
0x228: {  	s14 =	rddreg [dreg:$0x8]  }
0x229: {  	[tilespmem:s24], [sflag:$0x4] =	stream.indirect.gather [hbm4b:s4+s20], $0x80, s14, s20, $0xb8;
	[tilespmem:$0x1E800] =	vst v63  }
0x22a: {  	_ =	swait.ge [sflag:s25], $0x2000  }
0x22b: {  	[sflag:s25] =	ssyncset.done $0x0  }
0x22c: {  	s14 =	rddreg [dreg:$0x9];
	[sflag:s25] =	ssyncadd.s32 $0xFFFFE000  }
0x22d: {  	[spmem:s2] =	stream.indirect.scatter.add.f32 [tilespmem:s21], [sflag:$0x6], $0x80, s14, s20, $0xb8;
	[tilespmem:$0x1E800] =	vst v63  }
0x22e: {  	_ =	swait.ge [sflag:s26], $0x2000  }
0x22f: {  	[sflag:s26] =	ssyncset.done $0x0  }
0x230: {  	s14 =	rddreg [dreg:$0xa];
	[sflag:s26] =	ssyncadd.s32 $0xFFFFE000  }
0x231: {  	[tilespmem:s17], [sflag:$0x1] =	stream.indirect.gather [hbm4b:s4+s20], $0x80, s14, s20, $0xb8;
	[tilespmem:$0x1E800] =	vst v63  }
0x232: {  	_ =	swait.ge [sflag:s28], $0x2000  }
0x233: {  	[sflag:s28] =	ssyncset.done $0x0  }
0x234: {  	s14 =	rddreg [dreg:$0xb];
	[sflag:s28] =	ssyncadd.s32 $0xFFFFE000  }
0x235: {  	[spmem:s2] =	stream.indirect.scatter.add.f32 [tilespmem:s22], [sflag:$0x7], $0x80, s14, s20, $0xb8;
	[tilespmem:$0x1E800] =	vst v63  }
0x236: {  	_ =	swait.ge [sflag:s29], $0x2000  }
0x237: {  	[sflag:s29] =	ssyncset.done $0x0  }
0x238: {  	s14 =	rddreg [dreg:$0xc];
	[sflag:s29] =	ssyncadd.s32 $0xFFFFE000  }
0x239: {  	[tilespmem:s21], [sflag:$0x2] =	stream.indirect.gather [hbm4b:s4+s20], $0x80, s14, s20, $0xb8;
	[tilespmem:$0x1E800] =	vst v63  }
0x23a: {  	_ =	swait.ge [sflag:s30], $0x2000  }
0x23b: {  	[sflag:s30] =	ssyncset.done $0x0  }
0x23c: {  	s14 =	rddreg [dreg:$0xd];
	[sflag:s30] =	ssyncadd.s32 $0xFFFFE000  }
0x23d: {  	[spmem:s2] =	stream.indirect.scatter.add.f32 [tilespmem:s24], [sflag:$0x8], $0x80, s14, s20, $0xb8;
	[tilespmem:$0x1E800] =	vst v63  }
0x23e: {  	_ =	swait.ge [sflag:s31], $0x2000  }
0x23f: {  	[sflag:s31] =	ssyncset.done $0x0  }
0x240: {  	s14 =	rddreg [dreg:$0xe];
	[sflag:s31] =	ssyncadd.s32 $0xFFFFE000  }
0x241: {  	[tilespmem:s22], [sflag:$0x3] =	stream.indirect.gather [hbm4b:s4+s20], $0x80, s14, s20, $0xb8;
	[tilespmem:$0x1E800] =	vst v63  }
0x242: {  	_ =	swait.ge [sflag:s23], $0x2000  }
0x243: {  	[sflag:s23] =	ssyncset.done $0x0  }
0x244: {  	s14 =	rddreg [dreg:$0xf];
	[sflag:s23] =	ssyncadd.s32 $0xFFFFE000  }
0x245: {  	[spmem:s2] =	stream.indirect.scatter.add.f32 [tilespmem:s17], [sflag:$0x5], $0x80, s14, s20, $0xb8;
	[tilespmem:$0x1E800] =	vst v63  }
0x246: {  	_ =	swait.ge [sflag:s1], $0x2000  }
0x247: {  	[sflag:s1] =	ssyncset.done $0x0  }
0x248: {  	s14 =	rddreg [dreg:$0x10];
	[sflag:s1] =	ssyncadd.s32 $0xFFFFE000  }
0x249: {  	[tilespmem:s24], [sflag:$0x4] =	stream.indirect.gather [hbm4b:s4+s20], $0x80, s14, s20, $0xb8;
	[tilespmem:$0x1E800] =	vst v63  }
0x24a: {  	_ =	swait.ge [sflag:s25], $0x2000  }
0x24b: {  	[sflag:s25] =	ssyncset.done $0x0  }
0x24c: {  	s14 =	rddreg [dreg:$0x11];
	[sflag:s25] =	ssyncadd.s32 $0xFFFFE000  }
0x24d: {  	[spmem:s2] =	stream.indirect.scatter.add.f32 [tilespmem:s21], [sflag:$0x6], $0x80, s14, s20, $0xb8;
	[tilespmem:$0x1E800] =	vst v63  }
0x24e: {  	_ =	swait.ge [sflag:s26], $0x2000  }
0x24f: {  	[sflag:s26] =	ssyncset.done $0x0  }
0x250: {  	s14 =	rddreg [dreg:$0x12];
	[sflag:s26] =	ssyncadd.s32 $0xFFFFE000  }
0x251: {  	[tilespmem:s17], [sflag:$0x1] =	stream.indirect.gather [hbm4b:s4+s20], $0x80, s14, s20, $0xb8;
	[tilespmem:$0x1E800] =	vst v63  }
0x252: {  	_ =	swait.ge [sflag:s28], $0x2000  }
0x253: {  	[sflag:s28] =	ssyncset.done $0x0  }
0x254: {  	s14 =	rddreg [dreg:$0x13];
	[sflag:s28] =	ssyncadd.s32 $0xFFFFE000  }
0x255: {  	[spmem:s2] =	stream.indirect.scatter.add.f32 [tilespmem:s22], [sflag:$0x7], $0x80, s14, s20, $0xb8;
	[tilespmem:$0x1E800] =	vst v63  }
0x256: {  	_ =	swait.ge [sflag:s29], $0x2000  }
0x257: {  	[sflag:s29] =	ssyncset.done $0x0  }
0x258: {  	s14 =	rddreg [dreg:$0x14];
	[sflag:s29] =	ssyncadd.s32 $0xFFFFE000  }
0x259: {  	[tilespmem:s21], [sflag:$0x2] =	stream.indirect.gather [hbm4b:s4+s20], $0x80, s14, s20, $0xb8;
	[tilespmem:$0x1E800] =	vst v63  }
0x25a: {  	_ =	swait.ge [sflag:s30], $0x2000  }
0x25b: {  	[sflag:s30] =	ssyncset.done $0x0  }
0x25c: {  	s14 =	rddreg [dreg:$0x15];
	[sflag:s30] =	ssyncadd.s32 $0xFFFFE000  }
0x25d: {  	[spmem:s2] =	stream.indirect.scatter.add.f32 [tilespmem:s24], [sflag:$0x8], $0x80, s14, s20, $0xb8;
	[tilespmem:$0x1E800] =	vst v63  }
0x25e: {  	_ =	swait.ge [sflag:s31], $0x2000  }
0x25f: {  	[sflag:s31] =	ssyncset.done $0x0  }
0x260: {  	s14 =	rddreg [dreg:$0x16];
	[sflag:s31] =	ssyncadd.s32 $0xFFFFE000  }
0x261: {  	[tilespmem:s22], [sflag:$0x3] =	stream.indirect.gather [hbm4b:s4+s20], $0x80, s14, s20, $0xb8;
	[tilespmem:$0x1E800] =	vst v63  }
0x262: {  	_ =	swait.ge [sflag:s23], $0x2000  }
0x263: {  	[sflag:s23] =	ssyncset.done $0x0  }
0x264: {  	s14 =	rddreg [dreg:$0x17];
	[sflag:s23] =	ssyncadd.s32 $0xFFFFE000  }
0x265: {  	[spmem:s2] =	stream.indirect.scatter.add.f32 [tilespmem:s17], [sflag:$0x5], $0x80, s14, s20, $0xb8;
	[tilespmem:$0x1E800] =	vst v63  }
0x266: {  	_ =	swait.ge [sflag:s1], $0x2000  }
0x267: {  	[sflag:s1] =	ssyncset.done $0x0  }
0x268: {  	s14 =	rddreg [dreg:$0x18];
	[sflag:s1] =	ssyncadd.s32 $0xFFFFE000  }
0x269: {  	[tilespmem:s24], [sflag:$0x4] =	stream.indirect.gather [hbm4b:s4+s20], $0x80, s14, s20, $0xb8;
	[tilespmem:$0x1E800] =	vst v63  }
0x26a: {  	_ =	swait.ge [sflag:s25], $0x2000  }
0x26b: {  	[sflag:s25] =	ssyncset.done $0x0  }
0x26c: {  	s14 =	rddreg [dreg:$0x19];
	[sflag:s25] =	ssyncadd.s32 $0xFFFFE000  }
0x26d: {  	[spmem:s2] =	stream.indirect.scatter.add.f32 [tilespmem:s21], [sflag:$0x6], $0x80, s14, s20, $0xb8;
	[tilespmem:$0x1E800] =	vst v63  }
0x26e: {  	_ =	swait.ge [sflag:s26], $0x2000  }
0x26f: {  	[sflag:s26] =	ssyncset.done $0x0  }
0x270: {  	s14 =	rddreg [dreg:$0x1a];
	[sflag:s26] =	ssyncadd.s32 $0xFFFFE000  }
0x271: {  	[tilespmem:s17], [sflag:$0x1] =	stream.indirect.gather [hbm4b:s4+s20], $0x80, s14, s20, $0xb8;
	[tilespmem:$0x1E800] =	vst v63  }
0x272: {  	_ =	swait.ge [sflag:s28], $0x2000  }
0x273: {  	[sflag:s28] =	ssyncset.done $0x0  }
0x274: {  	s14 =	rddreg [dreg:$0x1b];
	[sflag:s28] =	ssyncadd.s32 $0xFFFFE000  }
0x275: {  	[spmem:s2] =	stream.indirect.scatter.add.f32 [tilespmem:s22], [sflag:$0x7], $0x80, s14, s20, $0xb8;
	[tilespmem:$0x1E800] =	vst v63  }
0x276: {  	_ =	swait.ge [sflag:s29], $0x2000  }
0x277: {  	[sflag:s29] =	ssyncset.done $0x0  }
0x278: {  	s14 =	rddreg [dreg:$0x1c];
	[sflag:s29] =	ssyncadd.s32 $0xFFFFE000  }
0x279: {  	[tilespmem:s21], [sflag:$0x2] =	stream.indirect.gather [hbm4b:s4+s20], $0x80, s14, s20, $0xb8;
	[tilespmem:$0x1E800] =	vst v63  }
0x27a: {  	_ =	swait.ge [sflag:s30], $0x2000  }
0x27b: {  	[sflag:s30] =	ssyncset.done $0x0  }
0x27c: {  	s14 =	rddreg [dreg:$0x1d];
	[sflag:s30] =	ssyncadd.s32 $0xFFFFE000  }
0x27d: {  	[spmem:s2] =	stream.indirect.scatter.add.f32 [tilespmem:s24], [sflag:$0x8], $0x80, s14, s20, $0xb8;
	[tilespmem:$0x1E800] =	vst v63  }
0x27e: {  	_ =	swait.ge [sflag:s31], $0x2000  }
0x27f: {  	[sflag:s31] =	ssyncset.done $0x0  }
0x280: {  	s14 =	rddreg [dreg:$0x1e];
	[sflag:s31] =	ssyncadd.s32 $0xFFFFE000  }
0x281: {  	[tilespmem:s22], [sflag:$0x3] =	stream.indirect.gather [hbm4b:s4+s20], $0x80, s14, s20, $0xb8;
	[tilespmem:$0x1E800] =	vst v63  }
0x282: {  	_ =	swait.ge [sflag:s23], $0x2000  }
0x283: {  	[sflag:s23] =	ssyncset.done $0x0  }
0x284: {  	s14 =	rddreg [dreg:$0x1f];
	[sflag:s23] =	ssyncadd.s32 $0xFFFFE000  }
0x285: {  	[spmem:s2] =	stream.indirect.scatter.add.f32 [tilespmem:s17], [sflag:$0x5], $0x80, s14, s20, $0xb8;
	[tilespmem:$0x1E800] =	vst v63  }
0x286: {  	_ =	swait.ge [sflag:s1], $0x2000  }
0x287: {  	s14 =	sld [smem:$0x7C7]  }
0x288: {  	[sflag:s1] =	ssyncset.done $0x0  }
0x289: {  	[sflag:s1] =	ssyncadd.s32 $0xFFFFE000  }
0x28a: {  	[tilespmem:s24], [sflag:$0x4] =	stream.indirect.gather [hbm4b:s4+s20], $0x80, s14, s20, $0xb8;
	[tilespmem:$0x1E800] =	vst v63  }
0x28b: {  	_ =	swait.ge [sflag:s25], $0x2000  }
0x28c: {  	s14 =	sld [smem:$0x7C8]  }
0x28d: {  	[sflag:s25] =	ssyncset.done $0x0  }
0x28e: {  	[sflag:s25] =	ssyncadd.s32 $0xFFFFE000  }
0x28f: {  	[spmem:s2] =	stream.indirect.scatter.add.f32 [tilespmem:s21], [sflag:$0x6], $0x80, s14, s20, $0xb8;
	[tilespmem:$0x1E800] =	vst v63  }
0x290: {  	_ =	swait.ge [sflag:s26], $0x2000  }
0x291: {  	s14 =	sld [smem:$0x7C9]  }
0x292: {  	[sflag:s26] =	ssyncset.done $0x0  }
0x293: {  	[sflag:s26] =	ssyncadd.s32 $0xFFFFE000  }
0x294: {  	[tilespmem:s17], [sflag:$0x1] =	stream.indirect.gather [hbm4b:s4+s20], $0x80, s14, s20, $0xb8;
	[tilespmem:$0x1E800] =	vst v63  }
0x295: {  	_ =	swait.ge [sflag:s28], $0x2000  }
0x296: {  	s14 =	sld [smem:$0x7CA]  }
0x297: {  	[sflag:s28] =	ssyncset.done $0x0  }
0x298: {  	[sflag:s28] =	ssyncadd.s32 $0xFFFFE000  }
0x299: {  	[spmem:s2] =	stream.indirect.scatter.add.f32 [tilespmem:s22], [sflag:$0x7], $0x80, s14, s20, $0xb8;
	[tilespmem:$0x1E800] =	vst v63  }
0x29a: {  	_ =	swait.ge [sflag:s29], $0x2000  }
0x29b: {  	s14 =	sld [smem:$0x7CB]  }
0x29c: {  	[sflag:s29] =	ssyncset.done $0x0  }
0x29d: {  	[sflag:s29] =	ssyncadd.s32 $0xFFFFE000  }
0x29e: {  	[tilespmem:s21], [sflag:$0x2] =	stream.indirect.gather [hbm4b:s4+s20], $0x80, s14, s20, $0xb8;
	[tilespmem:$0x1E800] =	vst v63  }
0x29f: {  	_ =	swait.ge [sflag:s30], $0x2000  }
0x2a0: {  	s14 =	sld [smem:$0x7CC]  }
0x2a1: {  	[sflag:s30] =	ssyncset.done $0x0  }
0x2a2: {  	[sflag:s30] =	ssyncadd.s32 $0xFFFFE000  }
0x2a3: {  	[spmem:s2] =	stream.indirect.scatter.add.f32 [tilespmem:s24], [sflag:$0x8], $0x80, s14, s20, $0xb8;
	[tilespmem:$0x1E800] =	vst v63  }
0x2a4: {  	_ =	swait.ge [sflag:s31], $0x2000  }
0x2a5: {  	s14 =	sld [smem:$0x7CD]  }
0x2a6: {  	[sflag:s31] =	ssyncset.done $0x0  }
0x2a7: {  	[sflag:s31] =	ssyncadd.s32 $0xFFFFE000  }
0x2a8: {  	[tilespmem:s22], [sflag:$0x3] =	stream.indirect.gather [hbm4b:s4+s20], $0x80, s14, s20, $0xb8;
	[tilespmem:$0x1E800] =	vst v63  }
0x2a9: {  	_ =	swait.ge [sflag:s23], $0x2000  }
0x2aa: {  	s14 =	sld [smem:$0x7CE]  }
0x2ab: {  	[sflag:s23] =	ssyncset.done $0x0  }
0x2ac: {  	[sflag:s23] =	ssyncadd.s32 $0xFFFFE000  }
0x2ad: {  	[spmem:s2] =	stream.indirect.scatter.add.f32 [tilespmem:s17], [sflag:$0x5], $0x80, s14, s20, $0xb8;
	[tilespmem:$0x1E800] =	vst v63  }
0x2ae: {  	_ =	swait.ge [sflag:s1], $0x2000  }
0x2af: {  	s14 =	sld [smem:$0x7CF]  }
0x2b0: {  	[sflag:s1] =	ssyncset.done $0x0  }
0x2b1: {  	[sflag:s1] =	ssyncadd.s32 $0xFFFFE000  }
0x2b2: {  	[tilespmem:s24], [sflag:$0x4] =	stream.indirect.gather [hbm4b:s4+s20], $0x80, s14, s20, $0xb8;
	[tilespmem:$0x1E800] =	vst v63  }
0x2b3: {  	_ =	swait.ge [sflag:s25], $0x2000  }
0x2b4: {  	s14 =	sld [smem:$0x7D0]  }
0x2b5: {  	[sflag:s25] =	ssyncset.done $0x0  }
0x2b6: {  	[sflag:s25] =	ssyncadd.s32 $0xFFFFE000  }
0x2b7: {  	[spmem:s2] =	stream.indirect.scatter.add.f32 [tilespmem:s21], [sflag:$0x6], $0x80, s14, s20, $0xb8;
	[tilespmem:$0x1E800] =	vst v63  }
0x2b8: {  	_ =	swait.ge [sflag:s26], $0x2000  }
0x2b9: {  	s14 =	sld [smem:$0x7D1]  }
0x2ba: {  	[sflag:s26] =	ssyncset.done $0x0  }
0x2bb: {  	[sflag:s26] =	ssyncadd.s32 $0xFFFFE000  }
0x2bc: {  	[tilespmem:s17], [sflag:$0x1] =	stream.indirect.gather [hbm4b:s4+s20], $0x80, s14, s20, $0xb8;
	[tilespmem:$0x1E800] =	vst v63  }
0x2bd: {  	_ =	swait.ge [sflag:s28], $0x2000  }
0x2be: {  	s14 =	sld [smem:$0x7D2]  }
0x2bf: {  	[sflag:s28] =	ssyncset.done $0x0  }
0x2c0: {  	[sflag:s28] =	ssyncadd.s32 $0xFFFFE000  }
0x2c1: {  	[spmem:s2] =	stream.indirect.scatter.add.f32 [tilespmem:s22], [sflag:$0x7], $0x80, s14, s20, $0xb8;
	[tilespmem:$0x1E800] =	vst v63  }
0x2c2: {  	_ =	swait.ge [sflag:s29], $0x2000  }
0x2c3: {  	s14 =	sld [smem:$0x7D3]  }
0x2c4: {  	[sflag:s29] =	ssyncset.done $0x0  }
0x2c5: {  	[sflag:s29] =	ssyncadd.s32 $0xFFFFE000  }
0x2c6: {  	[tilespmem:s21], [sflag:$0x2] =	stream.indirect.gather [hbm4b:s4+s20], $0x80, s14, s20, $0xb8;
	[tilespmem:$0x1E800] =	vst v63  }
0x2c7: {  	_ =	swait.ge [sflag:s30], $0x2000  }
0x2c8: {  	s14 =	sld [smem:$0x7D4]  }
0x2c9: {  	[sflag:s30] =	ssyncset.done $0x0  }
0x2ca: {  	[sflag:s30] =	ssyncadd.s32 $0xFFFFE000  }
0x2cb: {  	[spmem:s2] =	stream.indirect.scatter.add.f32 [tilespmem:s24], [sflag:$0x8], $0x80, s14, s20, $0xb8;
	[tilespmem:$0x1E800] =	vst v63  }
0x2cc: {  	_ =	swait.ge [sflag:s31], $0x2000  }
0x2cd: {  	s14 =	sld [smem:$0x7D5]  }
0x2ce: {  	[sflag:s31] =	ssyncset.done $0x0  }
0x2cf: {  	[sflag:s31] =	ssyncadd.s32 $0xFFFFE000  }
0x2d0: {  	[tilespmem:s22], [sflag:$0x3] =	stream.indirect.gather [hbm4b:s4+s20], $0x80, s14, s20, $0xb8;
	[tilespmem:$0x1E800] =	vst v63  }
0x2d1: {  	_ =	swait.ge [sflag:s23], $0x2000  }
0x2d2: {  	s14 =	sld [smem:$0x7D6]  }
0x2d3: {  	[sflag:s23] =	ssyncset.done $0x0  }
0x2d4: {  	[sflag:s23] =	ssyncadd.s32 $0xFFFFE000  }
0x2d5: {  	[spmem:s2] =	stream.indirect.scatter.add.f32 [tilespmem:s17], [sflag:$0x5], $0x80, s14, s20, $0xb8;
	[tilespmem:$0x1E800] =	vst v63  }
0x2d6: {  	_ =	swait.ge [sflag:s1], $0x2000  }
0x2d7: {  	s14 =	sld [smem:$0x7D7]  }
0x2d8: {  	[sflag:s1] =	ssyncset.done $0x0  }
0x2d9: {  	[sflag:s1] =	ssyncadd.s32 $0xFFFFE000  }
0x2da: {  	[tilespmem:s24], [sflag:$0x4] =	stream.indirect.gather [hbm4b:s4+s20], $0x80, s14, s20, $0xb8;
	[tilespmem:$0x1E800] =	vst v63  }
0x2db: {  	_ =	swait.ge [sflag:s25], $0x2000  }
0x2dc: {  	s14 =	sld [smem:$0x7D8]  }
0x2dd: {  	[sflag:s25] =	ssyncset.done $0x0  }
0x2de: {  	[sflag:s25] =	ssyncadd.s32 $0xFFFFE000  }
0x2df: {  	[spmem:s2] =	stream.indirect.scatter.add.f32 [tilespmem:s21], [sflag:$0x6], $0x80, s14, s20, $0xb8;
	[tilespmem:$0x1E800] =	vst v63  }
0x2e0: {  	_ =	swait.ge [sflag:s26], $0x2000  }
0x2e1: {  	s14 =	sld [smem:$0x7D9]  }
0x2e2: {  	[sflag:s26] =	ssyncset.done $0x0  }
0x2e3: {  	[sflag:s26] =	ssyncadd.s32 $0xFFFFE000  }
0x2e4: {  	[tilespmem:s17], [sflag:$0x1] =	stream.indirect.gather [hbm4b:s4+s20], $0x80, s14, s20, $0xb8;
	[tilespmem:$0x1E800] =	vst v63  }
0x2e5: {  	_ =	swait.ge [sflag:s28], $0x2000  }
0x2e6: {  	s14 =	sld [smem:$0x7DA]  }
0x2e7: {  	[sflag:s28] =	ssyncset.done $0x0  }
0x2e8: {  	[sflag:s28] =	ssyncadd.s32 $0xFFFFE000  }
0x2e9: {  	[spmem:s2] =	stream.indirect.scatter.add.f32 [tilespmem:s22], [sflag:$0x7], $0x80, s14, s20, $0xb8;
	[tilespmem:$0x1E800] =	vst v63  }
0x2ea: {  	_ =	swait.ge [sflag:s29], $0x2000  }
0x2eb: {  	s14 =	sld [smem:$0x7DB]  }
0x2ec: {  	[sflag:s29] =	ssyncset.done $0x0  }
0x2ed: {  	[sflag:s29] =	ssyncadd.s32 $0xFFFFE000  }
0x2ee: {  	[tilespmem:s21], [sflag:$0x2] =	stream.indirect.gather [hbm4b:s4+s20], $0x80, s14, s20, $0xb8;
	[tilespmem:$0x1E800] =	vst v63  }
0x2ef: {  	_ =	swait.ge [sflag:s30], $0x2000  }
0x2f0: {  	s14 =	sld [smem:$0x7DC]  }
0x2f1: {  	[sflag:s30] =	ssyncset.done $0x0  }
0x2f2: {  	[sflag:s30] =	ssyncadd.s32 $0xFFFFE000  }
0x2f3: {  	[spmem:s2] =	stream.indirect.scatter.add.f32 [tilespmem:s24], [sflag:$0x8], $0x80, s14, s20, $0xb8;
	[tilespmem:$0x1E800] =	vst v63  }
0x2f4: {  	_ =	swait.ge [sflag:s31], $0x2000  }
0x2f5: {  	s14 =	sld [smem:$0x7DD]  }
0x2f6: {  	[sflag:s31] =	ssyncset.done $0x0  }
0x2f7: {  	[sflag:s31] =	ssyncadd.s32 $0xFFFFE000  }
0x2f8: {  	[tilespmem:s22], [sflag:$0x3] =	stream.indirect.gather [hbm4b:s4+s20], $0x80, s14, s20, $0xb8;
	[tilespmem:$0x1E800] =	vst v63  }
0x2f9: {  	_ =	swait.ge [sflag:s23], $0x2000  }
0x2fa: {  	s14 =	sld [smem:$0x7DF]  }
0x2fb: {  	[sflag:s23] =	ssyncset.done $0x0  }
0x2fc: {  	[sflag:s23] =	ssyncadd.s32 $0xFFFFE000  }
0x2fd: {  	[spmem:s2] =	stream.indirect.scatter.add.f32 [tilespmem:s17], [sflag:$0x5], $0x80, s14, s20, $0xb8;
	[tilespmem:$0x1E800] =	vst v63  }
0x2fe: {  	_ =	swait.ge [sflag:s1], $0x2000  }
0x2ff: {  	s14 =	sld [smem:$0x7E1]  }
0x300: {  	[sflag:s1] =	ssyncset.done $0x0  }
0x301: {  	[sflag:s1] =	ssyncadd.s32 $0xFFFFE000  }
0x302: {  	[tilespmem:s24], [sflag:$0x4] =	stream.indirect.gather [hbm4b:s4+s20], $0x80, s14, s20, $0xb8;
	[tilespmem:$0x1E800] =	vst v63  }
0x303: {  	_ =	swait.ge [sflag:s25], $0x2000  }
0x304: {  	s14 =	sld [smem:$0x7E3]  }
0x305: {  	[sflag:s25] =	ssyncset.done $0x0  }
0x306: {  	[sflag:s25] =	ssyncadd.s32 $0xFFFFE000  }
0x307: {  	[spmem:s2] =	stream.indirect.scatter.add.f32 [tilespmem:s21], [sflag:$0x6], $0x80, s14, s20, $0xb8;
	[tilespmem:$0x1E800] =	vst v63  }
0x308: {  	_ =	swait.ge [sflag:s26], $0x2000  }
0x309: {  	s14 =	sld [smem:$0x7E5]  }
0x30a: {  	[sflag:s26] =	ssyncset.done $0x0  }
0x30b: {  	[sflag:s26] =	ssyncadd.s32 $0xFFFFE000  }
0x30c: {  	[tilespmem:s17], [sflag:$0x1] =	stream.indirect.gather [hbm4b:s4+s20], $0x80, s14, s20, $0xb8;
	[tilespmem:$0x1E800] =	vst v63  }
0x30d: {  	_ =	swait.ge [sflag:s28], $0x2000  }
0x30e: {  	s14 =	sld [smem:$0x7E7]  }
0x30f: {  	[sflag:s28] =	ssyncset.done $0x0  }
0x310: {  	[sflag:s28] =	ssyncadd.s32 $0xFFFFE000  }
0x311: {  	[spmem:s2] =	stream.indirect.scatter.add.f32 [tilespmem:s22], [sflag:$0x7], $0x80, s14, s20, $0xb8;
	[tilespmem:$0x1E800] =	vst v63  }
0x312: {  	_ =	swait.ge [sflag:s29], $0x2000  }
0x313: {  	s14 =	sld [smem:$0x7E9]  }
0x314: {  	[sflag:s29] =	ssyncset.done $0x0  }
0x315: {  	[sflag:s29] =	ssyncadd.s32 $0xFFFFE000  }
0x316: {  	[tilespmem:s21], [sflag:$0x2] =	stream.indirect.gather [hbm4b:s4+s20], $0x80, s14, s20, $0xb8;
	[tilespmem:$0x1E800] =	vst v63  }
0x317: {  	_ =	swait.ge [sflag:s30], $0x2000  }
0x318: {  	s14 =	sld [smem:$0x7EB]  }
0x319: {  	[sflag:s30] =	ssyncset.done $0x0  }
0x31a: {  	[sflag:s30] =	ssyncadd.s32 $0xFFFFE000  }
0x31b: {  	[spmem:s2] =	stream.indirect.scatter.add.f32 [tilespmem:s24], [sflag:$0x8], $0x80, s14, s20, $0xb8;
	[tilespmem:$0x1E800] =	vst v63  }
0x31c: {  	_ =	swait.ge [sflag:s31], $0x2000  }
0x31d: {  	s14 =	sld [smem:$0x7ED]  }
0x31e: {  	[sflag:s31] =	ssyncset.done $0x0  }
0x31f: {  	[sflag:s31] =	ssyncadd.s32 $0xFFFFE000  }
0x320: {  	[tilespmem:s22], [sflag:$0x3] =	stream.indirect.gather [hbm4b:s4+s20], $0x80, s14, s20, $0xb8;
	[tilespmem:$0x1E800] =	vst v63  }
0x321: {  	_ =	swait.ge [sflag:s23], $0x2000  }
0x322: {  	s14 =	sld [smem:$0x7F0]  }
0x323: {  	[sflag:s23] =	ssyncset.done $0x0  }
0x324: {  	[sflag:s23] =	ssyncadd.s32 $0xFFFFE000  }
0x325: {  	[spmem:s2] =	stream.indirect.scatter.add.f32 [tilespmem:s17], [sflag:$0x5], $0x80, s14, s20, $0xb8;
	[tilespmem:$0x1E800] =	vst v63  }
0x326: {  	_ =	swait.ge [sflag:s1], $0x2000  }
0x327: {  	s14 =	sld [smem:$0x7F2]  }
0x328: {  	[sflag:s1] =	ssyncset.done $0x0  }
0x329: {  	[sflag:s1] =	ssyncadd.s32 $0xFFFFE000  }
0x32a: {  	[tilespmem:s24], [sflag:$0x4] =	stream.indirect.gather [hbm4b:s4+s20], $0x80, s14, s20, $0xb8;
	[tilespmem:$0x1E800] =	vst v63  }
0x32b: {  	_ =	swait.ge [sflag:s25], $0x2000  }
0x32c: {  	s14 =	sld [smem:$0x7F4]  }
0x32d: {  	[sflag:s25] =	ssyncset.done $0x0  }
0x32e: {  	[sflag:s25] =	ssyncadd.s32 $0xFFFFE000  }
0x32f: {  	[spmem:s2] =	stream.indirect.scatter.add.f32 [tilespmem:s21], [sflag:$0x6], $0x80, s14, s20, $0xb8;
	[tilespmem:$0x1E800] =	vst v63  }
0x330: {  	_ =	swait.ge [sflag:s26], $0x2000  }
0x331: {  	s14 =	sld [smem:$0x7F5]  }
0x332: {  	[sflag:s26] =	ssyncset.done $0x0  }
0x333: {  	[sflag:s26] =	ssyncadd.s32 $0xFFFFE000  }
0x334: {  	[tilespmem:s17], [sflag:$0x1] =	stream.indirect.gather [hbm4b:s4+s20], $0x80, s14, s20, $0xb8;
	[tilespmem:$0x1E800] =	vst v63  }
0x335: {  	_ =	swait.ge [sflag:s28], $0x2000  }
0x336: {  	s14 =	sld [smem:$0x7F6]  }
0x337: {  	[sflag:s28] =	ssyncset.done $0x0  }
0x338: {  	[sflag:s28] =	ssyncadd.s32 $0xFFFFE000  }
0x339: {  	[spmem:s2] =	stream.indirect.scatter.add.f32 [tilespmem:s22], [sflag:$0x7], $0x80, s14, s20, $0xb8;
	[tilespmem:$0x1E800] =	vst v63  }
0x33a: {  	_ =	swait.ge [sflag:s29], $0x2000  }
0x33b: {  	s14 =	sld [smem:$0x7F7]  }
0x33c: {  	[sflag:s29] =	ssyncset.done $0x0  }
0x33d: {  	[sflag:s29] =	ssyncadd.s32 $0xFFFFE000  }
0x33e: {  	[tilespmem:s21], [sflag:$0x2] =	stream.indirect.gather [hbm4b:s4+s20], $0x80, s14, s20, $0xb8;
	[tilespmem:$0x1E800] =	vst v63  }
0x33f: {  	_ =	swait.ge [sflag:s30], $0x2000  }
0x340: {  	s14 =	sld [smem:$0x7F8]  }
0x341: {  	[sflag:s30] =	ssyncset.done $0x0  }
0x342: {  	[sflag:s30] =	ssyncadd.s32 $0xFFFFE000  }
0x343: {  	[spmem:s2] =	stream.indirect.scatter.add.f32 [tilespmem:s24], [sflag:$0x8], $0x80, s14, s20, $0xb8;
	[tilespmem:$0x1E800] =	vst v63  }
0x344: {  	_ =	swait.ge [sflag:s31], $0x2000  }
0x345: {  	s14 =	sld [smem:$0x7F9]  }
0x346: {  	[sflag:s31] =	ssyncset.done $0x0  }
0x347: {  	[sflag:s31] =	ssyncadd.s32 $0xFFFFE000  }
0x348: {  	[tilespmem:s22], [sflag:$0x3] =	stream.indirect.gather [hbm4b:s4+s20], $0x80, s14, s20, $0xb8;
	[tilespmem:$0x1E800] =	vst v63  }
0x349: {  	_ =	swait.ge [sflag:s23], $0x2000  }
0x34a: {  	s14 =	sld [smem:$0x7FA]  }
0x34b: {  	[sflag:s23] =	ssyncset.done $0x0  }
0x34c: {  	[sflag:s23] =	ssyncadd.s32 $0xFFFFE000  }
0x34d: {  	[spmem:s2] =	stream.indirect.scatter.add.f32 [tilespmem:s17], [sflag:$0x5], $0x80, s14, s20, $0xb8;
	[tilespmem:$0x1E800] =	vst v63  }
0x34e: {  	_ =	swait.ge [sflag:s1], $0x2000  }
0x34f: {  	s14 =	sld [smem:$0x7FB]  }
0x350: {  	[sflag:s1] =	ssyncset.done $0x0  }
0x351: {  	[sflag:s1] =	ssyncadd.s32 $0xFFFFE000  }
0x352: {  	[tilespmem:s24], [sflag:$0x4] =	stream.indirect.gather [hbm4b:s4+s20], $0x80, s14, s20, $0xb8;
	[tilespmem:$0x1E800] =	vst v63  }
0x353: {  	_ =	swait.ge [sflag:s25], $0x2000  }
0x354: {  	s14 =	sld [smem:$0x7FC]  }
0x355: {  	[sflag:s25] =	ssyncset.done $0x0  }
0x356: {  	[sflag:s25] =	ssyncadd.s32 $0xFFFFE000  }
0x357: {  	[spmem:s2] =	stream.indirect.scatter.add.f32 [tilespmem:s21], [sflag:$0x6], $0x80, s14, s20, $0xb8;
	[tilespmem:$0x1E800] =	vst v63  }
0x358: {  	_ =	swait.ge [sflag:s26], $0x2000  }
0x359: {  	s14 =	sld [smem:$0x7FD]  }
0x35a: {  	[sflag:s26] =	ssyncset.done $0x0  }
0x35b: {  	[sflag:s26] =	ssyncadd.s32 $0xFFFFE000  }
0x35c: {  	[tilespmem:s17], [sflag:$0x1] =	stream.indirect.gather [hbm4b:s4+s20], $0x80, s14, s20, $0xb8;
	[tilespmem:$0x1E800] =	vst v63  }
0x35d: {  	_ =	swait.ge [sflag:s28], $0x2000  }
0x35e: {  	[sflag:s28] =	ssyncset.done $0x0  }
0x35f: {  	[sflag:s28] =	ssyncadd.s32 $0xFFFFE000  }
0x360: {  	[spmem:s2] =	stream.indirect.scatter.add.f32 [tilespmem:s22], [sflag:$0x7], $0x80, s0, s20, $0xb8;
	[tilespmem:$0x1E800] =	vst v63  }
0x361: {  	_ =	swait.ge [sflag:s29], $0x2000  }
0x362: {  	[sflag:s29] =	ssyncset.done $0x0  }
0x363: {  	[sflag:s29] =	ssyncadd.s32 $0xFFFFE000  }
0x364: {  	[tilespmem:s21], [sflag:$0x2] =	stream.indirect.gather [hbm4b:s4+s20], $0x80, s6, s20, $0xb8;
	[tilespmem:$0x1E800] =	vst v63  }
0x365: {  	_ =	swait.ge [sflag:s30], $0x2000  }
0x366: {  	[sflag:s30] =	ssyncset.done $0x0  }
0x367: {  	[sflag:s30] =	ssyncadd.s32 $0xFFFFE000  }
0x368: {  	[spmem:s2] =	stream.indirect.scatter.add.f32 [tilespmem:s24], [sflag:$0x8], $0x80, s7, s20, $0xb8;
	[tilespmem:$0x1E800] =	vst v63  }
0x369: {  	_ =	swait.ge [sflag:s31], $0x2000  }
0x36a: {  	[sflag:s31] =	ssyncset.done $0x0  }
0x36b: {  	[sflag:s31] =	ssyncadd.s32 $0xFFFFE000  }
0x36c: {  	[tilespmem:s22], [sflag:$0x3] =	stream.indirect.gather [hbm4b:s4+s20], $0x80, s8, s20, $0xb8;
	[tilespmem:$0x1E800] =	vst v63  }
0x36d: {  	_ =	swait.ge [sflag:s23], $0x2000  }
0x36e: {  	[sflag:s23] =	ssyncset.done $0x0  }
0x36f: {  	[sflag:s23] =	ssyncadd.s32 $0xFFFFE000  }
0x370: {  	[spmem:s2] =	stream.indirect.scatter.add.f32 [tilespmem:s17], [sflag:$0x5], $0x80, s9, s20, $0xb8;
	[tilespmem:$0x1E800] =	vst v63  }
0x371: {  	_ =	swait.ge [sflag:s1], $0x2000  }
0x372: {  	[sflag:s1] =	ssyncset.done $0x0  }
0x373: {  	[sflag:s1] =	ssyncadd.s32 $0xFFFFE000  }
0x374: {  	[tilespmem:s24], [sflag:$0x4] =	stream.indirect.gather [hbm4b:s4+s20], $0x80, s10, s20, $0xb8;
	[tilespmem:$0x1E800] =	vst v63  }
0x375: {  	_ =	swait.ge [sflag:s25], $0x2000  }
0x376: {  	[sflag:s25] =	ssyncset.done $0x0  }
0x377: {  	[sflag:s25] =	ssyncadd.s32 $0xFFFFE000  }
0x378: {  	[spmem:s2] =	stream.indirect.scatter.add.f32 [tilespmem:s21], [sflag:$0x6], $0x80, s11, s20, $0xb8;
	[tilespmem:$0x1E800] =	vst v63  }
0x379: {  	_ =	swait.ge [sflag:s28], $0x2000  }
0x37a: {  	[sflag:s28] =	ssyncset.done $0x0  }
0x37b: {  	[sflag:s28] =	ssyncadd.s32 $0xFFFFE000  }
0x37c: {  	[spmem:s2] =	stream.indirect.scatter.add.f32 [tilespmem:s22], [sflag:$0x7], $0x80, s12, s20, $0xb8;
	[tilespmem:$0x1E800] =	vst v63  }
0x37d: {  	_ =	swait.ge [sflag:s30], $0x2000  }
0x37e: {  	[sflag:s30] =	ssyncset.done $0x0  }
0x37f: {  	[sflag:s30] =	ssyncadd.s32 $0xFFFFE000  }
0x380: {  	[spmem:s2] =	stream.indirect.scatter.add.f32 [tilespmem:s24], [sflag:$0x8], $0x80, s13, s20, $0xb8;
	[tilespmem:$0x1E800] =	vst v63  }
0x381: {  	_ =	swait.ge [sflag:s26], $0x2000  }
0x382: {  	[sflag:s26] =	ssyncset.done $0x0  }
0x383: {  	[sflag:s26] =	ssyncadd.s32 $0xFFFFE000  }
0x384: {  	_ =	swait.ge [sflag:s29], $0x2000  }
0x385: {  	[sflag:s29] =	ssyncset.done $0x0  }
0x386: {  	p0 =	sne.s32 s16, $0x780;
	[sflag:s29] =	ssyncadd.s32 $0xFFFFE000  }
.Ltmp1:
0x387: {  	_ =	swait.ge [sflag:s31], $0x2000;
	(pc) =	sbr.rel @p0 .LBB2_4-.Ltmp1, $4  }
0x388: {  	[sflag:s31] =	ssyncset.done $0x0  }
0x389: {  	[sflag:s31] =	ssyncadd.s32 $0xFFFFE000  }
0x38a: {  	_ =	swait.ge [sflag:s1], $0x2000  }
0x38b: {  	s16 =	sadd.s32 $0x280, s16;
	s5 =	rddreg [dreg:$0x5];
	[sflag:s1] =	ssyncset.done $0x0  }
0x38c: {  	[sflag:s1] =	ssyncadd.s32 $0xFFFFE000;
	s5 =	sadd.s32 s15, s5  }
0x38d: {  	[tilespmem:s3], [sflag:$0x9] =	stream.linear.gather [hbm4b:s5+s3], $0x1400, $0x38;
	[tilespmem:$0x1E800] =	vst v63  }
0x38e: {  	_ =	swait.ge [sflag:s18], $0x1400  }
0x38f: {  	s14 =	rddreg [dreg:$0x4];
	[sflag:s18] =	ssyncset.done $0x0  }
0x390: {  	[sflag:s18] =	ssyncadd.s32 $0xFFFFEC00;
	s5 =	sadd.s32 s15, s14  }
0x391: {  	[tilespmem:s19], [sflag:$0x9] =	stream.linear.gather [hbm4b:s5+s3], $0x1400, $0x38;
	[tilespmem:$0x1E800] =	vst v63  }
0x392: {  	_ =	swait.ge [sflag:s18], $0x1400  }
0x393: {  	[sflag:s18] =	ssyncset.done $0x0  }
0x394: {  	[sflag:s18] =	ssyncadd.s32 $0xFFFFEC00  }
0x395: {  	[tilespmem:s17], [sflag:$0x1] =	stream.indirect.gather [hbm4b:s4+s20], $0x80, s3, s20, $0xb8;
	[tilespmem:$0x1E800] =	vst v63  }
0x396: {  	s15 =	rddreg [dreg:$0x6]  }
0x397: {  	[tilespmem:s21], [sflag:$0x2] =	stream.indirect.gather [hbm4b:s4+s20], $0x80, s15, s20, $0xb8;
	[tilespmem:$0x1E800] =	vst v63  }
0x398: {  	s14 =	rddreg [dreg:$0x7]  }
0x399: {  	[tilespmem:s22], [sflag:$0x3] =	stream.indirect.gather [hbm4b:s4+s20], $0x80, s14, s20, $0xb8;
	[tilespmem:$0x1E800] =	vst v63  }
0x39a: {  	_ =	swait.ge [sflag:s23], $0x2000  }
0x39b: {  	[sflag:s23] =	ssyncset.done $0x0  }
0x39c: {  	[sflag:s23] =	ssyncadd.s32 $0xFFFFE000  }
0x39d: {  	[spmem:s2] =	stream.indirect.scatter.add.f32 [tilespmem:s17], [sflag:$0x5], $0x80, s19, s20, $0xb8;
	[tilespmem:$0x1E800] =	vst v63  }
0x39e: {  	s16 =	rddreg [dreg:$0x8]  }
0x39f: {  	[tilespmem:s24], [sflag:$0x4] =	stream.indirect.gather [hbm4b:s4+s20], $0x80, s16, s20, $0xb8;
	[tilespmem:$0x1E800] =	vst v63  }
0x3a0: {  	_ =	swait.ge [sflag:s25], $0x2000  }
0x3a1: {  	[sflag:s25] =	ssyncset.done $0x0  }
0x3a2: {  	s14 =	rddreg [dreg:$0x9];
	[sflag:s25] =	ssyncadd.s32 $0xFFFFE000  }
0x3a3: {  	[spmem:s2] =	stream.indirect.scatter.add.f32 [tilespmem:s21], [sflag:$0x6], $0x80, s14, s20, $0xb8;
	[tilespmem:$0x1E800] =	vst v63  }
0x3a4: {  	_ =	swait.ge [sflag:s26], $0x2000  }
0x3a5: {  	[sflag:s26] =	ssyncset.done $0x0  }
0x3a6: {  	s15 =	rddreg [dreg:$0xa];
	[sflag:s26] =	ssyncadd.s32 $0xFFFFE000  }
0x3a7: {  	[tilespmem:s17], [sflag:$0x1] =	stream.indirect.gather [hbm4b:s4+s20], $0x80, s15, s20, $0xb8;
	[tilespmem:$0x1E800] =	vst v63  }
0x3a8: {  	_ =	swait.ge [sflag:s28], $0x2000  }
0x3a9: {  	[sflag:s28] =	ssyncset.done $0x0  }
0x3aa: {  	s16 =	rddreg [dreg:$0xb];
	[sflag:s28] =	ssyncadd.s32 $0xFFFFE000  }
0x3ab: {  	[spmem:s2] =	stream.indirect.scatter.add.f32 [tilespmem:s22], [sflag:$0x7], $0x80, s16, s20, $0xb8;
	[tilespmem:$0x1E800] =	vst v63  }
0x3ac: {  	_ =	swait.ge [sflag:s29], $0x2000  }
0x3ad: {  	[sflag:s29] =	ssyncset.done $0x0  }
0x3ae: {  	s14 =	rddreg [dreg:$0xc];
	[sflag:s29] =	ssyncadd.s32 $0xFFFFE000  }
0x3af: {  	[tilespmem:s21], [sflag:$0x2] =	stream.indirect.gather [hbm4b:s4+s20], $0x80, s14, s20, $0xb8;
	[tilespmem:$0x1E800] =	vst v63  }
0x3b0: {  	_ =	swait.ge [sflag:s30], $0x2000  }
0x3b1: {  	[sflag:s30] =	ssyncset.done $0x0  }
0x3b2: {  	s15 =	rddreg [dreg:$0xd];
	[sflag:s30] =	ssyncadd.s32 $0xFFFFE000  }
0x3b3: {  	[spmem:s2] =	stream.indirect.scatter.add.f32 [tilespmem:s24], [sflag:$0x8], $0x80, s15, s20, $0xb8;
	[tilespmem:$0x1E800] =	vst v63  }
0x3b4: {  	_ =	swait.ge [sflag:s31], $0x2000  }
0x3b5: {  	[sflag:s31] =	ssyncset.done $0x0  }
0x3b6: {  	s16 =	rddreg [dreg:$0xe];
	[sflag:s31] =	ssyncadd.s32 $0xFFFFE000  }
0x3b7: {  	[tilespmem:s22], [sflag:$0x3] =	stream.indirect.gather [hbm4b:s4+s20], $0x80, s16, s20, $0xb8;
	[tilespmem:$0x1E800] =	vst v63  }
0x3b8: {  	_ =	swait.ge [sflag:s23], $0x2000  }
0x3b9: {  	[sflag:s23] =	ssyncset.done $0x0  }
0x3ba: {  	s14 =	rddreg [dreg:$0xf];
	[sflag:s23] =	ssyncadd.s32 $0xFFFFE000  }
0x3bb: {  	[spmem:s2] =	stream.indirect.scatter.add.f32 [tilespmem:s17], [sflag:$0x5], $0x80, s14, s20, $0xb8;
	[tilespmem:$0x1E800] =	vst v63  }
0x3bc: {  	_ =	swait.ge [sflag:s1], $0x2000  }
0x3bd: {  	[sflag:s1] =	ssyncset.done $0x0  }
0x3be: {  	s15 =	rddreg [dreg:$0x10];
	[sflag:s1] =	ssyncadd.s32 $0xFFFFE000  }
0x3bf: {  	[tilespmem:s24], [sflag:$0x4] =	stream.indirect.gather [hbm4b:s4+s20], $0x80, s15, s20, $0xb8;
	[tilespmem:$0x1E800] =	vst v63  }
0x3c0: {  	_ =	swait.ge [sflag:s25], $0x2000  }
0x3c1: {  	[sflag:s25] =	ssyncset.done $0x0  }
0x3c2: {  	s16 =	rddreg [dreg:$0x11];
	[sflag:s25] =	ssyncadd.s32 $0xFFFFE000  }
0x3c3: {  	[spmem:s2] =	stream.indirect.scatter.add.f32 [tilespmem:s21], [sflag:$0x6], $0x80, s16, s20, $0xb8;
	[tilespmem:$0x1E800] =	vst v63  }
0x3c4: {  	_ =	swait.ge [sflag:s26], $0x2000  }
0x3c5: {  	[sflag:s26] =	ssyncset.done $0x0  }
0x3c6: {  	s14 =	rddreg [dreg:$0x12];
	[sflag:s26] =	ssyncadd.s32 $0xFFFFE000  }
0x3c7: {  	[tilespmem:s17], [sflag:$0x1] =	stream.indirect.gather [hbm4b:s4+s20], $0x80, s14, s20, $0xb8;
	[tilespmem:$0x1E800] =	vst v63  }
0x3c8: {  	_ =	swait.ge [sflag:s28], $0x2000  }
0x3c9: {  	[sflag:s28] =	ssyncset.done $0x0  }
0x3ca: {  	s15 =	rddreg [dreg:$0x13];
	[sflag:s28] =	ssyncadd.s32 $0xFFFFE000  }
0x3cb: {  	[spmem:s2] =	stream.indirect.scatter.add.f32 [tilespmem:s22], [sflag:$0x7], $0x80, s15, s20, $0xb8;
	[tilespmem:$0x1E800] =	vst v63  }
0x3cc: {  	_ =	swait.ge [sflag:s29], $0x2000  }
0x3cd: {  	[sflag:s29] =	ssyncset.done $0x0  }
0x3ce: {  	s16 =	rddreg [dreg:$0x14];
	[sflag:s29] =	ssyncadd.s32 $0xFFFFE000  }
0x3cf: {  	[tilespmem:s21], [sflag:$0x2] =	stream.indirect.gather [hbm4b:s4+s20], $0x80, s16, s20, $0xb8;
	[tilespmem:$0x1E800] =	vst v63  }
0x3d0: {  	_ =	swait.ge [sflag:s30], $0x2000  }
0x3d1: {  	[sflag:s30] =	ssyncset.done $0x0  }
0x3d2: {  	s14 =	rddreg [dreg:$0x15];
	[sflag:s30] =	ssyncadd.s32 $0xFFFFE000  }
0x3d3: {  	[spmem:s2] =	stream.indirect.scatter.add.f32 [tilespmem:s24], [sflag:$0x8], $0x80, s14, s20, $0xb8;
	[tilespmem:$0x1E800] =	vst v63  }
0x3d4: {  	_ =	swait.ge [sflag:s31], $0x2000  }
0x3d5: {  	[sflag:s31] =	ssyncset.done $0x0  }
0x3d6: {  	s15 =	rddreg [dreg:$0x16];
	[sflag:s31] =	ssyncadd.s32 $0xFFFFE000  }
0x3d7: {  	[tilespmem:s22], [sflag:$0x3] =	stream.indirect.gather [hbm4b:s4+s20], $0x80, s15, s20, $0xb8;
	[tilespmem:$0x1E800] =	vst v63  }
0x3d8: {  	_ =	swait.ge [sflag:s23], $0x2000  }
0x3d9: {  	[sflag:s23] =	ssyncset.done $0x0  }
0x3da: {  	s16 =	rddreg [dreg:$0x17];
	[sflag:s23] =	ssyncadd.s32 $0xFFFFE000  }
0x3db: {  	[spmem:s2] =	stream.indirect.scatter.add.f32 [tilespmem:s17], [sflag:$0x5], $0x80, s16, s20, $0xb8;
	[tilespmem:$0x1E800] =	vst v63  }
0x3dc: {  	_ =	swait.ge [sflag:s1], $0x2000  }
0x3dd: {  	[sflag:s1] =	ssyncset.done $0x0  }
0x3de: {  	s14 =	rddreg [dreg:$0x18];
	[sflag:s1] =	ssyncadd.s32 $0xFFFFE000  }
0x3df: {  	[tilespmem:s24], [sflag:$0x4] =	stream.indirect.gather [hbm4b:s4+s20], $0x80, s14, s20, $0xb8;
	[tilespmem:$0x1E800] =	vst v63  }
0x3e0: {  	_ =	swait.ge [sflag:s25], $0x2000  }
0x3e1: {  	[sflag:s25] =	ssyncset.done $0x0  }
0x3e2: {  	s15 =	rddreg [dreg:$0x19];
	[sflag:s25] =	ssyncadd.s32 $0xFFFFE000  }
0x3e3: {  	[spmem:s2] =	stream.indirect.scatter.add.f32 [tilespmem:s21], [sflag:$0x6], $0x80, s15, s20, $0xb8;
	[tilespmem:$0x1E800] =	vst v63  }
0x3e4: {  	_ =	swait.ge [sflag:s26], $0x2000  }
0x3e5: {  	[sflag:s26] =	ssyncset.done $0x0  }
0x3e6: {  	s16 =	rddreg [dreg:$0x1a];
	[sflag:s26] =	ssyncadd.s32 $0xFFFFE000  }
0x3e7: {  	[tilespmem:s17], [sflag:$0x1] =	stream.indirect.gather [hbm4b:s4+s20], $0x80, s16, s20, $0xb8;
	[tilespmem:$0x1E800] =	vst v63  }
0x3e8: {  	_ =	swait.ge [sflag:s28], $0x2000  }
0x3e9: {  	[sflag:s28] =	ssyncset.done $0x0  }
0x3ea: {  	s14 =	rddreg [dreg:$0x1b];
	[sflag:s28] =	ssyncadd.s32 $0xFFFFE000  }
0x3eb: {  	[spmem:s2] =	stream.indirect.scatter.add.f32 [tilespmem:s22], [sflag:$0x7], $0x80, s14, s20, $0xb8;
	[tilespmem:$0x1E800] =	vst v63  }
0x3ec: {  	_ =	swait.ge [sflag:s29], $0x2000  }
0x3ed: {  	[sflag:s29] =	ssyncset.done $0x0  }
0x3ee: {  	s15 =	rddreg [dreg:$0x1c];
	[sflag:s29] =	ssyncadd.s32 $0xFFFFE000  }
0x3ef: {  	[tilespmem:s21], [sflag:$0x2] =	stream.indirect.gather [hbm4b:s4+s20], $0x80, s15, s20, $0xb8;
	[tilespmem:$0x1E800] =	vst v63  }
0x3f0: {  	_ =	swait.ge [sflag:s30], $0x2000  }
0x3f1: {  	[sflag:s30] =	ssyncset.done $0x0  }
0x3f2: {  	s16 =	rddreg [dreg:$0x1d];
	[sflag:s30] =	ssyncadd.s32 $0xFFFFE000  }
0x3f3: {  	[spmem:s2] =	stream.indirect.scatter.add.f32 [tilespmem:s24], [sflag:$0x8], $0x80, s16, s20, $0xb8;
	[tilespmem:$0x1E800] =	vst v63  }
0x3f4: {  	_ =	swait.ge [sflag:s31], $0x2000  }
0x3f5: {  	[sflag:s31] =	ssyncset.done $0x0  }
0x3f6: {  	s14 =	rddreg [dreg:$0x1e];
	[sflag:s31] =	ssyncadd.s32 $0xFFFFE000  }
0x3f7: {  	[tilespmem:s22], [sflag:$0x3] =	stream.indirect.gather [hbm4b:s4+s20], $0x80, s14, s20, $0xb8;
	[tilespmem:$0x1E800] =	vst v63  }
0x3f8: {  	_ =	swait.ge [sflag:s23], $0x2000  }
0x3f9: {  	[sflag:s23] =	ssyncset.done $0x0  }
0x3fa: {  	s15 =	rddreg [dreg:$0x1f];
	[sflag:s23] =	ssyncadd.s32 $0xFFFFE000  }
0x3fb: {  	[spmem:s2] =	stream.indirect.scatter.add.f32 [tilespmem:s17], [sflag:$0x5], $0x80, s15, s20, $0xb8;
	[tilespmem:$0x1E800] =	vst v63  }
0x3fc: {  	_ =	swait.ge [sflag:s1], $0x2000  }
0x3fd: {  	s16 =	sld [smem:$0x7C7]  }
0x3fe: {  	[sflag:s1] =	ssyncset.done $0x0  }
0x3ff: {  	[sflag:s1] =	ssyncadd.s32 $0xFFFFE000  }
0x400: {  	[tilespmem:s24], [sflag:$0x4] =	stream.indirect.gather [hbm4b:s4+s20], $0x80, s16, s20, $0xb8;
	[tilespmem:$0x1E800] =	vst v63  }
0x401: {  	_ =	swait.ge [sflag:s25], $0x2000  }
0x402: {  	s14 =	sld [smem:$0x7C8]  }
0x403: {  	[sflag:s25] =	ssyncset.done $0x0  }
0x404: {  	[sflag:s25] =	ssyncadd.s32 $0xFFFFE000  }
0x405: {  	[spmem:s2] =	stream.indirect.scatter.add.f32 [tilespmem:s21], [sflag:$0x6], $0x80, s14, s20, $0xb8;
	[tilespmem:$0x1E800] =	vst v63  }
0x406: {  	_ =	swait.ge [sflag:s26], $0x2000  }
0x407: {  	s15 =	sld [smem:$0x7C9]  }
0x408: {  	[sflag:s26] =	ssyncset.done $0x0  }
0x409: {  	[sflag:s26] =	ssyncadd.s32 $0xFFFFE000  }
0x40a: {  	[tilespmem:s17], [sflag:$0x1] =	stream.indirect.gather [hbm4b:s4+s20], $0x80, s15, s20, $0xb8;
	[tilespmem:$0x1E800] =	vst v63  }
0x40b: {  	_ =	swait.ge [sflag:s28], $0x2000  }
0x40c: {  	s16 =	sld [smem:$0x7CA]  }
0x40d: {  	[sflag:s28] =	ssyncset.done $0x0  }
0x40e: {  	[sflag:s28] =	ssyncadd.s32 $0xFFFFE000  }
0x40f: {  	[spmem:s2] =	stream.indirect.scatter.add.f32 [tilespmem:s22], [sflag:$0x7], $0x80, s16, s20, $0xb8;
	[tilespmem:$0x1E800] =	vst v63  }
0x410: {  	_ =	swait.ge [sflag:s29], $0x2000  }
0x411: {  	s14 =	sld [smem:$0x7CB]  }
0x412: {  	[sflag:s29] =	ssyncset.done $0x0  }
0x413: {  	[sflag:s29] =	ssyncadd.s32 $0xFFFFE000  }
0x414: {  	[tilespmem:s21], [sflag:$0x2] =	stream.indirect.gather [hbm4b:s4+s20], $0x80, s14, s20, $0xb8;
	[tilespmem:$0x1E800] =	vst v63  }
0x415: {  	_ =	swait.ge [sflag:s30], $0x2000  }
0x416: {  	s15 =	sld [smem:$0x7CC]  }
0x417: {  	[sflag:s30] =	ssyncset.done $0x0  }
0x418: {  	[sflag:s30] =	ssyncadd.s32 $0xFFFFE000  }
0x419: {  	[spmem:s2] =	stream.indirect.scatter.add.f32 [tilespmem:s24], [sflag:$0x8], $0x80, s15, s20, $0xb8;
	[tilespmem:$0x1E800] =	vst v63  }
0x41a: {  	_ =	swait.ge [sflag:s31], $0x2000  }
0x41b: {  	s16 =	sld [smem:$0x7CD]  }
0x41c: {  	[sflag:s31] =	ssyncset.done $0x0  }
0x41d: {  	[sflag:s31] =	ssyncadd.s32 $0xFFFFE000  }
0x41e: {  	[tilespmem:s22], [sflag:$0x3] =	stream.indirect.gather [hbm4b:s4+s20], $0x80, s16, s20, $0xb8;
	[tilespmem:$0x1E800] =	vst v63  }
0x41f: {  	_ =	swait.ge [sflag:s23], $0x2000  }
0x420: {  	s14 =	sld [smem:$0x7CE]  }
0x421: {  	[sflag:s23] =	ssyncset.done $0x0  }
0x422: {  	[sflag:s23] =	ssyncadd.s32 $0xFFFFE000  }
0x423: {  	[spmem:s2] =	stream.indirect.scatter.add.f32 [tilespmem:s17], [sflag:$0x5], $0x80, s14, s20, $0xb8;
	[tilespmem:$0x1E800] =	vst v63  }
0x424: {  	_ =	swait.ge [sflag:s1], $0x2000  }
0x425: {  	s15 =	sld [smem:$0x7CF]  }
0x426: {  	[sflag:s1] =	ssyncset.done $0x0  }
0x427: {  	[sflag:s1] =	ssyncadd.s32 $0xFFFFE000  }
0x428: {  	[tilespmem:s24], [sflag:$0x4] =	stream.indirect.gather [hbm4b:s4+s20], $0x80, s15, s20, $0xb8;
	[tilespmem:$0x1E800] =	vst v63  }
0x429: {  	_ =	swait.ge [sflag:s25], $0x2000  }
0x42a: {  	s16 =	sld [smem:$0x7D0]  }
0x42b: {  	[sflag:s25] =	ssyncset.done $0x0  }
0x42c: {  	[sflag:s25] =	ssyncadd.s32 $0xFFFFE000  }
0x42d: {  	[spmem:s2] =	stream.indirect.scatter.add.f32 [tilespmem:s21], [sflag:$0x6], $0x80, s16, s20, $0xb8;
	[tilespmem:$0x1E800] =	vst v63  }
0x42e: {  	_ =	swait.ge [sflag:s26], $0x2000  }
0x42f: {  	s14 =	sld [smem:$0x7D1]  }
0x430: {  	[sflag:s26] =	ssyncset.done $0x0  }
0x431: {  	[sflag:s26] =	ssyncadd.s32 $0xFFFFE000  }
0x432: {  	[tilespmem:s17], [sflag:$0x1] =	stream.indirect.gather [hbm4b:s4+s20], $0x80, s14, s20, $0xb8;
	[tilespmem:$0x1E800] =	vst v63  }
0x433: {  	_ =	swait.ge [sflag:s28], $0x2000  }
0x434: {  	s15 =	sld [smem:$0x7D2]  }
0x435: {  	[sflag:s28] =	ssyncset.done $0x0  }
0x436: {  	[sflag:s28] =	ssyncadd.s32 $0xFFFFE000  }
0x437: {  	[spmem:s2] =	stream.indirect.scatter.add.f32 [tilespmem:s22], [sflag:$0x7], $0x80, s15, s20, $0xb8;
	[tilespmem:$0x1E800] =	vst v63  }
0x438: {  	_ =	swait.ge [sflag:s29], $0x2000  }
0x439: {  	s16 =	sld [smem:$0x7D3]  }
0x43a: {  	[sflag:s29] =	ssyncset.done $0x0  }
0x43b: {  	[sflag:s29] =	ssyncadd.s32 $0xFFFFE000  }
0x43c: {  	[tilespmem:s21], [sflag:$0x2] =	stream.indirect.gather [hbm4b:s4+s20], $0x80, s16, s20, $0xb8;
	[tilespmem:$0x1E800] =	vst v63  }
0x43d: {  	_ =	swait.ge [sflag:s30], $0x2000  }
0x43e: {  	s14 =	sld [smem:$0x7D4]  }
0x43f: {  	[sflag:s30] =	ssyncset.done $0x0  }
0x440: {  	[sflag:s30] =	ssyncadd.s32 $0xFFFFE000  }
0x441: {  	[spmem:s2] =	stream.indirect.scatter.add.f32 [tilespmem:s24], [sflag:$0x8], $0x80, s14, s20, $0xb8;
	[tilespmem:$0x1E800] =	vst v63  }
0x442: {  	_ =	swait.ge [sflag:s31], $0x2000  }
0x443: {  	s15 =	sld [smem:$0x7D5]  }
0x444: {  	[sflag:s31] =	ssyncset.done $0x0  }
0x445: {  	[sflag:s31] =	ssyncadd.s32 $0xFFFFE000  }
0x446: {  	[tilespmem:s22], [sflag:$0x3] =	stream.indirect.gather [hbm4b:s4+s20], $0x80, s15, s20, $0xb8;
	[tilespmem:$0x1E800] =	vst v63  }
0x447: {  	_ =	swait.ge [sflag:s23], $0x2000  }
0x448: {  	s16 =	sld [smem:$0x7D6]  }
0x449: {  	[sflag:s23] =	ssyncset.done $0x0  }
0x44a: {  	[sflag:s23] =	ssyncadd.s32 $0xFFFFE000  }
0x44b: {  	[spmem:s2] =	stream.indirect.scatter.add.f32 [tilespmem:s17], [sflag:$0x5], $0x80, s16, s20, $0xb8;
	[tilespmem:$0x1E800] =	vst v63  }
0x44c: {  	_ =	swait.ge [sflag:s1], $0x2000  }
0x44d: {  	s14 =	sld [smem:$0x7D7]  }
0x44e: {  	[sflag:s1] =	ssyncset.done $0x0  }
0x44f: {  	[sflag:s1] =	ssyncadd.s32 $0xFFFFE000  }
0x450: {  	[tilespmem:s24], [sflag:$0x4] =	stream.indirect.gather [hbm4b:s4+s20], $0x80, s14, s20, $0xb8;
	[tilespmem:$0x1E800] =	vst v63  }
0x451: {  	_ =	swait.ge [sflag:s25], $0x2000  }
0x452: {  	s15 =	sld [smem:$0x7D8]  }
0x453: {  	[sflag:s25] =	ssyncset.done $0x0  }
0x454: {  	[sflag:s25] =	ssyncadd.s32 $0xFFFFE000  }
0x455: {  	[spmem:s2] =	stream.indirect.scatter.add.f32 [tilespmem:s21], [sflag:$0x6], $0x80, s15, s20, $0xb8;
	[tilespmem:$0x1E800] =	vst v63  }
0x456: {  	_ =	swait.ge [sflag:s26], $0x2000  }
0x457: {  	s16 =	sld [smem:$0x7D9]  }
0x458: {  	[sflag:s26] =	ssyncset.done $0x0  }
0x459: {  	[sflag:s26] =	ssyncadd.s32 $0xFFFFE000  }
0x45a: {  	[tilespmem:s17], [sflag:$0x1] =	stream.indirect.gather [hbm4b:s4+s20], $0x80, s16, s20, $0xb8;
	[tilespmem:$0x1E800] =	vst v63  }
0x45b: {  	_ =	swait.ge [sflag:s28], $0x2000  }
0x45c: {  	s14 =	sld [smem:$0x7DA]  }
0x45d: {  	[sflag:s28] =	ssyncset.done $0x0  }
0x45e: {  	[sflag:s28] =	ssyncadd.s32 $0xFFFFE000  }
0x45f: {  	[spmem:s2] =	stream.indirect.scatter.add.f32 [tilespmem:s22], [sflag:$0x7], $0x80, s14, s20, $0xb8;
	[tilespmem:$0x1E800] =	vst v63  }
0x460: {  	_ =	swait.ge [sflag:s29], $0x2000  }
0x461: {  	s15 =	sld [smem:$0x7DB]  }
0x462: {  	[sflag:s29] =	ssyncset.done $0x0  }
0x463: {  	[sflag:s29] =	ssyncadd.s32 $0xFFFFE000  }
0x464: {  	[tilespmem:s21], [sflag:$0x2] =	stream.indirect.gather [hbm4b:s4+s20], $0x80, s15, s20, $0xb8;
	[tilespmem:$0x1E800] =	vst v63  }
0x465: {  	_ =	swait.ge [sflag:s30], $0x2000  }
0x466: {  	s16 =	sld [smem:$0x7DC]  }
0x467: {  	[sflag:s30] =	ssyncset.done $0x0  }
0x468: {  	[sflag:s30] =	ssyncadd.s32 $0xFFFFE000  }
0x469: {  	[spmem:s2] =	stream.indirect.scatter.add.f32 [tilespmem:s24], [sflag:$0x8], $0x80, s16, s20, $0xb8;
	[tilespmem:$0x1E800] =	vst v63  }
0x46a: {  	_ =	swait.ge [sflag:s31], $0x2000  }
0x46b: {  	s14 =	sld [smem:$0x7DD]  }
0x46c: {  	[sflag:s31] =	ssyncset.done $0x0  }
0x46d: {  	[sflag:s31] =	ssyncadd.s32 $0xFFFFE000  }
0x46e: {  	[tilespmem:s22], [sflag:$0x3] =	stream.indirect.gather [hbm4b:s4+s20], $0x80, s14, s20, $0xb8;
	[tilespmem:$0x1E800] =	vst v63  }
0x46f: {  	_ =	swait.ge [sflag:s23], $0x2000  }
0x470: {  	s15 =	sld [smem:$0x7DF]  }
0x471: {  	[sflag:s23] =	ssyncset.done $0x0  }
0x472: {  	[sflag:s23] =	ssyncadd.s32 $0xFFFFE000  }
0x473: {  	[spmem:s2] =	stream.indirect.scatter.add.f32 [tilespmem:s17], [sflag:$0x5], $0x80, s15, s20, $0xb8;
	[tilespmem:$0x1E800] =	vst v63  }
0x474: {  	_ =	swait.ge [sflag:s1], $0x2000  }
0x475: {  	s16 =	sld [smem:$0x7E1]  }
0x476: {  	[sflag:s1] =	ssyncset.done $0x0  }
0x477: {  	[sflag:s1] =	ssyncadd.s32 $0xFFFFE000  }
0x478: {  	[tilespmem:s24], [sflag:$0x4] =	stream.indirect.gather [hbm4b:s4+s20], $0x80, s16, s20, $0xb8;
	[tilespmem:$0x1E800] =	vst v63  }
0x479: {  	_ =	swait.ge [sflag:s25], $0x2000  }
0x47a: {  	s14 =	sld [smem:$0x7E3]  }
0x47b: {  	[sflag:s25] =	ssyncset.done $0x0  }
0x47c: {  	[sflag:s25] =	ssyncadd.s32 $0xFFFFE000  }
0x47d: {  	[spmem:s2] =	stream.indirect.scatter.add.f32 [tilespmem:s21], [sflag:$0x6], $0x80, s14, s20, $0xb8;
	[tilespmem:$0x1E800] =	vst v63  }
0x47e: {  	_ =	swait.ge [sflag:s26], $0x2000  }
0x47f: {  	s15 =	sld [smem:$0x7E5]  }
0x480: {  	[sflag:s26] =	ssyncset.done $0x0  }
0x481: {  	[sflag:s26] =	ssyncadd.s32 $0xFFFFE000  }
0x482: {  	[tilespmem:s17], [sflag:$0x1] =	stream.indirect.gather [hbm4b:s4+s20], $0x80, s15, s20, $0xb8;
	[tilespmem:$0x1E800] =	vst v63  }
0x483: {  	_ =	swait.ge [sflag:s28], $0x2000  }
0x484: {  	s16 =	sld [smem:$0x7E7]  }
0x485: {  	[sflag:s28] =	ssyncset.done $0x0  }
0x486: {  	[sflag:s28] =	ssyncadd.s32 $0xFFFFE000  }
0x487: {  	[spmem:s2] =	stream.indirect.scatter.add.f32 [tilespmem:s22], [sflag:$0x7], $0x80, s16, s20, $0xb8;
	[tilespmem:$0x1E800] =	vst v63  }
0x488: {  	_ =	swait.ge [sflag:s29], $0x2000  }
0x489: {  	s14 =	sld [smem:$0x7E9]  }
0x48a: {  	[sflag:s29] =	ssyncset.done $0x0  }
0x48b: {  	[sflag:s29] =	ssyncadd.s32 $0xFFFFE000  }
0x48c: {  	[tilespmem:s21], [sflag:$0x2] =	stream.indirect.gather [hbm4b:s4+s20], $0x80, s14, s20, $0xb8;
	[tilespmem:$0x1E800] =	vst v63  }
0x48d: {  	_ =	swait.ge [sflag:s30], $0x2000  }
0x48e: {  	s15 =	sld [smem:$0x7EB]  }
0x48f: {  	[sflag:s30] =	ssyncset.done $0x0  }
0x490: {  	[sflag:s30] =	ssyncadd.s32 $0xFFFFE000  }
0x491: {  	[spmem:s2] =	stream.indirect.scatter.add.f32 [tilespmem:s24], [sflag:$0x8], $0x80, s15, s20, $0xb8;
	[tilespmem:$0x1E800] =	vst v63  }
0x492: {  	_ =	swait.ge [sflag:s31], $0x2000  }
0x493: {  	s16 =	sld [smem:$0x7ED]  }
0x494: {  	[sflag:s31] =	ssyncset.done $0x0  }
0x495: {  	[sflag:s31] =	ssyncadd.s32 $0xFFFFE000  }
0x496: {  	[tilespmem:s22], [sflag:$0x3] =	stream.indirect.gather [hbm4b:s4+s20], $0x80, s16, s20, $0xb8;
	[tilespmem:$0x1E800] =	vst v63  }
0x497: {  	_ =	swait.ge [sflag:s23], $0x2000  }
0x498: {  	s14 =	sld [smem:$0x7F0]  }
0x499: {  	[sflag:s23] =	ssyncset.done $0x0  }
0x49a: {  	[sflag:s23] =	ssyncadd.s32 $0xFFFFE000  }
0x49b: {  	[spmem:s2] =	stream.indirect.scatter.add.f32 [tilespmem:s17], [sflag:$0x5], $0x80, s14, s20, $0xb8;
	[tilespmem:$0x1E800] =	vst v63  }
0x49c: {  	_ =	swait.ge [sflag:s1], $0x2000  }
0x49d: {  	s15 =	sld [smem:$0x7F2]  }
0x49e: {  	[sflag:s1] =	ssyncset.done $0x0  }
0x49f: {  	[sflag:s1] =	ssyncadd.s32 $0xFFFFE000  }
0x4a0: {  	[tilespmem:s24], [sflag:$0x4] =	stream.indirect.gather [hbm4b:s4+s20], $0x80, s15, s20, $0xb8;
	[tilespmem:$0x1E800] =	vst v63  }
0x4a1: {  	_ =	swait.ge [sflag:s25], $0x2000  }
0x4a2: {  	s16 =	sld [smem:$0x7F4]  }
0x4a3: {  	[sflag:s25] =	ssyncset.done $0x0  }
0x4a4: {  	[sflag:s25] =	ssyncadd.s32 $0xFFFFE000  }
0x4a5: {  	[spmem:s2] =	stream.indirect.scatter.add.f32 [tilespmem:s21], [sflag:$0x6], $0x80, s16, s20, $0xb8;
	[tilespmem:$0x1E800] =	vst v63  }
0x4a6: {  	_ =	swait.ge [sflag:s26], $0x2000  }
0x4a7: {  	s14 =	sld [smem:$0x7F5]  }
0x4a8: {  	[sflag:s26] =	ssyncset.done $0x0  }
0x4a9: {  	[sflag:s26] =	ssyncadd.s32 $0xFFFFE000  }
0x4aa: {  	[tilespmem:s17], [sflag:$0x1] =	stream.indirect.gather [hbm4b:s4+s20], $0x80, s14, s20, $0xb8;
	[tilespmem:$0x1E800] =	vst v63  }
0x4ab: {  	_ =	swait.ge [sflag:s28], $0x2000  }
0x4ac: {  	s15 =	sld [smem:$0x7F6]  }
0x4ad: {  	[sflag:s28] =	ssyncset.done $0x0  }
0x4ae: {  	[sflag:s28] =	ssyncadd.s32 $0xFFFFE000  }
0x4af: {  	[spmem:s2] =	stream.indirect.scatter.add.f32 [tilespmem:s22], [sflag:$0x7], $0x80, s15, s20, $0xb8;
	[tilespmem:$0x1E800] =	vst v63  }
0x4b0: {  	_ =	swait.ge [sflag:s29], $0x2000  }
0x4b1: {  	s16 =	sld [smem:$0x7F7]  }
0x4b2: {  	[sflag:s29] =	ssyncset.done $0x0  }
0x4b3: {  	[sflag:s29] =	ssyncadd.s32 $0xFFFFE000  }
0x4b4: {  	[tilespmem:s21], [sflag:$0x2] =	stream.indirect.gather [hbm4b:s4+s20], $0x80, s16, s20, $0xb8;
	[tilespmem:$0x1E800] =	vst v63  }
0x4b5: {  	_ =	swait.ge [sflag:s30], $0x2000  }
0x4b6: {  	s14 =	sld [smem:$0x7F8]  }
0x4b7: {  	[sflag:s30] =	ssyncset.done $0x0  }
0x4b8: {  	[sflag:s30] =	ssyncadd.s32 $0xFFFFE000  }
0x4b9: {  	[spmem:s2] =	stream.indirect.scatter.add.f32 [tilespmem:s24], [sflag:$0x8], $0x80, s14, s20, $0xb8;
	[tilespmem:$0x1E800] =	vst v63  }
0x4ba: {  	_ =	swait.ge [sflag:s31], $0x2000  }
0x4bb: {  	s15 =	sld [smem:$0x7F9]  }
0x4bc: {  	[sflag:s31] =	ssyncset.done $0x0  }
0x4bd: {  	[sflag:s31] =	ssyncadd.s32 $0xFFFFE000  }
0x4be: {  	[tilespmem:s22], [sflag:$0x3] =	stream.indirect.gather [hbm4b:s4+s20], $0x80, s15, s20, $0xb8;
	[tilespmem:$0x1E800] =	vst v63  }
0x4bf: {  	_ =	swait.ge [sflag:s23], $0x2000  }
0x4c0: {  	s16 =	sld [smem:$0x7FA]  }
0x4c1: {  	[sflag:s23] =	ssyncset.done $0x0  }
0x4c2: {  	[sflag:s23] =	ssyncadd.s32 $0xFFFFE000  }
0x4c3: {  	[spmem:s2] =	stream.indirect.scatter.add.f32 [tilespmem:s17], [sflag:$0x5], $0x80, s16, s20, $0xb8;
	[tilespmem:$0x1E800] =	vst v63  }
0x4c4: {  	_ =	swait.ge [sflag:s1], $0x2000  }
0x4c5: {  	s14 =	sld [smem:$0x7FB]  }
0x4c6: {  	[sflag:s1] =	ssyncset.done $0x0  }
0x4c7: {  	[sflag:s1] =	ssyncadd.s32 $0xFFFFE000  }
0x4c8: {  	[tilespmem:s24], [sflag:$0x4] =	stream.indirect.gather [hbm4b:s4+s20], $0x80, s14, s20, $0xb8;
	[tilespmem:$0x1E800] =	vst v63  }
0x4c9: {  	_ =	swait.ge [sflag:s25], $0x2000  }
0x4ca: {  	s15 =	sld [smem:$0x7FC]  }
0x4cb: {  	[sflag:s25] =	ssyncset.done $0x0  }
0x4cc: {  	[sflag:s25] =	ssyncadd.s32 $0xFFFFE000  }
0x4cd: {  	[spmem:s2] =	stream.indirect.scatter.add.f32 [tilespmem:s21], [sflag:$0x6], $0x80, s15, s20, $0xb8;
	[tilespmem:$0x1E800] =	vst v63  }
0x4ce: {  	_ =	swait.ge [sflag:s26], $0x2000  }
0x4cf: {  	s16 =	sld [smem:$0x7FD]  }
0x4d0: {  	[sflag:s26] =	ssyncset.done $0x0  }
0x4d1: {  	[sflag:s26] =	ssyncadd.s32 $0xFFFFE000  }
0x4d2: {  	[tilespmem:s17], [sflag:$0x1] =	stream.indirect.gather [hbm4b:s4+s20], $0x80, s16, s20, $0xb8;
	[tilespmem:$0x1E800] =	vst v63  }
0x4d3: {  	_ =	swait.ge [sflag:s28], $0x2000  }
0x4d4: {  	[sflag:s28] =	ssyncset.done $0x0  }
0x4d5: {  	[sflag:s28] =	ssyncadd.s32 $0xFFFFE000  }
0x4d6: {  	[spmem:s2] =	stream.indirect.scatter.add.f32 [tilespmem:s22], [sflag:$0x7], $0x80, s0, s20, $0xb8;
	[tilespmem:$0x1E800] =	vst v63  }
0x4d7: {  	_ =	swait.ge [sflag:s29], $0x2000  }
0x4d8: {  	[sflag:s29] =	ssyncset.done $0x0  }
0x4d9: {  	[sflag:s29] =	ssyncadd.s32 $0xFFFFE000  }
0x4da: {  	[tilespmem:s21], [sflag:$0x2] =	stream.indirect.gather [hbm4b:s4+s20], $0x80, s6, s20, $0xb8;
	[tilespmem:$0x1E800] =	vst v63  }
0x4db: {  	_ =	swait.ge [sflag:s30], $0x2000  }
0x4dc: {  	[sflag:s30] =	ssyncset.done $0x0  }
0x4dd: {  	[sflag:s30] =	ssyncadd.s32 $0xFFFFE000  }
0x4de: {  	[spmem:s2] =	stream.indirect.scatter.add.f32 [tilespmem:s24], [sflag:$0x8], $0x80, s7, s20, $0xb8;
	[tilespmem:$0x1E800] =	vst v63  }
0x4df: {  	_ =	swait.ge [sflag:s31], $0x2000  }
0x4e0: {  	[sflag:s31] =	ssyncset.done $0x0  }
0x4e1: {  	[sflag:s31] =	ssyncadd.s32 $0xFFFFE000  }
0x4e2: {  	[tilespmem:s22], [sflag:$0x3] =	stream.indirect.gather [hbm4b:s4+s20], $0x80, s8, s20, $0xb8;
	[tilespmem:$0x1E800] =	vst v63  }
0x4e3: {  	_ =	swait.ge [sflag:s23], $0x2000  }
0x4e4: {  	[sflag:s23] =	ssyncset.done $0x0  }
0x4e5: {  	[sflag:s23] =	ssyncadd.s32 $0xFFFFE000  }
0x4e6: {  	[spmem:s2] =	stream.indirect.scatter.add.f32 [tilespmem:s17], [sflag:$0x5], $0x80, s9, s20, $0xb8;
	[tilespmem:$0x1E800] =	vst v63  }
0x4e7: {  	_ =	swait.ge [sflag:s1], $0x2000  }
0x4e8: {  	[sflag:s1] =	ssyncset.done $0x0  }
0x4e9: {  	[sflag:s1] =	ssyncadd.s32 $0xFFFFE000  }
0x4ea: {  	[tilespmem:s24], [sflag:$0x4] =	stream.indirect.gather [hbm4b:s4+s20], $0x80, s10, s20, $0xb8;
	[tilespmem:$0x1E800] =	vst v63  }
0x4eb: {  	_ =	swait.ge [sflag:s25], $0x2000  }
0x4ec: {  	[sflag:s25] =	ssyncset.done $0x0  }
0x4ed: {  	[sflag:s25] =	ssyncadd.s32 $0xFFFFE000  }
0x4ee: {  	[spmem:s2] =	stream.indirect.scatter.add.f32 [tilespmem:s21], [sflag:$0x6], $0x80, s11, s20, $0xb8;
	[tilespmem:$0x1E800] =	vst v63  }
0x4ef: {  	_ =	swait.ge [sflag:s28], $0x2000  }
0x4f0: {  	[sflag:s28] =	ssyncset.done $0x0  }
0x4f1: {  	[sflag:s28] =	ssyncadd.s32 $0xFFFFE000  }
0x4f2: {  	[spmem:s2] =	stream.indirect.scatter.add.f32 [tilespmem:s22], [sflag:$0x7], $0x80, s12, s20, $0xb8;
	[tilespmem:$0x1E800] =	vst v63  }
0x4f3: {  	_ =	swait.ge [sflag:s30], $0x2000  }
0x4f4: {  	[sflag:s30] =	ssyncset.done $0x0  }
0x4f5: {  	[sflag:s30] =	ssyncadd.s32 $0xFFFFE000  }
0x4f6: {  	[spmem:s2] =	stream.indirect.scatter.add.f32 [tilespmem:s24], [sflag:$0x8], $0x80, s13, s20, $0xb8;
	[tilespmem:$0x1E800] =	vst v63  }
0x4f7: {  	_ =	swait.ge [sflag:s26], $0x2000  }
0x4f8: {  	[sflag:s26] =	ssyncset.done $0x0  }
0x4f9: {  	[sflag:s26] =	ssyncadd.s32 $0xFFFFE000  }
0x4fa: {  	_ =	swait.ge [sflag:s29], $0x2000  }
0x4fb: {  	[sflag:s29] =	ssyncset.done $0x0  }
0x4fc: {  	[sflag:s29] =	ssyncadd.s32 $0xFFFFE000  }
0x4fd: {  	_ =	swait.ge [sflag:s31], $0x2000  }
0x4fe: {  	[sflag:s31] =	ssyncset.done $0x0  }
0x4ff: {  	[sflag:s31] =	ssyncadd.s32 $0xFFFFE000  }
0x500: {  	_ =	swait.ge [sflag:s1], $0x2000  }
0x501: {  	[sflag:s1] =	ssyncset.done $0x0  }
0x502: {  	[sflag:s1] =	ssyncadd.s32 $0xFFFFE000  }
0x503: {  	[bflag:$0x0] =	sbarrier.arrive $0xFFFF  }
0x504: {  	s15 =	sld [smem:$0x7EE]  }
0x505: {  	s14 =	stileid.u32;
	s16 =	sld [smem:$0x7F1]  }
0x506: {  	s5 =	sshll.u32 s14, $0x6  }
0x507: {  	s5 =	sor.u32 $0x1C09, s5;
	s14 =	sshrl.u32 s15, $0x3  }
0x508: {  	[hbm:s16], [sflag:s5] =	dma.local [spmem:s14], $0x2800  }
0x509: {  	_ =	swait.ge [sflag:s18], $0x2800  }
0x50a: {  	s15 =	sld [smem:$0x7C6]  }
0x50b: {  	s16 =	sld [smem:$0x7F3];
	_ =	sdelay $0x1  }
0x50c: {  	s14 =	sadd.s32 $0x1, s15  }
0x50d: {  	p0 =	sne.s32 s14, s16  }
.Ltmp2:
0x50e: {  	_ = 	snop;
	(pc) =	sbr.rel @p0 .LBB2_1-.Ltmp2, $3  }
0x50f: {  	_ =	sdelay $0x1  }
0x510: {  	[sflag:s18] =	ssyncset.done $0x0  }
0x511: {  	[sflag:s18] =	ssyncadd.s32 $0xFFFFD800  }
0x512: {  	_ =	sfence.sel $0x180000  }
0x513: {  	[bflag:$0x0] =	sbarrier.arrive $0xFFFF  }
0x514: {  	_ =	strace $0x9000004A  }
0x515: {  	s0 =	stileid.u32;
	[bflag:$0x2] =	sbarrier.arrive $0xFFFF  }
0x516: {  	p0 =	sne.s32 s0, $0x0;
	s0 =	rddreg [dreg:$0x3]  }
0x517: {  	s0 =	sadd.s32 @!p0 $0x100000, s0  }
0x518: {  	[sflag:s0] =	ssyncadd.tile.s32 @!p0 $0x1;
	_ =	shalt  }
.Lfunc_end2:
_tile_overlayer_lowered:
.L_overlay_start_2:
0x519: {  	(tag) =	ssettag $0x2  }
0x51a: {  	s0 =	rddreg [dreg:$0x0];
	s2 =	stileid.u32  }
0x51b: {  	s1 =	rddreg [dreg:$0x1];
	p0 =	sne.s32 s2, $0x0  }
0x51c: {  	s3 =	rddreg [dreg:$0x2];
	[bflag:$0x3] =	sbarrier.arrive $0xFFFF;
	s2 =	simm.s32 @!p0 $0x1C09  }
0x51d: {  	[timem:s3], [sflag:s2] =	dma.local @!p0 [hbm:s0], s1  }
0x51e: {  	s0 =	simm.s32 @!p0 $0x9  }
0x51f: {  	_ =	swait.ge @!p0 [sflag:s0], s1  }
0x520: {  	s1 =	ssub.s32 @!p0 $0x0, s1;
	[sflag:s0] =	ssyncset.done @!p0 $0x0  }
0x521: {  	[sflag:s0] =	ssyncadd.s32 @!p0 s1  }
0x522: {  	[bflag:$0x3] =	sbarrier.arrive $0xFFFF  }
0x523: {  	_ =	shalt  }

</sc_bundles>
